<compile_context>
chip_gen: v7x
topology: tpu7x:2x2x1
jax: 0.10.2.dev20260603
libtpu: 0.0.44.dev20260713+nightly
codegen_flags: <defaults>
</compile_context>

<pallas_src>
import functools

import jax
import jax.numpy as jnp
from jax import lax
from jax.experimental import pallas as pl
from jax.experimental.pallas import tpu as pltpu
from jax.experimental.pallas import tpu_sc as plsc

H = 64
_EPS = 1e-5
_NW = 32
_CHUNK = 128


def _ln(o, g, bt):
    mu = jnp.mean(o, axis=-1, keepdims=True)
    v = jnp.mean((o - mu) ** 2, axis=-1, keepdims=True)
    return g * (o - mu) * lax.rsqrt(v + _EPS) + bt


def _wspec(a):
    nd = a.ndim
    return pl.BlockSpec(a.shape, lambda i, _nd=nd: (0,) * _nd)


def _mw(m):
    return (m['W1'], m['b1'].reshape(1, -1), m['W2'], m['b2'].reshape(1, -1),
            m['g'].reshape(1, -1), m['bt'].reshape(1, -1))


def _enc_body(x_ref, w1_ref, b1_ref, w2_ref, b2_ref, g_ref, bt_ref, o_ref):
    h = jnp.maximum(
        jnp.dot(x_ref[...], w1_ref[...], preferred_element_type=jnp.float32)
        + b1_ref[...], 0.0)
    o = jnp.dot(h, w2_ref[...], preferred_element_type=jnp.float32) + b2_ref[...]
    o_ref[...] = _ln(o, g_ref[...], bt_ref[...])


def _enc(x, m, row_block, interpret=False):
    n, f = x.shape
    ws = _mw(m)
    return pl.pallas_call(
        _enc_body,
        grid=(n // row_block,),
        in_specs=[pl.BlockSpec((row_block, f), lambda i: (i, 0))]
        + [_wspec(w) for w in ws],
        out_specs=pl.BlockSpec((row_block, H), lambda i: (i, 0)),
        out_shape=jax.ShapeDtypeStruct((n, H), jnp.float32),
        interpret=interpret,
    )(x, *ws)


def _gru_body(x_ref, wih_ref, bih_ref, whh_ref, bhh_ref,
              w1_ref, b1_ref, w2_ref, b2_ref, g_ref, bt_ref, o_ref):
    r_rows = x_ref.shape[1]
    wih = wih_ref[...]
    bih = bih_ref[...]
    whh = whh_ref[...]
    bhh = bhh_ref[...]
    h = jnp.zeros((r_rows, 16), jnp.float32)
    for t in range(8):
        xt = x_ref[t]
        gi = jnp.dot(xt, wih, preferred_element_type=jnp.float32) + bih
        gh = jnp.dot(h, whh, preferred_element_type=jnp.float32) + bhh
        r = jax.nn.sigmoid(gi[:, 0:16] + gh[:, 0:16])
        z = jax.nn.sigmoid(gi[:, 128:144] + gh[:, 128:144])
        n = jnp.tanh(gi[:, 256:272] + r * gh[:, 256:272])
        h = (1.0 - z) * n + z * h
    hh = jnp.maximum(
        jnp.dot(h, w1_ref[...], preferred_element_type=jnp.float32) + b1_ref[...],
        0.0)
    o = jnp.dot(hh, w2_ref[...], preferred_element_type=jnp.float32) + b2_ref[...]
    o_ref[...] = _ln(o, g_ref[...], bt_ref[...])


def _gru_genc(xt, p, row_block, interpret=False):
    n = xt.shape[1]
    wih = p['gru_Wih']
    whh = p['gru_Whh']
    bih = p['gru_bih']
    bhh = p['gru_bhh']
    wih_p = jnp.zeros((16, 384), jnp.float32)
    whh_p = jnp.zeros((16, 384), jnp.float32)
    bih_p = jnp.zeros((1, 384), jnp.float32)
    bhh_p = jnp.zeros((1, 384), jnp.float32)
    for k in range(3):
        wih_p = wih_p.at[:, 128 * k:128 * k + 10].set(wih[:, 10 * k:10 * k + 10])
        whh_p = whh_p.at[0:10, 128 * k:128 * k + 10].set(whh[:, 10 * k:10 * k + 10])
        bih_p = bih_p.at[:, 128 * k:128 * k + 10].set(bih[10 * k:10 * k + 10])
        bhh_p = bhh_p.at[:, 128 * k:128 * k + 10].set(bhh[10 * k:10 * k + 10])
    m = p['genc']
    w1_p = jnp.zeros((16, H), jnp.float32).at[0:10, :].set(m['W1'])
    ws = (w1_p, m['b1'].reshape(1, -1), m['W2'], m['b2'].reshape(1, -1),
          m['g'].reshape(1, -1), m['bt'].reshape(1, -1))
    args = (wih_p, bih_p, whh_p, bhh_p) + ws
    return pl.pallas_call(
        _gru_body,
        grid=(n // row_block,),
        in_specs=[pl.BlockSpec((8, row_block, 16), lambda i: (0, i, 0))]
        + [_wspec(w) for w in args],
        out_specs=pl.BlockSpec((row_block, H), lambda i: (i, 0)),
        out_shape=jax.ShapeDtypeStruct((n, H), jnp.float32),
        interpret=interpret,
    )(xt, *args)


def _edge_body(a_ref, b_ref, c_ref, w1a_ref, w1b_ref, w1c_ref, b1_ref,
               w2_ref, b2_ref, g_ref, bt_ref, o_ref):
    c = c_ref[...]
    h = (jnp.dot(a_ref[...], w1a_ref[...], preferred_element_type=jnp.float32)
         + jnp.dot(b_ref[...], w1b_ref[...], preferred_element_type=jnp.float32)
         + jnp.dot(c, w1c_ref[...], preferred_element_type=jnp.float32)
         + b1_ref[...])
    h = jnp.maximum(h, 0.0)
    o = jnp.dot(h, w2_ref[...], preferred_element_type=jnp.float32) + b2_ref[...]
    o_ref[...] = c + _ln(o, g_ref[...], bt_ref[...])


def _edge_mlp(a, b, c, m, row_block, interpret=False):
    n = a.shape[0]
    w1, b1, w2, b2, g, bt = _mw(m)
    args = (w1[0:H], w1[H:2 * H], w1[2 * H:3 * H], b1, w2, b2, g, bt)
    return pl.pallas_call(
        _edge_body,
        grid=(n // row_block,),
        in_specs=[pl.BlockSpec((row_block, H), lambda i: (i, 0))] * 3
        + [_wspec(w) for w in args],
        out_specs=pl.BlockSpec((row_block, H), lambda i: (i, 0)),
        out_shape=jax.ShapeDtypeStruct((n, H), jnp.float32),
        interpret=interpret,
    )(a, b, c, *args)


def _node_body(x_ref, a_ref, w1x_ref, w1a_ref, b1_ref, w2_ref, b2_ref,
               g_ref, bt_ref, o_ref):
    x = x_ref[...]
    a = a_ref[0]
    for k in range(1, a_ref.shape[0]):
        a = a + a_ref[k]
    h = (jnp.dot(x, w1x_ref[...], preferred_element_type=jnp.float32)
         + jnp.dot(a, w1a_ref[...], preferred_element_type=jnp.float32)
         + b1_ref[...])
    h = jnp.maximum(h, 0.0)
    o = jnp.dot(h, w2_ref[...], preferred_element_type=jnp.float32) + b2_ref[...]
    o_ref[...] = x + _ln(o, g_ref[...], bt_ref[...])


def _node_mlp(x, agg, m, row_block, interpret=False):
    n = x.shape[0]
    k = agg.shape[0]
    w1, b1, w2, b2, g, bt = _mw(m)
    args = (w1[0:H], w1[H:2 * H], b1, w2, b2, g, bt)
    return pl.pallas_call(
        _node_body,
        grid=(n // row_block,),
        in_specs=[pl.BlockSpec((row_block, H), lambda i: (i, 0)),
                  pl.BlockSpec((k, row_block, H), lambda i: (0, i, 0))]
        + [_wspec(w) for w in args],
        out_specs=pl.BlockSpec((row_block, H), lambda i: (i, 0)),
        out_shape=jax.ShapeDtypeStruct((n, H), jnp.float32),
        interpret=interpret,
    )(x, agg, *args)


def _head_body(x_ref, dw1_ref, db1_ref, dw2_ref, db2_ref, l1w_ref, l1b_ref,
               l2w_ref, l2b_ref, ow_ref, ob_ref, o_ref):
    h = jnp.maximum(
        jnp.dot(x_ref[...], dw1_ref[...], preferred_element_type=jnp.float32)
        + db1_ref[...], 0.0)
    dec = jnp.dot(h, dw2_ref[...], preferred_element_type=jnp.float32) + db2_ref[...]
    xx = jnp.maximum(dec * l1w_ref[...] + l1b_ref[...], 0.0)
    hid = jnp.maximum(
        jnp.dot(xx, l2w_ref[...], preferred_element_type=jnp.float32)
        + l2b_ref[...], 0.0)
    logits = jnp.dot(hid, ow_ref[...], preferred_element_type=jnp.float32) + ob_ref[...]
    mx = jnp.max(logits, axis=-1, keepdims=True)
    e = jnp.exp(logits - mx)
    o_ref[...] = e / jnp.sum(e, axis=-1, keepdims=True)


def _head(x, p, row_block, interpret=False):
    n = x.shape[0]
    args = (p['dec_W1'], p['dec_b1'].reshape(1, -1), p['dec_W2'],
            p['dec_b2'].reshape(1, -1), p['lin1_W'], p['lin1_b'].reshape(1, -1),
            p['lin2_W'], p['lin2_b'].reshape(1, -1), p['out_W'],
            p['out_b'].reshape(1, -1))
    return pl.pallas_call(
        _head_body,
        grid=(n // row_block,),
        in_specs=[pl.BlockSpec((row_block, H), lambda i: (i, 0))]
        + [_wspec(w) for w in args],
        out_specs=pl.BlockSpec((row_block, 4), lambda i: (i, 0)),
        out_shape=jax.ShapeDtypeStruct((n, 4), jnp.float32),
        interpret=interpret,
    )(x, *args)


def _pad_rows(a, n):
    return jnp.pad(a, ((0, n - a.shape[0]),) + ((0, 0),) * (a.ndim - 1))


def _gather(table, idx, n_valid):
    return jnp.take(table, idx, axis=0)


def _segsum(vals, dst, n_seg):
    return jax.ops.segment_sum(vals, dst, num_segments=n_seg)[None]


def kernel(X, mesh_x, graph_edge_attr, g2m_edge_attr, m2g_edge_attr,
           graph_edge_index, g2m_src, g2m_dst, m2g_src, m2g_dst, params):
    p = params
    n_grid = X.shape[0]
    n_mesh = mesh_x.shape[0]
    e_mesh = graph_edge_attr.shape[0]
    e_g2m = g2m_edge_attr.shape[0]
    e_m2g = m2g_edge_attr.shape[0]

    def pad_to(e):
        per = -(-e // (_NW * _CHUNK))
        return _NW * _CHUNK * per

    ep_mesh = pad_to(e_mesh)
    ep_g2m = pad_to(e_g2m)
    ep_m2g = pad_to(e_m2g)

    xt = jnp.transpose(X, (2, 0, 1))
    grid = _gru_genc(xt, p, 2000)
    mesh = _enc(mesh_x, p['menc'], 2000)
    me = _enc(_pad_rows(graph_edge_attr, ep_mesh), p['eenc'], 2048)
    g2me = _enc(_pad_rows(g2m_edge_attr, ep_g2m), p['g2menc'], 2048)
    m2ge = _enc(_pad_rows(m2g_edge_attr, ep_m2g), p['m2genc'], 2048)

    def pad_idx(idx, n, fill):
        return jnp.pad(idx, (0, n - idx.shape[0]), constant_values=fill)

    g2m_s = pad_idx(g2m_src, ep_g2m, 0)
    g2m_d = pad_idx(g2m_dst, ep_g2m, n_mesh)
    mm_s = pad_idx(graph_edge_index[0], ep_mesh, 0)
    mm_d = pad_idx(graph_edge_index[1], ep_mesh, n_mesh)
    m2g_s = pad_idx(m2g_src, ep_m2g, 0)
    m2g_d = pad_idx(m2g_dst, ep_m2g, n_grid)

    ga = _gather(grid, g2m_s, e_g2m)
    gb = _gather(mesh, jnp.where(g2m_d >= n_mesh, 0, g2m_d), e_g2m)
    g2me = _edge_mlp(ga, gb, g2me, p['g2m_e'], 2048)
    agg = _segsum(g2me, g2m_d, n_mesh)
    mesh = _node_mlp(mesh, agg, p['g2m_n'], 2000)

    mm_d_safe = jnp.where(mm_d >= n_mesh, 0, mm_d)
    for lp in p['proc']:
        ga = _gather(mesh, mm_s, e_mesh)
        gb = _gather(mesh, mm_d_safe, e_mesh)
        me = _edge_mlp(ga, gb, me, lp['e'], 2048)
        agg = _segsum(me, mm_d, n_mesh)
        mesh = _node_mlp(mesh, agg, lp['n'], 2000)

    ga = _gather(mesh, m2g_s, e_m2g)
    gb = _gather(grid, jnp.where(m2g_d >= n_grid, 0, m2g_d), e_m2g)
    m2ge = _edge_mlp(ga, gb, m2ge, p['m2g_e'], 2048)
    agg = _segsum(m2ge, m2g_d, n_grid)
    grid = _node_mlp(grid, agg, p['m2g_n'], 2000)

    return _head(grid, p, 2000)

# --- scband reference (transcript-rebuilt; emitter-appended) ---
"""Pipeline reference for scband-graph-cast-gru-60301340836196 (READ-ONLY COPY).

The authoritative reference and input builder live on the scoring server;
editing this copy changes nothing except your own understanding.
"""

import jax, jax.numpy as jnp
import numpy as np

N_GRID = 100000
N_MESH = 10000
E_MESH = 320000
E_G2M = 400000
E_M2G = 400000
H = 64

def _mlp_ln(x, m):
    h = jax.nn.relu(x @ m['W1'] + m['b1'])
    h = h @ m['W2'] + m['b2']
    mu = jnp.mean(h, axis=-1, keepdims=True)
    v = jnp.var(h, axis=-1, keepdims=True)
    return m['g'] * (h - mu) / jnp.sqrt(v + 1e-5) + m['bt']

def _init_params(key):
    keys = jax.random.split(key, 64)
    ctr = [0]
    def nk():
        k = keys[ctr[0]]
        ctr[0] += 1
        return k
    def lin(i, o):
        return jax.random.normal(nk(), (i, o), jnp.float32) * 0.05, jnp.zeros((o,), jnp.float32)
    def mlp(i, o):
        W1, b1 = lin(i, H)
        W2, b2 = lin(H, o)
        return {'W1': W1, 'b1': b1, 'W2': W2, 'b2': b2, 'g': jnp.ones((o,), jnp.float32), 'bt': jnp.zeros((o,), jnp.float32)}
    p = {}
    p['gru_Wih'], p['gru_bih'] = lin(16, 30)
    p['gru_Whh'], p['gru_bhh'] = lin(10, 30)
    p['genc'] = mlp(10, H)
    p['menc'] = mlp(3, H)
    p['eenc'] = mlp(4, H)
    p['g2menc'] = mlp(4, H)
    p['m2genc'] = mlp(4, H)
    p['g2m_e'] = mlp(3 * H, H)
    p['g2m_n'] = mlp(2 * H, H)
    p['proc'] = [{'e': mlp(3 * H, H), 'n': mlp(2 * H, H)} for _ in range(2)]
    p['m2g_e'] = mlp(3 * H, H)
    p['m2g_n'] = mlp(2 * H, H)
    p['dec_W1'], p['dec_b1'] = lin(H, H)
    p['dec_W2'], p['dec_b2'] = lin(H, 1)
    p['lin1_W'], p['lin1_b'] = lin(1, H)
    p['lin2_W'], p['lin2_b'] = lin(H, H)
    p['out_W'], p['out_b'] = lin(H, 4)
    return p

def setup_inputs(seed: int = 0):
    key = jax.random.key(seed)
    ks = jax.random.split(key, 12)
    X = jax.random.normal(ks[0], (N_GRID, 16, 8), jnp.float32)
    mesh_x = jax.random.normal(ks[1], (N_MESH, 3), jnp.float32)
    graph_edge_index = jax.random.randint(ks[2], (2, E_MESH), 0, N_MESH, jnp.int32)
    graph_edge_attr = jax.random.normal(ks[3], (E_MESH, 4), jnp.float32)
    g2m_src = jax.random.randint(ks[4], (E_G2M,), 0, N_GRID, jnp.int32)
    g2m_dst = jax.random.randint(ks[5], (E_G2M,), 0, N_MESH, jnp.int32)
    g2m_edge_attr = jax.random.normal(ks[6], (E_G2M, 4), jnp.float32)
    m2g_src = jax.random.randint(ks[7], (E_M2G,), 0, N_MESH, jnp.int32)
    m2g_dst = jax.random.randint(ks[8], (E_M2G,), 0, N_GRID, jnp.int32)
    m2g_edge_attr = jax.random.normal(ks[9], (E_M2G, 4), jnp.float32)
    params = _init_params(ks[10])
    return {'X': X, 'mesh_x': mesh_x, 'graph_edge_attr': graph_edge_attr, 'g2m_edge_attr': g2m_edge_attr, 'm2g_edge_attr': m2g_edge_attr, 'graph_edge_index': graph_edge_index, 'g2m_src': g2m_src, 'g2m_dst': g2m_dst, 'm2g_src': m2g_src, 'm2g_dst': m2g_dst, 'params': params}

def _forward(X, mesh_x, graph_edge_attr, g2m_edge_attr, m2g_edge_attr, params, graph_edge_index, g2m_src, g2m_dst, m2g_src, m2g_dst):
    Xg = jnp.transpose(X, (0, 2, 1))
    h = jnp.zeros((X.shape[0], 10), jnp.float32)
    for t in range(Xg.shape[1]):
        gi = Xg[:, t, :] @ params['gru_Wih'] + params['gru_bih']
        gh = h @ params['gru_Whh'] + params['gru_bhh']
        r = jax.nn.sigmoid(gi[:, :10] + gh[:, :10])
        z = jax.nn.sigmoid(gi[:, 10:20] + gh[:, 10:20])
        n = jnp.tanh(gi[:, 20:] + r * gh[:, 20:])
        h = (1.0 - z) * n + z * h
    grid = _mlp_ln(h, params['genc'])
    mesh = _mlp_ln(mesh_x, params['menc'])
    me = _mlp_ln(graph_edge_attr, params['eenc'])
    g2me = _mlp_ln(g2m_edge_attr, params['g2menc'])
    m2ge = _mlp_ln(m2g_edge_attr, params['m2genc'])
    e_in = jnp.concatenate([grid[g2m_src], mesh[g2m_dst], g2me], axis=-1)
    g2me = g2me + _mlp_ln(e_in, params['g2m_e'])
    agg = jax.ops.segment_sum(g2me, g2m_dst, num_segments=N_MESH)
    mesh = mesh + _mlp_ln(jnp.concatenate([mesh, agg], axis=-1), params['g2m_n'])
    src = graph_edge_index[0]
    dst = graph_edge_index[1]
    for lp in params['proc']:
        e_in = jnp.concatenate([mesh[src], mesh[dst], me], axis=-1)
        me = me + _mlp_ln(e_in, lp['e'])
        agg = jax.ops.segment_sum(me, dst, num_segments=N_MESH)
        mesh = mesh + _mlp_ln(jnp.concatenate([mesh, agg], axis=-1), lp['n'])
    e_in = jnp.concatenate([mesh[m2g_src], grid[m2g_dst], m2ge], axis=-1)
    m2ge = m2ge + _mlp_ln(e_in, params['m2g_e'])
    agg = jax.ops.segment_sum(m2ge, m2g_dst, num_segments=N_GRID)
    grid = grid + _mlp_ln(jnp.concatenate([grid, agg], axis=-1), params['m2g_n'])
    dec = jax.nn.relu(grid @ params['dec_W1'] + params['dec_b1']) @ params['dec_W2'] + params['dec_b2']
    net_out = dec[None][-1]
    x = jax.nn.relu(net_out @ params['lin1_W'] + params['lin1_b'])
    hidden = jax.nn.relu(x @ params['lin2_W'] + params['lin2_b'])
    logits = hidden @ params['out_W'] + params['out_b']
    return jax.nn.softmax(logits, axis=-1)

def reference(X, mesh_x, graph_edge_attr, g2m_edge_attr, m2g_edge_attr, graph_edge_index, g2m_src, g2m_dst, m2g_src, m2g_dst, params):
    return _forward(X, mesh_x, graph_edge_attr, g2m_edge_attr, m2g_edge_attr, params, graph_edge_index, g2m_src, g2m_dst, m2g_src, m2g_dst)

if __name__ == "__main__":
    import jax
    _d = setup_inputs()
    print(jax.jit(kernel)(*tuple(_d.values())))

</pallas_src>

<mosaic_0001>
module attributes {stable_mosaic.version = 14 : i64} {
  func.func @_gru_body(%arg0: i32, %arg1: memref<8x2000x16xf32, #tpu.memory_space<vmem>>, %arg2: memref<16x384xf32, #tpu.memory_space<vmem>>, %arg3: memref<1x384xf32, #tpu.memory_space<vmem>>, %arg4: memref<16x384xf32, #tpu.memory_space<vmem>>, %arg5: memref<1x384xf32, #tpu.memory_space<vmem>>, %arg6: memref<16x64xf32, #tpu.memory_space<vmem>>, %arg7: memref<1x64xf32, #tpu.memory_space<vmem>>, %arg8: memref<64x64xf32, #tpu.memory_space<vmem>>, %arg9: memref<1x64xf32, #tpu.memory_space<vmem>>, %arg10: memref<1x64xf32, #tpu.memory_space<vmem>>, %arg11: memref<1x64xf32, #tpu.memory_space<vmem>>, %arg12: memref<2000x64xf32, #tpu.memory_space<vmem>>) attributes {dimension_semantics = [#tpu.dimension_semantics<arbitrary>], iteration_bounds = array<i64: 50>, scalar_prefetch = 0 : i64, scratch_operands = 0 : i64, tpu.core_type = #tpu.core_type<tc>, window_params = [{transform_indices = @transform_0, window_bounds = array<i64: 8, 2000, 16>}, {pipeline_mode = #tpu.pipeline_mode<synchronous>, transform_indices = @transform_1, window_bounds = array<i64: 16, 384>}, {pipeline_mode = #tpu.pipeline_mode<synchronous>, transform_indices = @transform_2, window_bounds = array<i64: 1, 384>}, {pipeline_mode = #tpu.pipeline_mode<synchronous>, transform_indices = @transform_3, window_bounds = array<i64: 16, 384>}, {pipeline_mode = #tpu.pipeline_mode<synchronous>, transform_indices = @transform_4, window_bounds = array<i64: 1, 384>}, {pipeline_mode = #tpu.pipeline_mode<synchronous>, transform_indices = @transform_5, window_bounds = array<i64: 16, 64>}, {pipeline_mode = #tpu.pipeline_mode<synchronous>, transform_indices = @transform_6, window_bounds = array<i64: 1, 64>}, {pipeline_mode = #tpu.pipeline_mode<synchronous>, transform_indices = @transform_7, window_bounds = array<i64: 64, 64>}, {pipeline_mode = #tpu.pipeline_mode<synchronous>, transform_indices = @transform_8, window_bounds = array<i64: 1, 64>}, {pipeline_mode = #tpu.pipeline_mode<synchronous>, transform_indices = @transform_9, window_bounds = array<i64: 1, 64>}, {pipeline_mode = #tpu.pipeline_mode<synchronous>, transform_indices = @transform_10, window_bounds = array<i64: 1, 64>}, {transform_indices = @transform_11, window_bounds = array<i64: 2000, 64>}]} {
    %get3A = arith.constant 0 : index
    %get3A_0 = arith.constant 0 : index
    %get3A_1 = vector.load %arg2[%get3A, %get3A_0] : memref<16x384xf32, #tpu.memory_space<vmem>>, vector<16x384xf32>
    %get3A_2 = arith.constant 0 : index
    %get3A_3 = arith.constant 0 : index
    %get3A_4 = vector.load %arg3[%get3A_2, %get3A_3] : memref<1x384xf32, #tpu.memory_space<vmem>>, vector<1x384xf32>
    %get3A_5 = arith.constant 0 : index
    %get3A_6 = arith.constant 0 : index
    %get3A_7 = vector.load %arg4[%get3A_5, %get3A_6] : memref<16x384xf32, #tpu.memory_space<vmem>>, vector<16x384xf32>
    %get3A_8 = arith.constant 0 : index
    %get3A_9 = arith.constant 0 : index
    %get3A_10 = vector.load %arg5[%get3A_8, %get3A_9] : memref<1x384xf32, #tpu.memory_space<vmem>>, vector<1x384xf32>
    %broadcast_in_dim3A = arith.constant 0.000000e+00 : f32
    %broadcast_in_dim3A_11 = vector.broadcast %broadcast_in_dim3A : f32 to vector<2000x16xf32>
    %get3A_12 = arith.constant 0 : index
    %get3A_13 = arith.constant 0 : index
    %get3A_14 = arith.constant 0 : index
    %get3A_15 = vector.load %arg1[%get3A_12, %get3A_13, %get3A_14] : memref<8x2000x16xf32, #tpu.memory_space<vmem>>, vector<1x2000x16xf32>
    %get3A_16 = vector.shape_cast %get3A_15 : vector<1x2000x16xf32> to vector<2000x16xf32>
    %dot_general3A = arith.constant dense<0.000000e+00> : vector<2000x384xf32>
    %dot_general3A_17 = tpu.matmul %get3A_16, %get3A_1, %dot_general3A {dimension_numbers = #tpu.dot_dimension_numbers<[1], [0], [0], [1], [0, 0, 1, 1], [], []>, transpose_lhs_hint = false} : vector<2000x16xf32>, vector<16x384xf32>, vector<2000x384xf32> -> vector<2000x384xf32>
    %add3A = vector.broadcast %get3A_4 : vector<1x384xf32> to vector<2000x384xf32>
    %add3A_18 = arith.addf %dot_general3A_17, %add3A : vector<2000x384xf32>
    %dot_general3A_19 = arith.constant dense<0.000000e+00> : vector<2000x384xf32>
    %dot_general3A_20 = tpu.matmul %broadcast_in_dim3A_11, %get3A_7, %dot_general3A_19 {dimension_numbers = #tpu.dot_dimension_numbers<[1], [0], [0], [1], [0, 0, 1, 1], [], []>, transpose_lhs_hint = false} : vector<2000x16xf32>, vector<16x384xf32>, vector<2000x384xf32> -> vector<2000x384xf32>
    %add3A_21 = vector.broadcast %get3A_10 : vector<1x384xf32> to vector<2000x384xf32>
    %add3A_22 = arith.addf %dot_general3A_20, %add3A_21 : vector<2000x384xf32>
    %slice3A = vector.extract_strided_slice %add3A_18 {offsets = [0, 0], sizes = [2000, 16], strides = [1, 1]} : vector<2000x384xf32> to vector<2000x16xf32>
    %slice3A_23 = vector.extract_strided_slice %add3A_22 {offsets = [0, 0], sizes = [2000, 16], strides = [1, 1]} : vector<2000x384xf32> to vector<2000x16xf32>
    %add3A_24 = arith.addf %slice3A, %slice3A_23 : vector<2000x16xf32>
    %logistic3A = arith.negf %add3A_24 : vector<2000x16xf32>
    %logistic3A_25 = math.exp %logistic3A : vector<2000x16xf32>
    %logistic3A_26 = arith.constant 1.000000e+00 : f32
    %logistic3A_27 = vector.broadcast %logistic3A_26 : f32 to vector<2000x16xf32>
    %logistic3A_28 = arith.addf %logistic3A_27, %logistic3A_25 : vector<2000x16xf32>
    %logistic3A_29 = arith.divf %logistic3A_27, %logistic3A_28 : vector<2000x16xf32>
    %slice3A_30 = vector.extract_strided_slice %add3A_18 {offsets = [0, 128], sizes = [2000, 16], strides = [1, 1]} : vector<2000x384xf32> to vector<2000x16xf32>
    %slice3A_31 = vector.extract_strided_slice %add3A_22 {offsets = [0, 128], sizes = [2000, 16], strides = [1, 1]} : vector<2000x384xf32> to vector<2000x16xf32>
    %add3A_32 = arith.addf %slice3A_30, %slice3A_31 : vector<2000x16xf32>
    %logistic3A_33 = arith.negf %add3A_32 : vector<2000x16xf32>
    %logistic3A_34 = math.exp %logistic3A_33 : vector<2000x16xf32>
    %logistic3A_35 = arith.constant 1.000000e+00 : f32
    %logistic3A_36 = vector.broadcast %logistic3A_35 : f32 to vector<2000x16xf32>
    %logistic3A_37 = arith.addf %logistic3A_36, %logistic3A_34 : vector<2000x16xf32>
    %logistic3A_38 = arith.divf %logistic3A_36, %logistic3A_37 : vector<2000x16xf32>
    %slice3A_39 = vector.extract_strided_slice %add3A_18 {offsets = [0, 256], sizes = [2000, 16], strides = [1, 1]} : vector<2000x384xf32> to vector<2000x16xf32>
    %slice3A_40 = vector.extract_strided_slice %add3A_22 {offsets = [0, 256], sizes = [2000, 16], strides = [1, 1]} : vector<2000x384xf32> to vector<2000x16xf32>
    %mul3A = arith.mulf %logistic3A_29, %slice3A_40 : vector<2000x16xf32>
    %add3A_41 = arith.addf %slice3A_39, %mul3A : vector<2000x16xf32>
    %tanh3A = math.tanh %add3A_41 : vector<2000x16xf32>
    %sub3A = arith.constant 1.000000e+00 : f32
    %sub3A_42 = vector.broadcast %sub3A : f32 to vector<2000x16xf32>
    %sub3A_43 = arith.subf %sub3A_42, %logistic3A_38 : vector<2000x16xf32>
    %mul3A_44 = arith.mulf %sub3A_43, %tanh3A : vector<2000x16xf32>
    %mul3A_45 = arith.mulf %logistic3A_38, %broadcast_in_dim3A_11 : vector<2000x16xf32>
    %add3A_46 = arith.addf %mul3A_44, %mul3A_45 : vector<2000x16xf32>
    %get3A_47 = arith.constant 1 : index
    %get3A_48 = arith.constant 0 : index
    %get3A_49 = arith.constant 0 : index
    %get3A_50 = vector.load %arg1[%get3A_47, %get3A_48, %get3A_49] : memref<8x2000x16xf32, #tpu.memory_space<vmem>>, vector<1x2000x16xf32>
    %get3A_51 = vector.shape_cast %get3A_50 : vector<1x2000x16xf32> to vector<2000x16xf32>
    %dot_general3A_52 = arith.constant dense<0.000000e+00> : vector<2000x384xf32>
    %dot_general3A_53 = tpu.matmul %get3A_51, %get3A_1, %dot_general3A_52 {dimension_numbers = #tpu.dot_dimension_numbers<[1], [0], [0], [1], [0, 0, 1, 1], [], []>, transpose_lhs_hint = false} : vector<2000x16xf32>, vector<16x384xf32>, vector<2000x384xf32> -> vector<2000x384xf32>
    %add3A_54 = vector.broadcast %get3A_4 : vector<1x384xf32> to vector<2000x384xf32>
    %add3A_55 = arith.addf %dot_general3A_53, %add3A_54 : vector<2000x384xf32>
    %dot_general3A_56 = arith.constant dense<0.000000e+00> : vector<2000x384xf32>
    %dot_general3A_57 = tpu.matmul %add3A_46, %get3A_7, %dot_general3A_56 {dimension_numbers = #tpu.dot_dimension_numbers<[1], [0], [0], [1], [0, 0, 1, 1], [], []>, transpose_lhs_hint = false} : vector<2000x16xf32>, vector<16x384xf32>, vector<2000x384xf32> -> vector<2000x384xf32>
    %add3A_58 = vector.broadcast %get3A_10 : vector<1x384xf32> to vector<2000x384xf32>
    %add3A_59 = arith.addf %dot_general3A_57, %add3A_58 : vector<2000x384xf32>
    %slice3A_60 = vector.extract_strided_slice %add3A_55 {offsets = [0, 0], sizes = [2000, 16], strides = [1, 1]} : vector<2000x384xf32> to vector<2000x16xf32>
    %slice3A_61 = vector.extract_strided_slice %add3A_59 {offsets = [0, 0], sizes = [2000, 16], strides = [1, 1]} : vector<2000x384xf32> to vector<2000x16xf32>
    %add3A_62 = arith.addf %slice3A_60, %slice3A_61 : vector<2000x16xf32>
    %logistic3A_63 = arith.negf %add3A_62 : vector<2000x16xf32>
    %logistic3A_64 = math.exp %logistic3A_63 : vector<2000x16xf32>
    %logistic3A_65 = arith.constant 1.000000e+00 : f32
    %logistic3A_66 = vector.broadcast %logistic3A_65 : f32 to vector<2000x16xf32>
    %logistic3A_67 = arith.addf %logistic3A_66, %logistic3A_64 : vector<2000x16xf32>
    %logistic3A_68 = arith.divf %logistic3A_66, %logistic3A_67 : vector<2000x16xf32>
    %slice3A_69 = vector.extract_strided_slice %add3A_55 {offsets = [0, 128], sizes = [2000, 16], strides = [1, 1]} : vector<2000x384xf32> to vector<2000x16xf32>
    %slice3A_70 = vector.extract_strided_slice %add3A_59 {offsets = [0, 128], sizes = [2000, 16], strides = [1, 1]} : vector<2000x384xf32> to vector<2000x16xf32>
    %add3A_71 = arith.addf %slice3A_69, %slice3A_70 : vector<2000x16xf32>
    %logistic3A_72 = arith.negf %add3A_71 : vector<2000x16xf32>
    %logistic3A_73 = math.exp %logistic3A_72 : vector<2000x16xf32>
    %logistic3A_74 = arith.constant 1.000000e+00 : f32
    %logistic3A_75 = vector.broadcast %logistic3A_74 : f32 to vector<2000x16xf32>
    %logistic3A_76 = arith.addf %logistic3A_75, %logistic3A_73 : vector<2000x16xf32>
    %logistic3A_77 = arith.divf %logistic3A_75, %logistic3A_76 : vector<2000x16xf32>
    %slice3A_78 = vector.extract_strided_slice %add3A_55 {offsets = [0, 256], sizes = [2000, 16], strides = [1, 1]} : vector<2000x384xf32> to vector<2000x16xf32>
    %slice3A_79 = vector.extract_strided_slice %add3A_59 {offsets = [0, 256], sizes = [2000, 16], strides = [1, 1]} : vector<2000x384xf32> to vector<2000x16xf32>
    %mul3A_80 = arith.mulf %logistic3A_68, %slice3A_79 : vector<2000x16xf32>
    %add3A_81 = arith.addf %slice3A_78, %mul3A_80 : vector<2000x16xf32>
    %tanh3A_82 = math.tanh %add3A_81 : vector<2000x16xf32>
    %sub3A_83 = arith.constant 1.000000e+00 : f32
    %sub3A_84 = vector.broadcast %sub3A_83 : f32 to vector<2000x16xf32>
    %sub3A_85 = arith.subf %sub3A_84, %logistic3A_77 : vector<2000x16xf32>
    %mul3A_86 = arith.mulf %sub3A_85, %tanh3A_82 : vector<2000x16xf32>
    %mul3A_87 = arith.mulf %logistic3A_77, %add3A_46 : vector<2000x16xf32>
    %add3A_88 = arith.addf %mul3A_86, %mul3A_87 : vector<2000x16xf32>
    %get3A_89 = arith.constant 2 : index
    %get3A_90 = arith.constant 0 : index
    %get3A_91 = arith.constant 0 : index
    %get3A_92 = vector.load %arg1[%get3A_89, %get3A_90, %get3A_91] : memref<8x2000x16xf32, #tpu.memory_space<vmem>>, vector<1x2000x16xf32>
    %get3A_93 = vector.shape_cast %get3A_92 : vector<1x2000x16xf32> to vector<2000x16xf32>
    %dot_general3A_94 = arith.constant dense<0.000000e+00> : vector<2000x384xf32>
    %dot_general3A_95 = tpu.matmul %get3A_93, %get3A_1, %dot_general3A_94 {dimension_numbers = #tpu.dot_dimension_numbers<[1], [0], [0], [1], [0, 0, 1, 1], [], []>, transpose_lhs_hint = false} : vector<2000x16xf32>, vector<16x384xf32>, vector<2000x384xf32> -> vector<2000x384xf32>
    %add3A_96 = vector.broadcast %get3A_4 : vector<1x384xf32> to vector<2000x384xf32>
    %add3A_97 = arith.addf %dot_general3A_95, %add3A_96 : vector<2000x384xf32>
    %dot_general3A_98 = arith.constant dense<0.000000e+00> : vector<2000x384xf32>
    %dot_general3A_99 = tpu.matmul %add3A_88, %get3A_7, %dot_general3A_98 {dimension_numbers = #tpu.dot_dimension_numbers<[1], [0], [0], [1], [0, 0, 1, 1], [], []>, transpose_lhs_hint = false} : vector<2000x16xf32>, vector<16x384xf32>, vector<2000x384xf32> -> vector<2000x384xf32>
    %add3A_100 = vector.broadcast %get3A_10 : vector<1x384xf32> to vector<2000x384xf32>
    %add3A_101 = arith.addf %dot_general3A_99, %add3A_100 : vector<2000x384xf32>
    %slice3A_102 = vector.extract_strided_slice %add3A_97 {offsets = [0, 0], sizes = [2000, 16], strides = [1, 1]} : vector<2000x384xf32> to vector<2000x16xf32>
    %slice3A_103 = vector.extract_strided_slice %add3A_101 {offsets = [0, 0], sizes = [2000, 16], strides = [1, 1]} : vector<2000x384xf32> to vector<2000x16xf32>
    %add3A_104 = arith.addf %slice3A_102, %slice3A_103 : vector<2000x16xf32>
    %logistic3A_105 = arith.negf %add3A_104 : vector<2000x16xf32>
    %logistic3A_106 = math.exp %logistic3A_105 : vector<2000x16xf32>
    %logistic3A_107 = arith.constant 1.000000e+00 : f32
    %logistic3A_108 = vector.broadcast %logistic3A_107 : f32 to vector<2000x16xf32>
    %logistic3A_109 = arith.addf %logistic3A_108, %logistic3A_106 : vector<2000x16xf32>
    %logistic3A_110 = arith.divf %logistic3A_108, %logistic3A_109 : vector<2000x16xf32>
    %slice3A_111 = vector.extract_strided_slice %add3A_97 {offsets = [0, 128], sizes = [2000, 16], strides = [1, 1]} : vector<2000x384xf32> to vector<2000x16xf32>
    %slice3A_112 = vector.extract_strided_slice %add3A_101 {offsets = [0, 128], sizes = [2000, 16], strides = [1, 1]} : vector<2000x384xf32> to vector<2000x16xf32>
    %add3A_113 = arith.addf %slice3A_111, %slice3A_112 : vector<2000x16xf32>
    %logistic3A_114 = arith.negf %add3A_113 : vector<2000x16xf32>
    %logistic3A_115 = math.exp %logistic3A_114 : vector<2000x16xf32>
    %logistic3A_116 = arith.constant 1.000000e+00 : f32
    %logistic3A_117 = vector.broadcast %logistic3A_116 : f32 to vector<2000x16xf32>
    %logistic3A_118 = arith.addf %logistic3A_117, %logistic3A_115 : vector<2000x16xf32>
    %logistic3A_119 = arith.divf %logistic3A_117, %logistic3A_118 : vector<2000x16xf32>
    %slice3A_120 = vector.extract_strided_slice %add3A_97 {offsets = [0, 256], sizes = [2000, 16], strides = [1, 1]} : vector<2000x384xf32> to vector<2000x16xf32>
    %slice3A_121 = vector.extract_strided_slice %add3A_101 {offsets = [0, 256], sizes = [2000, 16], strides = [1, 1]} : vector<2000x384xf32> to vector<2000x16xf32>
    %mul3A_122 = arith.mulf %logistic3A_110, %slice3A_121 : vector<2000x16xf32>
    %add3A_123 = arith.addf %slice3A_120, %mul3A_122 : vector<2000x16xf32>
    %tanh3A_124 = math.tanh %add3A_123 : vector<2000x16xf32>
    %sub3A_125 = arith.constant 1.000000e+00 : f32
    %sub3A_126 = vector.broadcast %sub3A_125 : f32 to vector<2000x16xf32>
    %sub3A_127 = arith.subf %sub3A_126, %logistic3A_119 : vector<2000x16xf32>
    %mul3A_128 = arith.mulf %sub3A_127, %tanh3A_124 : vector<2000x16xf32>
    %mul3A_129 = arith.mulf %logistic3A_119, %add3A_88 : vector<2000x16xf32>
    %add3A_130 = arith.addf %mul3A_128, %mul3A_129 : vector<2000x16xf32>
    %get3A_131 = arith.constant 3 : index
    %get3A_132 = arith.constant 0 : index
    %get3A_133 = arith.constant 0 : index
    %get3A_134 = vector.load %arg1[%get3A_131, %get3A_132, %get3A_133] : memref<8x2000x16xf32, #tpu.memory_space<vmem>>, vector<1x2000x16xf32>
    %get3A_135 = vector.shape_cast %get3A_134 : vector<1x2000x16xf32> to vector<2000x16xf32>
    %dot_general3A_136 = arith.constant dense<0.000000e+00> : vector<2000x384xf32>
    %dot_general3A_137 = tpu.matmul %get3A_135, %get3A_1, %dot_general3A_136 {dimension_numbers = #tpu.dot_dimension_numbers<[1], [0], [0], [1], [0, 0, 1, 1], [], []>, transpose_lhs_hint = false} : vector<2000x16xf32>, vector<16x384xf32>, vector<2000x384xf32> -> vector<2000x384xf32>
    %add3A_138 = vector.broadcast %get3A_4 : vector<1x384xf32> to vector<2000x384xf32>
    %add3A_139 = arith.addf %dot_general3A_137, %add3A_138 : vector<2000x384xf32>
    %dot_general3A_140 = arith.constant dense<0.000000e+00> : vector<2000x384xf32>
    %dot_general3A_141 = tpu.matmul %add3A_130, %get3A_7, %dot_general3A_140 {dimension_numbers = #tpu.dot_dimension_numbers<[1], [0], [0], [1], [0, 0, 1, 1], [], []>, transpose_lhs_hint = false} : vector<2000x16xf32>, vector<16x384xf32>, vector<2000x384xf32> -> vector<2000x384xf32>
    %add3A_142 = vector.broadcast %get3A_10 : vector<1x384xf32> to vector<2000x384xf32>
    %add3A_143 = arith.addf %dot_general3A_141, %add3A_142 : vector<2000x384xf32>
    %slice3A_144 = vector.extract_strided_slice %add3A_139 {offsets = [0, 0], sizes = [2000, 16], strides = [1, 1]} : vector<2000x384xf32> to vector<2000x16xf32>
    %slice3A_145 = vector.extract_strided_slice %add3A_143 {offsets = [0, 0], sizes = [2000, 16], strides = [1, 1]} : vector<2000x384xf32> to vector<2000x16xf32>
    %add3A_146 = arith.addf %slice3A_144, %slice3A_145 : vector<2000x16xf32>
    %logistic3A_147 = arith.negf %add3A_146 : vector<2000x16xf32>
    %logistic3A_148 = math.exp %logistic3A_147 : vector<2000x16xf32>
    %logistic3A_149 = arith.constant 1.000000e+00 : f32
    %logistic3A_150 = vector.broadcast %logistic3A_149 : f32 to vector<2000x16xf32>
    %logistic3A_151 = arith.addf %logistic3A_150, %logistic3A_148 : vector<2000x16xf32>
    %logistic3A_152 = arith.divf %logistic3A_150, %logistic3A_151 : vector<2000x16xf32>
    %slice3A_153 = vector.extract_strided_slice %add3A_139 {offsets = [0, 128], sizes = [2000, 16], strides = [1, 1]} : vector<2000x384xf32> to vector<2000x16xf32>
    %slice3A_154 = vector.extract_strided_slice %add3A_143 {offsets = [0, 128], sizes = [2000, 16], strides = [1, 1]} : vector<2000x384xf32> to vector<2000x16xf32>
    %add3A_155 = arith.addf %slice3A_153, %slice3A_154 : vector<2000x16xf32>
    %logistic3A_156 = arith.negf %add3A_155 : vector<2000x16xf32>
    %logistic3A_157 = math.exp %logistic3A_156 : vector<2000x16xf32>
    %logistic3A_158 = arith.constant 1.000000e+00 : f32
    %logistic3A_159 = vector.broadcast %logistic3A_158 : f32 to vector<2000x16xf32>
    %logistic3A_160 = arith.addf %logistic3A_159, %logistic3A_157 : vector<2000x16xf32>
    %logistic3A_161 = arith.divf %logistic3A_159, %logistic3A_160 : vector<2000x16xf32>
    %slice3A_162 = vector.extract_strided_slice %add3A_139 {offsets = [0, 256], sizes = [2000, 16], strides = [1, 1]} : vector<2000x384xf32> to vector<2000x16xf32>
    %slice3A_163 = vector.extract_strided_slice %add3A_143 {offsets = [0, 256], sizes = [2000, 16], strides = [1, 1]} : vector<2000x384xf32> to vector<2000x16xf32>
    %mul3A_164 = arith.mulf %logistic3A_152, %slice3A_163 : vector<2000x16xf32>
    %add3A_165 = arith.addf %slice3A_162, %mul3A_164 : vector<2000x16xf32>
    %tanh3A_166 = math.tanh %add3A_165 : vector<2000x16xf32>
    %sub3A_167 = arith.constant 1.000000e+00 : f32
    %sub3A_168 = vector.broadcast %sub3A_167 : f32 to vector<2000x16xf32>
    %sub3A_169 = arith.subf %sub3A_168, %logistic3A_161 : vector<2000x16xf32>
    %mul3A_170 = arith.mulf %sub3A_169, %tanh3A_166 : vector<2000x16xf32>
    %mul3A_171 = arith.mulf %logistic3A_161, %add3A_130 : vector<2000x16xf32>
    %add3A_172 = arith.addf %mul3A_170, %mul3A_171 : vector<2000x16xf32>
    %get3A_173 = arith.constant 4 : index
    %get3A_174 = arith.constant 0 : index
    %get3A_175 = arith.constant 0 : index
    %get3A_176 = vector.load %arg1[%get3A_173, %get3A_174, %get3A_175] : memref<8x2000x16xf32, #tpu.memory_space<vmem>>, vector<1x2000x16xf32>
    %get3A_177 = vector.shape_cast %get3A_176 : vector<1x2000x16xf32> to vector<2000x16xf32>
    %dot_general3A_178 = arith.constant dense<0.000000e+00> : vector<2000x384xf32>
    %dot_general3A_179 = tpu.matmul %get3A_177, %get3A_1, %dot_general3A_178 {dimension_numbers = #tpu.dot_dimension_numbers<[1], [0], [0], [1], [0, 0, 1, 1], [], []>, transpose_lhs_hint = false} : vector<2000x16xf32>, vector<16x384xf32>, vector<2000x384xf32> -> vector<2000x384xf32>
    %add3A_180 = vector.broadcast %get3A_4 : vector<1x384xf32> to vector<2000x384xf32>
    %add3A_181 = arith.addf %dot_general3A_179, %add3A_180 : vector<2000x384xf32>
    %dot_general3A_182 = arith.constant dense<0.000000e+00> : vector<2000x384xf32>
    %dot_general3A_183 = tpu.matmul %add3A_172, %get3A_7, %dot_general3A_182 {dimension_numbers = #tpu.dot_dimension_numbers<[1], [0], [0], [1], [0, 0, 1, 1], [], []>, transpose_lhs_hint = false} : vector<2000x16xf32>, vector<16x384xf32>, vector<2000x384xf32> -> vector<2000x384xf32>
    %add3A_184 = vector.broadcast %get3A_10 : vector<1x384xf32> to vector<2000x384xf32>
    %add3A_185 = arith.addf %dot_general3A_183, %add3A_184 : vector<2000x384xf32>
    %slice3A_186 = vector.extract_strided_slice %add3A_181 {offsets = [0, 0], sizes = [2000, 16], strides = [1, 1]} : vector<2000x384xf32> to vector<2000x16xf32>
    %slice3A_187 = vector.extract_strided_slice %add3A_185 {offsets = [0, 0], sizes = [2000, 16], strides = [1, 1]} : vector<2000x384xf32> to vector<2000x16xf32>
    %add3A_188 = arith.addf %slice3A_186, %slice3A_187 : vector<2000x16xf32>
    %logistic3A_189 = arith.negf %add3A_188 : vector<2000x16xf32>
    %logistic3A_190 = math.exp %logistic3A_189 : vector<2000x16xf32>
    %logistic3A_191 = arith.constant 1.000000e+00 : f32
    %logistic3A_192 = vector.broadcast %logistic3A_191 : f32 to vector<2000x16xf32>
    %logistic3A_193 = arith.addf %logistic3A_192, %logistic3A_190 : vector<2000x16xf32>
    %logistic3A_194 = arith.divf %logistic3A_192, %logistic3A_193 : vector<2000x16xf32>
    %slice3A_195 = vector.extract_strided_slice %add3A_181 {offsets = [0, 128], sizes = [2000, 16], strides = [1, 1]} : vector<2000x384xf32> to vector<2000x16xf32>
    %slice3A_196 = vector.extract_strided_slice %add3A_185 {offsets = [0, 128], sizes = [2000, 16], strides = [1, 1]} : vector<2000x384xf32> to vector<2000x16xf32>
    %add3A_197 = arith.addf %slice3A_195, %slice3A_196 : vector<2000x16xf32>
    %logistic3A_198 = arith.negf %add3A_197 : vector<2000x16xf32>
    %logistic3A_199 = math.exp %logistic3A_198 : vector<2000x16xf32>
    %logistic3A_200 = arith.constant 1.000000e+00 : f32
    %logistic3A_201 = vector.broadcast %logistic3A_200 : f32 to vector<2000x16xf32>
    %logistic3A_202 = arith.addf %logistic3A_201, %logistic3A_199 : vector<2000x16xf32>
    %logistic3A_203 = arith.divf %logistic3A_201, %logistic3A_202 : vector<2000x16xf32>
    %slice3A_204 = vector.extract_strided_slice %add3A_181 {offsets = [0, 256], sizes = [2000, 16], strides = [1, 1]} : vector<2000x384xf32> to vector<2000x16xf32>
    %slice3A_205 = vector.extract_strided_slice %add3A_185 {offsets = [0, 256], sizes = [2000, 16], strides = [1, 1]} : vector<2000x384xf32> to vector<2000x16xf32>
    %mul3A_206 = arith.mulf %logistic3A_194, %slice3A_205 : vector<2000x16xf32>
    %add3A_207 = arith.addf %slice3A_204, %mul3A_206 : vector<2000x16xf32>
    %tanh3A_208 = math.tanh %add3A_207 : vector<2000x16xf32>
    %sub3A_209 = arith.constant 1.000000e+00 : f32
    %sub3A_210 = vector.broadcast %sub3A_209 : f32 to vector<2000x16xf32>
    %sub3A_211 = arith.subf %sub3A_210, %logistic3A_203 : vector<2000x16xf32>
    %mul3A_212 = arith.mulf %sub3A_211, %tanh3A_208 : vector<2000x16xf32>
    %mul3A_213 = arith.mulf %logistic3A_203, %add3A_172 : vector<2000x16xf32>
    %add3A_214 = arith.addf %mul3A_212, %mul3A_213 : vector<2000x16xf32>
    %get3A_215 = arith.constant 5 : index
    %get3A_216 = arith.constant 0 : index
    %get3A_217 = arith.constant 0 : index
    %get3A_218 = vector.load %arg1[%get3A_215, %get3A_216, %get3A_217] : memref<8x2000x16xf32, #tpu.memory_space<vmem>>, vector<1x2000x16xf32>
    %get3A_219 = vector.shape_cast %get3A_218 : vector<1x2000x16xf32> to vector<2000x16xf32>
    %dot_general3A_220 = arith.constant dense<0.000000e+00> : vector<2000x384xf32>
    %dot_general3A_221 = tpu.matmul %get3A_219, %get3A_1, %dot_general3A_220 {dimension_numbers = #tpu.dot_dimension_numbers<[1], [0], [0], [1], [0, 0, 1, 1], [], []>, transpose_lhs_hint = false} : vector<2000x16xf32>, vector<16x384xf32>, vector<2000x384xf32> -> vector<2000x384xf32>
    %add3A_222 = vector.broadcast %get3A_4 : vector<1x384xf32> to vector<2000x384xf32>
    %add3A_223 = arith.addf %dot_general3A_221, %add3A_222 : vector<2000x384xf32>
    %dot_general3A_224 = arith.constant dense<0.000000e+00> : vector<2000x384xf32>
    %dot_general3A_225 = tpu.matmul %add3A_214, %get3A_7, %dot_general3A_224 {dimension_numbers = #tpu.dot_dimension_numbers<[1], [0], [0], [1], [0, 0, 1, 1], [], []>, transpose_lhs_hint = false} : vector<2000x16xf32>, vector<16x384xf32>, vector<2000x384xf32> -> vector<2000x384xf32>
    %add3A_226 = vector.broadcast %get3A_10 : vector<1x384xf32> to vector<2000x384xf32>
    %add3A_227 = arith.addf %dot_general3A_225, %add3A_226 : vector<2000x384xf32>
    %slice3A_228 = vector.extract_strided_slice %add3A_223 {offsets = [0, 0], sizes = [2000, 16], strides = [1, 1]} : vector<2000x384xf32> to vector<2000x16xf32>
    %slice3A_229 = vector.extract_strided_slice %add3A_227 {offsets = [0, 0], sizes = [2000, 16], strides = [1, 1]} : vector<2000x384xf32> to vector<2000x16xf32>
    %add3A_230 = arith.addf %slice3A_228, %slice3A_229 : vector<2000x16xf32>
    %logistic3A_231 = arith.negf %add3A_230 : vector<2000x16xf32>
    %logistic3A_232 = math.exp %logistic3A_231 : vector<2000x16xf32>
    %logistic3A_233 = arith.constant 1.000000e+00 : f32
    %logistic3A_234 = vector.broadcast %logistic3A_233 : f32 to vector<2000x16xf32>
    %logistic3A_235 = arith.addf %logistic3A_234, %logistic3A_232 : vector<2000x16xf32>
    %logistic3A_236 = arith.divf %logistic3A_234, %logistic3A_235 : vector<2000x16xf32>
    %slice3A_237 = vector.extract_strided_slice %add3A_223 {offsets = [0, 128], sizes = [2000, 16], strides = [1, 1]} : vector<2000x384xf32> to vector<2000x16xf32>
    %slice3A_238 = vector.extract_strided_slice %add3A_227 {offsets = [0, 128], sizes = [2000, 16], strides = [1, 1]} : vector<2000x384xf32> to vector<2000x16xf32>
    %add3A_239 = arith.addf %slice3A_237, %slice3A_238 : vector<2000x16xf32>
    %logistic3A_240 = arith.negf %add3A_239 : vector<2000x16xf32>
    %logistic3A_241 = math.exp %logistic3A_240 : vector<2000x16xf32>
    %logistic3A_242 = arith.constant 1.000000e+00 : f32
    %logistic3A_243 = vector.broadcast %logistic3A_242 : f32 to vector<2000x16xf32>
    %logistic3A_244 = arith.addf %logistic3A_243, %logistic3A_241 : vector<2000x16xf32>
    %logistic3A_245 = arith.divf %logistic3A_243, %logistic3A_244 : vector<2000x16xf32>
    %slice3A_246 = vector.extract_strided_slice %add3A_223 {offsets = [0, 256], sizes = [2000, 16], strides = [1, 1]} : vector<2000x384xf32> to vector<2000x16xf32>
    %slice3A_247 = vector.extract_strided_slice %add3A_227 {offsets = [0, 256], sizes = [2000, 16], strides = [1, 1]} : vector<2000x384xf32> to vector<2000x16xf32>
    %mul3A_248 = arith.mulf %logistic3A_236, %slice3A_247 : vector<2000x16xf32>
    %add3A_249 = arith.addf %slice3A_246, %mul3A_248 : vector<2000x16xf32>
    %tanh3A_250 = math.tanh %add3A_249 : vector<2000x16xf32>
    %sub3A_251 = arith.constant 1.000000e+00 : f32
    %sub3A_252 = vector.broadcast %sub3A_251 : f32 to vector<2000x16xf32>
    %sub3A_253 = arith.subf %sub3A_252, %logistic3A_245 : vector<2000x16xf32>
    %mul3A_254 = arith.mulf %sub3A_253, %tanh3A_250 : vector<2000x16xf32>
    %mul3A_255 = arith.mulf %logistic3A_245, %add3A_214 : vector<2000x16xf32>
    %add3A_256 = arith.addf %mul3A_254, %mul3A_255 : vector<2000x16xf32>
    %get3A_257 = arith.constant 6 : index
    %get3A_258 = arith.constant 0 : index
    %get3A_259 = arith.constant 0 : index
    %get3A_260 = vector.load %arg1[%get3A_257, %get3A_258, %get3A_259] : memref<8x2000x16xf32, #tpu.memory_space<vmem>>, vector<1x2000x16xf32>
    %get3A_261 = vector.shape_cast %get3A_260 : vector<1x2000x16xf32> to vector<2000x16xf32>
    %dot_general3A_262 = arith.constant dense<0.000000e+00> : vector<2000x384xf32>
    %dot_general3A_263 = tpu.matmul %get3A_261, %get3A_1, %dot_general3A_262 {dimension_numbers = #tpu.dot_dimension_numbers<[1], [0], [0], [1], [0, 0, 1, 1], [], []>, transpose_lhs_hint = false} : vector<2000x16xf32>, vector<16x384xf32>, vector<2000x384xf32> -> vector<2000x384xf32>
    %add3A_264 = vector.broadcast %get3A_4 : vector<1x384xf32> to vector<2000x384xf32>
    %add3A_265 = arith.addf %dot_general3A_263, %add3A_264 : vector<2000x384xf32>
    %dot_general3A_266 = arith.constant dense<0.000000e+00> : vector<2000x384xf32>
    %dot_general3A_267 = tpu.matmul %add3A_256, %get3A_7, %dot_general3A_266 {dimension_numbers = #tpu.dot_dimension_numbers<[1], [0], [0], [1], [0, 0, 1, 1], [], []>, transpose_lhs_hint = false} : vector<2000x16xf32>, vector<16x384xf32>, vector<2000x384xf32> -> vector<2000x384xf32>
    %add3A_268 = vector.broadcast %get3A_10 : vector<1x384xf32> to vector<2000x384xf32>
    %add3A_269 = arith.addf %dot_general3A_267, %add3A_268 : vector<2000x384xf32>
    %slice3A_270 = vector.extract_strided_slice %add3A_265 {offsets = [0, 0], sizes = [2000, 16], strides = [1, 1]} : vector<2000x384xf32> to vector<2000x16xf32>
    %slice3A_271 = vector.extract_strided_slice %add3A_269 {offsets = [0, 0], sizes = [2000, 16], strides = [1, 1]} : vector<2000x384xf32> to vector<2000x16xf32>
    %add3A_272 = arith.addf %slice3A_270, %slice3A_271 : vector<2000x16xf32>
    %logistic3A_273 = arith.negf %add3A_272 : vector<2000x16xf32>
    %logistic3A_274 = math.exp %logistic3A_273 : vector<2000x16xf32>
    %logistic3A_275 = arith.constant 1.000000e+00 : f32
    %logistic3A_276 = vector.broadcast %logistic3A_275 : f32 to vector<2000x16xf32>
    %logistic3A_277 = arith.addf %logistic3A_276, %logistic3A_274 : vector<2000x16xf32>
    %logistic3A_278 = arith.divf %logistic3A_276, %logistic3A_277 : vector<2000x16xf32>
    %slice3A_279 = vector.extract_strided_slice %add3A_265 {offsets = [0, 128], sizes = [2000, 16], strides = [1, 1]} : vector<2000x384xf32> to vector<2000x16xf32>
    %slice3A_280 = vector.extract_strided_slice %add3A_269 {offsets = [0, 128], sizes = [2000, 16], strides = [1, 1]} : vector<2000x384xf32> to vector<2000x16xf32>
    %add3A_281 = arith.addf %slice3A_279, %slice3A_280 : vector<2000x16xf32>
    %logistic3A_282 = arith.negf %add3A_281 : vector<2000x16xf32>
    %logistic3A_283 = math.exp %logistic3A_282 : vector<2000x16xf32>
    %logistic3A_284 = arith.constant 1.000000e+00 : f32
    %logistic3A_285 = vector.broadcast %logistic3A_284 : f32 to vector<2000x16xf32>
    %logistic3A_286 = arith.addf %logistic3A_285, %logistic3A_283 : vector<2000x16xf32>
    %logistic3A_287 = arith.divf %logistic3A_285, %logistic3A_286 : vector<2000x16xf32>
    %slice3A_288 = vector.extract_strided_slice %add3A_265 {offsets = [0, 256], sizes = [2000, 16], strides = [1, 1]} : vector<2000x384xf32> to vector<2000x16xf32>
    %slice3A_289 = vector.extract_strided_slice %add3A_269 {offsets = [0, 256], sizes = [2000, 16], strides = [1, 1]} : vector<2000x384xf32> to vector<2000x16xf32>
    %mul3A_290 = arith.mulf %logistic3A_278, %slice3A_289 : vector<2000x16xf32>
    %add3A_291 = arith.addf %slice3A_288, %mul3A_290 : vector<2000x16xf32>
    %tanh3A_292 = math.tanh %add3A_291 : vector<2000x16xf32>
    %sub3A_293 = arith.constant 1.000000e+00 : f32
    %sub3A_294 = vector.broadcast %sub3A_293 : f32 to vector<2000x16xf32>
    %sub3A_295 = arith.subf %sub3A_294, %logistic3A_287 : vector<2000x16xf32>
    %mul3A_296 = arith.mulf %sub3A_295, %tanh3A_292 : vector<2000x16xf32>
    %mul3A_297 = arith.mulf %logistic3A_287, %add3A_256 : vector<2000x16xf32>
    %add3A_298 = arith.addf %mul3A_296, %mul3A_297 : vector<2000x16xf32>
    %get3A_299 = arith.constant 7 : index
    %get3A_300 = arith.constant 0 : index
    %get3A_301 = arith.constant 0 : index
    %get3A_302 = vector.load %arg1[%get3A_299, %get3A_300, %get3A_301] : memref<8x2000x16xf32, #tpu.memory_space<vmem>>, vector<1x2000x16xf32>
    %get3A_303 = vector.shape_cast %get3A_302 : vector<1x2000x16xf32> to vector<2000x16xf32>
    %dot_general3A_304 = arith.constant dense<0.000000e+00> : vector<2000x384xf32>
    %dot_general3A_305 = tpu.matmul %get3A_303, %get3A_1, %dot_general3A_304 {dimension_numbers = #tpu.dot_dimension_numbers<[1], [0], [0], [1], [0, 0, 1, 1], [], []>, transpose_lhs_hint = false} : vector<2000x16xf32>, vector<16x384xf32>, vector<2000x384xf32> -> vector<2000x384xf32>
    %add3A_306 = vector.broadcast %get3A_4 : vector<1x384xf32> to vector<2000x384xf32>
    %add3A_307 = arith.addf %dot_general3A_305, %add3A_306 : vector<2000x384xf32>
    %dot_general3A_308 = arith.constant dense<0.000000e+00> : vector<2000x384xf32>
    %dot_general3A_309 = tpu.matmul %add3A_298, %get3A_7, %dot_general3A_308 {dimension_numbers = #tpu.dot_dimension_numbers<[1], [0], [0], [1], [0, 0, 1, 1], [], []>, transpose_lhs_hint = false} : vector<2000x16xf32>, vector<16x384xf32>, vector<2000x384xf32> -> vector<2000x384xf32>
    %add3A_310 = vector.broadcast %get3A_10 : vector<1x384xf32> to vector<2000x384xf32>
    %add3A_311 = arith.addf %dot_general3A_309, %add3A_310 : vector<2000x384xf32>
    %slice3A_312 = vector.extract_strided_slice %add3A_307 {offsets = [0, 0], sizes = [2000, 16], strides = [1, 1]} : vector<2000x384xf32> to vector<2000x16xf32>
    %slice3A_313 = vector.extract_strided_slice %add3A_311 {offsets = [0, 0], sizes = [2000, 16], strides = [1, 1]} : vector<2000x384xf32> to vector<2000x16xf32>
    %add3A_314 = arith.addf %slice3A_312, %slice3A_313 : vector<2000x16xf32>
    %logistic3A_315 = arith.negf %add3A_314 : vector<2000x16xf32>
    %logistic3A_316 = math.exp %logistic3A_315 : vector<2000x16xf32>
    %logistic3A_317 = arith.constant 1.000000e+00 : f32
    %logistic3A_318 = vector.broadcast %logistic3A_317 : f32 to vector<2000x16xf32>
    %logistic3A_319 = arith.addf %logistic3A_318, %logistic3A_316 : vector<2000x16xf32>
    %logistic3A_320 = arith.divf %logistic3A_318, %logistic3A_319 : vector<2000x16xf32>
    %slice3A_321 = vector.extract_strided_slice %add3A_307 {offsets = [0, 128], sizes = [2000, 16], strides = [1, 1]} : vector<2000x384xf32> to vector<2000x16xf32>
    %slice3A_322 = vector.extract_strided_slice %add3A_311 {offsets = [0, 128], sizes = [2000, 16], strides = [1, 1]} : vector<2000x384xf32> to vector<2000x16xf32>
    %add3A_323 = arith.addf %slice3A_321, %slice3A_322 : vector<2000x16xf32>
    %logistic3A_324 = arith.negf %add3A_323 : vector<2000x16xf32>
    %logistic3A_325 = math.exp %logistic3A_324 : vector<2000x16xf32>
    %logistic3A_326 = arith.constant 1.000000e+00 : f32
    %logistic3A_327 = vector.broadcast %logistic3A_326 : f32 to vector<2000x16xf32>
    %logistic3A_328 = arith.addf %logistic3A_327, %logistic3A_325 : vector<2000x16xf32>
    %logistic3A_329 = arith.divf %logistic3A_327, %logistic3A_328 : vector<2000x16xf32>
    %slice3A_330 = vector.extract_strided_slice %add3A_307 {offsets = [0, 256], sizes = [2000, 16], strides = [1, 1]} : vector<2000x384xf32> to vector<2000x16xf32>
    %slice3A_331 = vector.extract_strided_slice %add3A_311 {offsets = [0, 256], sizes = [2000, 16], strides = [1, 1]} : vector<2000x384xf32> to vector<2000x16xf32>
    %mul3A_332 = arith.mulf %logistic3A_320, %slice3A_331 : vector<2000x16xf32>
    %add3A_333 = arith.addf %slice3A_330, %mul3A_332 : vector<2000x16xf32>
    %tanh3A_334 = math.tanh %add3A_333 : vector<2000x16xf32>
    %sub3A_335 = arith.constant 1.000000e+00 : f32
    %sub3A_336 = vector.broadcast %sub3A_335 : f32 to vector<2000x16xf32>
    %sub3A_337 = arith.subf %sub3A_336, %logistic3A_329 : vector<2000x16xf32>
    %mul3A_338 = arith.mulf %sub3A_337, %tanh3A_334 : vector<2000x16xf32>
    %mul3A_339 = arith.mulf %logistic3A_329, %add3A_298 : vector<2000x16xf32>
    %add3A_340 = arith.addf %mul3A_338, %mul3A_339 : vector<2000x16xf32>
    %get3A_341 = arith.constant 0 : index
    %get3A_342 = arith.constant 0 : index
    %get3A_343 = vector.load %arg6[%get3A_341, %get3A_342] : memref<16x64xf32, #tpu.memory_space<vmem>>, vector<16x64xf32>
    %dot_general3A_344 = arith.constant dense<0.000000e+00> : vector<2000x64xf32>
    %dot_general3A_345 = tpu.matmul %add3A_340, %get3A_343, %dot_general3A_344 {dimension_numbers = #tpu.dot_dimension_numbers<[1], [0], [0], [1], [0, 0, 1, 1], [], []>, transpose_lhs_hint = false} : vector<2000x16xf32>, vector<16x64xf32>, vector<2000x64xf32> -> vector<2000x64xf32>
    %get3A_346 = arith.constant 0 : index
    %get3A_347 = arith.constant 0 : index
    %get3A_348 = vector.load %arg7[%get3A_346, %get3A_347] : memref<1x64xf32, #tpu.memory_space<vmem>>, vector<1x64xf32>
    %add3A_349 = vector.broadcast %get3A_348 : vector<1x64xf32> to vector<2000x64xf32>
    %add3A_350 = arith.addf %dot_general3A_345, %add3A_349 : vector<2000x64xf32>
    %max3A = arith.constant 0.000000e+00 : f32
    %max3A_351 = vector.broadcast %max3A : f32 to vector<2000x64xf32>
    %max3A_352 = arith.maximumf %add3A_350, %max3A_351 : vector<2000x64xf32>
    %get3A_353 = arith.constant 0 : index
    %get3A_354 = arith.constant 0 : index
    %get3A_355 = vector.load %arg8[%get3A_353, %get3A_354] : memref<64x64xf32, #tpu.memory_space<vmem>>, vector<64x64xf32>
    %dot_general3A_356 = arith.constant dense<0.000000e+00> : vector<2000x64xf32>
    %dot_general3A_357 = tpu.matmul %max3A_352, %get3A_355, %dot_general3A_356 {dimension_numbers = #tpu.dot_dimension_numbers<[1], [0], [0], [1], [0, 0, 1, 1], [], []>, transpose_lhs_hint = false} : vector<2000x64xf32>, vector<64x64xf32>, vector<2000x64xf32> -> vector<2000x64xf32>
    %get3A_358 = arith.constant 0 : index
    %get3A_359 = arith.constant 0 : index
    %get3A_360 = vector.load %arg9[%get3A_358, %get3A_359] : memref<1x64xf32, #tpu.memory_space<vmem>>, vector<1x64xf32>
    %add3A_361 = vector.broadcast %get3A_360 : vector<1x64xf32> to vector<2000x64xf32>
    %add3A_362 = arith.addf %dot_general3A_357, %add3A_361 : vector<2000x64xf32>
    %get3A_363 = arith.constant 0 : index
    %get3A_364 = arith.constant 0 : index
    %get3A_365 = vector.load %arg10[%get3A_363, %get3A_364] : memref<1x64xf32, #tpu.memory_space<vmem>>, vector<1x64xf32>
    %get3A_366 = arith.constant 0 : index
    %get3A_367 = arith.constant 0 : index
    %get3A_368 = vector.load %arg11[%get3A_366, %get3A_367] : memref<1x64xf32, #tpu.memory_space<vmem>>, vector<1x64xf32>
    %reduce_sum3A = arith.constant dense<0.000000e+00> : vector<2000xf32>
    %reduce_sum3A_369 = vector.multi_reduction <add>, %add3A_362, %reduce_sum3A [1] : vector<2000x64xf32> to vector<2000xf32>
    %broadcast_in_dim3A_370 = vector.shape_cast %reduce_sum3A_369 : vector<2000xf32> to vector<2000x1xf32>
    %div3A = arith.constant 6.400000e+01 : f32
    %div3A_371 = vector.broadcast %div3A : f32 to vector<2000x1xf32>
    %div3A_372 = arith.divf %broadcast_in_dim3A_370, %div3A_371 : vector<2000x1xf32>
    %sub3A_373 = vector.broadcast %div3A_372 : vector<2000x1xf32> to vector<2000x64xf32>
    %sub3A_374 = arith.subf %add3A_362, %sub3A_373 : vector<2000x64xf32>
    %integer_pow3A = arith.mulf %sub3A_374, %sub3A_374 : vector<2000x64xf32>
    %reduce_sum3A_375 = arith.constant dense<0.000000e+00> : vector<2000xf32>
    %reduce_sum3A_376 = vector.multi_reduction <add>, %integer_pow3A, %reduce_sum3A_375 [1] : vector<2000x64xf32> to vector<2000xf32>
    %broadcast_in_dim3A_377 = vector.shape_cast %reduce_sum3A_376 : vector<2000xf32> to vector<2000x1xf32>
    %div3A_378 = arith.constant 6.400000e+01 : f32
    %div3A_379 = vector.broadcast %div3A_378 : f32 to vector<2000x1xf32>
    %div3A_380 = arith.divf %broadcast_in_dim3A_377, %div3A_379 : vector<2000x1xf32>
    %sub3A_381 = vector.broadcast %div3A_372 : vector<2000x1xf32> to vector<2000x64xf32>
    %sub3A_382 = arith.subf %add3A_362, %sub3A_381 : vector<2000x64xf32>
    %mul3A_383 = vector.broadcast %get3A_365 : vector<1x64xf32> to vector<2000x64xf32>
    %mul3A_384 = arith.mulf %mul3A_383, %sub3A_382 : vector<2000x64xf32>
    %add3A_385 = arith.constant 9.99999974E-6 : f32
    %add3A_386 = vector.broadcast %add3A_385 : f32 to vector<2000x1xf32>
    %add3A_387 = arith.addf %div3A_380, %add3A_386 : vector<2000x1xf32>
    %rsqrt3A = math.rsqrt %add3A_387 : vector<2000x1xf32>
    %mul3A_388 = vector.broadcast %rsqrt3A : vector<2000x1xf32> to vector<2000x64xf32>
    %mul3A_389 = arith.mulf %mul3A_384, %mul3A_388 : vector<2000x64xf32>
    %add3A_390 = vector.broadcast %get3A_368 : vector<1x64xf32> to vector<2000x64xf32>
    %add3A_391 = arith.addf %mul3A_389, %add3A_390 : vector<2000x64xf32>
    %swap3A = arith.constant 0 : index
    %swap3A_392 = arith.constant 0 : index
    %swap3A_393 = vector.load %arg12[%swap3A, %swap3A_392] : memref<2000x64xf32, #tpu.memory_space<vmem>>, vector<2000x64xf32>
    tpu.vector_store %arg12[%swap3A, %swap3A_392], %add3A_391 {strides = array<i32>} : memref<2000x64xf32, #tpu.memory_space<vmem>>, vector<2000x64xf32>,
    return
  }
  func.func @transform_0(%arg0: i32) -> (i32, i32, i32) {
    %c0_i32 = arith.constant 0 : i32
    %c0_i32_0 = arith.constant 0 : i32
    %c0_i32_1 = arith.constant 0 : i32
    return %c0_i32, %arg0, %c0_i32_0 : i32, i32, i32
  }
  func.func @transform_1(%arg0: i32) -> (i32, i32) {
    %c0_i32 = arith.constant 0 : i32
    %c0_i32_0 = arith.constant 0 : i32
    %c0_i32_1 = arith.constant 0 : i32
    return %c0_i32, %c0_i32_0 : i32, i32
  }
  func.func @transform_2(%arg0: i32) -> (i32, i32) {
    %c0_i32 = arith.constant 0 : i32
    %c0_i32_0 = arith.constant 0 : i32
    %c0_i32_1 = arith.constant 0 : i32
    return %c0_i32, %c0_i32_0 : i32, i32
  }
  func.func @transform_3(%arg0: i32) -> (i32, i32) {
    %c0_i32 = arith.constant 0 : i32
    %c0_i32_0 = arith.constant 0 : i32
    %c0_i32_1 = arith.constant 0 : i32
    return %c0_i32, %c0_i32_0 : i32, i32
  }
  func.func @transform_4(%arg0: i32) -> (i32, i32) {
    %c0_i32 = arith.constant 0 : i32
    %c0_i32_0 = arith.constant 0 : i32
    %c0_i32_1 = arith.constant 0 : i32
    return %c0_i32, %c0_i32_0 : i32, i32
  }
  func.func @transform_5(%arg0: i32) -> (i32, i32) {
    %c0_i32 = arith.constant 0 : i32
    %c0_i32_0 = arith.constant 0 : i32
    %c0_i32_1 = arith.constant 0 : i32
    return %c0_i32, %c0_i32_0 : i32, i32
  }
  func.func @transform_6(%arg0: i32) -> (i32, i32) {
    %c0_i32 = arith.constant 0 : i32
    %c0_i32_0 = arith.constant 0 : i32
    %c0_i32_1 = arith.constant 0 : i32
    return %c0_i32, %c0_i32_0 : i32, i32
  }
  func.func @transform_7(%arg0: i32) -> (i32, i32) {
    %c0_i32 = arith.constant 0 : i32
    %c0_i32_0 = arith.constant 0 : i32
    %c0_i32_1 = arith.constant 0 : i32
    return %c0_i32, %c0_i32_0 : i32, i32
  }
  func.func @transform_8(%arg0: i32) -> (i32, i32) {
    %c0_i32 = arith.constant 0 : i32
    %c0_i32_0 = arith.constant 0 : i32
    %c0_i32_1 = arith.constant 0 : i32
    return %c0_i32, %c0_i32_0 : i32, i32
  }
  func.func @transform_9(%arg0: i32) -> (i32, i32) {
    %c0_i32 = arith.constant 0 : i32
    %c0_i32_0 = arith.constant 0 : i32
    %c0_i32_1 = arith.constant 0 : i32
    return %c0_i32, %c0_i32_0 : i32, i32
  }
  func.func @transform_10(%arg0: i32) -> (i32, i32) {
    %c0_i32 = arith.constant 0 : i32
    %c0_i32_0 = arith.constant 0 : i32
    %c0_i32_1 = arith.constant 0 : i32
    return %c0_i32, %c0_i32_0 : i32, i32
  }
  func.func @transform_11(%arg0: i32) -> (i32, i32) {
    %c0_i32 = arith.constant 0 : i32
    %c0_i32_0 = arith.constant 0 : i32
    return %arg0, %c0_i32 : i32, i32
  }
}

module attributes {stable_mosaic.version = 14 : i64} {
  func.func @_enc_body(%arg0: i32, %arg1: memref<2000x3xf32, #tpu.memory_space<vmem>>, %arg2: memref<3x64xf32, #tpu.memory_space<vmem>>, %arg3: memref<1x64xf32, #tpu.memory_space<vmem>>, %arg4: memref<64x64xf32, #tpu.memory_space<vmem>>, %arg5: memref<1x64xf32, #tpu.memory_space<vmem>>, %arg6: memref<1x64xf32, #tpu.memory_space<vmem>>, %arg7: memref<1x64xf32, #tpu.memory_space<vmem>>, %arg8: memref<2000x64xf32, #tpu.memory_space<vmem>>) attributes {dimension_semantics = [#tpu.dimension_semantics<arbitrary>], iteration_bounds = array<i64: 5>, scalar_prefetch = 0 : i64, scratch_operands = 0 : i64, tpu.core_type = #tpu.core_type<tc>, window_params = [{transform_indices = @transform_0, window_bounds = array<i64: 2000, 3>}, {pipeline_mode = #tpu.pipeline_mode<synchronous>, transform_indices = @transform_1, window_bounds = array<i64: 3, 64>}, {pipeline_mode = #tpu.pipeline_mode<synchronous>, transform_indices = @transform_2, window_bounds = array<i64: 1, 64>}, {pipeline_mode = #tpu.pipeline_mode<synchronous>, transform_indices = @transform_3, window_bounds = array<i64: 64, 64>}, {pipeline_mode = #tpu.pipeline_mode<synchronous>, transform_indices = @transform_4, window_bounds = array<i64: 1, 64>}, {pipeline_mode = #tpu.pipeline_mode<synchronous>, transform_indices = @transform_5, window_bounds = array<i64: 1, 64>}, {pipeline_mode = #tpu.pipeline_mode<synchronous>, transform_indices = @transform_6, window_bounds = array<i64: 1, 64>}, {transform_indices = @transform_7, window_bounds = array<i64: 2000, 64>}]} {
    %get3A = arith.constant 0 : index
    %get3A_0 = arith.constant 0 : index
    %get3A_1 = vector.load %arg1[%get3A, %get3A_0] : memref<2000x3xf32, #tpu.memory_space<vmem>>, vector<2000x3xf32>
    %get3A_2 = arith.constant 0 : index
    %get3A_3 = arith.constant 0 : index
    %get3A_4 = vector.load %arg2[%get3A_2, %get3A_3] : memref<3x64xf32, #tpu.memory_space<vmem>>, vector<3x64xf32>
    %dot_general3A = arith.constant dense<0.000000e+00> : vector<2000x64xf32>
    %dot_general3A_5 = tpu.matmul %get3A_1, %get3A_4, %dot_general3A {dimension_numbers = #tpu.dot_dimension_numbers<[1], [0], [0], [1], [0, 0, 1, 1], [], []>, transpose_lhs_hint = false} : vector<2000x3xf32>, vector<3x64xf32>, vector<2000x64xf32> -> vector<2000x64xf32>
    %get3A_6 = arith.constant 0 : index
    %get3A_7 = arith.constant 0 : index
    %get3A_8 = vector.load %arg3[%get3A_6, %get3A_7] : memref<1x64xf32, #tpu.memory_space<vmem>>, vector<1x64xf32>
    %add3A = vector.broadcast %get3A_8 : vector<1x64xf32> to vector<2000x64xf32>
    %add3A_9 = arith.addf %dot_general3A_5, %add3A : vector<2000x64xf32>
    %max3A = arith.constant 0.000000e+00 : f32
    %max3A_10 = vector.broadcast %max3A : f32 to vector<2000x64xf32>
    %max3A_11 = arith.maximumf %add3A_9, %max3A_10 : vector<2000x64xf32>
    %get3A_12 = arith.constant 0 : index
    %get3A_13 = arith.constant 0 : index
    %get3A_14 = vector.load %arg4[%get3A_12, %get3A_13] : memref<64x64xf32, #tpu.memory_space<vmem>>, vector<64x64xf32>
    %dot_general3A_15 = arith.constant dense<0.000000e+00> : vector<2000x64xf32>
    %dot_general3A_16 = tpu.matmul %max3A_11, %get3A_14, %dot_general3A_15 {dimension_numbers = #tpu.dot_dimension_numbers<[1], [0], [0], [1], [0, 0, 1, 1], [], []>, transpose_lhs_hint = false} : vector<2000x64xf32>, vector<64x64xf32>, vector<2000x64xf32> -> vector<2000x64xf32>
    %get3A_17 = arith.constant 0 : index
    %get3A_18 = arith.constant 0 : index
    %get3A_19 = vector.load %arg5[%get3A_17, %get3A_18] : memref<1x64xf32, #tpu.memory_space<vmem>>, vector<1x64xf32>
    %add3A_20 = vector.broadcast %get3A_19 : vector<1x64xf32> to vector<2000x64xf32>
    %add3A_21 = arith.addf %dot_general3A_16, %add3A_20 : vector<2000x64xf32>
    %get3A_22 = arith.constant 0 : index
    %get3A_23 = arith.constant 0 : index
    %get3A_24 = vector.load %arg6[%get3A_22, %get3A_23] : memref<1x64xf32, #tpu.memory_space<vmem>>, vector<1x64xf32>
    %get3A_25 = arith.constant 0 : index
    %get3A_26 = arith.constant 0 : index
    %get3A_27 = vector.load %arg7[%get3A_25, %get3A_26] : memref<1x64xf32, #tpu.memory_space<vmem>>, vector<1x64xf32>
    %reduce_sum3A = arith.constant dense<0.000000e+00> : vector<2000xf32>
    %reduce_sum3A_28 = vector.multi_reduction <add>, %add3A_21, %reduce_sum3A [1] : vector<2000x64xf32> to vector<2000xf32>
    %broadcast_in_dim3A = vector.shape_cast %reduce_sum3A_28 : vector<2000xf32> to vector<2000x1xf32>
    %div3A = arith.constant 6.400000e+01 : f32
    %div3A_29 = vector.broadcast %div3A : f32 to vector<2000x1xf32>
    %div3A_30 = arith.divf %broadcast_in_dim3A, %div3A_29 : vector<2000x1xf32>
    %sub3A = vector.broadcast %div3A_30 : vector<2000x1xf32> to vector<2000x64xf32>
    %sub3A_31 = arith.subf %add3A_21, %sub3A : vector<2000x64xf32>
    %integer_pow3A = arith.mulf %sub3A_31, %sub3A_31 : vector<2000x64xf32>
    %reduce_sum3A_32 = arith.constant dense<0.000000e+00> : vector<2000xf32>
    %reduce_sum3A_33 = vector.multi_reduction <add>, %integer_pow3A, %reduce_sum3A_32 [1] : vector<2000x64xf32> to vector<2000xf32>
    %broadcast_in_dim3A_34 = vector.shape_cast %reduce_sum3A_33 : vector<2000xf32> to vector<2000x1xf32>
    %div3A_35 = arith.constant 6.400000e+01 : f32
    %div3A_36 = vector.broadcast %div3A_35 : f32 to vector<2000x1xf32>
    %div3A_37 = arith.divf %broadcast_in_dim3A_34, %div3A_36 : vector<2000x1xf32>
    %sub3A_38 = vector.broadcast %div3A_30 : vector<2000x1xf32> to vector<2000x64xf32>
    %sub3A_39 = arith.subf %add3A_21, %sub3A_38 : vector<2000x64xf32>
    %mul3A = vector.broadcast %get3A_24 : vector<1x64xf32> to vector<2000x64xf32>
    %mul3A_40 = arith.mulf %mul3A, %sub3A_39 : vector<2000x64xf32>
    %add3A_41 = arith.constant 9.99999974E-6 : f32
    %add3A_42 = vector.broadcast %add3A_41 : f32 to vector<2000x1xf32>
    %add3A_43 = arith.addf %div3A_37, %add3A_42 : vector<2000x1xf32>
    %rsqrt3A = math.rsqrt %add3A_43 : vector<2000x1xf32>
    %mul3A_44 = vector.broadcast %rsqrt3A : vector<2000x1xf32> to vector<2000x64xf32>
    %mul3A_45 = arith.mulf %mul3A_40, %mul3A_44 : vector<2000x64xf32>
    %add3A_46 = vector.broadcast %get3A_27 : vector<1x64xf32> to vector<2000x64xf32>
    %add3A_47 = arith.addf %mul3A_45, %add3A_46 : vector<2000x64xf32>
    %swap3A = arith.constant 0 : index
    %swap3A_48 = arith.constant 0 : index
    %swap3A_49 = vector.load %arg8[%swap3A, %swap3A_48] : memref<2000x64xf32, #tpu.memory_space<vmem>>, vector<2000x64xf32>
    tpu.vector_store %arg8[%swap3A, %swap3A_48], %add3A_47 {strides = array<i32>} : memref<2000x64xf32, #tpu.memory_space<vmem>>, vector<2000x64xf32>,
    return
  }
  func.func @transform_0(%arg0: i32) -> (i32, i32) {
    %c0_i32 = arith.constant 0 : i32
    %c0_i32_0 = arith.constant 0 : i32
    return %arg0, %c0_i32 : i32, i32
  }
  func.func @transform_1(%arg0: i32) -> (i32, i32) {
    %c0_i32 = arith.constant 0 : i32
    %c0_i32_0 = arith.constant 0 : i32
    %c0_i32_1 = arith.constant 0 : i32
    return %c0_i32, %c0_i32_0 : i32, i32
  }
  func.func @transform_2(%arg0: i32) -> (i32, i32) {
    %c0_i32 = arith.constant 0 : i32
    %c0_i32_0 = arith.constant 0 : i32
    %c0_i32_1 = arith.constant 0 : i32
    return %c0_i32, %c0_i32_0 : i32, i32
  }
  func.func @transform_3(%arg0: i32) -> (i32, i32) {
    %c0_i32 = arith.constant 0 : i32
    %c0_i32_0 = arith.constant 0 : i32
    %c0_i32_1 = arith.constant 0 : i32
    return %c0_i32, %c0_i32_0 : i32, i32
  }
  func.func @transform_4(%arg0: i32) -> (i32, i32) {
    %c0_i32 = arith.constant 0 : i32
    %c0_i32_0 = arith.constant 0 : i32
    %c0_i32_1 = arith.constant 0 : i32
    return %c0_i32, %c0_i32_0 : i32, i32
  }
  func.func @transform_5(%arg0: i32) -> (i32, i32) {
    %c0_i32 = arith.constant 0 : i32
    %c0_i32_0 = arith.constant 0 : i32
    %c0_i32_1 = arith.constant 0 : i32
    return %c0_i32, %c0_i32_0 : i32, i32
  }
  func.func @transform_6(%arg0: i32) -> (i32, i32) {
    %c0_i32 = arith.constant 0 : i32
    %c0_i32_0 = arith.constant 0 : i32
    %c0_i32_1 = arith.constant 0 : i32
    return %c0_i32, %c0_i32_0 : i32, i32
  }
  func.func @transform_7(%arg0: i32) -> (i32, i32) {
    %c0_i32 = arith.constant 0 : i32
    %c0_i32_0 = arith.constant 0 : i32
    return %arg0, %c0_i32 : i32, i32
  }
}

module attributes {stable_mosaic.version = 14 : i64} {
  func.func @_enc_body(%arg0: i32, %arg1: memref<2048x4xf32, #tpu.memory_space<vmem>>, %arg2: memref<4x64xf32, #tpu.memory_space<vmem>>, %arg3: memref<1x64xf32, #tpu.memory_space<vmem>>, %arg4: memref<64x64xf32, #tpu.memory_space<vmem>>, %arg5: memref<1x64xf32, #tpu.memory_space<vmem>>, %arg6: memref<1x64xf32, #tpu.memory_space<vmem>>, %arg7: memref<1x64xf32, #tpu.memory_space<vmem>>, %arg8: memref<2048x64xf32, #tpu.memory_space<vmem>>) attributes {dimension_semantics = [#tpu.dimension_semantics<arbitrary>], iteration_bounds = array<i64: 196>, scalar_prefetch = 0 : i64, scratch_operands = 0 : i64, tpu.core_type = #tpu.core_type<tc>, window_params = [{transform_indices = @transform_0, window_bounds = array<i64: 2048, 4>}, {pipeline_mode = #tpu.pipeline_mode<synchronous>, transform_indices = @transform_1, window_bounds = array<i64: 4, 64>}, {pipeline_mode = #tpu.pipeline_mode<synchronous>, transform_indices = @transform_2, window_bounds = array<i64: 1, 64>}, {pipeline_mode = #tpu.pipeline_mode<synchronous>, transform_indices = @transform_3, window_bounds = array<i64: 64, 64>}, {pipeline_mode = #tpu.pipeline_mode<synchronous>, transform_indices = @transform_4, window_bounds = array<i64: 1, 64>}, {pipeline_mode = #tpu.pipeline_mode<synchronous>, transform_indices = @transform_5, window_bounds = array<i64: 1, 64>}, {pipeline_mode = #tpu.pipeline_mode<synchronous>, transform_indices = @transform_6, window_bounds = array<i64: 1, 64>}, {transform_indices = @transform_7, window_bounds = array<i64: 2048, 64>}]} {
    %get3A = arith.constant 0 : index
    %get3A_0 = arith.constant 0 : index
    %get3A_1 = vector.load %arg1[%get3A, %get3A_0] : memref<2048x4xf32, #tpu.memory_space<vmem>>, vector<2048x4xf32>
    %get3A_2 = arith.constant 0 : index
    %get3A_3 = arith.constant 0 : index
    %get3A_4 = vector.load %arg2[%get3A_2, %get3A_3] : memref<4x64xf32, #tpu.memory_space<vmem>>, vector<4x64xf32>
    %dot_general3A = arith.constant dense<0.000000e+00> : vector<2048x64xf32>
    %dot_general3A_5 = tpu.matmul %get3A_1, %get3A_4, %dot_general3A {dimension_numbers = #tpu.dot_dimension_numbers<[1], [0], [0], [1], [0, 0, 1, 1], [], []>, transpose_lhs_hint = false} : vector<2048x4xf32>, vector<4x64xf32>, vector<2048x64xf32> -> vector<2048x64xf32>
    %get3A_6 = arith.constant 0 : index
    %get3A_7 = arith.constant 0 : index
    %get3A_8 = vector.load %arg3[%get3A_6, %get3A_7] : memref<1x64xf32, #tpu.memory_space<vmem>>, vector<1x64xf32>
    %add3A = vector.broadcast %get3A_8 : vector<1x64xf32> to vector<2048x64xf32>
    %add3A_9 = arith.addf %dot_general3A_5, %add3A : vector<2048x64xf32>
    %max3A = arith.constant 0.000000e+00 : f32
    %max3A_10 = vector.broadcast %max3A : f32 to vector<2048x64xf32>
    %max3A_11 = arith.maximumf %add3A_9, %max3A_10 : vector<2048x64xf32>
    %get3A_12 = arith.constant 0 : index
    %get3A_13 = arith.constant 0 : index
    %get3A_14 = vector.load %arg4[%get3A_12, %get3A_13] : memref<64x64xf32, #tpu.memory_space<vmem>>, vector<64x64xf32>
    %dot_general3A_15 = arith.constant dense<0.000000e+00> : vector<2048x64xf32>
    %dot_general3A_16 = tpu.matmul %max3A_11, %get3A_14, %dot_general3A_15 {dimension_numbers = #tpu.dot_dimension_numbers<[1], [0], [0], [1], [0, 0, 1, 1], [], []>, transpose_lhs_hint = false} : vector<2048x64xf32>, vector<64x64xf32>, vector<2048x64xf32> -> vector<2048x64xf32>
    %get3A_17 = arith.constant 0 : index
    %get3A_18 = arith.constant 0 : index
    %get3A_19 = vector.load %arg5[%get3A_17, %get3A_18] : memref<1x64xf32, #tpu.memory_space<vmem>>, vector<1x64xf32>
    %add3A_20 = vector.broadcast %get3A_19 : vector<1x64xf32> to vector<2048x64xf32>
    %add3A_21 = arith.addf %dot_general3A_16, %add3A_20 : vector<2048x64xf32>
    %get3A_22 = arith.constant 0 : index
    %get3A_23 = arith.constant 0 : index
    %get3A_24 = vector.load %arg6[%get3A_22, %get3A_23] : memref<1x64xf32, #tpu.memory_space<vmem>>, vector<1x64xf32>
    %get3A_25 = arith.constant 0 : index
    %get3A_26 = arith.constant 0 : index
    %get3A_27 = vector.load %arg7[%get3A_25, %get3A_26] : memref<1x64xf32, #tpu.memory_space<vmem>>, vector<1x64xf32>
    %reduce_sum3A = arith.constant dense<0.000000e+00> : vector<2048xf32>
    %reduce_sum3A_28 = vector.multi_reduction <add>, %add3A_21, %reduce_sum3A [1] : vector<2048x64xf32> to vector<2048xf32>
    %broadcast_in_dim3A = vector.shape_cast %reduce_sum3A_28 : vector<2048xf32> to vector<2048x1xf32>
    %div3A = arith.constant 6.400000e+01 : f32
    %div3A_29 = vector.broadcast %div3A : f32 to vector<2048x1xf32>
    %div3A_30 = arith.divf %broadcast_in_dim3A, %div3A_29 : vector<2048x1xf32>
    %sub3A = vector.broadcast %div3A_30 : vector<2048x1xf32> to vector<2048x64xf32>
    %sub3A_31 = arith.subf %add3A_21, %sub3A : vector<2048x64xf32>
    %integer_pow3A = arith.mulf %sub3A_31, %sub3A_31 : vector<2048x64xf32>
    %reduce_sum3A_32 = arith.constant dense<0.000000e+00> : vector<2048xf32>
    %reduce_sum3A_33 = vector.multi_reduction <add>, %integer_pow3A, %reduce_sum3A_32 [1] : vector<2048x64xf32> to vector<2048xf32>
    %broadcast_in_dim3A_34 = vector.shape_cast %reduce_sum3A_33 : vector<2048xf32> to vector<2048x1xf32>
    %div3A_35 = arith.constant 6.400000e+01 : f32
    %div3A_36 = vector.broadcast %div3A_35 : f32 to vector<2048x1xf32>
    %div3A_37 = arith.divf %broadcast_in_dim3A_34, %div3A_36 : vector<2048x1xf32>
    %sub3A_38 = vector.broadcast %div3A_30 : vector<2048x1xf32> to vector<2048x64xf32>
    %sub3A_39 = arith.subf %add3A_21, %sub3A_38 : vector<2048x64xf32>
    %mul3A = vector.broadcast %get3A_24 : vector<1x64xf32> to vector<2048x64xf32>
    %mul3A_40 = arith.mulf %mul3A, %sub3A_39 : vector<2048x64xf32>
    %add3A_41 = arith.constant 9.99999974E-6 : f32
    %add3A_42 = vector.broadcast %add3A_41 : f32 to vector<2048x1xf32>
    %add3A_43 = arith.addf %div3A_37, %add3A_42 : vector<2048x1xf32>
    %rsqrt3A = math.rsqrt %add3A_43 : vector<2048x1xf32>
    %mul3A_44 = vector.broadcast %rsqrt3A : vector<2048x1xf32> to vector<2048x64xf32>
    %mul3A_45 = arith.mulf %mul3A_40, %mul3A_44 : vector<2048x64xf32>
    %add3A_46 = vector.broadcast %get3A_27 : vector<1x64xf32> to vector<2048x64xf32>
    %add3A_47 = arith.addf %mul3A_45, %add3A_46 : vector<2048x64xf32>
    %swap3A = arith.constant 0 : index
    %swap3A_48 = arith.constant 0 : index
    %swap3A_49 = vector.load %arg8[%swap3A, %swap3A_48] : memref<2048x64xf32, #tpu.memory_space<vmem>>, vector<2048x64xf32>
    tpu.vector_store %arg8[%swap3A, %swap3A_48], %add3A_47 {strides = array<i32>} : memref<2048x64xf32, #tpu.memory_space<vmem>>, vector<2048x64xf32>,
    return
  }
  func.func @transform_0(%arg0: i32) -> (i32, i32) {
    %c0_i32 = arith.constant 0 : i32
    %c0_i32_0 = arith.constant 0 : i32
    return %arg0, %c0_i32 : i32, i32
  }
  func.func @transform_1(%arg0: i32) -> (i32, i32) {
    %c0_i32 = arith.constant 0 : i32
    %c0_i32_0 = arith.constant 0 : i32
    %c0_i32_1 = arith.constant 0 : i32
    return %c0_i32, %c0_i32_0 : i32, i32
  }
  func.func @transform_2(%arg0: i32) -> (i32, i32) {
    %c0_i32 = arith.constant 0 : i32
    %c0_i32_0 = arith.constant 0 : i32
    %c0_i32_1 = arith.constant 0 : i32
    return %c0_i32, %c0_i32_0 : i32, i32
  }
  func.func @transform_3(%arg0: i32) -> (i32, i32) {
    %c0_i32 = arith.constant 0 : i32
    %c0_i32_0 = arith.constant 0 : i32
    %c0_i32_1 = arith.constant 0 : i32
    return %c0_i32, %c0_i32_0 : i32, i32
  }
  func.func @transform_4(%arg0: i32) -> (i32, i32) {
    %c0_i32 = arith.constant 0 : i32
    %c0_i32_0 = arith.constant 0 : i32
    %c0_i32_1 = arith.constant 0 : i32
    return %c0_i32, %c0_i32_0 : i32, i32
  }
  func.func @transform_5(%arg0: i32) -> (i32, i32) {
    %c0_i32 = arith.constant 0 : i32
    %c0_i32_0 = arith.constant 0 : i32
    %c0_i32_1 = arith.constant 0 : i32
    return %c0_i32, %c0_i32_0 : i32, i32
  }
  func.func @transform_6(%arg0: i32) -> (i32, i32) {
    %c0_i32 = arith.constant 0 : i32
    %c0_i32_0 = arith.constant 0 : i32
    %c0_i32_1 = arith.constant 0 : i32
    return %c0_i32, %c0_i32_0 : i32, i32
  }
  func.func @transform_7(%arg0: i32) -> (i32, i32) {
    %c0_i32 = arith.constant 0 : i32
    %c0_i32_0 = arith.constant 0 : i32
    return %arg0, %c0_i32 : i32, i32
  }
}

module attributes {stable_mosaic.version = 14 : i64} {
  func.func @_edge_body(%arg0: i32, %arg1: memref<2048x64xf32, #tpu.memory_space<vmem>>, %arg2: memref<2048x64xf32, #tpu.memory_space<vmem>>, %arg3: memref<2048x64xf32, #tpu.memory_space<vmem>>, %arg4: memref<64x64xf32, #tpu.memory_space<vmem>>, %arg5: memref<64x64xf32, #tpu.memory_space<vmem>>, %arg6: memref<64x64xf32, #tpu.memory_space<vmem>>, %arg7: memref<1x64xf32, #tpu.memory_space<vmem>>, %arg8: memref<64x64xf32, #tpu.memory_space<vmem>>, %arg9: memref<1x64xf32, #tpu.memory_space<vmem>>, %arg10: memref<1x64xf32, #tpu.memory_space<vmem>>, %arg11: memref<1x64xf32, #tpu.memory_space<vmem>>, %arg12: memref<2048x64xf32, #tpu.memory_space<vmem>>) attributes {dimension_semantics = [#tpu.dimension_semantics<arbitrary>], iteration_bounds = array<i64: 196>, scalar_prefetch = 0 : i64, scratch_operands = 0 : i64, tpu.core_type = #tpu.core_type<tc>, window_params = [{transform_indices = @transform_0, window_bounds = array<i64: 2048, 64>}, {transform_indices = @transform_1, window_bounds = array<i64: 2048, 64>}, {transform_indices = @transform_2, window_bounds = array<i64: 2048, 64>}, {pipeline_mode = #tpu.pipeline_mode<synchronous>, transform_indices = @transform_3, window_bounds = array<i64: 64, 64>}, {pipeline_mode = #tpu.pipeline_mode<synchronous>, transform_indices = @transform_4, window_bounds = array<i64: 64, 64>}, {pipeline_mode = #tpu.pipeline_mode<synchronous>, transform_indices = @transform_5, window_bounds = array<i64: 64, 64>}, {pipeline_mode = #tpu.pipeline_mode<synchronous>, transform_indices = @transform_6, window_bounds = array<i64: 1, 64>}, {pipeline_mode = #tpu.pipeline_mode<synchronous>, transform_indices = @transform_7, window_bounds = array<i64: 64, 64>}, {pipeline_mode = #tpu.pipeline_mode<synchronous>, transform_indices = @transform_8, window_bounds = array<i64: 1, 64>}, {pipeline_mode = #tpu.pipeline_mode<synchronous>, transform_indices = @transform_9, window_bounds = array<i64: 1, 64>}, {pipeline_mode = #tpu.pipeline_mode<synchronous>, transform_indices = @transform_10, window_bounds = array<i64: 1, 64>}, {transform_indices = @transform_11, window_bounds = array<i64: 2048, 64>}]} {
    %get3A = arith.constant 0 : index
    %get3A_0 = arith.constant 0 : index
    %get3A_1 = vector.load %arg3[%get3A, %get3A_0] : memref<2048x64xf32, #tpu.memory_space<vmem>>, vector<2048x64xf32>
    %get3A_2 = arith.constant 0 : index
    %get3A_3 = arith.constant 0 : index
    %get3A_4 = vector.load %arg1[%get3A_2, %get3A_3] : memref<2048x64xf32, #tpu.memory_space<vmem>>, vector<2048x64xf32>
    %get3A_5 = arith.constant 0 : index
    %get3A_6 = arith.constant 0 : index
    %get3A_7 = vector.load %arg4[%get3A_5, %get3A_6] : memref<64x64xf32, #tpu.memory_space<vmem>>, vector<64x64xf32>
    %dot_general3A = arith.constant dense<0.000000e+00> : vector<2048x64xf32>
    %dot_general3A_8 = tpu.matmul %get3A_4, %get3A_7, %dot_general3A {dimension_numbers = #tpu.dot_dimension_numbers<[1], [0], [0], [1], [0, 0, 1, 1], [], []>, transpose_lhs_hint = false} : vector<2048x64xf32>, vector<64x64xf32>, vector<2048x64xf32> -> vector<2048x64xf32>
    %get3A_9 = arith.constant 0 : index
    %get3A_10 = arith.constant 0 : index
    %get3A_11 = vector.load %arg2[%get3A_9, %get3A_10] : memref<2048x64xf32, #tpu.memory_space<vmem>>, vector<2048x64xf32>
    %get3A_12 = arith.constant 0 : index
    %get3A_13 = arith.constant 0 : index
    %get3A_14 = vector.load %arg5[%get3A_12, %get3A_13] : memref<64x64xf32, #tpu.memory_space<vmem>>, vector<64x64xf32>
    %dot_general3A_15 = arith.constant dense<0.000000e+00> : vector<2048x64xf32>
    %dot_general3A_16 = tpu.matmul %get3A_11, %get3A_14, %dot_general3A_15 {dimension_numbers = #tpu.dot_dimension_numbers<[1], [0], [0], [1], [0, 0, 1, 1], [], []>, transpose_lhs_hint = false} : vector<2048x64xf32>, vector<64x64xf32>, vector<2048x64xf32> -> vector<2048x64xf32>
    %add3A = arith.addf %dot_general3A_8, %dot_general3A_16 : vector<2048x64xf32>
    %get3A_17 = arith.constant 0 : index
    %get3A_18 = arith.constant 0 : index
    %get3A_19 = vector.load %arg6[%get3A_17, %get3A_18] : memref<64x64xf32, #tpu.memory_space<vmem>>, vector<64x64xf32>
    %dot_general3A_20 = arith.constant dense<0.000000e+00> : vector<2048x64xf32>
    %dot_general3A_21 = tpu.matmul %get3A_1, %get3A_19, %dot_general3A_20 {dimension_numbers = #tpu.dot_dimension_numbers<[1], [0], [0], [1], [0, 0, 1, 1], [], []>, transpose_lhs_hint = false} : vector<2048x64xf32>, vector<64x64xf32>, vector<2048x64xf32> -> vector<2048x64xf32>
    %add3A_22 = arith.addf %add3A, %dot_general3A_21 : vector<2048x64xf32>
    %get3A_23 = arith.constant 0 : index
    %get3A_24 = arith.constant 0 : index
    %get3A_25 = vector.load %arg7[%get3A_23, %get3A_24] : memref<1x64xf32, #tpu.memory_space<vmem>>, vector<1x64xf32>
    %add3A_26 = vector.broadcast %get3A_25 : vector<1x64xf32> to vector<2048x64xf32>
    %add3A_27 = arith.addf %add3A_22, %add3A_26 : vector<2048x64xf32>
    %max3A = arith.constant 0.000000e+00 : f32
    %max3A_28 = vector.broadcast %max3A : f32 to vector<2048x64xf32>
    %max3A_29 = arith.maximumf %add3A_27, %max3A_28 : vector<2048x64xf32>
    %get3A_30 = arith.constant 0 : index
    %get3A_31 = arith.constant 0 : index
    %get3A_32 = vector.load %arg8[%get3A_30, %get3A_31] : memref<64x64xf32, #tpu.memory_space<vmem>>, vector<64x64xf32>
    %dot_general3A_33 = arith.constant dense<0.000000e+00> : vector<2048x64xf32>
    %dot_general3A_34 = tpu.matmul %max3A_29, %get3A_32, %dot_general3A_33 {dimension_numbers = #tpu.dot_dimension_numbers<[1], [0], [0], [1], [0, 0, 1, 1], [], []>, transpose_lhs_hint = false} : vector<2048x64xf32>, vector<64x64xf32>, vector<2048x64xf32> -> vector<2048x64xf32>
    %get3A_35 = arith.constant 0 : index
    %get3A_36 = arith.constant 0 : index
    %get3A_37 = vector.load %arg9[%get3A_35, %get3A_36] : memref<1x64xf32, #tpu.memory_space<vmem>>, vector<1x64xf32>
    %add3A_38 = vector.broadcast %get3A_37 : vector<1x64xf32> to vector<2048x64xf32>
    %add3A_39 = arith.addf %dot_general3A_34, %add3A_38 : vector<2048x64xf32>
    %get3A_40 = arith.constant 0 : index
    %get3A_41 = arith.constant 0 : index
    %get3A_42 = vector.load %arg10[%get3A_40, %get3A_41] : memref<1x64xf32, #tpu.memory_space<vmem>>, vector<1x64xf32>
    %get3A_43 = arith.constant 0 : index
    %get3A_44 = arith.constant 0 : index
    %get3A_45 = vector.load %arg11[%get3A_43, %get3A_44] : memref<1x64xf32, #tpu.memory_space<vmem>>, vector<1x64xf32>
    %reduce_sum3A = arith.constant dense<0.000000e+00> : vector<2048xf32>
    %reduce_sum3A_46 = vector.multi_reduction <add>, %add3A_39, %reduce_sum3A [1] : vector<2048x64xf32> to vector<2048xf32>
    %broadcast_in_dim3A = vector.shape_cast %reduce_sum3A_46 : vector<2048xf32> to vector<2048x1xf32>
    %div3A = arith.constant 6.400000e+01 : f32
    %div3A_47 = vector.broadcast %div3A : f32 to vector<2048x1xf32>
    %div3A_48 = arith.divf %broadcast_in_dim3A, %div3A_47 : vector<2048x1xf32>
    %sub3A = vector.broadcast %div3A_48 : vector<2048x1xf32> to vector<2048x64xf32>
    %sub3A_49 = arith.subf %add3A_39, %sub3A : vector<2048x64xf32>
    %integer_pow3A = arith.mulf %sub3A_49, %sub3A_49 : vector<2048x64xf32>
    %reduce_sum3A_50 = arith.constant dense<0.000000e+00> : vector<2048xf32>
    %reduce_sum3A_51 = vector.multi_reduction <add>, %integer_pow3A, %reduce_sum3A_50 [1] : vector<2048x64xf32> to vector<2048xf32>
    %broadcast_in_dim3A_52 = vector.shape_cast %reduce_sum3A_51 : vector<2048xf32> to vector<2048x1xf32>
    %div3A_53 = arith.constant 6.400000e+01 : f32
    %div3A_54 = vector.broadcast %div3A_53 : f32 to vector<2048x1xf32>
    %div3A_55 = arith.divf %broadcast_in_dim3A_52, %div3A_54 : vector<2048x1xf32>
    %sub3A_56 = vector.broadcast %div3A_48 : vector<2048x1xf32> to vector<2048x64xf32>
    %sub3A_57 = arith.subf %add3A_39, %sub3A_56 : vector<2048x64xf32>
    %mul3A = vector.broadcast %get3A_42 : vector<1x64xf32> to vector<2048x64xf32>
    %mul3A_58 = arith.mulf %mul3A, %sub3A_57 : vector<2048x64xf32>
    %add3A_59 = arith.constant 9.99999974E-6 : f32
    %add3A_60 = vector.broadcast %add3A_59 : f32 to vector<2048x1xf32>
    %add3A_61 = arith.addf %div3A_55, %add3A_60 : vector<2048x1xf32>
    %rsqrt3A = math.rsqrt %add3A_61 : vector<2048x1xf32>
    %mul3A_62 = vector.broadcast %rsqrt3A : vector<2048x1xf32> to vector<2048x64xf32>
    %mul3A_63 = arith.mulf %mul3A_58, %mul3A_62 : vector<2048x64xf32>
    %add3A_64 = vector.broadcast %get3A_45 : vector<1x64xf32> to vector<2048x64xf32>
    %add3A_65 = arith.addf %mul3A_63, %add3A_64 : vector<2048x64xf32>
    %add3A_66 = arith.addf %get3A_1, %add3A_65 : vector<2048x64xf32>
    %swap3A = arith.constant 0 : index
    %swap3A_67 = arith.constant 0 : index
    %swap3A_68 = vector.load %arg12[%swap3A, %swap3A_67] : memref<2048x64xf32, #tpu.memory_space<vmem>>, vector<2048x64xf32>
    tpu.vector_store %arg12[%swap3A, %swap3A_67], %add3A_66 {strides = array<i32>} : memref<2048x64xf32, #tpu.memory_space<vmem>>, vector<2048x64xf32>,
    return
  }
  func.func @transform_0(%arg0: i32) -> (i32, i32) {
    %c0_i32 = arith.constant 0 : i32
    %c0_i32_0 = arith.constant 0 : i32
    return %arg0, %c0_i32 : i32, i32
  }
  func.func @transform_1(%arg0: i32) -> (i32, i32) {
    %c0_i32 = arith.constant 0 : i32
    %c0_i32_0 = arith.constant 0 : i32
    return %arg0, %c0_i32 : i32, i32
  }
  func.func @transform_2(%arg0: i32) -> (i32, i32) {
    %c0_i32 = arith.constant 0 : i32
    %c0_i32_0 = arith.constant 0 : i32
    return %arg0, %c0_i32 : i32, i32
  }
  func.func @transform_3(%arg0: i32) -> (i32, i32) {
    %c0_i32 = arith.constant 0 : i32
    %c0_i32_0 = arith.constant 0 : i32
    %c0_i32_1 = arith.constant 0 : i32
    return %c0_i32, %c0_i32_0 : i32, i32
  }
  func.func @transform_4(%arg0: i32) -> (i32, i32) {
    %c0_i32 = arith.constant 0 : i32
    %c0_i32_0 = arith.constant 0 : i32
    %c0_i32_1 = arith.constant 0 : i32
    return %c0_i32, %c0_i32_0 : i32, i32
  }
  func.func @transform_5(%arg0: i32) -> (i32, i32) {
    %c0_i32 = arith.constant 0 : i32
    %c0_i32_0 = arith.constant 0 : i32
    %c0_i32_1 = arith.constant 0 : i32
    return %c0_i32, %c0_i32_0 : i32, i32
  }
  func.func @transform_6(%arg0: i32) -> (i32, i32) {
    %c0_i32 = arith.constant 0 : i32
    %c0_i32_0 = arith.constant 0 : i32
    %c0_i32_1 = arith.constant 0 : i32
    return %c0_i32, %c0_i32_0 : i32, i32
  }
  func.func @transform_7(%arg0: i32) -> (i32, i32) {
    %c0_i32 = arith.constant 0 : i32
    %c0_i32_0 = arith.constant 0 : i32
    %c0_i32_1 = arith.constant 0 : i32
    return %c0_i32, %c0_i32_0 : i32, i32
  }
  func.func @transform_8(%arg0: i32) -> (i32, i32) {
    %c0_i32 = arith.constant 0 : i32
    %c0_i32_0 = arith.constant 0 : i32
    %c0_i32_1 = arith.constant 0 : i32
    return %c0_i32, %c0_i32_0 : i32, i32
  }
  func.func @transform_9(%arg0: i32) -> (i32, i32) {
    %c0_i32 = arith.constant 0 : i32
    %c0_i32_0 = arith.constant 0 : i32
    %c0_i32_1 = arith.constant 0 : i32
    return %c0_i32, %c0_i32_0 : i32, i32
  }
  func.func @transform_10(%arg0: i32) -> (i32, i32) {
    %c0_i32 = arith.constant 0 : i32
    %c0_i32_0 = arith.constant 0 : i32
    %c0_i32_1 = arith.constant 0 : i32
    return %c0_i32, %c0_i32_0 : i32, i32
  }
  func.func @transform_11(%arg0: i32) -> (i32, i32) {
    %c0_i32 = arith.constant 0 : i32
    %c0_i32_0 = arith.constant 0 : i32
    return %arg0, %c0_i32 : i32, i32
  }
}

module attributes {stable_mosaic.version = 14 : i64} {
  func.func @_enc_body(%arg0: i32, %arg1: memref<2048x4xf32, #tpu.memory_space<vmem>>, %arg2: memref<4x64xf32, #tpu.memory_space<vmem>>, %arg3: memref<1x64xf32, #tpu.memory_space<vmem>>, %arg4: memref<64x64xf32, #tpu.memory_space<vmem>>, %arg5: memref<1x64xf32, #tpu.memory_space<vmem>>, %arg6: memref<1x64xf32, #tpu.memory_space<vmem>>, %arg7: memref<1x64xf32, #tpu.memory_space<vmem>>, %arg8: memref<2048x64xf32, #tpu.memory_space<vmem>>) attributes {dimension_semantics = [#tpu.dimension_semantics<arbitrary>], iteration_bounds = array<i64: 158>, scalar_prefetch = 0 : i64, scratch_operands = 0 : i64, tpu.core_type = #tpu.core_type<tc>, window_params = [{transform_indices = @transform_0, window_bounds = array<i64: 2048, 4>}, {pipeline_mode = #tpu.pipeline_mode<synchronous>, transform_indices = @transform_1, window_bounds = array<i64: 4, 64>}, {pipeline_mode = #tpu.pipeline_mode<synchronous>, transform_indices = @transform_2, window_bounds = array<i64: 1, 64>}, {pipeline_mode = #tpu.pipeline_mode<synchronous>, transform_indices = @transform_3, window_bounds = array<i64: 64, 64>}, {pipeline_mode = #tpu.pipeline_mode<synchronous>, transform_indices = @transform_4, window_bounds = array<i64: 1, 64>}, {pipeline_mode = #tpu.pipeline_mode<synchronous>, transform_indices = @transform_5, window_bounds = array<i64: 1, 64>}, {pipeline_mode = #tpu.pipeline_mode<synchronous>, transform_indices = @transform_6, window_bounds = array<i64: 1, 64>}, {transform_indices = @transform_7, window_bounds = array<i64: 2048, 64>}]} {
    %get3A = arith.constant 0 : index
    %get3A_0 = arith.constant 0 : index
    %get3A_1 = vector.load %arg1[%get3A, %get3A_0] : memref<2048x4xf32, #tpu.memory_space<vmem>>, vector<2048x4xf32>
    %get3A_2 = arith.constant 0 : index
    %get3A_3 = arith.constant 0 : index
    %get3A_4 = vector.load %arg2[%get3A_2, %get3A_3] : memref<4x64xf32, #tpu.memory_space<vmem>>, vector<4x64xf32>
    %dot_general3A = arith.constant dense<0.000000e+00> : vector<2048x64xf32>
    %dot_general3A_5 = tpu.matmul %get3A_1, %get3A_4, %dot_general3A {dimension_numbers = #tpu.dot_dimension_numbers<[1], [0], [0], [1], [0, 0, 1, 1], [], []>, transpose_lhs_hint = false} : vector<2048x4xf32>, vector<4x64xf32>, vector<2048x64xf32> -> vector<2048x64xf32>
    %get3A_6 = arith.constant 0 : index
    %get3A_7 = arith.constant 0 : index
    %get3A_8 = vector.load %arg3[%get3A_6, %get3A_7] : memref<1x64xf32, #tpu.memory_space<vmem>>, vector<1x64xf32>
    %add3A = vector.broadcast %get3A_8 : vector<1x64xf32> to vector<2048x64xf32>
    %add3A_9 = arith.addf %dot_general3A_5, %add3A : vector<2048x64xf32>
    %max3A = arith.constant 0.000000e+00 : f32
    %max3A_10 = vector.broadcast %max3A : f32 to vector<2048x64xf32>
    %max3A_11 = arith.maximumf %add3A_9, %max3A_10 : vector<2048x64xf32>
    %get3A_12 = arith.constant 0 : index
    %get3A_13 = arith.constant 0 : index
    %get3A_14 = vector.load %arg4[%get3A_12, %get3A_13] : memref<64x64xf32, #tpu.memory_space<vmem>>, vector<64x64xf32>
    %dot_general3A_15 = arith.constant dense<0.000000e+00> : vector<2048x64xf32>
    %dot_general3A_16 = tpu.matmul %max3A_11, %get3A_14, %dot_general3A_15 {dimension_numbers = #tpu.dot_dimension_numbers<[1], [0], [0], [1], [0, 0, 1, 1], [], []>, transpose_lhs_hint = false} : vector<2048x64xf32>, vector<64x64xf32>, vector<2048x64xf32> -> vector<2048x64xf32>
    %get3A_17 = arith.constant 0 : index
    %get3A_18 = arith.constant 0 : index
    %get3A_19 = vector.load %arg5[%get3A_17, %get3A_18] : memref<1x64xf32, #tpu.memory_space<vmem>>, vector<1x64xf32>
    %add3A_20 = vector.broadcast %get3A_19 : vector<1x64xf32> to vector<2048x64xf32>
    %add3A_21 = arith.addf %dot_general3A_16, %add3A_20 : vector<2048x64xf32>
    %get3A_22 = arith.constant 0 : index
    %get3A_23 = arith.constant 0 : index
    %get3A_24 = vector.load %arg6[%get3A_22, %get3A_23] : memref<1x64xf32, #tpu.memory_space<vmem>>, vector<1x64xf32>
    %get3A_25 = arith.constant 0 : index
    %get3A_26 = arith.constant 0 : index
    %get3A_27 = vector.load %arg7[%get3A_25, %get3A_26] : memref<1x64xf32, #tpu.memory_space<vmem>>, vector<1x64xf32>
    %reduce_sum3A = arith.constant dense<0.000000e+00> : vector<2048xf32>
    %reduce_sum3A_28 = vector.multi_reduction <add>, %add3A_21, %reduce_sum3A [1] : vector<2048x64xf32> to vector<2048xf32>
    %broadcast_in_dim3A = vector.shape_cast %reduce_sum3A_28 : vector<2048xf32> to vector<2048x1xf32>
    %div3A = arith.constant 6.400000e+01 : f32
    %div3A_29 = vector.broadcast %div3A : f32 to vector<2048x1xf32>
    %div3A_30 = arith.divf %broadcast_in_dim3A, %div3A_29 : vector<2048x1xf32>
    %sub3A = vector.broadcast %div3A_30 : vector<2048x1xf32> to vector<2048x64xf32>
    %sub3A_31 = arith.subf %add3A_21, %sub3A : vector<2048x64xf32>
    %integer_pow3A = arith.mulf %sub3A_31, %sub3A_31 : vector<2048x64xf32>
    %reduce_sum3A_32 = arith.constant dense<0.000000e+00> : vector<2048xf32>
    %reduce_sum3A_33 = vector.multi_reduction <add>, %integer_pow3A, %reduce_sum3A_32 [1] : vector<2048x64xf32> to vector<2048xf32>
    %broadcast_in_dim3A_34 = vector.shape_cast %reduce_sum3A_33 : vector<2048xf32> to vector<2048x1xf32>
    %div3A_35 = arith.constant 6.400000e+01 : f32
    %div3A_36 = vector.broadcast %div3A_35 : f32 to vector<2048x1xf32>
    %div3A_37 = arith.divf %broadcast_in_dim3A_34, %div3A_36 : vector<2048x1xf32>
    %sub3A_38 = vector.broadcast %div3A_30 : vector<2048x1xf32> to vector<2048x64xf32>
    %sub3A_39 = arith.subf %add3A_21, %sub3A_38 : vector<2048x64xf32>
    %mul3A = vector.broadcast %get3A_24 : vector<1x64xf32> to vector<2048x64xf32>
    %mul3A_40 = arith.mulf %mul3A, %sub3A_39 : vector<2048x64xf32>
    %add3A_41 = arith.constant 9.99999974E-6 : f32
    %add3A_42 = vector.broadcast %add3A_41 : f32 to vector<2048x1xf32>
    %add3A_43 = arith.addf %div3A_37, %add3A_42 : vector<2048x1xf32>
    %rsqrt3A = math.rsqrt %add3A_43 : vector<2048x1xf32>
    %mul3A_44 = vector.broadcast %rsqrt3A : vector<2048x1xf32> to vector<2048x64xf32>
    %mul3A_45 = arith.mulf %mul3A_40, %mul3A_44 : vector<2048x64xf32>
    %add3A_46 = vector.broadcast %get3A_27 : vector<1x64xf32> to vector<2048x64xf32>
    %add3A_47 = arith.addf %mul3A_45, %add3A_46 : vector<2048x64xf32>
    %swap3A = arith.constant 0 : index
    %swap3A_48 = arith.constant 0 : index
    %swap3A_49 = vector.load %arg8[%swap3A, %swap3A_48] : memref<2048x64xf32, #tpu.memory_space<vmem>>, vector<2048x64xf32>
    tpu.vector_store %arg8[%swap3A, %swap3A_48], %add3A_47 {strides = array<i32>} : memref<2048x64xf32, #tpu.memory_space<vmem>>, vector<2048x64xf32>,
    return
  }
  func.func @transform_0(%arg0: i32) -> (i32, i32) {
    %c0_i32 = arith.constant 0 : i32
    %c0_i32_0 = arith.constant 0 : i32
    return %arg0, %c0_i32 : i32, i32
  }
  func.func @transform_1(%arg0: i32) -> (i32, i32) {
    %c0_i32 = arith.constant 0 : i32
    %c0_i32_0 = arith.constant 0 : i32
    %c0_i32_1 = arith.constant 0 : i32
    return %c0_i32, %c0_i32_0 : i32, i32
  }
  func.func @transform_2(%arg0: i32) -> (i32, i32) {
    %c0_i32 = arith.constant 0 : i32
    %c0_i32_0 = arith.constant 0 : i32
    %c0_i32_1 = arith.constant 0 : i32
    return %c0_i32, %c0_i32_0 : i32, i32
  }
  func.func @transform_3(%arg0: i32) -> (i32, i32) {
    %c0_i32 = arith.constant 0 : i32
    %c0_i32_0 = arith.constant 0 : i32
    %c0_i32_1 = arith.constant 0 : i32
    return %c0_i32, %c0_i32_0 : i32, i32
  }
  func.func @transform_4(%arg0: i32) -> (i32, i32) {
    %c0_i32 = arith.constant 0 : i32
    %c0_i32_0 = arith.constant 0 : i32
    %c0_i32_1 = arith.constant 0 : i32
    return %c0_i32, %c0_i32_0 : i32, i32
  }
  func.func @transform_5(%arg0: i32) -> (i32, i32) {
    %c0_i32 = arith.constant 0 : i32
    %c0_i32_0 = arith.constant 0 : i32
    %c0_i32_1 = arith.constant 0 : i32
    return %c0_i32, %c0_i32_0 : i32, i32
  }
  func.func @transform_6(%arg0: i32) -> (i32, i32) {
    %c0_i32 = arith.constant 0 : i32
    %c0_i32_0 = arith.constant 0 : i32
    %c0_i32_1 = arith.constant 0 : i32
    return %c0_i32, %c0_i32_0 : i32, i32
  }
  func.func @transform_7(%arg0: i32) -> (i32, i32) {
    %c0_i32 = arith.constant 0 : i32
    %c0_i32_0 = arith.constant 0 : i32
    return %arg0, %c0_i32 : i32, i32
  }
}

module attributes {stable_mosaic.version = 14 : i64} {
  func.func @_node_body(%arg0: i32, %arg1: memref<2000x64xf32, #tpu.memory_space<vmem>>, %arg2: memref<1x2000x64xf32, #tpu.memory_space<vmem>>, %arg3: memref<64x64xf32, #tpu.memory_space<vmem>>, %arg4: memref<64x64xf32, #tpu.memory_space<vmem>>, %arg5: memref<1x64xf32, #tpu.memory_space<vmem>>, %arg6: memref<64x64xf32, #tpu.memory_space<vmem>>, %arg7: memref<1x64xf32, #tpu.memory_space<vmem>>, %arg8: memref<1x64xf32, #tpu.memory_space<vmem>>, %arg9: memref<1x64xf32, #tpu.memory_space<vmem>>, %arg10: memref<2000x64xf32, #tpu.memory_space<vmem>>) attributes {dimension_semantics = [#tpu.dimension_semantics<arbitrary>], iteration_bounds = array<i64: 5>, scalar_prefetch = 0 : i64, scratch_operands = 0 : i64, tpu.core_type = #tpu.core_type<tc>, window_params = [{transform_indices = @transform_0, window_bounds = array<i64: 2000, 64>}, {transform_indices = @transform_1, window_bounds = array<i64: 1, 2000, 64>}, {pipeline_mode = #tpu.pipeline_mode<synchronous>, transform_indices = @transform_2, window_bounds = array<i64: 64, 64>}, {pipeline_mode = #tpu.pipeline_mode<synchronous>, transform_indices = @transform_3, window_bounds = array<i64: 64, 64>}, {pipeline_mode = #tpu.pipeline_mode<synchronous>, transform_indices = @transform_4, window_bounds = array<i64: 1, 64>}, {pipeline_mode = #tpu.pipeline_mode<synchronous>, transform_indices = @transform_5, window_bounds = array<i64: 64, 64>}, {pipeline_mode = #tpu.pipeline_mode<synchronous>, transform_indices = @transform_6, window_bounds = array<i64: 1, 64>}, {pipeline_mode = #tpu.pipeline_mode<synchronous>, transform_indices = @transform_7, window_bounds = array<i64: 1, 64>}, {pipeline_mode = #tpu.pipeline_mode<synchronous>, transform_indices = @transform_8, window_bounds = array<i64: 1, 64>}, {transform_indices = @transform_9, window_bounds = array<i64: 2000, 64>}]} {
    %get3A = arith.constant 0 : index
    %get3A_0 = arith.constant 0 : index
    %get3A_1 = vector.load %arg1[%get3A, %get3A_0] : memref<2000x64xf32, #tpu.memory_space<vmem>>, vector<2000x64xf32>
    %get3A_2 = arith.constant 0 : index
    %get3A_3 = arith.constant 0 : index
    %get3A_4 = arith.constant 0 : index
    %get3A_5 = vector.load %arg2[%get3A_2, %get3A_3, %get3A_4] : memref<1x2000x64xf32, #tpu.memory_space<vmem>>, vector<1x2000x64xf32>
    %get3A_6 = vector.shape_cast %get3A_5 : vector<1x2000x64xf32> to vector<2000x64xf32>
    %get3A_7 = arith.constant 0 : index
    %get3A_8 = arith.constant 0 : index
    %get3A_9 = vector.load %arg3[%get3A_7, %get3A_8] : memref<64x64xf32, #tpu.memory_space<vmem>>, vector<64x64xf32>
    %dot_general3A = arith.constant dense<0.000000e+00> : vector<2000x64xf32>
    %dot_general3A_10 = tpu.matmul %get3A_1, %get3A_9, %dot_general3A {dimension_numbers = #tpu.dot_dimension_numbers<[1], [0], [0], [1], [0, 0, 1, 1], [], []>, transpose_lhs_hint = false} : vector<2000x64xf32>, vector<64x64xf32>, vector<2000x64xf32> -> vector<2000x64xf32>
    %get3A_11 = arith.constant 0 : index
    %get3A_12 = arith.constant 0 : index
    %get3A_13 = vector.load %arg4[%get3A_11, %get3A_12] : memref<64x64xf32, #tpu.memory_space<vmem>>, vector<64x64xf32>
    %dot_general3A_14 = arith.constant dense<0.000000e+00> : vector<2000x64xf32>
    %dot_general3A_15 = tpu.matmul %get3A_6, %get3A_13, %dot_general3A_14 {dimension_numbers = #tpu.dot_dimension_numbers<[1], [0], [0], [1], [0, 0, 1, 1], [], []>, transpose_lhs_hint = false} : vector<2000x64xf32>, vector<64x64xf32>, vector<2000x64xf32> -> vector<2000x64xf32>
    %add3A = arith.addf %dot_general3A_10, %dot_general3A_15 : vector<2000x64xf32>
    %get3A_16 = arith.constant 0 : index
    %get3A_17 = arith.constant 0 : index
    %get3A_18 = vector.load %arg5[%get3A_16, %get3A_17] : memref<1x64xf32, #tpu.memory_space<vmem>>, vector<1x64xf32>
    %add3A_19 = vector.broadcast %get3A_18 : vector<1x64xf32> to vector<2000x64xf32>
    %add3A_20 = arith.addf %add3A, %add3A_19 : vector<2000x64xf32>
    %max3A = arith.constant 0.000000e+00 : f32
    %max3A_21 = vector.broadcast %max3A : f32 to vector<2000x64xf32>
    %max3A_22 = arith.maximumf %add3A_20, %max3A_21 : vector<2000x64xf32>
    %get3A_23 = arith.constant 0 : index
    %get3A_24 = arith.constant 0 : index
    %get3A_25 = vector.load %arg6[%get3A_23, %get3A_24] : memref<64x64xf32, #tpu.memory_space<vmem>>, vector<64x64xf32>
    %dot_general3A_26 = arith.constant dense<0.000000e+00> : vector<2000x64xf32>
    %dot_general3A_27 = tpu.matmul %max3A_22, %get3A_25, %dot_general3A_26 {dimension_numbers = #tpu.dot_dimension_numbers<[1], [0], [0], [1], [0, 0, 1, 1], [], []>, transpose_lhs_hint = false} : vector<2000x64xf32>, vector<64x64xf32>, vector<2000x64xf32> -> vector<2000x64xf32>
    %get3A_28 = arith.constant 0 : index
    %get3A_29 = arith.constant 0 : index
    %get3A_30 = vector.load %arg7[%get3A_28, %get3A_29] : memref<1x64xf32, #tpu.memory_space<vmem>>, vector<1x64xf32>
    %add3A_31 = vector.broadcast %get3A_30 : vector<1x64xf32> to vector<2000x64xf32>
    %add3A_32 = arith.addf %dot_general3A_27, %add3A_31 : vector<2000x64xf32>
    %get3A_33 = arith.constant 0 : index
    %get3A_34 = arith.constant 0 : index
    %get3A_35 = vector.load %arg8[%get3A_33, %get3A_34] : memref<1x64xf32, #tpu.memory_space<vmem>>, vector<1x64xf32>
    %get3A_36 = arith.constant 0 : index
    %get3A_37 = arith.constant 0 : index
    %get3A_38 = vector.load %arg9[%get3A_36, %get3A_37] : memref<1x64xf32, #tpu.memory_space<vmem>>, vector<1x64xf32>
    %reduce_sum3A = arith.constant dense<0.000000e+00> : vector<2000xf32>
    %reduce_sum3A_39 = vector.multi_reduction <add>, %add3A_32, %reduce_sum3A [1] : vector<2000x64xf32> to vector<2000xf32>
    %broadcast_in_dim3A = vector.shape_cast %reduce_sum3A_39 : vector<2000xf32> to vector<2000x1xf32>
    %div3A = arith.constant 6.400000e+01 : f32
    %div3A_40 = vector.broadcast %div3A : f32 to vector<2000x1xf32>
    %div3A_41 = arith.divf %broadcast_in_dim3A, %div3A_40 : vector<2000x1xf32>
    %sub3A = vector.broadcast %div3A_41 : vector<2000x1xf32> to vector<2000x64xf32>
    %sub3A_42 = arith.subf %add3A_32, %sub3A : vector<2000x64xf32>
    %integer_pow3A = arith.mulf %sub3A_42, %sub3A_42 : vector<2000x64xf32>
    %reduce_sum3A_43 = arith.constant dense<0.000000e+00> : vector<2000xf32>
    %reduce_sum3A_44 = vector.multi_reduction <add>, %integer_pow3A, %reduce_sum3A_43 [1] : vector<2000x64xf32> to vector<2000xf32>
    %broadcast_in_dim3A_45 = vector.shape_cast %reduce_sum3A_44 : vector<2000xf32> to vector<2000x1xf32>
    %div3A_46 = arith.constant 6.400000e+01 : f32
    %div3A_47 = vector.broadcast %div3A_46 : f32 to vector<2000x1xf32>
    %div3A_48 = arith.divf %broadcast_in_dim3A_45, %div3A_47 : vector<2000x1xf32>
    %sub3A_49 = vector.broadcast %div3A_41 : vector<2000x1xf32> to vector<2000x64xf32>
    %sub3A_50 = arith.subf %add3A_32, %sub3A_49 : vector<2000x64xf32>
    %mul3A = vector.broadcast %get3A_35 : vector<1x64xf32> to vector<2000x64xf32>
    %mul3A_51 = arith.mulf %mul3A, %sub3A_50 : vector<2000x64xf32>
    %add3A_52 = arith.constant 9.99999974E-6 : f32
    %add3A_53 = vector.broadcast %add3A_52 : f32 to vector<2000x1xf32>
    %add3A_54 = arith.addf %div3A_48, %add3A_53 : vector<2000x1xf32>
    %rsqrt3A = math.rsqrt %add3A_54 : vector<2000x1xf32>
    %mul3A_55 = vector.broadcast %rsqrt3A : vector<2000x1xf32> to vector<2000x64xf32>
    %mul3A_56 = arith.mulf %mul3A_51, %mul3A_55 : vector<2000x64xf32>
    %add3A_57 = vector.broadcast %get3A_38 : vector<1x64xf32> to vector<2000x64xf32>
    %add3A_58 = arith.addf %mul3A_56, %add3A_57 : vector<2000x64xf32>
    %add3A_59 = arith.addf %get3A_1, %add3A_58 : vector<2000x64xf32>
    %swap3A = arith.constant 0 : index
    %swap3A_60 = arith.constant 0 : index
    %swap3A_61 = vector.load %arg10[%swap3A, %swap3A_60] : memref<2000x64xf32, #tpu.memory_space<vmem>>, vector<2000x64xf32>
    tpu.vector_store %arg10[%swap3A, %swap3A_60], %add3A_59 {strides = array<i32>} : memref<2000x64xf32, #tpu.memory_space<vmem>>, vector<2000x64xf32>,
    return
  }
  func.func @transform_0(%arg0: i32) -> (i32, i32) {
    %c0_i32 = arith.constant 0 : i32
    %c0_i32_0 = arith.constant 0 : i32
    return %arg0, %c0_i32 : i32, i32
  }
  func.func @transform_1(%arg0: i32) -> (i32, i32, i32) {
    %c0_i32 = arith.constant 0 : i32
    %c0_i32_0 = arith.constant 0 : i32
    %c0_i32_1 = arith.constant 0 : i32
    return %c0_i32, %arg0, %c0_i32_0 : i32, i32, i32
  }
  func.func @transform_2(%arg0: i32) -> (i32, i32) {
    %c0_i32 = arith.constant 0 : i32
    %c0_i32_0 = arith.constant 0 : i32
    %c0_i32_1 = arith.constant 0 : i32
    return %c0_i32, %c0_i32_0 : i32, i32
  }
  func.func @transform_3(%arg0: i32) -> (i32, i32) {
    %c0_i32 = arith.constant 0 : i32
    %c0_i32_0 = arith.constant 0 : i32
    %c0_i32_1 = arith.constant 0 : i32
    return %c0_i32, %c0_i32_0 : i32, i32
  }
  func.func @transform_4(%arg0: i32) -> (i32, i32) {
    %c0_i32 = arith.constant 0 : i32
    %c0_i32_0 = arith.constant 0 : i32
    %c0_i32_1 = arith.constant 0 : i32
    return %c0_i32, %c0_i32_0 : i32, i32
  }
  func.func @transform_5(%arg0: i32) -> (i32, i32) {
    %c0_i32 = arith.constant 0 : i32
    %c0_i32_0 = arith.constant 0 : i32
    %c0_i32_1 = arith.constant 0 : i32
    return %c0_i32, %c0_i32_0 : i32, i32
  }
  func.func @transform_6(%arg0: i32) -> (i32, i32) {
    %c0_i32 = arith.constant 0 : i32
    %c0_i32_0 = arith.constant 0 : i32
    %c0_i32_1 = arith.constant 0 : i32
    return %c0_i32, %c0_i32_0 : i32, i32
  }
  func.func @transform_7(%arg0: i32) -> (i32, i32) {
    %c0_i32 = arith.constant 0 : i32
    %c0_i32_0 = arith.constant 0 : i32
    %c0_i32_1 = arith.constant 0 : i32
    return %c0_i32, %c0_i32_0 : i32, i32
  }
  func.func @transform_8(%arg0: i32) -> (i32, i32) {
    %c0_i32 = arith.constant 0 : i32
    %c0_i32_0 = arith.constant 0 : i32
    %c0_i32_1 = arith.constant 0 : i32
    return %c0_i32, %c0_i32_0 : i32, i32
  }
  func.func @transform_9(%arg0: i32) -> (i32, i32) {
    %c0_i32 = arith.constant 0 : i32
    %c0_i32_0 = arith.constant 0 : i32
    return %arg0, %c0_i32 : i32, i32
  }
}

module attributes {stable_mosaic.version = 14 : i64} {
  func.func @_edge_body(%arg0: i32, %arg1: memref<2048x64xf32, #tpu.memory_space<vmem>>, %arg2: memref<2048x64xf32, #tpu.memory_space<vmem>>, %arg3: memref<2048x64xf32, #tpu.memory_space<vmem>>, %arg4: memref<64x64xf32, #tpu.memory_space<vmem>>, %arg5: memref<64x64xf32, #tpu.memory_space<vmem>>, %arg6: memref<64x64xf32, #tpu.memory_space<vmem>>, %arg7: memref<1x64xf32, #tpu.memory_space<vmem>>, %arg8: memref<64x64xf32, #tpu.memory_space<vmem>>, %arg9: memref<1x64xf32, #tpu.memory_space<vmem>>, %arg10: memref<1x64xf32, #tpu.memory_space<vmem>>, %arg11: memref<1x64xf32, #tpu.memory_space<vmem>>, %arg12: memref<2048x64xf32, #tpu.memory_space<vmem>>) attributes {dimension_semantics = [#tpu.dimension_semantics<arbitrary>], iteration_bounds = array<i64: 158>, scalar_prefetch = 0 : i64, scratch_operands = 0 : i64, tpu.core_type = #tpu.core_type<tc>, window_params = [{transform_indices = @transform_0, window_bounds = array<i64: 2048, 64>}, {transform_indices = @transform_1, window_bounds = array<i64: 2048, 64>}, {transform_indices = @transform_2, window_bounds = array<i64: 2048, 64>}, {pipeline_mode = #tpu.pipeline_mode<synchronous>, transform_indices = @transform_3, window_bounds = array<i64: 64, 64>}, {pipeline_mode = #tpu.pipeline_mode<synchronous>, transform_indices = @transform_4, window_bounds = array<i64: 64, 64>}, {pipeline_mode = #tpu.pipeline_mode<synchronous>, transform_indices = @transform_5, window_bounds = array<i64: 64, 64>}, {pipeline_mode = #tpu.pipeline_mode<synchronous>, transform_indices = @transform_6, window_bounds = array<i64: 1, 64>}, {pipeline_mode = #tpu.pipeline_mode<synchronous>, transform_indices = @transform_7, window_bounds = array<i64: 64, 64>}, {pipeline_mode = #tpu.pipeline_mode<synchronous>, transform_indices = @transform_8, window_bounds = array<i64: 1, 64>}, {pipeline_mode = #tpu.pipeline_mode<synchronous>, transform_indices = @transform_9, window_bounds = array<i64: 1, 64>}, {pipeline_mode = #tpu.pipeline_mode<synchronous>, transform_indices = @transform_10, window_bounds = array<i64: 1, 64>}, {transform_indices = @transform_11, window_bounds = array<i64: 2048, 64>}]} {
    %get3A = arith.constant 0 : index
    %get3A_0 = arith.constant 0 : index
    %get3A_1 = vector.load %arg3[%get3A, %get3A_0] : memref<2048x64xf32, #tpu.memory_space<vmem>>, vector<2048x64xf32>
    %get3A_2 = arith.constant 0 : index
    %get3A_3 = arith.constant 0 : index
    %get3A_4 = vector.load %arg1[%get3A_2, %get3A_3] : memref<2048x64xf32, #tpu.memory_space<vmem>>, vector<2048x64xf32>
    %get3A_5 = arith.constant 0 : index
    %get3A_6 = arith.constant 0 : index
    %get3A_7 = vector.load %arg4[%get3A_5, %get3A_6] : memref<64x64xf32, #tpu.memory_space<vmem>>, vector<64x64xf32>
    %dot_general3A = arith.constant dense<0.000000e+00> : vector<2048x64xf32>
    %dot_general3A_8 = tpu.matmul %get3A_4, %get3A_7, %dot_general3A {dimension_numbers = #tpu.dot_dimension_numbers<[1], [0], [0], [1], [0, 0, 1, 1], [], []>, transpose_lhs_hint = false} : vector<2048x64xf32>, vector<64x64xf32>, vector<2048x64xf32> -> vector<2048x64xf32>
    %get3A_9 = arith.constant 0 : index
    %get3A_10 = arith.constant 0 : index
    %get3A_11 = vector.load %arg2[%get3A_9, %get3A_10] : memref<2048x64xf32, #tpu.memory_space<vmem>>, vector<2048x64xf32>
    %get3A_12 = arith.constant 0 : index
    %get3A_13 = arith.constant 0 : index
    %get3A_14 = vector.load %arg5[%get3A_12, %get3A_13] : memref<64x64xf32, #tpu.memory_space<vmem>>, vector<64x64xf32>
    %dot_general3A_15 = arith.constant dense<0.000000e+00> : vector<2048x64xf32>
    %dot_general3A_16 = tpu.matmul %get3A_11, %get3A_14, %dot_general3A_15 {dimension_numbers = #tpu.dot_dimension_numbers<[1], [0], [0], [1], [0, 0, 1, 1], [], []>, transpose_lhs_hint = false} : vector<2048x64xf32>, vector<64x64xf32>, vector<2048x64xf32> -> vector<2048x64xf32>
    %add3A = arith.addf %dot_general3A_8, %dot_general3A_16 : vector<2048x64xf32>
    %get3A_17 = arith.constant 0 : index
    %get3A_18 = arith.constant 0 : index
    %get3A_19 = vector.load %arg6[%get3A_17, %get3A_18] : memref<64x64xf32, #tpu.memory_space<vmem>>, vector<64x64xf32>
    %dot_general3A_20 = arith.constant dense<0.000000e+00> : vector<2048x64xf32>
    %dot_general3A_21 = tpu.matmul %get3A_1, %get3A_19, %dot_general3A_20 {dimension_numbers = #tpu.dot_dimension_numbers<[1], [0], [0], [1], [0, 0, 1, 1], [], []>, transpose_lhs_hint = false} : vector<2048x64xf32>, vector<64x64xf32>, vector<2048x64xf32> -> vector<2048x64xf32>
    %add3A_22 = arith.addf %add3A, %dot_general3A_21 : vector<2048x64xf32>
    %get3A_23 = arith.constant 0 : index
    %get3A_24 = arith.constant 0 : index
    %get3A_25 = vector.load %arg7[%get3A_23, %get3A_24] : memref<1x64xf32, #tpu.memory_space<vmem>>, vector<1x64xf32>
    %add3A_26 = vector.broadcast %get3A_25 : vector<1x64xf32> to vector<2048x64xf32>
    %add3A_27 = arith.addf %add3A_22, %add3A_26 : vector<2048x64xf32>
    %max3A = arith.constant 0.000000e+00 : f32
    %max3A_28 = vector.broadcast %max3A : f32 to vector<2048x64xf32>
    %max3A_29 = arith.maximumf %add3A_27, %max3A_28 : vector<2048x64xf32>
    %get3A_30 = arith.constant 0 : index
    %get3A_31 = arith.constant 0 : index
    %get3A_32 = vector.load %arg8[%get3A_30, %get3A_31] : memref<64x64xf32, #tpu.memory_space<vmem>>, vector<64x64xf32>
    %dot_general3A_33 = arith.constant dense<0.000000e+00> : vector<2048x64xf32>
    %dot_general3A_34 = tpu.matmul %max3A_29, %get3A_32, %dot_general3A_33 {dimension_numbers = #tpu.dot_dimension_numbers<[1], [0], [0], [1], [0, 0, 1, 1], [], []>, transpose_lhs_hint = false} : vector<2048x64xf32>, vector<64x64xf32>, vector<2048x64xf32> -> vector<2048x64xf32>
    %get3A_35 = arith.constant 0 : index
    %get3A_36 = arith.constant 0 : index
    %get3A_37 = vector.load %arg9[%get3A_35, %get3A_36] : memref<1x64xf32, #tpu.memory_space<vmem>>, vector<1x64xf32>
    %add3A_38 = vector.broadcast %get3A_37 : vector<1x64xf32> to vector<2048x64xf32>
    %add3A_39 = arith.addf %dot_general3A_34, %add3A_38 : vector<2048x64xf32>
    %get3A_40 = arith.constant 0 : index
    %get3A_41 = arith.constant 0 : index
    %get3A_42 = vector.load %arg10[%get3A_40, %get3A_41] : memref<1x64xf32, #tpu.memory_space<vmem>>, vector<1x64xf32>
    %get3A_43 = arith.constant 0 : index
    %get3A_44 = arith.constant 0 : index
    %get3A_45 = vector.load %arg11[%get3A_43, %get3A_44] : memref<1x64xf32, #tpu.memory_space<vmem>>, vector<1x64xf32>
    %reduce_sum3A = arith.constant dense<0.000000e+00> : vector<2048xf32>
    %reduce_sum3A_46 = vector.multi_reduction <add>, %add3A_39, %reduce_sum3A [1] : vector<2048x64xf32> to vector<2048xf32>
    %broadcast_in_dim3A = vector.shape_cast %reduce_sum3A_46 : vector<2048xf32> to vector<2048x1xf32>
    %div3A = arith.constant 6.400000e+01 : f32
    %div3A_47 = vector.broadcast %div3A : f32 to vector<2048x1xf32>
    %div3A_48 = arith.divf %broadcast_in_dim3A, %div3A_47 : vector<2048x1xf32>
    %sub3A = vector.broadcast %div3A_48 : vector<2048x1xf32> to vector<2048x64xf32>
    %sub3A_49 = arith.subf %add3A_39, %sub3A : vector<2048x64xf32>
    %integer_pow3A = arith.mulf %sub3A_49, %sub3A_49 : vector<2048x64xf32>
    %reduce_sum3A_50 = arith.constant dense<0.000000e+00> : vector<2048xf32>
    %reduce_sum3A_51 = vector.multi_reduction <add>, %integer_pow3A, %reduce_sum3A_50 [1] : vector<2048x64xf32> to vector<2048xf32>
    %broadcast_in_dim3A_52 = vector.shape_cast %reduce_sum3A_51 : vector<2048xf32> to vector<2048x1xf32>
    %div3A_53 = arith.constant 6.400000e+01 : f32
    %div3A_54 = vector.broadcast %div3A_53 : f32 to vector<2048x1xf32>
    %div3A_55 = arith.divf %broadcast_in_dim3A_52, %div3A_54 : vector<2048x1xf32>
    %sub3A_56 = vector.broadcast %div3A_48 : vector<2048x1xf32> to vector<2048x64xf32>
    %sub3A_57 = arith.subf %add3A_39, %sub3A_56 : vector<2048x64xf32>
    %mul3A = vector.broadcast %get3A_42 : vector<1x64xf32> to vector<2048x64xf32>
    %mul3A_58 = arith.mulf %mul3A, %sub3A_57 : vector<2048x64xf32>
    %add3A_59 = arith.constant 9.99999974E-6 : f32
    %add3A_60 = vector.broadcast %add3A_59 : f32 to vector<2048x1xf32>
    %add3A_61 = arith.addf %div3A_55, %add3A_60 : vector<2048x1xf32>
    %rsqrt3A = math.rsqrt %add3A_61 : vector<2048x1xf32>
    %mul3A_62 = vector.broadcast %rsqrt3A : vector<2048x1xf32> to vector<2048x64xf32>
    %mul3A_63 = arith.mulf %mul3A_58, %mul3A_62 : vector<2048x64xf32>
    %add3A_64 = vector.broadcast %get3A_45 : vector<1x64xf32> to vector<2048x64xf32>
    %add3A_65 = arith.addf %mul3A_63, %add3A_64 : vector<2048x64xf32>
    %add3A_66 = arith.addf %get3A_1, %add3A_65 : vector<2048x64xf32>
    %swap3A = arith.constant 0 : index
    %swap3A_67 = arith.constant 0 : index
    %swap3A_68 = vector.load %arg12[%swap3A, %swap3A_67] : memref<2048x64xf32, #tpu.memory_space<vmem>>, vector<2048x64xf32>
    tpu.vector_store %arg12[%swap3A, %swap3A_67], %add3A_66 {strides = array<i32>} : memref<2048x64xf32, #tpu.memory_space<vmem>>, vector<2048x64xf32>,
    return
  }
  func.func @transform_0(%arg0: i32) -> (i32, i32) {
    %c0_i32 = arith.constant 0 : i32
    %c0_i32_0 = arith.constant 0 : i32
    return %arg0, %c0_i32 : i32, i32
  }
  func.func @transform_1(%arg0: i32) -> (i32, i32) {
    %c0_i32 = arith.constant 0 : i32
    %c0_i32_0 = arith.constant 0 : i32
    return %arg0, %c0_i32 : i32, i32
  }
  func.func @transform_2(%arg0: i32) -> (i32, i32) {
    %c0_i32 = arith.constant 0 : i32
    %c0_i32_0 = arith.constant 0 : i32
    return %arg0, %c0_i32 : i32, i32
  }
  func.func @transform_3(%arg0: i32) -> (i32, i32) {
    %c0_i32 = arith.constant 0 : i32
    %c0_i32_0 = arith.constant 0 : i32
    %c0_i32_1 = arith.constant 0 : i32
    return %c0_i32, %c0_i32_0 : i32, i32
  }
  func.func @transform_4(%arg0: i32) -> (i32, i32) {
    %c0_i32 = arith.constant 0 : i32
    %c0_i32_0 = arith.constant 0 : i32
    %c0_i32_1 = arith.constant 0 : i32
    return %c0_i32, %c0_i32_0 : i32, i32
  }
  func.func @transform_5(%arg0: i32) -> (i32, i32) {
    %c0_i32 = arith.constant 0 : i32
    %c0_i32_0 = arith.constant 0 : i32
    %c0_i32_1 = arith.constant 0 : i32
    return %c0_i32, %c0_i32_0 : i32, i32
  }
  func.func @transform_6(%arg0: i32) -> (i32, i32) {
    %c0_i32 = arith.constant 0 : i32
    %c0_i32_0 = arith.constant 0 : i32
    %c0_i32_1 = arith.constant 0 : i32
    return %c0_i32, %c0_i32_0 : i32, i32
  }
  func.func @transform_7(%arg0: i32) -> (i32, i32) {
    %c0_i32 = arith.constant 0 : i32
    %c0_i32_0 = arith.constant 0 : i32
    %c0_i32_1 = arith.constant 0 : i32
    return %c0_i32, %c0_i32_0 : i32, i32
  }
  func.func @transform_8(%arg0: i32) -> (i32, i32) {
    %c0_i32 = arith.constant 0 : i32
    %c0_i32_0 = arith.constant 0 : i32
    %c0_i32_1 = arith.constant 0 : i32
    return %c0_i32, %c0_i32_0 : i32, i32
  }
  func.func @transform_9(%arg0: i32) -> (i32, i32) {
    %c0_i32 = arith.constant 0 : i32
    %c0_i32_0 = arith.constant 0 : i32
    %c0_i32_1 = arith.constant 0 : i32
    return %c0_i32, %c0_i32_0 : i32, i32
  }
  func.func @transform_10(%arg0: i32) -> (i32, i32) {
    %c0_i32 = arith.constant 0 : i32
    %c0_i32_0 = arith.constant 0 : i32
    %c0_i32_1 = arith.constant 0 : i32
    return %c0_i32, %c0_i32_0 : i32, i32
  }
  func.func @transform_11(%arg0: i32) -> (i32, i32) {
    %c0_i32 = arith.constant 0 : i32
    %c0_i32_0 = arith.constant 0 : i32
    return %arg0, %c0_i32 : i32, i32
  }
}

module attributes {stable_mosaic.version = 14 : i64} {
  func.func @_node_body(%arg0: i32, %arg1: memref<2000x64xf32, #tpu.memory_space<vmem>>, %arg2: memref<1x2000x64xf32, #tpu.memory_space<vmem>>, %arg3: memref<64x64xf32, #tpu.memory_space<vmem>>, %arg4: memref<64x64xf32, #tpu.memory_space<vmem>>, %arg5: memref<1x64xf32, #tpu.memory_space<vmem>>, %arg6: memref<64x64xf32, #tpu.memory_space<vmem>>, %arg7: memref<1x64xf32, #tpu.memory_space<vmem>>, %arg8: memref<1x64xf32, #tpu.memory_space<vmem>>, %arg9: memref<1x64xf32, #tpu.memory_space<vmem>>, %arg10: memref<2000x64xf32, #tpu.memory_space<vmem>>) attributes {dimension_semantics = [#tpu.dimension_semantics<arbitrary>], iteration_bounds = array<i64: 50>, scalar_prefetch = 0 : i64, scratch_operands = 0 : i64, tpu.core_type = #tpu.core_type<tc>, window_params = [{transform_indices = @transform_0, window_bounds = array<i64: 2000, 64>}, {transform_indices = @transform_1, window_bounds = array<i64: 1, 2000, 64>}, {pipeline_mode = #tpu.pipeline_mode<synchronous>, transform_indices = @transform_2, window_bounds = array<i64: 64, 64>}, {pipeline_mode = #tpu.pipeline_mode<synchronous>, transform_indices = @transform_3, window_bounds = array<i64: 64, 64>}, {pipeline_mode = #tpu.pipeline_mode<synchronous>, transform_indices = @transform_4, window_bounds = array<i64: 1, 64>}, {pipeline_mode = #tpu.pipeline_mode<synchronous>, transform_indices = @transform_5, window_bounds = array<i64: 64, 64>}, {pipeline_mode = #tpu.pipeline_mode<synchronous>, transform_indices = @transform_6, window_bounds = array<i64: 1, 64>}, {pipeline_mode = #tpu.pipeline_mode<synchronous>, transform_indices = @transform_7, window_bounds = array<i64: 1, 64>}, {pipeline_mode = #tpu.pipeline_mode<synchronous>, transform_indices = @transform_8, window_bounds = array<i64: 1, 64>}, {transform_indices = @transform_9, window_bounds = array<i64: 2000, 64>}]} {
    %get3A = arith.constant 0 : index
    %get3A_0 = arith.constant 0 : index
    %get3A_1 = vector.load %arg1[%get3A, %get3A_0] : memref<2000x64xf32, #tpu.memory_space<vmem>>, vector<2000x64xf32>
    %get3A_2 = arith.constant 0 : index
    %get3A_3 = arith.constant 0 : index
    %get3A_4 = arith.constant 0 : index
    %get3A_5 = vector.load %arg2[%get3A_2, %get3A_3, %get3A_4] : memref<1x2000x64xf32, #tpu.memory_space<vmem>>, vector<1x2000x64xf32>
    %get3A_6 = vector.shape_cast %get3A_5 : vector<1x2000x64xf32> to vector<2000x64xf32>
    %get3A_7 = arith.constant 0 : index
    %get3A_8 = arith.constant 0 : index
    %get3A_9 = vector.load %arg3[%get3A_7, %get3A_8] : memref<64x64xf32, #tpu.memory_space<vmem>>, vector<64x64xf32>
    %dot_general3A = arith.constant dense<0.000000e+00> : vector<2000x64xf32>
    %dot_general3A_10 = tpu.matmul %get3A_1, %get3A_9, %dot_general3A {dimension_numbers = #tpu.dot_dimension_numbers<[1], [0], [0], [1], [0, 0, 1, 1], [], []>, transpose_lhs_hint = false} : vector<2000x64xf32>, vector<64x64xf32>, vector<2000x64xf32> -> vector<2000x64xf32>
    %get3A_11 = arith.constant 0 : index
    %get3A_12 = arith.constant 0 : index
    %get3A_13 = vector.load %arg4[%get3A_11, %get3A_12] : memref<64x64xf32, #tpu.memory_space<vmem>>, vector<64x64xf32>
    %dot_general3A_14 = arith.constant dense<0.000000e+00> : vector<2000x64xf32>
    %dot_general3A_15 = tpu.matmul %get3A_6, %get3A_13, %dot_general3A_14 {dimension_numbers = #tpu.dot_dimension_numbers<[1], [0], [0], [1], [0, 0, 1, 1], [], []>, transpose_lhs_hint = false} : vector<2000x64xf32>, vector<64x64xf32>, vector<2000x64xf32> -> vector<2000x64xf32>
    %add3A = arith.addf %dot_general3A_10, %dot_general3A_15 : vector<2000x64xf32>
    %get3A_16 = arith.constant 0 : index
    %get3A_17 = arith.constant 0 : index
    %get3A_18 = vector.load %arg5[%get3A_16, %get3A_17] : memref<1x64xf32, #tpu.memory_space<vmem>>, vector<1x64xf32>
    %add3A_19 = vector.broadcast %get3A_18 : vector<1x64xf32> to vector<2000x64xf32>
    %add3A_20 = arith.addf %add3A, %add3A_19 : vector<2000x64xf32>
    %max3A = arith.constant 0.000000e+00 : f32
    %max3A_21 = vector.broadcast %max3A : f32 to vector<2000x64xf32>
    %max3A_22 = arith.maximumf %add3A_20, %max3A_21 : vector<2000x64xf32>
    %get3A_23 = arith.constant 0 : index
    %get3A_24 = arith.constant 0 : index
    %get3A_25 = vector.load %arg6[%get3A_23, %get3A_24] : memref<64x64xf32, #tpu.memory_space<vmem>>, vector<64x64xf32>
    %dot_general3A_26 = arith.constant dense<0.000000e+00> : vector<2000x64xf32>
    %dot_general3A_27 = tpu.matmul %max3A_22, %get3A_25, %dot_general3A_26 {dimension_numbers = #tpu.dot_dimension_numbers<[1], [0], [0], [1], [0, 0, 1, 1], [], []>, transpose_lhs_hint = false} : vector<2000x64xf32>, vector<64x64xf32>, vector<2000x64xf32> -> vector<2000x64xf32>
    %get3A_28 = arith.constant 0 : index
    %get3A_29 = arith.constant 0 : index
    %get3A_30 = vector.load %arg7[%get3A_28, %get3A_29] : memref<1x64xf32, #tpu.memory_space<vmem>>, vector<1x64xf32>
    %add3A_31 = vector.broadcast %get3A_30 : vector<1x64xf32> to vector<2000x64xf32>
    %add3A_32 = arith.addf %dot_general3A_27, %add3A_31 : vector<2000x64xf32>
    %get3A_33 = arith.constant 0 : index
    %get3A_34 = arith.constant 0 : index
    %get3A_35 = vector.load %arg8[%get3A_33, %get3A_34] : memref<1x64xf32, #tpu.memory_space<vmem>>, vector<1x64xf32>
    %get3A_36 = arith.constant 0 : index
    %get3A_37 = arith.constant 0 : index
    %get3A_38 = vector.load %arg9[%get3A_36, %get3A_37] : memref<1x64xf32, #tpu.memory_space<vmem>>, vector<1x64xf32>
    %reduce_sum3A = arith.constant dense<0.000000e+00> : vector<2000xf32>
    %reduce_sum3A_39 = vector.multi_reduction <add>, %add3A_32, %reduce_sum3A [1] : vector<2000x64xf32> to vector<2000xf32>
    %broadcast_in_dim3A = vector.shape_cast %reduce_sum3A_39 : vector<2000xf32> to vector<2000x1xf32>
    %div3A = arith.constant 6.400000e+01 : f32
    %div3A_40 = vector.broadcast %div3A : f32 to vector<2000x1xf32>
    %div3A_41 = arith.divf %broadcast_in_dim3A, %div3A_40 : vector<2000x1xf32>
    %sub3A = vector.broadcast %div3A_41 : vector<2000x1xf32> to vector<2000x64xf32>
    %sub3A_42 = arith.subf %add3A_32, %sub3A : vector<2000x64xf32>
    %integer_pow3A = arith.mulf %sub3A_42, %sub3A_42 : vector<2000x64xf32>
    %reduce_sum3A_43 = arith.constant dense<0.000000e+00> : vector<2000xf32>
    %reduce_sum3A_44 = vector.multi_reduction <add>, %integer_pow3A, %reduce_sum3A_43 [1] : vector<2000x64xf32> to vector<2000xf32>
    %broadcast_in_dim3A_45 = vector.shape_cast %reduce_sum3A_44 : vector<2000xf32> to vector<2000x1xf32>
    %div3A_46 = arith.constant 6.400000e+01 : f32
    %div3A_47 = vector.broadcast %div3A_46 : f32 to vector<2000x1xf32>
    %div3A_48 = arith.divf %broadcast_in_dim3A_45, %div3A_47 : vector<2000x1xf32>
    %sub3A_49 = vector.broadcast %div3A_41 : vector<2000x1xf32> to vector<2000x64xf32>
    %sub3A_50 = arith.subf %add3A_32, %sub3A_49 : vector<2000x64xf32>
    %mul3A = vector.broadcast %get3A_35 : vector<1x64xf32> to vector<2000x64xf32>
    %mul3A_51 = arith.mulf %mul3A, %sub3A_50 : vector<2000x64xf32>
    %add3A_52 = arith.constant 9.99999974E-6 : f32
    %add3A_53 = vector.broadcast %add3A_52 : f32 to vector<2000x1xf32>
    %add3A_54 = arith.addf %div3A_48, %add3A_53 : vector<2000x1xf32>
    %rsqrt3A = math.rsqrt %add3A_54 : vector<2000x1xf32>
    %mul3A_55 = vector.broadcast %rsqrt3A : vector<2000x1xf32> to vector<2000x64xf32>
    %mul3A_56 = arith.mulf %mul3A_51, %mul3A_55 : vector<2000x64xf32>
    %add3A_57 = vector.broadcast %get3A_38 : vector<1x64xf32> to vector<2000x64xf32>
    %add3A_58 = arith.addf %mul3A_56, %add3A_57 : vector<2000x64xf32>
    %add3A_59 = arith.addf %get3A_1, %add3A_58 : vector<2000x64xf32>
    %swap3A = arith.constant 0 : index
    %swap3A_60 = arith.constant 0 : index
    %swap3A_61 = vector.load %arg10[%swap3A, %swap3A_60] : memref<2000x64xf32, #tpu.memory_space<vmem>>, vector<2000x64xf32>
    tpu.vector_store %arg10[%swap3A, %swap3A_60], %add3A_59 {strides = array<i32>} : memref<2000x64xf32, #tpu.memory_space<vmem>>, vector<2000x64xf32>,
    return
  }
  func.func @transform_0(%arg0: i32) -> (i32, i32) {
    %c0_i32 = arith.constant 0 : i32
    %c0_i32_0 = arith.constant 0 : i32
    return %arg0, %c0_i32 : i32, i32
  }
  func.func @transform_1(%arg0: i32) -> (i32, i32, i32) {
    %c0_i32 = arith.constant 0 : i32
    %c0_i32_0 = arith.constant 0 : i32
    %c0_i32_1 = arith.constant 0 : i32
    return %c0_i32, %arg0, %c0_i32_0 : i32, i32, i32
  }
  func.func @transform_2(%arg0: i32) -> (i32, i32) {
    %c0_i32 = arith.constant 0 : i32
    %c0_i32_0 = arith.constant 0 : i32
    %c0_i32_1 = arith.constant 0 : i32
    return %c0_i32, %c0_i32_0 : i32, i32
  }
  func.func @transform_3(%arg0: i32) -> (i32, i32) {
    %c0_i32 = arith.constant 0 : i32
    %c0_i32_0 = arith.constant 0 : i32
    %c0_i32_1 = arith.constant 0 : i32
    return %c0_i32, %c0_i32_0 : i32, i32
  }
  func.func @transform_4(%arg0: i32) -> (i32, i32) {
    %c0_i32 = arith.constant 0 : i32
    %c0_i32_0 = arith.constant 0 : i32
    %c0_i32_1 = arith.constant 0 : i32
    return %c0_i32, %c0_i32_0 : i32, i32
  }
  func.func @transform_5(%arg0: i32) -> (i32, i32) {
    %c0_i32 = arith.constant 0 : i32
    %c0_i32_0 = arith.constant 0 : i32
    %c0_i32_1 = arith.constant 0 : i32
    return %c0_i32, %c0_i32_0 : i32, i32
  }
  func.func @transform_6(%arg0: i32) -> (i32, i32) {
    %c0_i32 = arith.constant 0 : i32
    %c0_i32_0 = arith.constant 0 : i32
    %c0_i32_1 = arith.constant 0 : i32
    return %c0_i32, %c0_i32_0 : i32, i32
  }
  func.func @transform_7(%arg0: i32) -> (i32, i32) {
    %c0_i32 = arith.constant 0 : i32
    %c0_i32_0 = arith.constant 0 : i32
    %c0_i32_1 = arith.constant 0 : i32
    return %c0_i32, %c0_i32_0 : i32, i32
  }
  func.func @transform_8(%arg0: i32) -> (i32, i32) {
    %c0_i32 = arith.constant 0 : i32
    %c0_i32_0 = arith.constant 0 : i32
    %c0_i32_1 = arith.constant 0 : i32
    return %c0_i32, %c0_i32_0 : i32, i32
  }
  func.func @transform_9(%arg0: i32) -> (i32, i32) {
    %c0_i32 = arith.constant 0 : i32
    %c0_i32_0 = arith.constant 0 : i32
    return %arg0, %c0_i32 : i32, i32
  }
}

module attributes {stable_mosaic.version = 14 : i64} {
  func.func @_head_body(%arg0: i32, %arg1: memref<2000x64xf32, #tpu.memory_space<vmem>>, %arg2: memref<64x64xf32, #tpu.memory_space<vmem>>, %arg3: memref<1x64xf32, #tpu.memory_space<vmem>>, %arg4: memref<64x1xf32, #tpu.memory_space<vmem>>, %arg5: memref<1x1xf32, #tpu.memory_space<vmem>>, %arg6: memref<1x64xf32, #tpu.memory_space<vmem>>, %arg7: memref<1x64xf32, #tpu.memory_space<vmem>>, %arg8: memref<64x64xf32, #tpu.memory_space<vmem>>, %arg9: memref<1x64xf32, #tpu.memory_space<vmem>>, %arg10: memref<64x4xf32, #tpu.memory_space<vmem>>, %arg11: memref<1x4xf32, #tpu.memory_space<vmem>>, %arg12: memref<2000x4xf32, #tpu.memory_space<vmem>>) attributes {dimension_semantics = [#tpu.dimension_semantics<arbitrary>], iteration_bounds = array<i64: 50>, scalar_prefetch = 0 : i64, scratch_operands = 0 : i64, tpu.core_type = #tpu.core_type<tc>, window_params = [{transform_indices = @transform_0, window_bounds = array<i64: 2000, 64>}, {pipeline_mode = #tpu.pipeline_mode<synchronous>, transform_indices = @transform_1, window_bounds = array<i64: 64, 64>}, {pipeline_mode = #tpu.pipeline_mode<synchronous>, transform_indices = @transform_2, window_bounds = array<i64: 1, 64>}, {pipeline_mode = #tpu.pipeline_mode<synchronous>, transform_indices = @transform_3, window_bounds = array<i64: 64, 1>}, {pipeline_mode = #tpu.pipeline_mode<synchronous>, transform_indices = @transform_4, window_bounds = array<i64: 1, 1>}, {pipeline_mode = #tpu.pipeline_mode<synchronous>, transform_indices = @transform_5, window_bounds = array<i64: 1, 64>}, {pipeline_mode = #tpu.pipeline_mode<synchronous>, transform_indices = @transform_6, window_bounds = array<i64: 1, 64>}, {pipeline_mode = #tpu.pipeline_mode<synchronous>, transform_indices = @transform_7, window_bounds = array<i64: 64, 64>}, {pipeline_mode = #tpu.pipeline_mode<synchronous>, transform_indices = @transform_8, window_bounds = array<i64: 1, 64>}, {pipeline_mode = #tpu.pipeline_mode<synchronous>, transform_indices = @transform_9, window_bounds = array<i64: 64, 4>}, {pipeline_mode = #tpu.pipeline_mode<synchronous>, transform_indices = @transform_10, window_bounds = array<i64: 1, 4>}, {transform_indices = @transform_11, window_bounds = array<i64: 2000, 4>}]} {
    %get3A = arith.constant 0 : index
    %get3A_0 = arith.constant 0 : index
    %get3A_1 = vector.load %arg1[%get3A, %get3A_0] : memref<2000x64xf32, #tpu.memory_space<vmem>>, vector<2000x64xf32>
    %get3A_2 = arith.constant 0 : index
    %get3A_3 = arith.constant 0 : index
    %get3A_4 = vector.load %arg2[%get3A_2, %get3A_3] : memref<64x64xf32, #tpu.memory_space<vmem>>, vector<64x64xf32>
    %dot_general3A = arith.constant dense<0.000000e+00> : vector<2000x64xf32>
    %dot_general3A_5 = tpu.matmul %get3A_1, %get3A_4, %dot_general3A {dimension_numbers = #tpu.dot_dimension_numbers<[1], [0], [0], [1], [0, 0, 1, 1], [], []>, transpose_lhs_hint = false} : vector<2000x64xf32>, vector<64x64xf32>, vector<2000x64xf32> -> vector<2000x64xf32>
    %get3A_6 = arith.constant 0 : index
    %get3A_7 = arith.constant 0 : index
    %get3A_8 = vector.load %arg3[%get3A_6, %get3A_7] : memref<1x64xf32, #tpu.memory_space<vmem>>, vector<1x64xf32>
    %add3A = vector.broadcast %get3A_8 : vector<1x64xf32> to vector<2000x64xf32>
    %add3A_9 = arith.addf %dot_general3A_5, %add3A : vector<2000x64xf32>
    %max3A = arith.constant 0.000000e+00 : f32
    %max3A_10 = vector.broadcast %max3A : f32 to vector<2000x64xf32>
    %max3A_11 = arith.maximumf %add3A_9, %max3A_10 : vector<2000x64xf32>
    %get3A_12 = arith.constant 0 : index
    %get3A_13 = arith.constant 0 : index
    %get3A_14 = vector.load %arg4[%get3A_12, %get3A_13] : memref<64x1xf32, #tpu.memory_space<vmem>>, vector<64x1xf32>
    %dot_general3A_15 = arith.constant dense<0.000000e+00> : vector<2000x1xf32>
    %dot_general3A_16 = tpu.matmul %max3A_11, %get3A_14, %dot_general3A_15 {dimension_numbers = #tpu.dot_dimension_numbers<[1], [0], [0], [1], [0, 0, 1, 1], [], []>, transpose_lhs_hint = false} : vector<2000x64xf32>, vector<64x1xf32>, vector<2000x1xf32> -> vector<2000x1xf32>
    %get3A_17 = arith.constant 0 : index
    %get3A_18 = arith.constant 0 : index
    %get3A_19 = vector.load %arg5[%get3A_17, %get3A_18] : memref<1x1xf32, #tpu.memory_space<vmem>>, vector<1x1xf32>
    %add3A_20 = vector.broadcast %get3A_19 : vector<1x1xf32> to vector<2000x1xf32>
    %add3A_21 = arith.addf %dot_general3A_16, %add3A_20 : vector<2000x1xf32>
    %get3A_22 = arith.constant 0 : index
    %get3A_23 = arith.constant 0 : index
    %get3A_24 = vector.load %arg6[%get3A_22, %get3A_23] : memref<1x64xf32, #tpu.memory_space<vmem>>, vector<1x64xf32>
    %mul3A = vector.broadcast %add3A_21 : vector<2000x1xf32> to vector<2000x64xf32>
    %mul3A_25 = vector.broadcast %get3A_24 : vector<1x64xf32> to vector<2000x64xf32>
    %mul3A_26 = arith.mulf %mul3A, %mul3A_25 : vector<2000x64xf32>
    %get3A_27 = arith.constant 0 : index
    %get3A_28 = arith.constant 0 : index
    %get3A_29 = vector.load %arg7[%get3A_27, %get3A_28] : memref<1x64xf32, #tpu.memory_space<vmem>>, vector<1x64xf32>
    %add3A_30 = vector.broadcast %get3A_29 : vector<1x64xf32> to vector<2000x64xf32>
    %add3A_31 = arith.addf %mul3A_26, %add3A_30 : vector<2000x64xf32>
    %max3A_32 = arith.constant 0.000000e+00 : f32
    %max3A_33 = vector.broadcast %max3A_32 : f32 to vector<2000x64xf32>
    %max3A_34 = arith.maximumf %add3A_31, %max3A_33 : vector<2000x64xf32>
    %get3A_35 = arith.constant 0 : index
    %get3A_36 = arith.constant 0 : index
    %get3A_37 = vector.load %arg8[%get3A_35, %get3A_36] : memref<64x64xf32, #tpu.memory_space<vmem>>, vector<64x64xf32>
    %dot_general3A_38 = arith.constant dense<0.000000e+00> : vector<2000x64xf32>
    %dot_general3A_39 = tpu.matmul %max3A_34, %get3A_37, %dot_general3A_38 {dimension_numbers = #tpu.dot_dimension_numbers<[1], [0], [0], [1], [0, 0, 1, 1], [], []>, transpose_lhs_hint = false} : vector<2000x64xf32>, vector<64x64xf32>, vector<2000x64xf32> -> vector<2000x64xf32>
    %get3A_40 = arith.constant 0 : index
    %get3A_41 = arith.constant 0 : index
    %get3A_42 = vector.load %arg9[%get3A_40, %get3A_41] : memref<1x64xf32, #tpu.memory_space<vmem>>, vector<1x64xf32>
    %add3A_43 = vector.broadcast %get3A_42 : vector<1x64xf32> to vector<2000x64xf32>
    %add3A_44 = arith.addf %dot_general3A_39, %add3A_43 : vector<2000x64xf32>
    %max3A_45 = arith.constant 0.000000e+00 : f32
    %max3A_46 = vector.broadcast %max3A_45 : f32 to vector<2000x64xf32>
    %max3A_47 = arith.maximumf %add3A_44, %max3A_46 : vector<2000x64xf32>
    %get3A_48 = arith.constant 0 : index
    %get3A_49 = arith.constant 0 : index
    %get3A_50 = vector.load %arg10[%get3A_48, %get3A_49] : memref<64x4xf32, #tpu.memory_space<vmem>>, vector<64x4xf32>
    %dot_general3A_51 = arith.constant dense<0.000000e+00> : vector<2000x4xf32>
    %dot_general3A_52 = tpu.matmul %max3A_47, %get3A_50, %dot_general3A_51 {dimension_numbers = #tpu.dot_dimension_numbers<[1], [0], [0], [1], [0, 0, 1, 1], [], []>, transpose_lhs_hint = false} : vector<2000x64xf32>, vector<64x4xf32>, vector<2000x4xf32> -> vector<2000x4xf32>
    %get3A_53 = arith.constant 0 : index
    %get3A_54 = arith.constant 0 : index
    %get3A_55 = vector.load %arg11[%get3A_53, %get3A_54] : memref<1x4xf32, #tpu.memory_space<vmem>>, vector<1x4xf32>
    %add3A_56 = vector.broadcast %get3A_55 : vector<1x4xf32> to vector<2000x4xf32>
    %add3A_57 = arith.addf %dot_general3A_52, %add3A_56 : vector<2000x4xf32>
    %reduce_max3A = arith.constant dense<0xFF800000> : vector<2000xf32>
    %reduce_max3A_58 = vector.multi_reduction <maximumf>, %add3A_57, %reduce_max3A [1] : vector<2000x4xf32> to vector<2000xf32>
    %broadcast_in_dim3A = vector.shape_cast %reduce_max3A_58 : vector<2000xf32> to vector<2000x1xf32>
    %sub3A = vector.broadcast %broadcast_in_dim3A : vector<2000x1xf32> to vector<2000x4xf32>
    %sub3A_59 = arith.subf %add3A_57, %sub3A : vector<2000x4xf32>
    %exp3A = math.exp %sub3A_59 : vector<2000x4xf32>
    %reduce_sum3A = arith.constant dense<0.000000e+00> : vector<2000xf32>
    %reduce_sum3A_60 = vector.multi_reduction <add>, %exp3A, %reduce_sum3A [1] : vector<2000x4xf32> to vector<2000xf32>
    %broadcast_in_dim3A_61 = vector.shape_cast %reduce_sum3A_60 : vector<2000xf32> to vector<2000x1xf32>
    %div3A = vector.broadcast %broadcast_in_dim3A_61 : vector<2000x1xf32> to vector<2000x4xf32>
    %div3A_62 = arith.divf %exp3A, %div3A : vector<2000x4xf32>
    %swap3A = arith.constant 0 : index
    %swap3A_63 = arith.constant 0 : index
    %swap3A_64 = vector.load %arg12[%swap3A, %swap3A_63] : memref<2000x4xf32, #tpu.memory_space<vmem>>, vector<2000x4xf32>
    tpu.vector_store %arg12[%swap3A, %swap3A_63], %div3A_62 {strides = array<i32>} : memref<2000x4xf32, #tpu.memory_space<vmem>>, vector<2000x4xf32>,
    return
  }
  func.func @transform_0(%arg0: i32) -> (i32, i32) {
    %c0_i32 = arith.constant 0 : i32
    %c0_i32_0 = arith.constant 0 : i32
    return %arg0, %c0_i32 : i32, i32
  }
  func.func @transform_1(%arg0: i32) -> (i32, i32) {
    %c0_i32 = arith.constant 0 : i32
    %c0_i32_0 = arith.constant 0 : i32
    %c0_i32_1 = arith.constant 0 : i32
    return %c0_i32, %c0_i32_0 : i32, i32
  }
  func.func @transform_2(%arg0: i32) -> (i32, i32) {
    %c0_i32 = arith.constant 0 : i32
    %c0_i32_0 = arith.constant 0 : i32
    %c0_i32_1 = arith.constant 0 : i32
    return %c0_i32, %c0_i32_0 : i32, i32
  }
  func.func @transform_3(%arg0: i32) -> (i32, i32) {
    %c0_i32 = arith.constant 0 : i32
    %c0_i32_0 = arith.constant 0 : i32
    %c0_i32_1 = arith.constant 0 : i32
    return %c0_i32, %c0_i32_0 : i32, i32
  }
  func.func @transform_4(%arg0: i32) -> (i32, i32) {
    %c0_i32 = arith.constant 0 : i32
    %c0_i32_0 = arith.constant 0 : i32
    %c0_i32_1 = arith.constant 0 : i32
    return %c0_i32, %c0_i32_0 : i32, i32
  }
  func.func @transform_5(%arg0: i32) -> (i32, i32) {
    %c0_i32 = arith.constant 0 : i32
    %c0_i32_0 = arith.constant 0 : i32
    %c0_i32_1 = arith.constant 0 : i32
    return %c0_i32, %c0_i32_0 : i32, i32
  }
  func.func @transform_6(%arg0: i32) -> (i32, i32) {
    %c0_i32 = arith.constant 0 : i32
    %c0_i32_0 = arith.constant 0 : i32
    %c0_i32_1 = arith.constant 0 : i32
    return %c0_i32, %c0_i32_0 : i32, i32
  }
  func.func @transform_7(%arg0: i32) -> (i32, i32) {
    %c0_i32 = arith.constant 0 : i32
    %c0_i32_0 = arith.constant 0 : i32
    %c0_i32_1 = arith.constant 0 : i32
    return %c0_i32, %c0_i32_0 : i32, i32
  }
  func.func @transform_8(%arg0: i32) -> (i32, i32) {
    %c0_i32 = arith.constant 0 : i32
    %c0_i32_0 = arith.constant 0 : i32
    %c0_i32_1 = arith.constant 0 : i32
    return %c0_i32, %c0_i32_0 : i32, i32
  }
  func.func @transform_9(%arg0: i32) -> (i32, i32) {
    %c0_i32 = arith.constant 0 : i32
    %c0_i32_0 = arith.constant 0 : i32
    %c0_i32_1 = arith.constant 0 : i32
    return %c0_i32, %c0_i32_0 : i32, i32
  }
  func.func @transform_10(%arg0: i32) -> (i32, i32) {
    %c0_i32 = arith.constant 0 : i32
    %c0_i32_0 = arith.constant 0 : i32
    %c0_i32_1 = arith.constant 0 : i32
    return %c0_i32, %c0_i32_0 : i32, i32
  }
  func.func @transform_11(%arg0: i32) -> (i32, i32) {
    %c0_i32 = arith.constant 0 : i32
    %c0_i32_0 = arith.constant 0 : i32
    return %arg0, %c0_i32 : i32, i32
  }
}

</mosaic_0001>

<sc_bundles>
// kernel: scatter_offload_async_start.1
scs
__scs_entry_jumppad:
0x0: {  	(pc) =	sbr.rel $0x88, $3  }
0x1: {  	(tag) =	ssettag $0x0;
	lr =	simm.s32 $0x1  }
0x2: {  	[smem:$0x3F3B] =	sst lr;
	_ =	strace $0xD0000000  }
0x3: {  	_ = 	snop  }
0x4: {  	_ = 	snop  }
0x5: {  	_ = 	snop  }
0x6: {  	_ = 	snop  }
0x7: {  	_ = 	snop  }
__scs_overlays_trampoline_lowered:
0x8: {  	[smem:$0x3F4A] =	sst s0  }
0x9: {  	[smem:$0x3F4B] =	sst s1  }
0xa: {  	[smem:$0x3F4C] =	sst s2  }
0xb: {  	[smem:$0x3F4D] =	sst s3  }
0xc: {  	[smem:$0x3F4E] =	sst s4  }
0xd: {  	[smem:$0x3F4F] =	sst s5  }
0xe: {  	[smem:$0x3F50] =	sst s6  }
0xf: {  	[smem:$0x3F51] =	sst s7  }
0x10: {  	[smem:$0x3F52] =	sst s8  }
0x11: {  	[smem:$0x3F53] =	sst s9;
	s0 =	simm.s32 @!p0 $0x0  }
0x12: {  	s1 =	sld [smem:$0x3F39];
	s0 =	simm.s32 @p0 $0x1  }
0x13: {  	[smem:$0x3F54] =	sst s0;
	s0 =	simm.s32 @!p1 $0x0  }
0x14: {  	s2 =	sld [smem:$0x3F38];
	s0 =	simm.s32 @p1 $0x1  }
0x15: {  	[smem:$0x3F55] =	sst s0;
	s0 =	simm.s32 @!p2 $0x0  }
0x16: {  	s3 =	sld [smem:$0x3FDB];
	s0 =	simm.s32 @p2 $0x1  }
0x17: {  	s4 =	simm.s32 $0x1BF5;
	[smem:$0x3F57] =	sst s0  }
0x18: {  	s0 =	sld [smem:$0x3F3A];
	_ =	swait.ge [sflag:s4], $0x0  }
0x19: {  	s7 =	sld [smem:$0x3F3B]  }
0x1a: {  	s8 =	sadd.s32 $0xFFFFE003, lr  }
0x1b: {  	s9 =	sadd.s32 $0xFFFFFEF7, lr;
	s5 =	simm.s32 $0xFFFFFFFF;
	p2 =	slt.u32 s8, $0xFFFFF086  }
0x1c: {  	p1 =	slt.u32 s9, $0xF7A;
	s5 =	simm.s32 @!p2 $0x0  }
0x1d: {  	s5 =	simm.s32 @p1 $0x1;
	p0 =	seq.s32 s7, s2  }
0x1e: {  	s7 =	smul.u32 @!p0 $0xF7A, s2;
	p2 =	seq.s32 @!p0 s5, $0x0  }
0x1f: {  	s9 =	smul.u32 $0xF7A, s1;
	s8 =	simm.s32 @!p0 $0x1BF5;
	p2 =	por !p2, p0  }
0x20: {  	[sflag:s8] =	ssyncset.s32 @!p0 $0xFFFFF086;
	s6 =	sadd.s32 @!p0 s3, s7;
	s7 =	simm.s32 @!p0 $0x108  }
0x21: {  	s3 =	sadd.s32 s3, s9;
	s6 =	sadd.s32 @!p0 $0x88, s6;
	s7 =	simm.s32 @p2 $0x1082  }
0x22: {  	[simem:s7], [sflag:s8] =	dma.local @!p0 [hbm:s6], $0xF7A  }
0x23: {  	s9 =	sor.u32 $0xD0000000, s2;
	s6 =	simm.s32 $0x108;
	_ =	swait.ge @!p0 [sflag:s8], $0x0  }
0x24: {  	s3 =	sadd.s32 $0x88, s3;
	s6 =	simm.s32 @!p1 $0x1082;
	[sflag:s4] =	ssyncset.s32 $0xFFFFF086  }
0x25: {  	[simem:s6], [sflag:s4] =	dma.local [hbm:s3], $0xF7A  }
0x26: {  	[smem:$0x3F3B] =	sst s1;
	(tag) =	ssettag s2;
	_ =	strace s9  }
0x27: {  	s1 =	sld [smem:$0x3F4B]  }
0x28: {  	s2 =	sld [smem:$0x3F4C]  }
0x29: {  	s4 =	sld [smem:$0x3F4E]  }
0x2a: {  	p0 =	seq.s32 s5, $0x0;
	s5 =	sld [smem:$0x3F4F]  }
0x2b: {  	s6 =	sld [smem:$0x3F50]  }
0x2c: {  	s7 =	sld [smem:$0x3F51]  }
0x2d: {  	s3 =	simm.s32 $0x108;
	s8 =	sld [smem:$0x3F52]  }
0x2e: {  	s3 =	simm.s32 @!p0 $0x1082;
	s9 =	sld [smem:$0x3F53]  }
0x2f: {  	lr =	sadd.s32 s0, s3;
	s0 =	sld [smem:$0x3F4A]  }
0x30: {  	s3 =	sld [smem:$0x3F4D]  }
0x31: {  	[smem:$0x3F56] =	sst s10  }
0x32: {  	s10 =	sld [smem:$0x3F54];
	_ =	sdelay $0x3  }
0x33: {  	p0 =	seq.s32 s10, $0x1;
	s10 =	sld [smem:$0x3F56];
	_ =	sdelay $0x3  }
0x34: {  	[smem:$0x3F56] =	sst s10  }
0x35: {  	s10 =	sld [smem:$0x3F55];
	_ =	sdelay $0x3  }
0x36: {  	p1 =	seq.s32 s10, $0x1;
	s10 =	sld [smem:$0x3F56];
	_ =	sdelay $0x3  }
0x37: {  	[smem:$0x3F56] =	sst s10  }
0x38: {  	s10 =	sld [smem:$0x3F57]  }
0x39: {  	_ = 	snop;
	(pc) =	sbr.ind lr, $3  }
0x3a: {  	_ = 	snop  }
0x3b: {  	_ = 	snop  }
0x3c: {  	p2 =	seq.s32 s10, $0x1;
	s10 =	sld [smem:$0x3F56]  }
0x3d: {  	_ =	shalt  }
0x3e: {  	_ =	shalt  }
0x3f: {  	_ =	shalt  }
0x40: {  	_ =	shalt  }
0x41: {  	_ =	shalt  }
0x42: {  	_ =	shalt  }
0x43: {  	_ =	shalt  }
0x44: {  	_ =	shalt  }
0x45: {  	_ =	shalt  }
0x46: {  	_ =	shalt  }
0x47: {  	_ =	shalt  }
0x48: {  	_ =	shalt  }
0x49: {  	_ =	shalt  }
0x4a: {  	_ =	shalt  }
0x4b: {  	_ =	shalt  }
0x4c: {  	_ =	shalt  }
0x4d: {  	_ =	shalt  }
0x4e: {  	_ =	shalt  }
0x4f: {  	_ =	shalt  }
0x50: {  	_ =	shalt  }
0x51: {  	_ =	shalt  }
0x52: {  	_ =	shalt  }
0x53: {  	_ =	shalt  }
0x54: {  	_ =	shalt  }
0x55: {  	_ =	shalt  }
0x56: {  	_ =	shalt  }
0x57: {  	_ =	shalt  }
0x58: {  	_ =	shalt  }
0x59: {  	_ =	shalt  }
0x5a: {  	_ =	shalt  }
0x5b: {  	_ =	shalt  }
0x5c: {  	_ =	shalt  }
0x5d: {  	_ =	shalt  }
0x5e: {  	_ =	shalt  }
0x5f: {  	_ =	shalt  }
0x60: {  	_ =	shalt  }
0x61: {  	_ =	shalt  }
0x62: {  	_ =	shalt  }
0x63: {  	_ =	shalt  }
0x64: {  	_ =	shalt  }
0x65: {  	_ =	shalt  }
0x66: {  	_ =	shalt  }
0x67: {  	_ =	shalt  }
0x68: {  	_ =	shalt  }
0x69: {  	_ =	shalt  }
0x6a: {  	_ =	shalt  }
0x6b: {  	_ =	shalt  }
0x6c: {  	_ =	shalt  }
0x6d: {  	_ =	shalt  }
0x6e: {  	_ =	shalt  }
0x6f: {  	_ =	shalt  }
0x70: {  	_ =	shalt  }
0x71: {  	_ =	shalt  }
0x72: {  	_ =	shalt  }
0x73: {  	_ =	shalt  }
0x74: {  	_ =	shalt  }
0x75: {  	_ =	shalt  }
0x76: {  	_ =	shalt  }
0x77: {  	_ =	shalt  }
0x78: {  	_ =	shalt  }
0x79: {  	_ =	shalt  }
0x7a: {  	_ =	shalt  }
0x7b: {  	_ =	shalt  }
0x7c: {  	_ =	shalt  }
0x7d: {  	_ =	shalt  }
0x7e: {  	_ =	shalt  }
0x7f: {  	_ =	shalt  }
0x80: {  	_ =	shalt  }
0x81: {  	_ =	shalt  }
0x82: {  	_ =	shalt  }
0x83: {  	_ =	shalt  }
0x84: {  	_ =	shalt  }
0x85: {  	_ =	shalt  }
0x86: {  	_ =	shalt  }
0x87: {  	_ =	shalt  }
.Lfunc_end0:
.L_simem_size_0:
called_computation.1_lowered:
.L_overlay_start_0:
0x88: {  	s2 =	sld [smem:$0x3FD9]  }
0x89: {  	s3 =	sld [smem:$0x3FFE];
	_ =	sdelay $0x1  }
0x8a: {  	s1 =	srdreg.scid  }
0x8b: {  	s0 =	sand.u32 $0x1, s1  }
0x8c: {  	s15 =	sshll.u32 s0, $0xA;
	s2 =	sadd.s32 s3, s2  }
0x8d: {  	s2 =	sadd.s32 s2, s15  }
0x8e: {  	[smem:$0x3F62] =	sst s2  }
0x8f: {  	_ = 	snop  }
0x90: {  	(tm) =	ssettm $0x1  }
0x91: {  	s16 =	sld [smem:$0x3FFB];
	_ =	sdelay $0x3  }
0x92: {  	_ =	strace s16  }
0x93: {  	s2 =	sld [smem:$0x3FFC];
	_ =	sdelay $0x3  }
0x94: {  	_ =	strace s2  }
0x95: {  	s2 =	sld [smem:$0x3FFD];
	_ =	sdelay $0x3  }
0x96: {  	_ =	strace s2  }
0x97: {  	_ =	strace $0x8FFFFFFF  }
0x98: {  	s17 =	sld [smem:$0x3FDB];
	_ =	sdelay $0x1  }
0x99: {  	s18 =	simm.s32 $_scs_section_size  }
0x9a: {  	s4 =	simm.s32 $_size__tile_overlayer_lowered;
	s5 =	simm.s32 $_tile_overlayer_lowered  }
0x9b: {  	s6 =	simm.s32 $0x1BFF;
	s19 =	sshll.u32 s5, $0x1;
	s3 =	sadd.s32 s18, s17  }
0x9c: {  	s20 =	simm.s32 $0x0;
	s4 =	sshll.u32 s4, $0x1;
	s5 =	sadd.s32 s19, s3  }
0x9d: {  	[timem:s20], [sflag:s6] =	dma.local [hbm:s5], s4  }
0x9e: {  	_ =	swait.ge [sflag:s6], s4  }
0x9f: {  	s4 =	ssub.s32 $0x0, s4;
	[sflag:s6] =	ssyncset.done $0x0  }
0xa0: {  	[sflag:s6] =	ssyncadd.s32 s4;
	_ =	sdelay $0x1  }
0xa1: {  	s21 =	simm.s32 $0x1B8B  }
0xa2: {  	_ =	swait.ge [sflag:s21], $0x1  }
0xa3: {  	[sflag:s21] =	ssyncset.done $0x0  }
0xa4: {  	s22 =	sld [smem:$0x3FFE];
	[sflag:s21] =	ssyncadd.s32 $0xFFFFFFFF  }
0xa5: {  	s24 =	simm.s32 $0x1B8E;
	s23 =	sld [smem:$0x0]  }
0xa6: {  	s25 =	simm.s32 $execute0_lowered;
	[smem:$0x3FD2] =	sst s24  }
0xa7: {  	s6 =	sshll.u32 s25, $0x1;
	_ =	strace $0x8000004C;
	[dreg:$0x1] =	wrdreg $0xFFFFFFFF  }
0xa8: {  	s7 =	simm.s32 $_size_execute0_lowered;
	s6 =	sadd.s32 s3, s6;
	[dreg:$0x0] =	wrdreg $0x0  }
0xa9: {  	s7 =	sshll.u32 s7, $0x1;
	[dreg:$0x2] =	wrdreg s6  }
0xaa: {  	[dreg:$0x3] =	wrdreg s7  }
0xab: {  	[dreg:$0x4] =	wrdreg $0xC0  }
0xac: {  	s26 =	simm.s32 $execute1_lowered;
	_ =	task [dreg:s20], $0x5FFFF  }
0xad: {  	s6 =	sshll.u32 s26, $0x1;
	[dreg:$0x1] =	wrdreg $0xFFFFFFFF  }
0xae: {  	s3 =	sadd.s32 s3, s6;
	[dreg:$0x0] =	wrdreg $0x60  }
0xaf: {  	[dreg:$0x2] =	wrdreg s3  }
0xb0: {  	[dreg:$0x3] =	wrdreg s22  }
0xb1: {  	[dreg:$0x4] =	wrdreg $0x9  }
0xb2: {  	_ =	task.clear_ibuf [dreg:s20], $0x5FFFF;
	_ =	strace $0x9000004C  }
0xb3: {  	s28 =	simm.s32 $0x9;
	_ =	strace $0x8000004E  }
0xb4: {  	_ =	swait.ge [sflag:s28], $0x1  }
0xb5: {  	[sflag:s28] =	ssyncadd.s32 $0xFFFFFFFF  }
0xb6: {  	_ =	strace $0x9000004E  }
0xb7: {  	s3 =	sld [smem:$0x0]  }
0xb8: {  	s6 =	sand.u32 $0xFFFFFFFE, s1  }
0xb9: {  	p0 =	sne.s32 s1, s6  }
0xba: {  	s6 =	sshll.u32 @p0 s6, $0xE  }
0xbb: {  	s6 =	sadd.s32 @p0 $0x11BF3, s6;
	s7 =	sshll.u32 @p0 s3, $0x11  }
0xbc: {  	s6 =	sor.u32 @p0 s7, s6  }
0xbd: {  	[sflag:s6] =	ssyncadd.remote.s32 @p0 $0x1;
	_ =	sdelay $0x1  }
0xbe: {  	s6 =	simm.s32 @p0 $0x1BF3  }
0xbf: {  	_ =	swait.eq @p0 [sflag:s6], $0x1  }
0xc0: {  	[sflag:s6] =	ssyncadd.s32 @p0 $0xFFFFFFFF  }
0xc1: {  	s7 =	sshll.u32 @!p0 s1, $0xE  }
0xc2: {  	s7 =	sor.u32 @!p0 $0x4000, s7;
	s6 =	simm.s32 @!p0 $0x1BF3  }
0xc3: {  	s3 =	sshll.u32 @!p0 s3, $0x11;
	s7 =	sadd.s32 @!p0 $0x11BF3, s7;
	_ =	swait.eq @!p0 [sflag:s6], $0x1  }
0xc4: {  	s3 =	sor.u32 @!p0 s3, s7;
	[sflag:s6] =	ssyncadd.s32 @!p0 $0xFFFFFFFF  }
0xc5: {  	[sflag:s3] =	ssyncadd.remote.s32 @!p0 $0x1  }
0xc6: {  	_ =	strace $0x8000004F;
	[dreg:$0x1] =	wrdreg $0xFFFFFFFF  }
0xc7: {  	[dreg:$0x0] =	wrdreg $0x2030  }
0xc8: {  	[dreg:$0x2] =	wrdreg s22  }
0xc9: {  	[dreg:$0x3] =	wrdreg s1  }
0xca: {  	[dreg:$0x4] =	wrdreg s23  }
0xcb: {  	[dreg:$0x5] =	wrdreg $0xA  }
0xcc: {  	_ =	task.clear_ibuf [dreg:s20], $0x6FFFF;
	_ =	strace $0x9000004F  }
0xcd: {  	s29 =	simm.s32 $0xA;
	_ =	strace $0x80000051  }
0xce: {  	_ =	swait.ge [sflag:s29], $0x1  }
0xcf: {  	[sflag:s29] =	ssyncadd.s32 $0xFFFFFFFF  }
0xd0: {  	_ =	strace $0x90000051  }
0xd1: {  	_ =	sfence  }
0xd2: {  	s30 =	sld [smem:$0x0];
	_ =	sdelay $0x2  }
0xd3: {  	s31 =	sshll.u32 s1, $0xD;
	s1 =	sshrl.u32 s1, $0x2  }
0xd4: {  	s4 =	sand.u32 $0x4000, s31;
	s1 =	sadd.s32 s1, s30  }
0xd5: {  	s0 =	sor.u32 s4, s0;
	s1 =	sshll.u32 s1, $0x11  }
0xd6: {  	s0 =	sor.u32 s1, s0  }
0xd7: {  	s0 =	sadd.s32 $0x8F2B, s0  }
0xd8: {  	[sflag:s0] =	ssyncadd.remote.s32 $0x1  }
0xd9: {  	_ =	sfence.sel $0xFFFF  }
0xda: {  	[dreg:$0x0] =	wrdreg $0xFFFFFFFF;
	(pc) =	sbr.abs _section_cstart, $3  }
0xdb: {  	[dreg:$0x1] =	wrdreg $0xFFFFFFFF  }
0xdc: {  	_ =	task.clear_ibuf [dreg:s20], $0x2FFFF;
	_ =	strace $0x9FFFFFFF  }
0xdd: {  	(tm) =	ssettm $0x7FFFFFFF  }
tec
execute0_lowered:
.L_overlay_start_1:
0x0: {  	(tag) =	ssettag $0x1  }
0x1: {  	s2 =	rddreg [dreg:$0x0]  }
0x2: {  	s5 =	rddreg [dreg:$0x1]  }
0x3: {  	s0 =	rddreg [dreg:$0x2];
	s3 =	stileid.u32;
	[bflag:$0x3] =	sbarrier.arrive $0xFFFF  }
0x4: {  	s1 =	simm.s32 $_size_execute1_lowered;
	s29 =	srdreg.scid;
	s31 =	simm.s32 $0x2  }
0x5: {  	s13 =	simm.s32 $0x0;
	s8 =	simm.s32 $0x40;
	p0 =	sne.s32 s3, $0x0  }
0x6: {  	s1 =	sshll.u32 s1, $0x1;
	s4 =	simm.s32 @!p0 $0x1C3F;
	s6 =	simm.s32 @!p0 $0x4060  }
0x7: {  	[timem:s6], [sflag:s4] =	dma.local @!p0 [hbm:s2], s1  }
0x8: {  	s9 =	simm.s32 $0x80;
	s11 =	simm.s32 $0x0;
	s2 =	sshll.u32 s29, $0x8  }
.Ltmp0:
0x9: {  	s3 =	sshll.u32 s3, $0x9;
	s30 =	sand.u32 $0x100, s2;
	(pc) =	sbr.rel .LBB2_1-.Ltmp0, $4  }
0xa: {  	s12 =	simm.s32 $0x0;
	s4 =	simm.s32 $0x1;
	s3 =	sor.u32 s3, s30  }
0xb: {  	_ =	strace $0x8000004D;
	s2 =	sadd.s32 $0x10800, s5;
	s7 =	ssub.s32 $0x2700, s3  }
0xc: {  	s5 =	sadd.s32 $0xA78000, s5;
	[sflag:s4] =	ssyncpa.u1 $0x0;
	s6 =	sshrl.u32 s7, $0xD  }
0xd: {  	[sflag:s31] =	ssyncpa.u1 $0x0;
	s10 =	smov.u32 s3;
	s7 =	sor.u32 $0x2, s6  }
.LBB2_5:
0xe: {  	_ =	sdelay $0x3  }
0xf: {  	[tilespmem:v3+s18+$0x0 ss:$0x1] =	vst.idx.msk $0xffff, v1  }
0x10: {  	[tilespmem:v3+s17+$0x0 ss:$0x1] =	vst.idx.msk $0xffff, v2  }
0x11: {  	[tilespmem:v3+s16+$0x0 ss:$0x1] =	vst.idx.msk $0xffff, v4  }
0x12: {  	[tilespmem:v3+s19+$0x0 ss:$0x1] =	vst.idx.msk $0xffff, v5  }
.LBB2_6:
0x13: {  	s16 =	sand.u32 $0x1FFFFFF, s11  }
0x14: {  	s17 =	smulhi.u32 $0x1A36E2F, s16;
	_ =	sdelay $0x1  }
0x15: {  	s17 =	sshrl.u32 s17, $0x6  }
0x16: {  	s17 =	smul.u32 $0x2710, s17;
	_ =	sdelay $0x1  }
0x17: {  	s16 =	ssub.s32 s16, s17  }
0x18: {  	s16 =	sshll.u32 s16, $0x4  }
0x19: {  	s16 =	sadd.s32 s5, s16  }
0x1a: {  	[hbm4b:s16+s8] =	stream.strided.scatter [tilespmem:s15], [sflag:$0x2], s14, s9, s8, $0x38;
	[tilespmem:$0x10000] =	vst v63  }
.LBB2_7:
0x1b: {  	p1 =	slt.u32 s12, $0x2  }
0x1c: {  	p2 =	sgt.s32 @!p1 s13, $0x2610  }
0x1d: {  	s14 =	smov.u32 s13;
	s15 =	sshra.s32 @!p1 s13, $0x1F;
	p2 =	por !p2, p1  }
0x1e: {  	s13 =	sand.u32 @!p1 s15, s13;
	s14 =	simm.s32 @p2 $0x2610  }
0x1f: {  	s13 =	ssub.s32 @!p1 s14, s13  }
0x20: {  	s13 =	sadd.s32 @!p1 $0xFFFFD9F0, s13  }
0x21: {  	s14 =	sshll.u32 @!p1 s13, $0x8  }
0x22: {  	p2 =	sgt.s32 @!p1 s13, $0xFF;
	s13 =	ssub.s32 @!p1 $0x10000, s14  }
0x23: {  	s15 =	sadd.s32 $0x2000, s10;
	p2 =	por !p2, p1;
	s13 =	sshrl.u32 @!p1 s13, $0x2  }
0x24: {  	s13 =	simm.s32 @!p2 $0x0;
	p2 =	sgt.s32 s15, $0x270F  }
0x25: {  	s15 =	smov.u32 @p2 s3;
	p2 =	sne.s32 s12, s7  }
.Ltmp1:
0x26: {  	_ = 	snop;
	(pc) =	sbr.rel @!p2 .LBB2_8-.Ltmp1, $4  }
0x27: {  	s14 =	simm.s32 @!p1 $0x2  }
0x28: {  	_ =	swait.ge @!p1 [sflag:s14], s13;
	s16 =	ssub.s32 @!p1 $0x0, s13  }
0x29: {  	s13 =	smov.u32 s11;
	s12 =	sadd.s32 $0x1, s12;
	[sflag:s14] =	ssyncset.done @!p1 $0x0  }
0x2a: {  	s11 =	smov.u32 s10;
	s10 =	smov.u32 s15;
	[sflag:s14] =	ssyncadd.s32 @!p1 s16  }
.LBB2_1:
0x2b: {  	p1 =	sgt.u32 s12, s6  }
0x2c: {  	s15 =	smov.u32 s10;
	p2 =	sgt.s32 @!p1 s10, $0x2610  }
0x2d: {  	s14 =	sand.u32 @!p1 $0x1FFFFFF, s10;
	s16 =	sshra.s32 @!p1 s10, $0x1F;
	p2 =	por !p2, p1  }
0x2e: {  	s17 =	smulhi.u32 @!p1 $0x1A36E2F, s14;
	s16 =	sand.u32 @!p1 s16, s10;
	s15 =	simm.s32 @p2 $0x2610  }
0x2f: {  	s15 =	ssub.s32 @!p1 s15, s16  }
0x30: {  	s16 =	sshrl.u32 @!p1 s17, $0x6;
	s15 =	sadd.s32 @!p1 $0xFFFFD9F0, s15  }
0x31: {  	s17 =	sxor.u32 @!p1 $0xFFFFFFFF, s12;
	s16 =	smul.u32 @!p1 $0x2710, s16;
	s18 =	sshll.u32 @!p1 s15, $0x8  }
0x32: {  	s17 =	sshll.u32 @!p1 s17, $0xE;
	p2 =	sgt.s32 @!p1 s15, $0xFF;
	s15 =	ssub.s32 @!p1 $0x10000, s18  }
0x33: {  	s14 =	ssub.s32 @!p1 s14, s16;
	p2 =	por !p2, p1;
	s16 =	sand.u32 @!p1 $0x4000, s17  }
0x34: {  	s17 =	simm.s32 @!p1 $0x40;
	s15 =	sshrl.u32 @!p1 s15, $0x2;
	s14 =	sshll.u32 @!p1 s14, $0x4  }
0x35: {  	s18 =	simm.s32 @!p1 $0x80;
	s15 =	simm.s32 @!p2 $0x0;
	s14 =	sadd.s32 @!p1 s2, s14  }
0x36: {  	[tilespmem:s16], [sflag:$0x1] =	stream.strided.gather @!p1 [hbm4b:s14+s17], s15, s18, s17, $0x38;
	[tilespmem:$0x10000] =	vst v63  }
0x37: {  	p1 =	seq.s32 s12, $0x0  }
0x38: {  	p2 =	sge.u32 @!p1 s12, s7  }
0x39: {  	p1 =	por p1, p2  }
.Ltmp2:
0x3a: {  	_ = 	snop;
	(pc) =	sbr.rel @p1 .LBB2_7-.Ltmp2, $1  }
0x3b: {  	_ =	sdelay $0x3  }
0x3c: {  	p1 =	sgt.s32 s11, $0x2610;
	s14 =	smov.u32 s11;
	s15 =	sshra.s32 s11, $0x1F  }
0x3d: {  	s14 =	simm.s32 @!p1 $0x2610;
	s15 =	sand.u32 s15, s11  }
0x3e: {  	s14 =	ssub.s32 s14, s15  }
0x3f: {  	s14 =	sadd.s32 $0xFFFFD9F0, s14  }
0x40: {  	s31 =	sshll.u32 s14, $0x8  }
0x41: {  	s15 =	ssub.s32 $0x10000, s31  }
0x42: {  	p1 =	sgt.s32 s14, $0xFF;
	s14 =	sshrl.u32 s15, $0x2;
	s15 =	sadd.s32 $0x100, s11  }
0x43: {  	s14 =	simm.s32 @p1 $0x0;
	p1 =	slt.s32 s15, $0x2710  }
0x44: {  	s15 =	simm.s32 @!p1 $0x2710  }
0x45: {  	s20 =	ssub.s32 s15, s11  }
0x46: {  	p1 =	slt.s32 s20, $0x1  }
.Ltmp3:
0x47: {  	_ = 	snop;
	(pc) =	sbr.rel @p1 .LBB2_6-.Ltmp3, $4  }
0x48: {  	_ = 	snop  }
0x49: {  	s16 =	sshll.u32 s12, $0xE;
	_ =	swait.ge [sflag:s4], s14  }
0x4a: {  	s16 =	sand.u32 $0x4000, s16;
	s17 =	ssub.s32 $0x0, s14;
	[sflag:s4] =	ssyncset.done $0x0  }
0x4b: {  	s15 =	sor.u32 $0x8000, s16;
	[sflag:s4] =	ssyncadd.s32 s17  }
0x4c: {  	v0 =	vmov s16;
	_ =	sdelay $0x2  }
0x4d: {  	s31 =	simm.s32 $0x0;
	p1 =	sne.s32 s20, $0x1  }
.Ltmp4:
0x4e: {  	s18 =	sand.u32 $0x3FC0, s31;
	(pc) =	sbr.rel @!p1 .LBB2_5-.Ltmp4, $4  }
0x4f: {  	s17 =	sor.u32 $0x30, s18;
	v1 =	vld.idx.msk [tilespmem:v0+s18+$0x0 ss:$0x1], $0xffff  }
0x50: {  	v3 =	vmov s15;
	s16 =	sor.u32 $0x10, s18;
	v2 =	vld.idx.msk [tilespmem:v0+s17+$0x0 ss:$0x1], $0xffff  }
0x51: {  	s19 =	sor.u32 $0x20, s18;
	v4 =	vld.idx.msk [tilespmem:v0+s16+$0x0 ss:$0x1], $0xffff  }
0x52: {  	s20 =	sadd.s32 $0xFFFFFFFF, s20;
	s21 =	simm.s32 $0x40;
	v5 =	vld.idx.msk [tilespmem:v0+s19+$0x0 ss:$0x1], $0xffff  }
.LBB2_4:
0x53: {  	s22 =	sand.u32 $0x3FC0, s21  }
0x54: {  	p1 =	sne.s32 s20, $0x1;
	s20 =	sadd.s32 $0xFFFFFFFF, s20;
	s23 =	sor.u32 $0x10, s22  }
.Ltmp5:
0x55: {  	s24 =	sor.u32 $0x20, s22;
	s25 =	sor.u32 $0x30, s22;
	[tilespmem:v3+s18+$0x0 ss:$0x1] =	vst.idx.msk $0xffff, v1;
	v1 =	vld.idx.msk [tilespmem:v0+s22+$0x0 ss:$0x1], $0xffff;
	(pc) =	sbr.rel @p1 .LBB2_4-.Ltmp5, $4  }
0x56: {  	s18 =	smov.u32 s22;
	[tilespmem:v3+s17+$0x0 ss:$0x1] =	vst.idx.msk $0xffff, v2;
	v2 =	vld.idx.msk [tilespmem:v0+s25+$0x0 ss:$0x1], $0xffff;
	s17 =	smov.u32 s25  }
0x57: {  	[tilespmem:v3+s16+$0x0 ss:$0x1] =	vst.idx.msk $0xffff, v4;
	v4 =	vld.idx.msk [tilespmem:v0+s23+$0x0 ss:$0x1], $0xffff;
	s16 =	smov.u32 s23  }
0x58: {  	[tilespmem:v3+s19+$0x0 ss:$0x1] =	vst.idx.msk $0xffff, v5;
	v5 =	vld.idx.msk [tilespmem:v0+s24+$0x0 ss:$0x1], $0xffff;
	s19 =	smov.u32 s24  }
0x59: {  	s21 =	sadd.s32 $0x40, s21  }
.Ltmp6:
0x5a: {  	_ = 	snop;
	(pc) =	sbr.rel .LBB2_5-.Ltmp6, $1  }
0x5b: {  	_ =	sdelay $0x3  }
.LBB2_8:
0x5c: {  	_ =	sfence.sel $0x180000  }
0x5d: {  	s2 =	simm.s32 $0x1;
	[bflag:$0x0] =	sbarrier.arrive $0xFFFF  }
0x5e: {  	s31 =	simm.s32 $0x2;
	[sflag:s2] =	ssyncpa.u1 $0x1  }
0x5f: {  	[sflag:s31] =	ssyncpa.u1 $0x1  }
0x60: {  	_ =	strace $0x9000004D  }
0x61: {  	s0 =	sadd.s32 @!p0 $0x100000, s0;
	[bflag:$0x2] =	sbarrier.arrive $0xFFFF  }
0x62: {  	[sflag:s0] =	ssyncadd.tile.s32 @!p0 $0x1;
	s0 =	simm.s32 @!p0 $0x3F  }
0x63: {  	_ =	swait.ge @!p0 [sflag:s0], s1  }
0x64: {  	s1 =	ssub.s32 @!p0 $0x0, s1;
	[sflag:s0] =	ssyncset.done @!p0 $0x0  }
0x65: {  	[sflag:s0] =	ssyncadd.s32 @!p0 s1  }
0x66: {  	[bflag:$0x3] =	sbarrier.arrive $0xFFFF  }
0x67: {  	_ =	shalt  }
.Lfunc_end2:
execute1_lowered:
.L_overlay_start_2:
0x68: {  	(tag) =	ssettag $0x2  }
0x69: {  	s2 =	rddreg [dreg:$0x0]  }
0x6a: {  	s3 =	rddreg [dreg:$0x1];
	_ =	strace $0x80000050;
	s0 =	simm.s32 $0x1  }
0x6b: {  	s4 =	simm.s32 $0x88;
	v0 =	vimm.s32 $0x0;
	[sflag:s0] =	ssyncpa.u1 $0x0  }
0x6c: {  	s1 =	sadd.s32 $0xA78000, s2;
	[tilespmem:s4+$0x30] =	vst v0  }
0x6d: {  	s0 =	sadd.s32 $0xA3AA00, s2;
	s6 =	sadd.s32 $0x527A00, s2;
	[tilespmem:s4+$0x20] =	vst v0  }
0x6e: {  	s14 =	sadd.s32 $0xA44800, s2;
	s9 =	sand.u32 $0x1, s3;
	s2 =	simm.s32 $0x40;
	[tilespmem:s4+$0x10] =	vst v0  }
.LBB3_1:
0x6f: {  	s2 =	sadd.s32 $0x40, s2  }
0x70: {  	[tilespmem:s4+$0x0] =	vst v0;
	s4 =	sadd.s32 $0x40, s4;
	p0 =	slt.u32 s2, $0x5040  }
.Ltmp7:
0x71: {  	(pc) =	sbr.rel @p0 .LBB3_1-.Ltmp7, $4  }
0x72: {  	_ = 	snop  }
0x73: {  	[tilespmem:s4+$0x30] =	vst v0  }
0x74: {  	[tilespmem:s4+$0x20] =	vst v0  }
0x75: {  	[tilespmem:s4+$0x10] =	vst v0  }
0x76: {  	s10 =	stileid.u32  }
0x77: {  	s2 =	smul.u32 $0x1F, s10  }
0x78: {  	s3 =	smin.u32 s10, $0xA  }
0x79: {  	s2 =	sadd.s32 s3, s2  }
0x7a: {  	p0 =	slt.u32 s10, $0xA;
	s7 =	smul.u32 $0x140, s2;
	s2 =	simm.s32 $0x2800  }
0x7b: {  	s2 =	simm.s32 @!p0 $0x26C0  }
0x7c: {  	s2 =	sadd.s32 s2, s7  }
0x7d: {  	s8 =	smin.u32 s2, $0x27800  }
0x7e: {  	s2 =	ssub.s32 s8, s7  }
0x7f: {  	s26 =	simm.s32 $0x2;
	s29 =	simm.s32 $0x9;
	p0 =	sgt.s32 s2, $0x0  }
0x80: {  	s30 =	simm.s32 $0xA;
	s31 =	smul.u32 $0x4F00, s9;
	s2 =	simm.s32 @!p0 $0x0  }
0x81: {  	s11 =	simm.s32 $0xB;
	[dreg:$0x4] =	wrdreg s9;
	s28 =	smulhi.u32 $0x66666667, s2  }
0x82: {  	s12 =	simm.s32 $0x1;
	s18 =	simm.s32 $0x0;
	p1 =	por $0x0, $0x0  }
0x83: {  	s19 =	simm.s32 $0xC;
	s23 =	simm.s32 $0x0;
	s3 =	sshrl.u32 s28, $0x7  }
0x84: {  	s20 =	simm.s32 $0x0;
	s22 =	simm.s32 $0x0;
	s5 =	smul.u32 $0x140, s3  }
.Ltmp8:
0x85: {  	[tilespmem:s4+$0x0] =	vst v0;
	v0 =	vimm.s32 $0xFFFFFFFF;
	[sflag:s26] =	ssyncpa.u1 $0x0;
	s16 =	sshll.u32 s10, $0x7;
	(pc) =	sbr.rel .LBB3_3-.Ltmp8, $4  }
0x86: {  	[tilespmem:$0xA108] =	vst v0;
	[sflag:s29] =	ssyncpa.u1 $0x0;
	p0 =	sne.s32 s2, s5;
	s2 =	simm.s32 $0x1  }
0x87: {  	s14 =	sadd.s32 s31, s14;
	[sflag:s30] =	ssyncpa.u1 $0x0;
	s2 =	simm.s32 @!p0 $0x0  }
0x88: {  	s15 =	sadd.s32 s31, s0;
	[sflag:s11] =	ssyncpa.u1 $0x0;
	s13 =	sadd.s32 s2, s3  }
0x89: {  	v0 =	vlaneseq.u32;
	s21 =	smov.u32 s7;
	p0 =	por $0x1, $0x1;
	s17 =	sadd.s32 $0x1, s13  }
.LBB3_24:
0x8a: {  	s0 =	sshrl.u32 s0, $0x2  }
.LBB3_26:
0x8b: {  	_ =	swait.ge [sflag:s19], s0  }
0x8c: {  	s30 =	ssub.s32 $0x0, s0;
	v1 =	vmov s25;
	vm0 =	veq.s32 v0, $0x0;
	[sflag:s19] =	ssyncset.done $0x0  }
0x8d: {  	vm15 =	veq.s32 v0, $0x2;
	v1 =	vsel vm0, s31, v1;
	[sflag:s19] =	ssyncadd.s32 s30  }
0x8e: {  	v1 =	vsel vm15, s23, v1;
	[sflag:s19] =	ssyncpa.u1 $0x1  }
0x8f: {  	[tilespmem:$0xA108] =	vst v1  }
.LBB3_27:
0x90: {  	s0 =	sadd.s32 $0x140, s21  }
0x91: {  	s2 =	smov.u32 s7;
	p2 =	slt.s32 s0, s8  }
0x92: {  	s2 =	smov.u32 @p2 s0;
	p2 =	sne.s32 s22, s17  }
.Ltmp9:
0x93: {  	_ = 	snop;
	(pc) =	sbr.rel @!p2 .LBB3_28-.Ltmp9, $4  }
0x94: {  	_ = 	snop  }
0x95: {  	s23 =	smov.u32 s20  }
0x96: {  	s31 =	sadd.s32 $0x1, s22;
	s20 =	smov.u32 s21;
	p0 =	por !p0, !p0  }
0x97: {  	p1 =	por !p1, !p1;
	s22 =	smov.u32 s31;
	s21 =	smov.u32 s2  }
.LBB3_3:
0x98: {  	p2 =	sge.u32 s22, s13  }
0x99: {  	s0 =	smulhi.u32 @!p2 $0xAAAAAAAB, s22  }
0x9a: {  	s2 =	smov.u32 s21;
	p3 =	sgt.s32 @!p2 s21, $0x276C0  }
0x9b: {  	s3 =	sshra.s32 @!p2 s21, $0x1F;
	p3 =	por !p3, p2;
	s0 =	sshrl.u32 @!p2 s0, $0x1  }
0x9c: {  	s3 =	sand.u32 @!p2 s3, s21;
	s2 =	simm.s32 @p3 $0x276C0;
	s0 =	smul.u32 @!p2 $0x3, s0  }
0x9d: {  	s2 =	ssub.s32 @!p2 s2, s3  }
0x9e: {  	s2 =	sadd.s32 @!p2 $0xFFFD8940, s2;
	s0 =	ssub.s32 @!p2 s22, s0  }
0x9f: {  	s3 =	sshll.u32 @!p2 s2, $0x2;
	p3 =	sgt.s32 @!p2 s2, $0x13F;
	s0 =	smul.u32 @!p2 $0x500, s0  }
0xa0: {  	s4 =	sand.u32 @!p2 $0x7, s21;
	s2 =	ssub.s32 @!p2 $0x500, s3;
	p3 =	por !p3, p2  }
0xa1: {  	s3 =	sshrl.u32 @!p2 s21, $0x3;
	s2 =	sshrl.u32 @!p2 s2, $0x2;
	s0 =	sshrl.u32 @!p2 s0, $0x2  }
0xa2: {  	s3 =	sadd.s32 @!p2 s3, s14;
	s2 =	simm.s32 @!p3 $0x0;
	s0 =	sadd.s32 @!p2 $0xA948, s0  }
0xa3: {  	[tilespmem:s0], [sflag:$0xA] =	stream.linear.gather @!p2 [hbm4b:s3+s4], s2, $0x38;
	[tilespmem:$0x1EF88] =	vst v63  }
0xa4: {  	s4 =	sadd.s32 $0xFFFFFFFF, s22  }
0xa5: {  	p2 =	sge.u32 s4, s13  }
0xa6: {  	p3 =	sgt.s32 @!p2 s20, $0x276C0  }
0xa7: {  	s0 =	smov.u32 s20;
	s2 =	sshra.s32 @!p2 s20, $0x1F;
	p3 =	por !p3, p2  }
0xa8: {  	s2 =	sand.u32 @!p2 s2, s20;
	s0 =	simm.s32 @p3 $0x276C0  }
0xa9: {  	s0 =	ssub.s32 @!p2 s0, s2  }
0xaa: {  	s0 =	sadd.s32 @!p2 $0xFFFD8940, s0  }
0xab: {  	s2 =	sshll.u32 @!p2 s0, $0x2  }
0xac: {  	p3 =	sgt.s32 @!p2 s0, $0x13F;
	s0 =	ssub.s32 @!p2 $0x500, s2  }
0xad: {  	p3 =	por !p3, p2;
	s0 =	sshrl.u32 @!p2 s0, $0x2  }
0xae: {  	s3 =	simm.s32 @!p2 $0xA;
	s2 =	sand.u32 @!p2 $0x1, s4;
	s0 =	simm.s32 @!p3 $0x0  }
0xaf: {  	s2 =	smul.u32 @!p2 $0x500, s2;
	_ =	swait.ge @!p2 [sflag:s3], s0  }
0xb0: {  	s5 =	ssub.s32 @!p2 $0x0, s0;
	[sflag:s3] =	ssyncset.done @!p2 $0x0  }
0xb1: {  	s2 =	sshrl.u32 @!p2 s2, $0x2;
	[sflag:s3] =	ssyncadd.s32 @!p2 s5;
	s3 =	sshrl.u32 @!p2 s20, $0x3  }
0xb2: {  	s2 =	sadd.s32 @!p2 $0xAD08, s2;
	s5 =	sand.u32 @!p2 $0x7, s20;
	s3 =	sadd.s32 @!p2 s3, s15  }
0xb3: {  	[tilespmem:s2], [sflag:$0xB] =	stream.linear.gather @!p2 [hbm4b:s3+s5], s0, $0x38;
	[tilespmem:$0x1EF88] =	vst v63  }
0xb4: {  	s0 =	ssub.s32 @!p2 $0x27800, s20  }
0xb5: {  	p3 =	slt.s32 @!p2 s0, $0x1  }
0xb6: {  	p3 =	por p2, p3  }
.Ltmp10:
0xb7: {  	_ = 	snop;
	(pc) =	sbr.rel @p3 .LBB3_9-.Ltmp10, $1  }
0xb8: {  	_ =	sdelay $0x3  }
0xb9: {  	s2 =	smulhi.u32 $0xAAAAAAAB, s4;
	_ =	sdelay $0x1  }
0xba: {  	s2 =	sshrl.u32 s2, $0x1  }
0xbb: {  	s2 =	smul.u32 $0x3, s2;
	_ =	sdelay $0x1  }
0xbc: {  	s2 =	ssub.s32 s4, s2  }
0xbd: {  	s3 =	simm.s32 $0x1;
	s2 =	smul.u32 $0x500, s2  }
.Ltmp11:
0xbe: {  	s3 =	simm.s32 @!p0 $0x0;
	(pc) =	sbr.rel .LBB3_6-.Ltmp11, $4  }
0xbf: {  	s3 =	smul.u32 $0x28000, s3  }
0xc0: {  	p3 =	slt.s32 @!p2 s0, $0x140;
	s2 =	sshrl.u32 s2, $0x2  }
0xc1: {  	p2 =	por !p3, p2;
	s3 =	sshrl.u32 s3, $0x2;
	s2 =	sadd.s32 $0xA948, s2  }
0xc2: {  	s24 =	simm.s32 $0x0;
	s0 =	simm.s32 @p2 $0x140;
	s4 =	sadd.s32 $0xAF88, s3;
	v1 =	vmov s2  }
.LBB3_5:
0xc3: {  	p2 =	sge.s32 s24, s0  }
.Ltmp12:
0xc4: {  	_ = 	snop;
	(pc) =	sbr.rel @p2 .LBB3_9-.Ltmp12, $2  }
0xc5: {  	_ =	sdelay $0x2  }
0xc6: {  	s4 =	sadd.s32 $0x800, s4  }
.LBB3_6:
0xc7: {  	p2 =	sle.s32 s0, s24  }
.Ltmp13:
0xc8: {  	_ = 	snop;
	(pc) =	sbr.rel @p2 .LBB3_5-.Ltmp13, $2  }
0xc9: {  	_ =	sdelay $0x2  }
0xca: {  	s5 =	smov.u32 s24;
	s24 =	sadd.s32 $0x10, s24  }
0xcb: {  	s2 =	ssub.s32 s0, s5  }
0xcc: {  	p2 =	slt.s32 s2, $0x10  }
0xcd: {  	s2 =	simm.s32 @!p2 $0x10  }
0xce: {  	v2 =	vmov s2  }
0xcf: {  	vm0 =	vgt.s32 v2, v0;
	_ =	sdelay $0x5  }
0xd0: {  	v2 =	vld.idx.msk [tilespmem:v1+s5+$0x0 ss:$0x1], vm0;
	_ =	sdelay $0x2  }
0xd1: {  	p2 =	slt.s32 s24, s0;
	s2 =	smov.u32 s0  }
0xd2: {  	s3 =	smov.u32 s4;
	s25 =	simm.s32 $0x0;
	s2 =	smov.u32 @p2 s24  }
.LBB3_8:
0xd3: {  	(v2sf) =	vpush v2, s25;
	_ =	sdelay $0xc  }
0xd4: {  	s25 =	sadd.s32 $0x1, s25  }
0xd5: {  	s31 =	sadd.s32 s25, s5  }
0xd6: {  	p2 =	slt.s32 s31, s2;
	s9 =	spop (v2sf)  }
.Ltmp14:
0xd7: {  	s9 =	sshll.u32 s9, $0x4;
	(pc) =	sbr.rel @p2 .LBB3_8-.Ltmp14, $4  }
0xd8: {  	s9 =	sand.u32 $0x1FFFFFF0, s9  }
0xd9: {  	s9 =	sadd.s32 s6, s9  }
0xda: {  	[tilespmem:s3], [sflag:$0x9] =	stream.linear.gather [hbm4b:s9+s18], $0x40, $0x38;
	[tilespmem:$0x1EF88] =	vst v63  }
0xdb: {  	s3 =	sadd.s32 $0x80, s3  }
.Ltmp15:
0xdc: {  	_ = 	snop;
	(pc) =	sbr.rel .LBB3_5-.Ltmp15, $1  }
0xdd: {  	_ =	sdelay $0x3  }
.LBB3_9:
0xde: {  	p2 =	slt.u32 s22, $0x2  }
.Ltmp16:
0xdf: {  	_ = 	snop;
	(pc) =	sbr.rel @p2 .LBB3_27-.Ltmp16, $1  }
0xe0: {  	_ =	sdelay $0x3  }
0xe1: {  	p2 =	sgt.s32 s23, $0x276C0  }
0xe2: {  	s0 =	smov.u32 s23;
	s2 =	sshra.s32 s23, $0x1F;
	s3 =	ssub.s32 $0x27800, s23  }
0xe3: {  	s0 =	simm.s32 @!p2 $0x276C0;
	s2 =	sand.u32 s2, s23;
	p2 =	slt.s32 s3, $0x140  }
0xe4: {  	s0 =	ssub.s32 s0, s2;
	s3 =	simm.s32 @!p2 $0x140  }
0xe5: {  	s0 =	sadd.s32 $0xFFFD8940, s0;
	s10 =	sshll.u32 s3, $0x6  }
0xe6: {  	s26 =	simm.s32 $0x9;
	s24 =	sshll.u32 s0, $0x2;
	s2 =	sand.u32 $0x3FFFFFC0, s10  }
0xe7: {  	p2 =	sgt.s32 s0, $0x13F;
	s25 =	ssub.s32 $0x500, s24;
	_ =	swait.ge [sflag:s26], s2  }
0xe8: {  	s2 =	ssub.s32 $0x0, s2;
	[sflag:s26] =	ssyncset.done $0x0;
	s0 =	sshrl.u32 s25, $0x2  }
0xe9: {  	[sflag:s26] =	ssyncadd.s32 s2;
	s0 =	simm.s32 @p2 $0x0  }
0xea: {  	_ =	swait.ge [sflag:s11], s0  }
0xeb: {  	s0 =	ssub.s32 $0x0, s0;
	[sflag:s11] =	ssyncset.done $0x0  }
0xec: {  	[sflag:s11] =	ssyncadd.s32 s0  }
0xed: {  	v1 =	vld [tilespmem:$0xA108];
	_ =	sdelay $0x4  }
0xee: {  	(v2sf) =	vpush v1, $0x0  }
0xef: {  	(v2sf) =	vpush v1, $0x1  }
0xf0: {  	(v2sf) =	vpush v1, $0x2;
	_ =	sdelay $0x3  }
0xf1: {  	s0 =	sadd.s32 $0x140, s23  }
0xf2: {  	s2 =	ssub.s32 $0x4F000, s23;
	p2 =	slt.s32 s8, s0  }
0xf3: {  	s0 =	smov.u32 @p2 s8;
	p2 =	sgt.s32 s2, $0x0  }
0xf4: {  	s0 =	ssub.s32 s0, s23;
	s2 =	simm.s32 @!p2 $0x0  }
0xf5: {  	p2 =	slt.s32 s2, s0  }
0xf6: {  	s0 =	smov.u32 @p2 s2  }
0xf7: {  	s26 =	simm.s32 $0x1;
	p2 =	slt.s32 s0, $0x1  }
.Ltmp17:
0xf8: {  	s26 =	simm.s32 @!p1 $0x0;
	(pc) =	sbr.rel @p2 .LBB3_14-.Ltmp17, $4  }
0xf9: {  	s30 =	smul.u32 $0x500, s26  }
0xfa: {  	s28 =	spop (v2sf)  }
0xfb: {  	s31 =	sshrl.u32 s30, $0x2;
	s29 =	spop (v2sf)  }
0xfc: {  	s24 =	sadd.s32 $0xAD08, s31;
	s23 =	spop (v2sf)  }
0xfd: {  	s2 =	smin.u32 s0, $0x10  }
0xfe: {  	v1 =	vmov s2  }
0xff: {  	p3 =	sgt.s32 s0, $0x10;
	vm1 =	vgt.u32 v1, v0  }
.Ltmp18:
0x100: {  	_ = 	snop;
	(pc) =	sbr.rel @!p3 .LBB3_13-.Ltmp18, $2  }
0x101: {  	_ =	sdelay $0x2  }
0x102: {  	s5 =	simm.s32 $0x10;
	s25 =	sadd.s32 $0xFFFFFFF0, s0;
	s4 =	smov.u32 s24;
	vm0 =	vmmov vm1  }
.LBB3_12:
0x103: {  	s2 =	smin.u32 s25, $0x10;
	s5 =	sadd.s32 $0x10, s5;
	v1 =	vld.msk [tilespmem:s4+$0x0 ss:$0x1], vm1  }
0x104: {  	v2 =	vmov s2;
	p3 =	slt.s32 s5, s0  }
0x105: {  	vm1 =	vgt.u32 v2, v0  }
.Ltmp19:
0x106: {  	(pc) =	sbr.rel @p3 .LBB3_12-.Ltmp19, $3  }
0x107: {  	_ =	sdelay $0x1  }
0x108: {  	v1 =	vshll.u32 v1, $0x4  }
0x109: {  	s25 =	sadd.s32 $0xFFFFFFF0, s25;
	[tilespmem:s4+$0x0] =	vst.msk vm0, v1;
	s4 =	sadd.s32 $0x10, s4;
	vm0 =	vmmov vm1  }
.LBB3_13:
0x10a: {  	_ =	sdelay $0x4  }
0x10b: {  	v1 =	vld.msk [tilespmem:s4+$0x0 ss:$0x1], vm1;
	_ =	sdelay $0x4  }
0x10c: {  	v1 =	vshll.u32 v1, $0x4  }
0x10d: {  	[tilespmem:s4+$0x0] =	vst.msk vm0, v1  }
.LBB3_14:
0x10e: {  	s2 =	sand.u32 $0x1, s22  }
0x10f: {  	s2 =	smul.u32 $0x140, s2  }
0x110: {  	p3 =	sne.s32 s29, $0xFFFFFFFF  }
0x111: {  	v1 =	vld.msk @!p3 [tilespmem:s2+$0xAD08], $0x1;
	_ =	sdelay $0x4  }
0x112: {  	(v2sf) =	vpush @!p3 v1, $0x0;
	_ =	sdelay $0xc  }
.Ltmp20:
0x113: {  	_ = 	snop;
	(pc) =	sbr.rel @p2 .LBB3_25-.Ltmp20, $4  }
0x114: {  	_ = 	snop  }
0x115: {  	s30 =	spop @!p3 (v2sf)  }
0x116: {  	s23 =	simm.s32 @!p3 $0x0;
	s25 =	smov.u32 s30  }
0x117: {  	[sflag:s19] =	ssyncpa.u1 $0x0;
	s30 =	smov.u32 @p3 s28;
	s25 =	smov.u32 @p3 s29  }
0x118: {  	v1 =	vld.msk [tilespmem:s24+$0x0], $0x1;
	_ =	sdelay $0x4  }
0x119: {  	(v2sf) =	vpush v1, $0x0;
	_ =	sdelay $0xe  }
0x11a: {  	s2 =	smul.u32 $0x28000, s26;
	s4 =	spop (v2sf)  }
0x11b: {  	s28 =	ssub.s32 $0x0, s0;
	p2 =	seq.s32 s30, s4  }
0x11c: {  	s0 =	sadd.s32 $0x1, s28;
	s2 =	sshrl.u32 s2, $0x2;
	p3 =	sgt.s32 @!p2 s30, $0x0  }
0x11d: {  	s26 =	sadd.s32 $0xAFA8, s2;
	s2 =	smov.u32 s30;
	p3 =	por !p3, p2  }
0x11e: {  	s2 =	simm.s32 @p3 $0x0;
	p3 =	seq.s32 s0, $0x0  }
.Ltmp21:
0x11f: {  	_ = 	snop;
	(pc) =	sbr.rel @p3 .LBB3_17-.Ltmp21, $4  }
0x120: {  	_ = 	snop  }
0x121: {  	s29 =	simm.s32 $0x0;
	s5 =	simm.s32 @!p2 $0x1;
	s3 =	smin.u32 @!p2 s2, $0x270F8  }
0x122: {  	s31 =	sadd.s32 $0x1, s24;
	s5 =	smov.u32 @p2 s29;
	s9 =	sand.u32 @!p2 $0x3FFF8, s3  }
0x123: {  	s2 =	simm.s32 @!p2 $0x50C8;
	s3 =	sand.u32 @!p2 $0x7, s3;
	s9 =	sadd.s32 @!p2 s1, s9  }
.LBB3_16:
0x124: {  	s10 =	smov.u32 s5  }
0x125: {  	[tilespmem:s2], [sflag:$0x2] =	stream.linear.gather @!p2 [hbm4b:s9+s3], $0x40, $0x38;
	[tilespmem:$0x1EF88] =	vst v63  }
0x126: {  	s0 =	sadd.s32 $0x1, s0;
	s3 =	smov.u32 s4;
	v1 =	vld.msk [tilespmem:s31+$0x0], $0x1  }
0x127: {  	p3 =	seq.s32 s0, $0x0;
	_ =	sdelay $0x3  }
0x128: {  	(v2sf) =	vpush v1, $0x0;
	_ =	sdelay $0xe  }
0x129: {  	s4 =	spop (v2sf)  }
0x12a: {  	p2 =	seq.s32 s3, s4  }
0x12b: {  	p4 =	sgt.s32 @!p2 s3, $0x0;
	s2 =	sshll.u32 @!p2 s5, $0x8;
	s5 =	sadd.s32 @!p2 $0x1, s5  }
.Ltmp22:
0x12c: {  	p4 =	por !p4, p2;
	s2 =	sshra.s32 @!p2 s2, $0x2;
	(pc) =	sbr.rel @!p3 .LBB3_16-.Ltmp22, $4  }
0x12d: {  	s5 =	smov.u32 @p2 s10;
	s3 =	simm.s32 @p4 $0x0;
	s2 =	sadd.s32 @!p2 $0x50C8, s2  }
0x12e: {  	s3 =	smin.u32 @!p2 s3, $0x270F8  }
0x12f: {  	s9 =	sand.u32 @!p2 $0x3FFF8, s3;
	s3 =	sand.u32 @!p2 $0x7, s3  }
0x130: {  	s31 =	sadd.s32 $0x1, s31;
	s9 =	sadd.s32 @!p2 s1, s9  }
.LBB3_17:
0x131: {  	[tilespmem:s2], [sflag:$0x2] =	stream.linear.gather @!p2 [hbm4b:s9+s3], $0x40, $0x38;
	[tilespmem:$0x1EF88] =	vst v63  }
.Ltmp23:
0x132: {  	s0 =	sshll.u32 s5, $0x6;
	(pc) =	sbr.rel .LBB3_18-.Ltmp23, $4  }
0x133: {  	s31 =	simm.s32 $0x2;
	s0 =	sand.u32 $0x3FFFFFC0, s0  }
0x134: {  	_ =	swait.ge [sflag:s31], s0  }
0x135: {  	s0 =	ssub.s32 $0x0, s0;
	[sflag:s31] =	ssyncset.done $0x0  }
0x136: {  	[sflag:s31] =	ssyncadd.s32 s0;
	s0 =	simm.s32 $0x0  }
.LBB3_19:
0x137: {  	v1 =	vld [tilespmem:s26+$0xFFFFFFE0];
	_ =	sdelay $0x4  }
0x138: {  	[tilespmem:s4+$0x88] =	vst.add.f32.msk $0xffff, v1  }
0x139: {  	v1 =	vld [tilespmem:s26+$0xFFFFFFF0];
	_ =	sdelay $0x4  }
0x13a: {  	[tilespmem:s4+$0x98] =	vst.add.f32.msk $0xffff, v1  }
0x13b: {  	v1 =	vld [tilespmem:s26+$0x0];
	_ =	sdelay $0x4  }
0x13c: {  	[tilespmem:s4+$0xA8] =	vst.add.f32.msk $0xffff, v1  }
0x13d: {  	v1 =	vld [tilespmem:s26+$0x10];
	_ =	sdelay $0x4  }
0x13e: {  	[tilespmem:s4+$0xB8] =	vst.add.f32.msk $0xffff, v1  }
.LBB3_23:
0x13f: {  	s28 =	sadd.s32 $0x1, s28  }
0x140: {  	p2 =	seq.s32 s28, $0x0  }
.Ltmp24:
0x141: {  	_ = 	snop;
	(pc) =	sbr.rel @p2 .LBB3_24-.Ltmp24, $2  }
0x142: {  	_ =	sdelay $0x2  }
0x143: {  	s26 =	sadd.s32 $0x80, s26;
	s24 =	sadd.s32 $0x1, s24;
	s30 =	smov.u32 s31  }
.LBB3_18:
0x144: {  	v1 =	vld.msk [tilespmem:s24+$0x0], $0x1;
	_ =	sdelay $0x4  }
0x145: {  	(v2sf) =	vpush v1, $0x0;
	_ =	sdelay $0xe  }
0x146: {  	s31 =	spop (v2sf)  }
0x147: {  	p2 =	sne.s32 s30, s31  }
.Ltmp25:
0x148: {  	_ = 	snop;
	(pc) =	sbr.rel @!p2 .LBB3_19-.Ltmp25, $3  }
0x149: {  	_ =	sdelay $0x1  }
0x14a: {  	s2 =	sshll.u32 s23, $0x8  }
0x14b: {  	s4 =	sshra.s32 s2, $0x2  }
0x14c: {  	p2 =	seq.s32 s30, s25  }
.Ltmp26:
0x14d: {  	_ = 	snop;
	(pc) =	sbr.rel @!p2 .LBB3_21-.Ltmp26, $1  }
0x14e: {  	_ =	sdelay $0x3  }
.Ltmp27:
0x14f: {  	s2 =	sadd.s32 $0x88, s4;
	(pc) =	sbr.rel .LBB3_22-.Ltmp27, $4  }
0x150: {  	[spmem:s16] =	stream.linear.scatter [tilespmem:s2], [sflag:$0x1], $0x40, $0x38;
	[tilespmem:$0x1EF88] =	vst v63  }
0x151: {  	_ =	swait.ge [sflag:s12], $0x40  }
0x152: {  	[sflag:s12] =	ssyncset.done $0x0  }
0x153: {  	[sflag:s12] =	ssyncadd.s32 $0xFFFFFFC0  }
.LBB3_21:
0x154: {  	s2 =	sshll.u32 s29, $0x8  }
0x155: {  	s2 =	sshra.s32 s2, $0x2  }
0x156: {  	v1 =	vld [tilespmem:s2+$0x50C8];
	_ =	sdelay $0x4  }
0x157: {  	[tilespmem:s4+$0x88] =	vst.add.f32.msk $0xffff, v1  }
0x158: {  	v1 =	vld [tilespmem:s2+$0x50D8];
	_ =	sdelay $0x4  }
0x159: {  	[tilespmem:s4+$0x98] =	vst.add.f32.msk $0xffff, v1  }
0x15a: {  	v1 =	vld [tilespmem:s2+$0x50E8];
	_ =	sdelay $0x4  }
0x15b: {  	[tilespmem:s4+$0xA8] =	vst.add.f32.msk $0xffff, v1  }
0x15c: {  	v1 =	vld [tilespmem:s2+$0x50F8];
	_ =	sdelay $0x2  }
0x15d: {  	p2 =	sgt.u32 s30, $0x270F8  }
0x15e: {  	s2 =	sand.u32 @!p2 $0x3FFF8, s30  }
0x15f: {  	s3 =	sadd.s32 $0x88, s4;
	s2 =	sadd.s32 @!p2 s1, s2;
	[tilespmem:s4+$0xB8] =	vst.add.f32.msk $0xffff, v1;
	s4 =	sand.u32 @!p2 $0x7, s30  }
0x160: {  	[hbm4b:s2+s4] =	stream.linear.scatter @!p2 [tilespmem:s3], [sflag:$0xC], $0x40, $0x38;
	[tilespmem:$0x1EF88] =	vst v63  }
0x161: {  	s2 =	simm.s32 $0x0  }
0x162: {  	s2 =	simm.s32 @!p2 $0x100  }
0x163: {  	s0 =	sadd.s32 s2, s0  }
.LBB3_22:
0x164: {  	s2 =	sadd.s32 $0x1, s23  }
0x165: {  	s3 =	smulhi.u32 $0xCCCCCCCD, s2;
	_ =	sdelay $0x1  }
0x166: {  	v1 =	vld [tilespmem:s26+$0xFFFFFFE0];
	s3 =	sshrl.u32 s3, $0x8  }
0x167: {  	s3 =	smul.u32 $0x140, s3;
	_ =	sdelay $0x1  }
0x168: {  	s23 =	ssub.s32 s2, s3  }
0x169: {  	s2 =	sshll.u32 s23, $0x6  }
0x16a: {  	[tilespmem:s2+$0x88] =	vst v1  }
0x16b: {  	v1 =	vld [tilespmem:s26+$0xFFFFFFF0];
	_ =	sdelay $0x4  }
0x16c: {  	[tilespmem:s2+$0x98] =	vst v1  }
0x16d: {  	v1 =	vld [tilespmem:s26+$0x0];
	_ =	sdelay $0x4  }
0x16e: {  	[tilespmem:s2+$0xA8] =	vst v1  }
0x16f: {  	v1 =	vld [tilespmem:s26+$0x10]  }
.Ltmp28:
0x170: {  	_ = 	snop;
	(pc) =	sbr.rel .LBB3_23-.Ltmp28, $2  }
0x171: {  	_ =	sdelay $0x2  }
0x172: {  	s29 =	sadd.s32 $0x1, s29;
	[tilespmem:s2+$0xB8] =	vst v1  }
.LBB3_25:
.Ltmp29:
0x173: {  	(pc) =	sbr.rel .LBB3_26-.Ltmp29, $4  }
0x174: {  	_ = 	snop  }
0x175: {  	s0 =	simm.s32 $0x2  }
0x176: {  	_ =	swait.ge [sflag:s0], $0x0  }
0x177: {  	s31 =	smov.u32 s30;
	[sflag:s0] =	ssyncset.done $0x0;
	s0 =	simm.s32 $0x0  }
.LBB3_28:
0x178: {  	_ =	sfence.sel $0x180000  }
0x179: {  	s0 =	simm.s32 $0x9;
	[bflag:$0x0] =	sbarrier.arrive $0xFFFF  }
0x17a: {  	s24 =	simm.s32 $0xA;
	[sflag:s0] =	ssyncpa.u1 $0x1  }
0x17b: {  	s25 =	simm.s32 $0xB;
	[sflag:s24] =	ssyncpa.u1 $0x1  }
0x17c: {  	s26 =	simm.s32 $0x2;
	[sflag:s25] =	ssyncpa.u1 $0x1  }
0x17d: {  	[sflag:s26] =	ssyncpa.u1 $0x1  }
0x17e: {  	v0 =	vld [tilespmem:$0xA108];
	_ =	sdelay $0x4  }
0x17f: {  	(v2sf) =	vpush v0, $0x0  }
0x180: {  	(v2sf) =	vpush v0, $0x1;
	_ =	sdelay $0x1  }
0x181: {  	(v2sf) =	vpush v0, $0x2;
	_ =	sdelay $0xb  }
0x182: {  	s0 =	spop (v2sf)  }
0x183: {  	s2 =	spop (v2sf)  }
0x184: {  	s3 =	smov.u32 s0;
	p0 =	sne.s32 s0, s2  }
0x185: {  	s4 =	spop (v2sf);
	s3 =	simm.s32 @!p0 $0xFFFFFFFF  }
0x186: {  	v2 =	vimm.s32 $0x1;
	v3 =	vlaneseq.u32;
	p0 =	seq.s32 s4, $0xFFFFFFFF;
	v1 =	vmov s3  }
0x187: {  	s15 =	stileid.u32;
	v0 =	vperm.xlane v0, v2;
	p1 =	sne.s32 @!p0 s0, s2;
	v1 =	vperm.xlane v1, v3  }
0x188: {  	vm0 =	vcmask $0x3F04;
	s6 =	simm.s32 $0xA108;
	s0 =	simm.s32 @!p0 $0x1;
	p1 =	por !p1, p0  }
0x189: {  	s3 =	sshll.u32 s15, $0x1;
	s2 =	sshll.u32 @!p0 s4, $0x8;
	s0 =	simm.s32 @p1 $0x0;
	v0 =	vsel vm0, v1, v0  }
0x18a: {  	s5 =	sor.u32 $0x800, s3;
	s2 =	sshra.s32 @!p0 s2, $0x2;
	s0 =	sor.u32 @!p0 s0, s3;
	[tilespmem:$0xA108] =	vst v0  }
0x18b: {  	[spmem:s5] =	stream.linear.scatter [tilespmem:s6], [sflag:$0x1], $0x2, $0x38;
	[tilespmem:$0x1EF88] =	vst v63  }
0x18c: {  	s2 =	sadd.s32 @!p0 $0x88, s2;
	s0 =	sshll.u32 @!p0 s0, $0x6  }
0x18d: {  	[spmem:s0] =	stream.linear.scatter @!p0 [tilespmem:s2], [sflag:$0x1], $0x40, $0x38;
	[tilespmem:$0x1EF88] =	vst v63  }
0x18e: {  	s0 =	simm.s32 @!p0 $0x42  }
0x18f: {  	s28 =	simm.s32 $0x1;
	s0 =	simm.s32 @p0 $0x2  }
0x190: {  	_ =	swait.ge [sflag:s28], s0  }
0x191: {  	s0 =	ssub.s32 $0x0, s0;
	[sflag:s28] =	ssyncset.done $0x0  }
0x192: {  	p0 =	sne.s32 s15, $0x0;
	[sflag:s28] =	ssyncadd.s32 s0  }
.Ltmp30:
0x193: {  	_ =	sfence.stream.spmem;
	(pc) =	sbr.rel @p0 .LBB3_45-.Ltmp30, $4  }
0x194: {  	s29 =	simm.s32 $0x3;
	[bflag:$0x0] =	sbarrier.arrive $0xFFFF  }
0x195: {  	s30 =	simm.s32 $0x4;
	[sflag:s29] =	ssyncpa.u1 $0x1  }
0x196: {  	s31 =	simm.s32 $0x3C;
	[sflag:s30] =	ssyncpa.u1 $0x1  }
0x197: {  	s14 =	rddreg [dreg:$0x4];
	[sflag:s31] =	ssyncpa.u1 $0x1  }
0x198: {  	_ =	sfence.stream.spmem;
	s0 =	simm.s32 $0x5  }
0x199: {  	s2 =	simm.s32 $0x800;
	s3 =	simm.s32 $0xA118;
	[sflag:s0] =	ssyncpa.u1 $0x0  }
0x19a: {  	[tilespmem:s3], [sflag:$0x5] =	stream.linear.gather [spmem:s2], $0x20, $0x38;
	[tilespmem:$0x1EF88] =	vst v63  }
0x19b: {  	s26 =	simm.s32 $0x0;
	s28 =	simm.s32 $0xA138  }
0x19c: {  	[tilespmem:s28], [sflag:$0x5] =	stream.linear.gather [spmem:s26], $0x800, $0x38;
	[tilespmem:$0x1EF88] =	vst v63  }
0x19d: {  	_ =	swait.ge [sflag:s0], $0x820  }
0x19e: {  	[sflag:s0] =	ssyncset.done $0x0  }
0x19f: {  	s29 =	simm.s32 $0x0;
	[sflag:s0] =	ssyncadd.s32 $0xFFFFF7E0  }
0x1a0: {  	v0 =	vld.msk [tilespmem:s29+$0xA118], $0x1;
	_ =	sdelay $0x1  }
0x1a1: {  	s30 =	simm.s32 $0x1  }
0x1a2: {  	v1 =	vld.msk [tilespmem:s30+$0xA118], $0x1;
	_ =	sdelay $0x1  }
0x1a3: {  	(v2sf) =	vpush v0, $0x0;
	_ =	sdelay $0x2  }
0x1a4: {  	(v2sf) =	vpush v1, $0x0;
	_ =	sdelay $0x2  }
0x1a5: {  	s31 =	simm.s32 $0x2  }
0x1a6: {  	v0 =	vld.msk [tilespmem:s31+$0xA118], $0x1;
	_ =	sdelay $0x2  }
0x1a7: {  	s4 =	simm.s32 $0xFFFFFFFF;
	s2 =	simm.s32 $0xFFFFFFFF;
	s0 =	simm.s32 $0xC  }
.LBB3_30:
0x1a8: {  	s3 =	smov.u32 s4;
	s5 =	smov.u32 s2  }
0x1a9: {  	s2 =	sshra.s32 s0, $0x2;
	p1 =	sne.s32 s0, $0x7C;
	s0 =	sadd.s32 $0x4, s0;
	(v2sf) =	vpush v0, $0x0  }
0x1aa: {  	v0 =	vld.msk [tilespmem:s2+$0xA118], $0x1  }
.Ltmp31:
0x1ab: {  	(pc) =	sbr.rel @p1 .LBB3_30-.Ltmp31, $4  }
0x1ac: {  	s4 =	spop (v2sf)  }
0x1ad: {  	p2 =	sne.s32 s5, $0xFFFFFFFF;
	s2 =	smov.u32 s4  }
0x1ae: {  	p3 =	seq.s32 s4, $0xFFFFFFFF;
	s2 =	smov.u32 @p2 s5  }
0x1af: {  	s4 =	smov.u32 @p3 s3;
	s2 =	smov.u32 @p3 s5  }
0x1b0: {  	(v2sf) =	vpush v0, $0x0;
	_ =	sdelay $0x8  }
0x1b1: {  	s0 =	spop (v2sf)  }
0x1b2: {  	p1 =	sne.s32 s2, $0xFFFFFFFF;
	s3 =	smov.u32 s0  }
0x1b3: {  	s9 =	simm.s32 $0x6;
	p2 =	seq.s32 s0, $0xFFFFFFFF;
	s3 =	smov.u32 @p1 s2  }
0x1b4: {  	s6 =	simm.s32 $0x0;
	s3 =	smov.u32 @p2 s2;
	s2 =	spop (v2sf)  }
0x1b5: {  	s0 =	smov.u32 @p2 s4;
	p1 =	sne.s32 s3, $0xFFFFFFFF;
	s5 =	smov.u32 s2  }
.Ltmp32:
0x1b6: {  	p2 =	seq.s32 s2, $0xFFFFFFFF;
	s5 =	smov.u32 @p1 s3;
	(pc) =	sbr.rel .LBB3_32-.Ltmp32, $4  }
0x1b7: {  	s10 =	simm.s32 $0xA0C8;
	s5 =	smov.u32 @p2 s3;
	s7 =	spop (v2sf)  }
0x1b8: {  	s11 =	simm.s32 $0x0;
	p1 =	sne.s32 s5, $0xFFFFFFFF;
	s8 =	smov.u32 s7  }
0x1b9: {  	s2 =	smov.u32 @p2 s0;
	p2 =	seq.s32 s7, $0xFFFFFFFF;
	s8 =	smov.u32 @p1 s5  }
0x1ba: {  	[sflag:s9] =	ssyncpa.u1 $0x0;
	s7 =	smov.u32 @p2 s2;
	s8 =	smov.u32 @p2 s5  }
.LBB3_38:
0x1bb: {  	p1 =	sgt.u32 s12, $0x270F8  }
0x1bc: {  	p2 =	seq.s32 @!p1 s12, s8  }
0x1bd: {  	p1 =	por p1, p2  }
0x1be: {  	p2 =	sne.s32 @!p1 s12, s7  }
0x1bf: {  	p1 =	por p1, !p2  }
0x1c0: {  	s0 =	sshll.u32 @p1 s11, $0x8  }
0x1c1: {  	s0 =	sand.u32 @!p1 $0x3FFF8, s12  }
0x1c2: {  	s2 =	sand.u32 @!p1 $0x7, s12;
	s0 =	sadd.s32 @!p1 s1, s0  }
0x1c3: {  	[tilespmem:s10], [sflag:$0x6] =	stream.linear.gather @!p1 [hbm4b:s0+s2], $0x40, $0x38;
	[tilespmem:$0x1EF88] =	vst v63  }
0x1c4: {  	_ =	swait.ge @!p1 [sflag:s9], $0x40  }
0x1c5: {  	[sflag:s9] =	ssyncset.done @!p1 $0x0  }
0x1c6: {  	[sflag:s9] =	ssyncadd.s32 @!p1 $0xFFFFFFC0  }
0x1c7: {  	v1 =	vld @!p1 [tilespmem:$0xA0C8];
	_ =	sdelay $0x2  }
0x1c8: {  	s0 =	sshll.u32 @!p1 s11, $0x8  }
0x1c9: {  	s2 =	sshrl.u32 @!p1 s0, $0x2  }
0x1ca: {  	[tilespmem:s2+$0xA138] =	vst.add.f32.msk @!p1 $0xffff, v1  }
0x1cb: {  	v1 =	vld @!p1 [tilespmem:$0xA0D8];
	_ =	sdelay $0x4  }
0x1cc: {  	[tilespmem:s2+$0xA148] =	vst.add.f32.msk @!p1 $0xffff, v1  }
0x1cd: {  	v1 =	vld @!p1 [tilespmem:$0xA0E8];
	_ =	sdelay $0x4  }
0x1ce: {  	[tilespmem:s2+$0xA158] =	vst.add.f32.msk @!p1 $0xffff, v1  }
0x1cf: {  	v1 =	vld @!p1 [tilespmem:$0xA0F8];
	_ =	sdelay $0x4  }
0x1d0: {  	[tilespmem:s2+$0xA168] =	vst.add.f32.msk @!p1 $0xffff, v1  }
0x1d1: {  	s0 =	sshrl.u32 s0, $0x2;
	[tilespmem:s6+$0xA118] =	vst.msk $0x1, v0  }
0x1d2: {  	v0 =	vld [tilespmem:s0+$0xA138];
	_ =	sdelay $0x2  }
0x1d3: {  	s31 =	sshll.u32 s6, $0x8  }
0x1d4: {  	s2 =	sshra.s32 s31, $0x2  }
0x1d5: {  	[tilespmem:s2+$0xA138] =	vst v0  }
0x1d6: {  	v0 =	vld [tilespmem:s0+$0xA148];
	_ =	sdelay $0x4  }
0x1d7: {  	[tilespmem:s2+$0xA148] =	vst v0  }
0x1d8: {  	v0 =	vld [tilespmem:s0+$0xA158];
	_ =	sdelay $0x4  }
0x1d9: {  	[tilespmem:s2+$0xA158] =	vst v0  }
0x1da: {  	v0 =	vld [tilespmem:s0+$0xA168];
	_ =	sdelay $0x4  }
0x1db: {  	s6 =	sadd.s32 $0x1, s6;
	[tilespmem:s2+$0xA168] =	vst v0  }
.LBB3_39:
0x1dc: {  	s11 =	sadd.s32 $0x1, s11  }
0x1dd: {  	p1 =	sne.s32 s11, $0x20  }
.Ltmp33:
0x1de: {  	_ = 	snop;
	(pc) =	sbr.rel @!p1 .LBB3_40-.Ltmp33, $1  }
0x1df: {  	_ =	sdelay $0x3  }
.LBB3_32:
0x1e0: {  	v0 =	vld.msk [tilespmem:s11+$0xA118], $0x1;
	_ =	sdelay $0x4  }
0x1e1: {  	(v2sf) =	vpush v0, $0x0;
	_ =	sdelay $0xe  }
0x1e2: {  	s12 =	spop (v2sf)  }
0x1e3: {  	p1 =	seq.s32 s12, $0xFFFFFFFF  }
.Ltmp34:
0x1e4: {  	_ = 	snop;
	(pc) =	sbr.rel @p1 .LBB3_39-.Ltmp34, $1  }
0x1e5: {  	_ =	sdelay $0x3  }
0x1e6: {  	p1 =	slt.s32 s6, $0x1  }
.Ltmp35:
0x1e7: {  	_ = 	snop;
	(pc) =	sbr.rel @p1 .LBB3_38-.Ltmp35, $1  }
0x1e8: {  	_ =	sdelay $0x3  }
0x1e9: {  	s0 =	simm.s32 $0xA118;
	p1 =	por $0x0, $0x0  }
0x1ea: {  	v1 =	vld.msk @!p1 [tilespmem:s0+$0x0], $0x1;
	_ =	sdelay $0x4  }
0x1eb: {  	(v2sf) =	vpush @!p1 v1, $0x0;
	_ =	sdelay $0xd  }
0x1ec: {  	p3 =	sne.s32 s6, $0x1  }
.Ltmp36:
0x1ed: {  	s2 =	spop @!p1 (v2sf);
	(pc) =	sbr.rel @!p3 .LBB3_36-.Ltmp36, $4  }
0x1ee: {  	p2 =	seq.s32 @!p1 s12, s2  }
0x1ef: {  	s13 =	simm.s32 $0x0;
	p2 =	por !p2, p1  }
0x1f0: {  	s2 =	simm.s32 $0xFFFFFFFF;
	s13 =	simm.s32 @p2 $0xFFFFFFFF  }
0x1f1: {  	s4 =	simm.s32 $0x1;
	s13 =	smov.u32 @p1 s2  }
.LBB3_35:
0x1f2: {  	s2 =	smov.u32 s13;
	p1 =	sne.s32 s13, $0xFFFFFFFF  }
0x1f3: {  	s0 =	sadd.s32 $0x1, s0;
	s13 =	smov.u32 s4;
	s4 =	sadd.s32 $0x1, s4  }
0x1f4: {  	p2 =	sne.s32 s6, s4;
	v1 =	vld.msk @!p1 [tilespmem:s0+$0x0], $0x1;
	_ =	sdelay $0x4  }
0x1f5: {  	(v2sf) =	vpush @!p1 v1, $0x0;
	_ =	sdelay $0xe  }
.Ltmp37:
0x1f6: {  	s3 =	spop @!p1 (v2sf);
	(pc) =	sbr.rel @p2 .LBB3_35-.Ltmp37, $4  }
0x1f7: {  	p3 =	seq.s32 @!p1 s12, s3  }
0x1f8: {  	p3 =	por !p3, p1  }
0x1f9: {  	s13 =	simm.s32 @p3 $0xFFFFFFFF  }
0x1fa: {  	s13 =	smov.u32 @p1 s2  }
.LBB3_36:
0x1fb: {  	p1 =	seq.s32 s13, $0xFFFFFFFF  }
.Ltmp38:
0x1fc: {  	_ = 	snop;
	(pc) =	sbr.rel @p1 .LBB3_38-.Ltmp38, $1  }
0x1fd: {  	_ =	sdelay $0x3  }
0x1fe: {  	s0 =	sshll.u32 s11, $0x6  }
0x1ff: {  	s0 =	sand.u32 $0x3FFFFFC0, s0  }
0x200: {  	v0 =	vld [tilespmem:s0+$0xA138];
	_ =	sdelay $0x2  }
0x201: {  	s2 =	sshll.u32 s13, $0x8  }
0x202: {  	s2 =	sshra.s32 s2, $0x2  }
0x203: {  	[tilespmem:s2+$0xA138] =	vst.add.f32.msk $0xffff, v0  }
0x204: {  	v0 =	vld [tilespmem:s0+$0xA148];
	_ =	sdelay $0x4  }
0x205: {  	[tilespmem:s2+$0xA148] =	vst.add.f32.msk $0xffff, v0  }
0x206: {  	v0 =	vld [tilespmem:s0+$0xA158];
	_ =	sdelay $0x4  }
0x207: {  	[tilespmem:s2+$0xA158] =	vst.add.f32.msk $0xffff, v0  }
0x208: {  	v0 =	vld [tilespmem:s0+$0xA168]  }
.Ltmp39:
0x209: {  	_ = 	snop;
	(pc) =	sbr.rel .LBB3_39-.Ltmp39, $2  }
0x20a: {  	_ =	sdelay $0x2  }
0x20b: {  	[tilespmem:s2+$0xA168] =	vst.add.f32.msk $0xffff, v0  }
.LBB3_40:
0x20c: {  	s0 =	simm.s32 $0x6;
	p1 =	seq.s32 s6, $0x0  }
0x20d: {  	[sflag:s0] =	ssyncpa.u1 $0x1;
	v0 =	vimm.s32 @p1 $0xFFFFFFFF  }
0x20e: {  	s0 =	sadd.s32 $0xFFFFFFFF, s6;
	[tilespmem:$0xA938] =	vst @p1 v0  }
0x20f: {  	v0 =	vld.msk @!p1 [tilespmem:s0+$0xA118], $0x1;
	_ =	sdelay $0x1  }
0x210: {  	v1 =	vld.msk @!p1 [tilespmem:$0xA118], $0x1;
	_ =	sdelay $0x2  }
0x211: {  	p2 =	seq.s32 @!p1 s0, $0x0;
	v0 =	vbroadcast @!p1 v0, $0x0  }
0x212: {  	vm0 =	vmmov @!p1 $0x1;
	p2 =	por !p2, p1  }
0x213: {  	v1 =	vnsel @!p1 vm0, $0xFFFFFFFF, v1;
	vm0 =	vcmask @!p1 $0x308;
	v0 =	vpsel !p2, $0xFFFFFFFF, v0  }
0x214: {  	p2 =	sne.s32 @!p1 s8, s7;
	v0 =	vsel @!p1 vm0, v1, v0  }
0x215: {  	s2 =	simm.s32 @!p1 $0xA138;
	s3 =	simm.s32 @!p1 $0x0;
	p3 =	por !p2, p1;
	[tilespmem:$0xA938] =	vst @!p1 v0  }
0x216: {  	[spmem:s3] =	stream.linear.scatter @!p1 [tilespmem:s2], [sflag:$0x1], $0x40, $0x38;
	[tilespmem:$0x1EF88] =	vst v63  }
0x217: {  	s2 =	sshll.u32 @!p3 s0, $0x8  }
0x218: {  	s2 =	sshra.s32 @!p3 s2, $0x2  }
0x219: {  	s3 =	simm.s32 @!p3 $0x40;
	s2 =	sadd.s32 @!p3 $0xA138, s2  }
0x21a: {  	[spmem:s3] =	stream.linear.scatter @!p3 [tilespmem:s2], [sflag:$0x1], $0x40, $0x38;
	[tilespmem:$0x1EF88] =	vst v63  }
0x21b: {  	s2 =	simm.s32 @!p3 $0x1  }
0x21c: {  	_ =	swait.ge @!p3 [sflag:s2], $0x80  }
0x21d: {  	p1 =	por p2, p1;
	[sflag:s2] =	ssyncset.done @!p3 $0x0  }
0x21e: {  	[sflag:s2] =	ssyncadd.s32 @!p3 $0xFFFFFF80;
	s2 =	simm.s32 @!p1 $0x1  }
0x21f: {  	_ =	swait.ge @!p1 [sflag:s2], $0x40  }
0x220: {  	s29 =	simm.s32 $0xA938;
	[sflag:s2] =	ssyncset.done @!p1 $0x0  }
0x221: {  	s30 =	simm.s32 $0x800;
	s31 =	simm.s32 $0x1;
	[sflag:s2] =	ssyncadd.s32 @!p1 $0xFFFFFFC0  }
0x222: {  	[spmem:s30] =	stream.linear.scatter [tilespmem:s29], [sflag:$0x1], $0x10, $0x38;
	[tilespmem:$0x1EF88] =	vst v63  }
0x223: {  	_ =	swait.ge [sflag:s31], $0x10  }
0x224: {  	[sflag:s31] =	ssyncset.done $0x0  }
0x225: {  	p1 =	seq.s32 s14, $0x0;
	s9 =	rddreg [dreg:$0x1];
	[sflag:s31] =	ssyncadd.s32 $0xFFFFFFF0  }
0x226: {  	s3 =	sshll.u32 @p1 s9, $0xE;
	s8 =	rddreg [dreg:$0x2]  }
0x227: {  	s2 =	sadd.s32 @p1 $0x15C3C, s3;
	s3 =	sshll.u32 @p1 s8, $0x11  }
0x228: {  	_ =	sfence.stream.spmem;
	s2 =	sor.u32 @p1 s3, s2  }
0x229: {  	[sflag:s2] =	ssyncadd.remote.s32 @p1 $0x1;
	s2 =	simm.s32 @p1 $0x4  }
0x22a: {  	s4 =	simm.s32 @!p1 $0x3C;
	s3 =	sand.u32 $0xFFFFFFFE, s9;
	_ =	swait.ge @p1 [sflag:s2], $0x12  }
0x22b: {  	s5 =	simm.s32 @!p1 $0x0;
	s3 =	sadd.s32 @!p1 $0x4, s3;
	[sflag:s2] =	ssyncset.done @p1 $0x0  }
0x22c: {  	s7 =	simm.s32 @!p1 $0x80;
	[sflag:s2] =	ssyncadd.s32 @p1 $0xFFFFFFEE;
	s2 =	sshll.u32 @!p1 s3, $0x1A  }
0x22d: {  	s3 =	sshll.u32 @!p1 s3, $0xD;
	s2 =	sor.u32 @!p1 s2, s8;
	_ =	swait.eq @!p1 [sflag:s4], $0x1  }
0x22e: {  	s3 =	sor.u32 @!p1 $0x1C04, s3;
	s4 =	simm.s32 @!p1 $0x1C03;
	s2 =	sor.u32 @!p1 $0x80004000, s2  }
0x22f: {  	[spmem:s7], [sflag:s3] =	dma.general @!p1 [spmem:s5], [sflag:s4], length:$0x10, [dreg:$0x0], stride_count:$0x0, ici_dest:s2, dma_misc:DstOpCode:WRITE  }
0x230: {  	p2 =	slt.s32 s0, $0x2;
	s5 =	simm.s32 @!p1 $0x100;
	s7 =	simm.s32 @!p1 $0x102  }
0x231: {  	[spmem:s7], [sflag:s3] =	dma.general @!p1 [spmem:s5], [sflag:s4], length:$0x2, [dreg:$0x0], stride_count:$0x0, ici_dest:s2, dma_misc:DstOpCode:WRITE  }
.Ltmp40:
0x232: {  	s2 =	simm.s32 @!p1 $0x3;
	(pc) =	sbr.rel @p2 .LBB3_44-.Ltmp40, $4  }
0x233: {  	s3 =	sshll.u32 @!p1 s9, $0xE;
	_ =	swait.ge @!p1 [sflag:s2], $0x12  }
0x234: {  	s4 =	sshll.u32 @!p1 s8, $0x11;
	s3 =	sadd.s32 @!p1 $0x11C3C, s3;
	[sflag:s2] =	ssyncset.done @!p1 $0x0  }
0x235: {  	[sflag:s2] =	ssyncadd.s32 @!p1 $0xFFFFFFEE;
	s2 =	sor.u32 @!p1 s4, s3  }
0x236: {  	s0 =	simm.s32 $0x0;
	[sflag:s2] =	ssyncadd.remote.s32 @!p1 $0xFFFFFFFF  }
0x237: {  	s0 =	simm.s32 $0xA119  }
0x238: {  	v0 =	vld.msk [tilespmem:s0+$0x0], $0x1;
	_ =	sdelay $0x4  }
0x239: {  	(v2sf) =	vpush v0, $0x0;
	_ =	sdelay $0xd  }
0x23a: {  	s3 =	sadd.s32 $0xFFFFFFFE, s6  }
0x23b: {  	s4 =	sadd.s32 $0xFFFFFFFF, s3;
	s2 =	spop (v2sf)  }
0x23c: {  	p2 =	sne.s32 s4, $0x0;
	p1 =	sgt.u32 s2, $0x270F8  }
.Ltmp41:
0x23d: {  	s5 =	sand.u32 @!p1 $0x3FFF8, s2;
	(pc) =	sbr.rel @!p2 .LBB3_43-.Ltmp41, $4  }
0x23e: {  	s0 =	simm.s32 $0xA178;
	s2 =	sand.u32 @!p1 $0x7, s2;
	s3 =	sadd.s32 @!p1 s1, s5  }
0x23f: {  	[hbm4b:s3+s2] =	stream.linear.scatter @!p1 [tilespmem:s0], [sflag:$0x5], $0x40, $0x38;
	[tilespmem:$0x1EF88] =	vst v63  }
0x240: {  	s2 =	simm.s32 $0x0  }
0x241: {  	s6 =	simm.s32 $0xA11A;
	s5 =	simm.s32 $0x0;
	s2 =	simm.s32 @!p1 $0x100  }
.LBB3_42:
0x242: {  	v0 =	vld.msk [tilespmem:s6+$0x0], $0x1;
	s4 =	sadd.s32 $0xFFFFFFFF, s4;
	s5 =	sadd.s32 s5, s2  }
0x243: {  	p1 =	sne.s32 s4, $0x0;
	_ =	sdelay $0x3  }
0x244: {  	(v2sf) =	vpush v0, $0x0;
	_ =	sdelay $0xe  }
.Ltmp42:
0x245: {  	s3 =	spop (v2sf);
	(pc) =	sbr.rel @p1 .LBB3_42-.Ltmp42, $4  }
0x246: {  	s2 =	simm.s32 $0x0;
	p2 =	sgt.u32 s3, $0x270F8  }
0x247: {  	s0 =	sadd.s32 $0x40, s0;
	s2 =	simm.s32 @!p2 $0x100;
	s7 =	sand.u32 @!p2 $0x3FFF8, s3  }
0x248: {  	s6 =	sadd.s32 $0x1, s6;
	s3 =	sand.u32 @!p2 $0x7, s3;
	s7 =	sadd.s32 @!p2 s1, s7  }
0x249: {  	[hbm4b:s7+s3] =	stream.linear.scatter @!p2 [tilespmem:s0], [sflag:$0x5], $0x40, $0x38;
	[tilespmem:$0x1EF88] =	vst v63  }
.LBB3_43:
0x24a: {  	s0 =	sadd.s32 s5, s2  }
0x24b: {  	s0 =	sshrl.u32 s0, $0x2  }
.LBB3_44:
0x24c: {  	s2 =	simm.s32 $0x5  }
0x24d: {  	_ =	swait.ge [sflag:s2], s0  }
0x24e: {  	s31 =	ssub.s32 $0x0, s0;
	[sflag:s2] =	ssyncset.done $0x0  }
0x24f: {  	[sflag:s2] =	ssyncadd.s32 s31  }
0x250: {  	[sflag:s2] =	ssyncpa.u1 $0x1  }
.LBB3_45:
0x251: {  	s0 =	sor.u32 s14, s15  }
0x252: {  	p1 =	sne.s32 s0, $0x0  }
.Ltmp43:
0x253: {  	_ = 	snop;
	(pc) =	sbr.rel @p1 .LBB3_60-.Ltmp43, $3  }
0x254: {  	_ =	sdelay $0x1  }
0x255: {  	[bflag:$0x0] =	sbarrier.arrive $0xFFFF  }
0x256: {  	_ =	sfence  }
0x257: {  	s0 =	simm.s32 $0x7  }
0x258: {  	s2 =	simm.s32 $0x800;
	s3 =	simm.s32 $0xA118;
	[sflag:s0] =	ssyncpa.u1 $0x0  }
0x259: {  	[tilespmem:s3], [sflag:$0x7] =	stream.linear.gather [spmem:s2], $0x20, $0x38;
	[tilespmem:$0x1EF88] =	vst v63  }
0x25a: {  	s30 =	simm.s32 $0xA138;
	s2 =	simm.s32 $0x0  }
0x25b: {  	[tilespmem:s30], [sflag:$0x7] =	stream.linear.gather [spmem:s2], $0x800, $0x38;
	[tilespmem:$0x1EF88] =	vst v63  }
.Ltmp44:
0x25c: {  	_ = 	snop;
	(pc) =	sbr.rel .LBB3_47-.Ltmp44, $4  }
0x25d: {  	_ =	swait.ge [sflag:s0], $0x820  }
0x25e: {  	[sflag:s0] =	ssyncset.done $0x0  }
0x25f: {  	s31 =	simm.s32 $0x8;
	[sflag:s0] =	ssyncadd.s32 $0xFFFFF7E0  }
0x260: {  	s3 =	simm.s32 $0x0;
	[sflag:s31] =	ssyncpa.u1 $0x0  }
.LBB3_53:
0x261: {  	p1 =	slt.u32 s0, $0x270F9  }
0x262: {  	s4 =	sand.u32 @p1 $0x3FFF8, s0  }
0x263: {  	s0 =	sand.u32 @p1 $0x7, s0;
	s5 =	simm.s32 @p1 $0xA0C8;
	s4 =	sadd.s32 @p1 s1, s4  }
0x264: {  	[tilespmem:s5], [sflag:$0x8] =	stream.linear.gather @p1 [hbm4b:s4+s0], $0x40, $0x38;
	[tilespmem:$0x1EF88] =	vst v63  }
0x265: {  	s0 =	simm.s32 @p1 $0x8  }
0x266: {  	_ =	swait.ge @p1 [sflag:s0], $0x40  }
0x267: {  	[sflag:s0] =	ssyncset.done @p1 $0x0  }
0x268: {  	[sflag:s0] =	ssyncadd.s32 @p1 $0xFFFFFFC0  }
0x269: {  	v1 =	vld @p1 [tilespmem:$0xA0C8];
	_ =	sdelay $0x2  }
0x26a: {  	s0 =	sshll.u32 @p1 s3, $0x8  }
0x26b: {  	s4 =	sshrl.u32 @p1 s0, $0x2  }
0x26c: {  	[tilespmem:s4+$0xA138] =	vst.add.f32.msk @p1 $0xffff, v1  }
0x26d: {  	v1 =	vld @p1 [tilespmem:$0xA0D8];
	_ =	sdelay $0x4  }
0x26e: {  	[tilespmem:s4+$0xA148] =	vst.add.f32.msk @p1 $0xffff, v1  }
0x26f: {  	v1 =	vld @p1 [tilespmem:$0xA0E8];
	_ =	sdelay $0x4  }
0x270: {  	[tilespmem:s4+$0xA158] =	vst.add.f32.msk @p1 $0xffff, v1  }
0x271: {  	v1 =	vld @p1 [tilespmem:$0xA0F8];
	_ =	sdelay $0x3  }
0x272: {  	s5 =	sshll.u32 @!p1 s3, $0x8  }
0x273: {  	s5 =	smov.u32 @p1 s0;
	[tilespmem:s4+$0xA168] =	vst.add.f32.msk @p1 $0xffff, v1  }
0x274: {  	s0 =	sshrl.u32 s5, $0x2;
	[tilespmem:s2+$0xA118] =	vst.msk $0x1, v0  }
0x275: {  	v0 =	vld [tilespmem:s0+$0xA138];
	_ =	sdelay $0x2  }
0x276: {  	s31 =	sshll.u32 s2, $0x8  }
0x277: {  	s4 =	sshra.s32 s31, $0x2  }
0x278: {  	[tilespmem:s4+$0xA138] =	vst v0  }
0x279: {  	v0 =	vld [tilespmem:s0+$0xA148];
	_ =	sdelay $0x4  }
0x27a: {  	[tilespmem:s4+$0xA148] =	vst v0  }
0x27b: {  	v0 =	vld [tilespmem:s0+$0xA158];
	_ =	sdelay $0x4  }
0x27c: {  	[tilespmem:s4+$0xA158] =	vst v0  }
0x27d: {  	v0 =	vld [tilespmem:s0+$0xA168];
	_ =	sdelay $0x4  }
0x27e: {  	s2 =	sadd.s32 $0x1, s2;
	[tilespmem:s4+$0xA168] =	vst v0  }
.LBB3_54:
0x27f: {  	s3 =	sadd.s32 $0x1, s3  }
0x280: {  	p1 =	sne.s32 s3, $0x20  }
.Ltmp45:
0x281: {  	_ = 	snop;
	(pc) =	sbr.rel @!p1 .LBB3_55-.Ltmp45, $1  }
0x282: {  	_ =	sdelay $0x3  }
.LBB3_47:
0x283: {  	v0 =	vld.msk [tilespmem:s3+$0xA118], $0x1;
	_ =	sdelay $0x4  }
0x284: {  	(v2sf) =	vpush v0, $0x0;
	_ =	sdelay $0xe  }
0x285: {  	s0 =	spop (v2sf)  }
0x286: {  	p1 =	seq.s32 s0, $0xFFFFFFFF  }
.Ltmp46:
0x287: {  	_ = 	snop;
	(pc) =	sbr.rel @p1 .LBB3_54-.Ltmp46, $1  }
0x288: {  	_ =	sdelay $0x3  }
0x289: {  	p1 =	slt.s32 s2, $0x1  }
.Ltmp47:
0x28a: {  	_ = 	snop;
	(pc) =	sbr.rel @p1 .LBB3_53-.Ltmp47, $1  }
0x28b: {  	_ =	sdelay $0x3  }
0x28c: {  	s4 =	simm.s32 $0xA118;
	p1 =	por $0x0, $0x0  }
0x28d: {  	v1 =	vld.msk @!p1 [tilespmem:s4+$0x0], $0x1;
	_ =	sdelay $0x4  }
0x28e: {  	(v2sf) =	vpush @!p1 v1, $0x0;
	_ =	sdelay $0xd  }
0x28f: {  	p3 =	sne.s32 s2, $0x1  }
.Ltmp48:
0x290: {  	s5 =	spop @!p1 (v2sf);
	(pc) =	sbr.rel @!p3 .LBB3_51-.Ltmp48, $4  }
0x291: {  	p2 =	seq.s32 @!p1 s0, s5  }
0x292: {  	s5 =	simm.s32 $0x0;
	p2 =	por !p2, p1  }
0x293: {  	s7 =	simm.s32 $0xFFFFFFFF;
	s5 =	simm.s32 @p2 $0xFFFFFFFF  }
0x294: {  	s6 =	simm.s32 $0x1;
	s5 =	smov.u32 @p1 s7  }
.LBB3_50:
0x295: {  	s7 =	smov.u32 s5;
	p1 =	sne.s32 s5, $0xFFFFFFFF  }
0x296: {  	s4 =	sadd.s32 $0x1, s4;
	s5 =	smov.u32 s6;
	s6 =	sadd.s32 $0x1, s6  }
0x297: {  	p2 =	sne.s32 s2, s6;
	v1 =	vld.msk @!p1 [tilespmem:s4+$0x0], $0x1;
	_ =	sdelay $0x4  }
0x298: {  	(v2sf) =	vpush @!p1 v1, $0x0;
	_ =	sdelay $0xe  }
.Ltmp49:
0x299: {  	s8 =	spop @!p1 (v2sf);
	(pc) =	sbr.rel @p2 .LBB3_50-.Ltmp49, $4  }
0x29a: {  	p3 =	seq.s32 @!p1 s0, s8  }
0x29b: {  	p3 =	por !p3, p1  }
0x29c: {  	s5 =	simm.s32 @p3 $0xFFFFFFFF  }
0x29d: {  	s5 =	smov.u32 @p1 s7  }
.LBB3_51:
0x29e: {  	p1 =	seq.s32 s5, $0xFFFFFFFF  }
.Ltmp50:
0x29f: {  	_ = 	snop;
	(pc) =	sbr.rel @p1 .LBB3_53-.Ltmp50, $1  }
0x2a0: {  	_ =	sdelay $0x3  }
0x2a1: {  	s0 =	sshll.u32 s3, $0x6  }
0x2a2: {  	s0 =	sand.u32 $0x3FFFFFC0, s0  }
0x2a3: {  	v0 =	vld [tilespmem:s0+$0xA138];
	_ =	sdelay $0x2  }
0x2a4: {  	s4 =	sshll.u32 s5, $0x8  }
0x2a5: {  	s4 =	sshra.s32 s4, $0x2  }
0x2a6: {  	[tilespmem:s4+$0xA138] =	vst.add.f32.msk $0xffff, v0  }
0x2a7: {  	v0 =	vld [tilespmem:s0+$0xA148];
	_ =	sdelay $0x4  }
0x2a8: {  	[tilespmem:s4+$0xA148] =	vst.add.f32.msk $0xffff, v0  }
0x2a9: {  	v0 =	vld [tilespmem:s0+$0xA158];
	_ =	sdelay $0x4  }
0x2aa: {  	[tilespmem:s4+$0xA158] =	vst.add.f32.msk $0xffff, v0  }
0x2ab: {  	v0 =	vld [tilespmem:s0+$0xA168]  }
.Ltmp51:
0x2ac: {  	_ = 	snop;
	(pc) =	sbr.rel .LBB3_54-.Ltmp51, $2  }
0x2ad: {  	_ =	sdelay $0x2  }
0x2ae: {  	[tilespmem:s4+$0xA168] =	vst.add.f32.msk $0xffff, v0  }
.LBB3_55:
0x2af: {  	p1 =	slt.s32 s2, $0x1  }
.Ltmp52:
0x2b0: {  	_ = 	snop;
	(pc) =	sbr.rel @p1 .LBB3_59-.Ltmp52, $3  }
0x2b1: {  	_ =	sdelay $0x1  }
0x2b2: {  	s0 =	simm.s32 $0x8  }
0x2b3: {  	[sflag:s0] =	ssyncpa.u1 $0x1;
	s0 =	simm.s32 $0x0  }
0x2b4: {  	s3 =	simm.s32 $0xA118  }
0x2b5: {  	v0 =	vld.msk [tilespmem:s3+$0x0], $0x1;
	_ =	sdelay $0x4  }
0x2b6: {  	(v2sf) =	vpush v0, $0x0;
	_ =	sdelay $0xe  }
0x2b7: {  	s2 =	sadd.s32 $0xFFFFFFFF, s2;
	s4 =	spop (v2sf)  }
0x2b8: {  	p2 =	sne.s32 s2, $0x0;
	p1 =	sgt.u32 s4, $0x270F8  }
.Ltmp53:
0x2b9: {  	s5 =	sand.u32 @!p1 $0x3FFF8, s4;
	(pc) =	sbr.rel @!p2 .LBB3_58-.Ltmp53, $4  }
0x2ba: {  	s3 =	simm.s32 $0xA138;
	s4 =	sand.u32 @!p1 $0x7, s4;
	s5 =	sadd.s32 @!p1 s1, s5  }
0x2bb: {  	[hbm4b:s5+s4] =	stream.linear.scatter @!p1 [tilespmem:s3], [sflag:$0x7], $0x40, $0x38;
	[tilespmem:$0x1EF88] =	vst v63  }
0x2bc: {  	s5 =	simm.s32 $0x0  }
0x2bd: {  	s4 =	simm.s32 $0xA119;
	s5 =	simm.s32 @!p1 $0x100  }
.LBB3_57:
0x2be: {  	v0 =	vld.msk [tilespmem:s4+$0x0], $0x1;
	s2 =	sadd.s32 $0xFFFFFFFF, s2;
	s0 =	sadd.s32 s0, s5  }
0x2bf: {  	p1 =	sne.s32 s2, $0x0;
	_ =	sdelay $0x3  }
0x2c0: {  	(v2sf) =	vpush v0, $0x0;
	_ =	sdelay $0xe  }
.Ltmp54:
0x2c1: {  	s6 =	spop (v2sf);
	(pc) =	sbr.rel @p1 .LBB3_57-.Ltmp54, $4  }
0x2c2: {  	s5 =	simm.s32 $0x0;
	p2 =	sgt.u32 s6, $0x270F8  }
0x2c3: {  	s3 =	sadd.s32 $0x40, s3;
	s5 =	simm.s32 @!p2 $0x100;
	s7 =	sand.u32 @!p2 $0x3FFF8, s6  }
0x2c4: {  	s4 =	sadd.s32 $0x1, s4;
	s6 =	sand.u32 @!p2 $0x7, s6;
	s7 =	sadd.s32 @!p2 s1, s7  }
0x2c5: {  	[hbm4b:s7+s6] =	stream.linear.scatter @!p2 [tilespmem:s3], [sflag:$0x7], $0x40, $0x38;
	[tilespmem:$0x1EF88] =	vst v63  }
.LBB3_58:
0x2c6: {  	s0 =	sadd.s32 s0, s5  }
0x2c7: {  	s0 =	sshrl.u32 s0, $0x2  }
.LBB3_59:
0x2c8: {  	s1 =	simm.s32 $0x7  }
0x2c9: {  	_ =	swait.ge [sflag:s1], s0  }
0x2ca: {  	s31 =	ssub.s32 $0x0, s0;
	[sflag:s1] =	ssyncset.done $0x0  }
0x2cb: {  	[sflag:s1] =	ssyncadd.s32 s31  }
0x2cc: {  	[sflag:s1] =	ssyncpa.u1 $0x1  }
.LBB3_60:
0x2cd: {  	_ =	sfence;
	s0 =	simm.s32 $0x1  }
0x2ce: {  	[sflag:s0] =	ssyncpa.u1 $0x1  }
0x2cf: {  	_ =	strace $0x90000050  }
0x2d0: {  	[bflag:$0x2] =	sbarrier.arrive $0xFFFF  }
0x2d1: {  	s0 =	rddreg [dreg:$0x3]  }
0x2d2: {  	s0 =	sadd.s32 @!p0 $0x100000, s0  }
0x2d3: {  	[sflag:s0] =	ssyncadd.tile.s32 @!p0 $0x1;
	_ =	shalt  }
.Lfunc_end3:
_tile_overlayer_lowered:
.L_overlay_start_3:
0x2d4: {  	(tag) =	ssettag $0x3  }
0x2d5: {  	s0 =	rddreg [dreg:$0x0];
	s2 =	stileid.u32  }
0x2d6: {  	s1 =	rddreg [dreg:$0x1];
	p0 =	sne.s32 s2, $0x0  }
0x2d7: {  	s3 =	rddreg [dreg:$0x2];
	[bflag:$0x3] =	sbarrier.arrive $0xFFFF;
	s2 =	simm.s32 @!p0 $0x1C01  }
0x2d8: {  	[timem:s3], [sflag:s2] =	dma.local @!p0 [hbm:s0], s1  }
0x2d9: {  	s0 =	simm.s32 @!p0 $0x1  }
0x2da: {  	_ =	swait.ge @!p0 [sflag:s0], s1  }
0x2db: {  	s1 =	ssub.s32 @!p0 $0x0, s1;
	[sflag:s0] =	ssyncset.done @!p0 $0x0  }
0x2dc: {  	[sflag:s0] =	ssyncadd.s32 @!p0 s1  }
0x2dd: {  	[bflag:$0x3] =	sbarrier.arrive $0xFFFF  }
0x2de: {  	_ =	shalt  }

// kernel: scatter_offload_async_start.2
scs
__scs_entry_jumppad:
0x0: {  	(pc) =	sbr.rel $0x88, $3  }
0x1: {  	(tag) =	ssettag $0x0;
	lr =	simm.s32 $0x1  }
0x2: {  	[smem:$0x3F3B] =	sst lr;
	_ =	strace $0xD0000000  }
0x3: {  	_ = 	snop  }
0x4: {  	_ = 	snop  }
0x5: {  	_ = 	snop  }
0x6: {  	_ = 	snop  }
0x7: {  	_ = 	snop  }
__scs_overlays_trampoline_lowered:
0x8: {  	[smem:$0x3F4A] =	sst s0  }
0x9: {  	[smem:$0x3F4B] =	sst s1  }
0xa: {  	[smem:$0x3F4C] =	sst s2  }
0xb: {  	[smem:$0x3F4D] =	sst s3  }
0xc: {  	[smem:$0x3F4E] =	sst s4  }
0xd: {  	[smem:$0x3F4F] =	sst s5  }
0xe: {  	[smem:$0x3F50] =	sst s6  }
0xf: {  	[smem:$0x3F51] =	sst s7  }
0x10: {  	[smem:$0x3F52] =	sst s8  }
0x11: {  	[smem:$0x3F53] =	sst s9;
	s0 =	simm.s32 @!p0 $0x0  }
0x12: {  	s1 =	sld [smem:$0x3F39];
	s0 =	simm.s32 @p0 $0x1  }
0x13: {  	[smem:$0x3F54] =	sst s0;
	s0 =	simm.s32 @!p1 $0x0  }
0x14: {  	s2 =	sld [smem:$0x3F38];
	s0 =	simm.s32 @p1 $0x1  }
0x15: {  	[smem:$0x3F55] =	sst s0;
	s0 =	simm.s32 @!p2 $0x0  }
0x16: {  	s3 =	sld [smem:$0x3FDB];
	s0 =	simm.s32 @p2 $0x1  }
0x17: {  	s4 =	simm.s32 $0x1BF5;
	[smem:$0x3F57] =	sst s0  }
0x18: {  	s0 =	sld [smem:$0x3F3A];
	_ =	swait.ge [sflag:s4], $0x0  }
0x19: {  	s7 =	sld [smem:$0x3F3B]  }
0x1a: {  	s8 =	sadd.s32 $0xFFFFE003, lr  }
0x1b: {  	s9 =	sadd.s32 $0xFFFFFEF7, lr;
	s5 =	simm.s32 $0xFFFFFFFF;
	p2 =	slt.u32 s8, $0xFFFFF086  }
0x1c: {  	p1 =	slt.u32 s9, $0xF7A;
	s5 =	simm.s32 @!p2 $0x0  }
0x1d: {  	s5 =	simm.s32 @p1 $0x1;
	p0 =	seq.s32 s7, s2  }
0x1e: {  	s7 =	smul.u32 @!p0 $0xF7A, s2;
	p2 =	seq.s32 @!p0 s5, $0x0  }
0x1f: {  	s9 =	smul.u32 $0xF7A, s1;
	s8 =	simm.s32 @!p0 $0x1BF5;
	p2 =	por !p2, p0  }
0x20: {  	[sflag:s8] =	ssyncset.s32 @!p0 $0xFFFFF086;
	s6 =	sadd.s32 @!p0 s3, s7;
	s7 =	simm.s32 @!p0 $0x108  }
0x21: {  	s3 =	sadd.s32 s3, s9;
	s6 =	sadd.s32 @!p0 $0x88, s6;
	s7 =	simm.s32 @p2 $0x1082  }
0x22: {  	[simem:s7], [sflag:s8] =	dma.local @!p0 [hbm:s6], $0xF7A  }
0x23: {  	s9 =	sor.u32 $0xD0000000, s2;
	s6 =	simm.s32 $0x108;
	_ =	swait.ge @!p0 [sflag:s8], $0x0  }
0x24: {  	s3 =	sadd.s32 $0x88, s3;
	s6 =	simm.s32 @!p1 $0x1082;
	[sflag:s4] =	ssyncset.s32 $0xFFFFF086  }
0x25: {  	[simem:s6], [sflag:s4] =	dma.local [hbm:s3], $0xF7A  }
0x26: {  	[smem:$0x3F3B] =	sst s1;
	(tag) =	ssettag s2;
	_ =	strace s9  }
0x27: {  	s1 =	sld [smem:$0x3F4B]  }
0x28: {  	s2 =	sld [smem:$0x3F4C]  }
0x29: {  	s4 =	sld [smem:$0x3F4E]  }
0x2a: {  	p0 =	seq.s32 s5, $0x0;
	s5 =	sld [smem:$0x3F4F]  }
0x2b: {  	s6 =	sld [smem:$0x3F50]  }
0x2c: {  	s7 =	sld [smem:$0x3F51]  }
0x2d: {  	s3 =	simm.s32 $0x108;
	s8 =	sld [smem:$0x3F52]  }
0x2e: {  	s3 =	simm.s32 @!p0 $0x1082;
	s9 =	sld [smem:$0x3F53]  }
0x2f: {  	lr =	sadd.s32 s0, s3;
	s0 =	sld [smem:$0x3F4A]  }
0x30: {  	s3 =	sld [smem:$0x3F4D]  }
0x31: {  	[smem:$0x3F56] =	sst s10  }
0x32: {  	s10 =	sld [smem:$0x3F54];
	_ =	sdelay $0x3  }
0x33: {  	p0 =	seq.s32 s10, $0x1;
	s10 =	sld [smem:$0x3F56];
	_ =	sdelay $0x3  }
0x34: {  	[smem:$0x3F56] =	sst s10  }
0x35: {  	s10 =	sld [smem:$0x3F55];
	_ =	sdelay $0x3  }
0x36: {  	p1 =	seq.s32 s10, $0x1;
	s10 =	sld [smem:$0x3F56];
	_ =	sdelay $0x3  }
0x37: {  	[smem:$0x3F56] =	sst s10  }
0x38: {  	s10 =	sld [smem:$0x3F57]  }
0x39: {  	_ = 	snop;
	(pc) =	sbr.ind lr, $3  }
0x3a: {  	_ = 	snop  }
0x3b: {  	_ = 	snop  }
0x3c: {  	p2 =	seq.s32 s10, $0x1;
	s10 =	sld [smem:$0x3F56]  }
0x3d: {  	_ =	shalt  }
0x3e: {  	_ =	shalt  }
0x3f: {  	_ =	shalt  }
0x40: {  	_ =	shalt  }
0x41: {  	_ =	shalt  }
0x42: {  	_ =	shalt  }
0x43: {  	_ =	shalt  }
0x44: {  	_ =	shalt  }
0x45: {  	_ =	shalt  }
0x46: {  	_ =	shalt  }
0x47: {  	_ =	shalt  }
0x48: {  	_ =	shalt  }
0x49: {  	_ =	shalt  }
0x4a: {  	_ =	shalt  }
0x4b: {  	_ =	shalt  }
0x4c: {  	_ =	shalt  }
0x4d: {  	_ =	shalt  }
0x4e: {  	_ =	shalt  }
0x4f: {  	_ =	shalt  }
0x50: {  	_ =	shalt  }
0x51: {  	_ =	shalt  }
0x52: {  	_ =	shalt  }
0x53: {  	_ =	shalt  }
0x54: {  	_ =	shalt  }
0x55: {  	_ =	shalt  }
0x56: {  	_ =	shalt  }
0x57: {  	_ =	shalt  }
0x58: {  	_ =	shalt  }
0x59: {  	_ =	shalt  }
0x5a: {  	_ =	shalt  }
0x5b: {  	_ =	shalt  }
0x5c: {  	_ =	shalt  }
0x5d: {  	_ =	shalt  }
0x5e: {  	_ =	shalt  }
0x5f: {  	_ =	shalt  }
0x60: {  	_ =	shalt  }
0x61: {  	_ =	shalt  }
0x62: {  	_ =	shalt  }
0x63: {  	_ =	shalt  }
0x64: {  	_ =	shalt  }
0x65: {  	_ =	shalt  }
0x66: {  	_ =	shalt  }
0x67: {  	_ =	shalt  }
0x68: {  	_ =	shalt  }
0x69: {  	_ =	shalt  }
0x6a: {  	_ =	shalt  }
0x6b: {  	_ =	shalt  }
0x6c: {  	_ =	shalt  }
0x6d: {  	_ =	shalt  }
0x6e: {  	_ =	shalt  }
0x6f: {  	_ =	shalt  }
0x70: {  	_ =	shalt  }
0x71: {  	_ =	shalt  }
0x72: {  	_ =	shalt  }
0x73: {  	_ =	shalt  }
0x74: {  	_ =	shalt  }
0x75: {  	_ =	shalt  }
0x76: {  	_ =	shalt  }
0x77: {  	_ =	shalt  }
0x78: {  	_ =	shalt  }
0x79: {  	_ =	shalt  }
0x7a: {  	_ =	shalt  }
0x7b: {  	_ =	shalt  }
0x7c: {  	_ =	shalt  }
0x7d: {  	_ =	shalt  }
0x7e: {  	_ =	shalt  }
0x7f: {  	_ =	shalt  }
0x80: {  	_ =	shalt  }
0x81: {  	_ =	shalt  }
0x82: {  	_ =	shalt  }
0x83: {  	_ =	shalt  }
0x84: {  	_ =	shalt  }
0x85: {  	_ =	shalt  }
0x86: {  	_ =	shalt  }
0x87: {  	_ =	shalt  }
.Lfunc_end0:
.L_simem_size_0:
called_computation.2_lowered:
.L_overlay_start_0:
0x88: {  	s2 =	sld [smem:$0x3FD9]  }
0x89: {  	s3 =	sld [smem:$0x3FFE];
	_ =	sdelay $0x1  }
0x8a: {  	s1 =	srdreg.scid  }
0x8b: {  	s0 =	sand.u32 $0x1, s1  }
0x8c: {  	s15 =	sshll.u32 s0, $0xA;
	s2 =	sadd.s32 s3, s2  }
0x8d: {  	s2 =	sadd.s32 s2, s15  }
0x8e: {  	[smem:$0x3F62] =	sst s2  }
0x8f: {  	_ = 	snop  }
0x90: {  	(tm) =	ssettm $0x1  }
0x91: {  	s16 =	sld [smem:$0x3FFB];
	_ =	sdelay $0x3  }
0x92: {  	_ =	strace s16  }
0x93: {  	s2 =	sld [smem:$0x3FFC];
	_ =	sdelay $0x3  }
0x94: {  	_ =	strace s2  }
0x95: {  	s2 =	sld [smem:$0x3FFD];
	_ =	sdelay $0x3  }
0x96: {  	_ =	strace s2  }
0x97: {  	_ =	strace $0x8FFFFFFF  }
0x98: {  	s17 =	sld [smem:$0x3FDB];
	_ =	sdelay $0x1  }
0x99: {  	s18 =	simm.s32 $_scs_section_size  }
0x9a: {  	s4 =	simm.s32 $_size__tile_overlayer_lowered;
	s5 =	simm.s32 $_tile_overlayer_lowered  }
0x9b: {  	s21 =	simm.s32 $0x1BFF;
	s20 =	sshll.u32 s5, $0x1;
	s2 =	sadd.s32 s18, s17  }
0x9c: {  	s6 =	simm.s32 $0x0;
	s19 =	sshll.u32 s4, $0x1;
	s4 =	sadd.s32 s20, s2  }
0x9d: {  	[timem:s6], [sflag:s21] =	dma.local [hbm:s4], s19  }
0x9e: {  	_ =	swait.ge [sflag:s21], s19  }
0x9f: {  	s3 =	ssub.s32 $0x0, s19;
	[sflag:s21] =	ssyncset.done $0x0  }
0xa0: {  	[sflag:s21] =	ssyncadd.s32 s3;
	_ =	sdelay $0x1  }
0xa1: {  	s22 =	simm.s32 $0x1B8B  }
0xa2: {  	_ =	swait.ge [sflag:s22], $0x1  }
0xa3: {  	[sflag:s22] =	ssyncset.done $0x0  }
0xa4: {  	s23 =	sld [smem:$0x3FFE];
	[sflag:s22] =	ssyncadd.s32 $0xFFFFFFFF  }
0xa5: {  	s25 =	simm.s32 $0x1B8E;
	s24 =	sld [smem:$0x0]  }
0xa6: {  	s26 =	simm.s32 $execute0_lowered;
	[smem:$0x3FD2] =	sst s25  }
0xa7: {  	s5 =	sshll.u32 s26, $0x1;
	_ =	strace $0x80000052;
	[dreg:$0x1] =	wrdreg $0xFFFFFFFF  }
0xa8: {  	s28 =	simm.s32 $_size_execute0_lowered;
	s2 =	sadd.s32 s2, s5;
	[dreg:$0x0] =	wrdreg $0x0  }
0xa9: {  	s5 =	sshll.u32 s28, $0x1;
	[dreg:$0x2] =	wrdreg s2  }
0xaa: {  	[dreg:$0x3] =	wrdreg s5  }
0xab: {  	[dreg:$0x4] =	wrdreg $0xC0  }
0xac: {  	_ =	task [dreg:s6], $0x5FFFF  }
0xad: {  	[dreg:$0x1] =	wrdreg $0xFFFFFFFF  }
0xae: {  	[dreg:$0x0] =	wrdreg $0x60  }
0xaf: {  	[dreg:$0x2] =	wrdreg s23  }
0xb0: {  	[dreg:$0x3] =	wrdreg s1  }
0xb1: {  	[dreg:$0x4] =	wrdreg s24  }
0xb2: {  	[dreg:$0x5] =	wrdreg $0x9  }
0xb3: {  	_ =	task.clear_ibuf [dreg:s6], $0x6FFFF;
	_ =	strace $0x90000052  }
0xb4: {  	s29 =	simm.s32 $0x9;
	_ =	strace $0x80000054  }
0xb5: {  	_ =	swait.ge [sflag:s29], $0x1  }
0xb6: {  	[sflag:s29] =	ssyncadd.s32 $0xFFFFFFFF  }
0xb7: {  	_ =	strace $0x90000054  }
0xb8: {  	_ =	sfence  }
0xb9: {  	s30 =	sld [smem:$0x0];
	_ =	sdelay $0x2  }
0xba: {  	s31 =	sshll.u32 s1, $0xD;
	s1 =	sshrl.u32 s1, $0x2  }
0xbb: {  	s3 =	sand.u32 $0x4000, s31;
	s1 =	sadd.s32 s1, s30  }
0xbc: {  	s0 =	sor.u32 s3, s0;
	s1 =	sshll.u32 s1, $0x11  }
0xbd: {  	s0 =	sor.u32 s1, s0  }
0xbe: {  	s0 =	sadd.s32 $0x8F2B, s0  }
0xbf: {  	[sflag:s0] =	ssyncadd.remote.s32 $0x1  }
0xc0: {  	_ =	sfence.sel $0xFFFF  }
0xc1: {  	[dreg:$0x0] =	wrdreg $0xFFFFFFFF;
	(pc) =	sbr.abs _section_cstart, $3  }
0xc2: {  	[dreg:$0x1] =	wrdreg $0xFFFFFFFF  }
0xc3: {  	_ =	task.clear_ibuf [dreg:s6], $0x2FFFF;
	_ =	strace $0x9FFFFFFF  }
0xc4: {  	(tm) =	ssettm $0x7FFFFFFF  }
0xc5: {  	_ =	shalt  }
tec
execute0_lowered:
.L_overlay_start_1:
0x0: {  	(tag) =	ssettag $0x1  }
0x1: {  	s2 =	rddreg [dreg:$0x0]  }
0x2: {  	s3 =	rddreg [dreg:$0x1];
	_ =	strace $0x80000053;
	s0 =	simm.s32 $0x1  }
0x3: {  	s4 =	simm.s32 $0x88;
	v0 =	vimm.s32 $0x0;
	[sflag:s0] =	ssyncpa.u1 $0x0  }
0x4: {  	s1 =	sadd.s32 $0x10800, s2;
	[tilespmem:s4+$0x30] =	vst v0  }
0x5: {  	s0 =	sadd.s32 $0xA3AA00, s2;
	s6 =	sadd.s32 $0x130CE00, s2;
	[tilespmem:s4+$0x20] =	vst v0  }
0x6: {  	s14 =	sadd.s32 $0xA44800, s2;
	s9 =	sand.u32 $0x1, s3;
	s2 =	simm.s32 $0x40;
	[tilespmem:s4+$0x10] =	vst v0  }
.LBB2_1:
0x7: {  	s2 =	sadd.s32 $0x40, s2  }
0x8: {  	[tilespmem:s4+$0x0] =	vst v0;
	s4 =	sadd.s32 $0x40, s4;
	p0 =	slt.u32 s2, $0x5040  }
.Ltmp0:
0x9: {  	(pc) =	sbr.rel @p0 .LBB2_1-.Ltmp0, $4  }
0xa: {  	_ = 	snop  }
0xb: {  	[tilespmem:s4+$0x30] =	vst v0  }
0xc: {  	[tilespmem:s4+$0x20] =	vst v0  }
0xd: {  	[tilespmem:s4+$0x10] =	vst v0  }
0xe: {  	s10 =	stileid.u32  }
0xf: {  	s2 =	smul.u32 $0x1F, s10  }
0x10: {  	s3 =	smin.u32 s10, $0xA  }
0x11: {  	s2 =	sadd.s32 s3, s2  }
0x12: {  	p0 =	slt.u32 s10, $0xA;
	s7 =	smul.u32 $0x140, s2;
	s2 =	simm.s32 $0x2800  }
0x13: {  	s2 =	simm.s32 @!p0 $0x26C0  }
0x14: {  	s2 =	sadd.s32 s2, s7  }
0x15: {  	s8 =	smin.u32 s2, $0x27800  }
0x16: {  	s2 =	ssub.s32 s8, s7  }
0x17: {  	s26 =	simm.s32 $0x2;
	s29 =	simm.s32 $0x9;
	p0 =	sgt.s32 s2, $0x0  }
0x18: {  	s30 =	simm.s32 $0xA;
	s31 =	smul.u32 $0x4F00, s9;
	s2 =	simm.s32 @!p0 $0x0  }
0x19: {  	s11 =	simm.s32 $0xB;
	[dreg:$0x4] =	wrdreg s9;
	s28 =	smulhi.u32 $0x66666667, s2  }
0x1a: {  	s12 =	simm.s32 $0x1;
	s18 =	simm.s32 $0x0;
	p1 =	por $0x0, $0x0  }
0x1b: {  	s19 =	simm.s32 $0xC;
	s23 =	simm.s32 $0x0;
	s3 =	sshrl.u32 s28, $0x7  }
0x1c: {  	s20 =	simm.s32 $0x0;
	s22 =	simm.s32 $0x0;
	s5 =	smul.u32 $0x140, s3  }
.Ltmp1:
0x1d: {  	[tilespmem:s4+$0x0] =	vst v0;
	v0 =	vimm.s32 $0xFFFFFFFF;
	[sflag:s26] =	ssyncpa.u1 $0x0;
	s16 =	sshll.u32 s10, $0x7;
	(pc) =	sbr.rel .LBB2_3-.Ltmp1, $4  }
0x1e: {  	[tilespmem:$0xA108] =	vst v0;
	[sflag:s29] =	ssyncpa.u1 $0x0;
	p0 =	sne.s32 s2, s5;
	s2 =	simm.s32 $0x1  }
0x1f: {  	s14 =	sadd.s32 s31, s14;
	[sflag:s30] =	ssyncpa.u1 $0x0;
	s2 =	simm.s32 @!p0 $0x0  }
0x20: {  	s15 =	sadd.s32 s31, s0;
	[sflag:s11] =	ssyncpa.u1 $0x0;
	s13 =	sadd.s32 s2, s3  }
0x21: {  	v0 =	vlaneseq.u32;
	s21 =	smov.u32 s7;
	p0 =	por $0x1, $0x1;
	s17 =	sadd.s32 $0x1, s13  }
.LBB2_24:
0x22: {  	s0 =	sshrl.u32 s0, $0x2  }
.LBB2_26:
0x23: {  	_ =	swait.ge [sflag:s19], s0  }
0x24: {  	s30 =	ssub.s32 $0x0, s0;
	v1 =	vmov s25;
	vm0 =	veq.s32 v0, $0x0;
	[sflag:s19] =	ssyncset.done $0x0  }
0x25: {  	vm15 =	veq.s32 v0, $0x2;
	v1 =	vsel vm0, s31, v1;
	[sflag:s19] =	ssyncadd.s32 s30  }
0x26: {  	v1 =	vsel vm15, s23, v1;
	[sflag:s19] =	ssyncpa.u1 $0x1  }
0x27: {  	[tilespmem:$0xA108] =	vst v1  }
.LBB2_27:
0x28: {  	s0 =	sadd.s32 $0x140, s21  }
0x29: {  	s2 =	smov.u32 s7;
	p2 =	slt.s32 s0, s8  }
0x2a: {  	s2 =	smov.u32 @p2 s0;
	p2 =	sne.s32 s22, s17  }
.Ltmp2:
0x2b: {  	_ = 	snop;
	(pc) =	sbr.rel @!p2 .LBB2_28-.Ltmp2, $4  }
0x2c: {  	_ = 	snop  }
0x2d: {  	s23 =	smov.u32 s20  }
0x2e: {  	s31 =	sadd.s32 $0x1, s22;
	s20 =	smov.u32 s21;
	p0 =	por !p0, !p0  }
0x2f: {  	p1 =	por !p1, !p1;
	s22 =	smov.u32 s31;
	s21 =	smov.u32 s2  }
.LBB2_3:
0x30: {  	p2 =	sge.u32 s22, s13  }
0x31: {  	s0 =	smulhi.u32 @!p2 $0xAAAAAAAB, s22  }
0x32: {  	s2 =	smov.u32 s21;
	p3 =	sgt.s32 @!p2 s21, $0x276C0  }
0x33: {  	s3 =	sshra.s32 @!p2 s21, $0x1F;
	p3 =	por !p3, p2;
	s0 =	sshrl.u32 @!p2 s0, $0x1  }
0x34: {  	s3 =	sand.u32 @!p2 s3, s21;
	s2 =	simm.s32 @p3 $0x276C0;
	s0 =	smul.u32 @!p2 $0x3, s0  }
0x35: {  	s2 =	ssub.s32 @!p2 s2, s3  }
0x36: {  	s2 =	sadd.s32 @!p2 $0xFFFD8940, s2;
	s0 =	ssub.s32 @!p2 s22, s0  }
0x37: {  	s3 =	sshll.u32 @!p2 s2, $0x2;
	p3 =	sgt.s32 @!p2 s2, $0x13F;
	s0 =	smul.u32 @!p2 $0x500, s0  }
0x38: {  	s4 =	sand.u32 @!p2 $0x7, s21;
	s2 =	ssub.s32 @!p2 $0x500, s3;
	p3 =	por !p3, p2  }
0x39: {  	s3 =	sshrl.u32 @!p2 s21, $0x3;
	s2 =	sshrl.u32 @!p2 s2, $0x2;
	s0 =	sshrl.u32 @!p2 s0, $0x2  }
0x3a: {  	s3 =	sadd.s32 @!p2 s3, s14;
	s2 =	simm.s32 @!p3 $0x0;
	s0 =	sadd.s32 @!p2 $0xA948, s0  }
0x3b: {  	[tilespmem:s0], [sflag:$0xA] =	stream.linear.gather @!p2 [hbm4b:s3+s4], s2, $0x38;
	[tilespmem:$0x1EF88] =	vst v63  }
0x3c: {  	s4 =	sadd.s32 $0xFFFFFFFF, s22  }
0x3d: {  	p2 =	sge.u32 s4, s13  }
0x3e: {  	p3 =	sgt.s32 @!p2 s20, $0x276C0  }
0x3f: {  	s0 =	smov.u32 s20;
	s2 =	sshra.s32 @!p2 s20, $0x1F;
	p3 =	por !p3, p2  }
0x40: {  	s2 =	sand.u32 @!p2 s2, s20;
	s0 =	simm.s32 @p3 $0x276C0  }
0x41: {  	s0 =	ssub.s32 @!p2 s0, s2  }
0x42: {  	s0 =	sadd.s32 @!p2 $0xFFFD8940, s0  }
0x43: {  	s2 =	sshll.u32 @!p2 s0, $0x2  }
0x44: {  	p3 =	sgt.s32 @!p2 s0, $0x13F;
	s0 =	ssub.s32 @!p2 $0x500, s2  }
0x45: {  	p3 =	por !p3, p2;
	s0 =	sshrl.u32 @!p2 s0, $0x2  }
0x46: {  	s3 =	simm.s32 @!p2 $0xA;
	s2 =	sand.u32 @!p2 $0x1, s4;
	s0 =	simm.s32 @!p3 $0x0  }
0x47: {  	s2 =	smul.u32 @!p2 $0x500, s2;
	_ =	swait.ge @!p2 [sflag:s3], s0  }
0x48: {  	s5 =	ssub.s32 @!p2 $0x0, s0;
	[sflag:s3] =	ssyncset.done @!p2 $0x0  }
0x49: {  	s2 =	sshrl.u32 @!p2 s2, $0x2;
	[sflag:s3] =	ssyncadd.s32 @!p2 s5;
	s3 =	sshrl.u32 @!p2 s20, $0x3  }
0x4a: {  	s2 =	sadd.s32 @!p2 $0xAD08, s2;
	s5 =	sand.u32 @!p2 $0x7, s20;
	s3 =	sadd.s32 @!p2 s3, s15  }
0x4b: {  	[tilespmem:s2], [sflag:$0xB] =	stream.linear.gather @!p2 [hbm4b:s3+s5], s0, $0x38;
	[tilespmem:$0x1EF88] =	vst v63  }
0x4c: {  	s0 =	ssub.s32 @!p2 $0x27800, s20  }
0x4d: {  	p3 =	slt.s32 @!p2 s0, $0x1  }
0x4e: {  	p3 =	por p2, p3  }
.Ltmp3:
0x4f: {  	_ = 	snop;
	(pc) =	sbr.rel @p3 .LBB2_9-.Ltmp3, $1  }
0x50: {  	_ =	sdelay $0x3  }
0x51: {  	s2 =	smulhi.u32 $0xAAAAAAAB, s4;
	_ =	sdelay $0x1  }
0x52: {  	s2 =	sshrl.u32 s2, $0x1  }
0x53: {  	s2 =	smul.u32 $0x3, s2;
	_ =	sdelay $0x1  }
0x54: {  	s2 =	ssub.s32 s4, s2  }
0x55: {  	s3 =	simm.s32 $0x1;
	s2 =	smul.u32 $0x500, s2  }
.Ltmp4:
0x56: {  	s3 =	simm.s32 @!p0 $0x0;
	(pc) =	sbr.rel .LBB2_6-.Ltmp4, $4  }
0x57: {  	s3 =	smul.u32 $0x28000, s3  }
0x58: {  	p3 =	slt.s32 @!p2 s0, $0x140;
	s2 =	sshrl.u32 s2, $0x2  }
0x59: {  	p2 =	por !p3, p2;
	s3 =	sshrl.u32 s3, $0x2;
	s2 =	sadd.s32 $0xA948, s2  }
0x5a: {  	s24 =	simm.s32 $0x0;
	s0 =	simm.s32 @p2 $0x140;
	s4 =	sadd.s32 $0xAF88, s3;
	v1 =	vmov s2  }
.LBB2_5:
0x5b: {  	p2 =	sge.s32 s24, s0  }
.Ltmp5:
0x5c: {  	_ = 	snop;
	(pc) =	sbr.rel @p2 .LBB2_9-.Ltmp5, $2  }
0x5d: {  	_ =	sdelay $0x2  }
0x5e: {  	s4 =	sadd.s32 $0x800, s4  }
.LBB2_6:
0x5f: {  	p2 =	sle.s32 s0, s24  }
.Ltmp6:
0x60: {  	_ = 	snop;
	(pc) =	sbr.rel @p2 .LBB2_5-.Ltmp6, $2  }
0x61: {  	_ =	sdelay $0x2  }
0x62: {  	s5 =	smov.u32 s24;
	s24 =	sadd.s32 $0x10, s24  }
0x63: {  	s2 =	ssub.s32 s0, s5  }
0x64: {  	p2 =	slt.s32 s2, $0x10  }
0x65: {  	s2 =	simm.s32 @!p2 $0x10  }
0x66: {  	v2 =	vmov s2  }
0x67: {  	vm0 =	vgt.s32 v2, v0;
	_ =	sdelay $0x5  }
0x68: {  	v2 =	vld.idx.msk [tilespmem:v1+s5+$0x0 ss:$0x1], vm0;
	_ =	sdelay $0x2  }
0x69: {  	p2 =	slt.s32 s24, s0;
	s2 =	smov.u32 s0  }
0x6a: {  	s3 =	smov.u32 s4;
	s25 =	simm.s32 $0x0;
	s2 =	smov.u32 @p2 s24  }
.LBB2_8:
0x6b: {  	(v2sf) =	vpush v2, s25;
	_ =	sdelay $0xc  }
0x6c: {  	s25 =	sadd.s32 $0x1, s25  }
0x6d: {  	s31 =	sadd.s32 s25, s5  }
0x6e: {  	p2 =	slt.s32 s31, s2;
	s9 =	spop (v2sf)  }
.Ltmp7:
0x6f: {  	s9 =	sshll.u32 s9, $0x4;
	(pc) =	sbr.rel @p2 .LBB2_8-.Ltmp7, $4  }
0x70: {  	s9 =	sand.u32 $0x1FFFFFF0, s9  }
0x71: {  	s9 =	sadd.s32 s6, s9  }
0x72: {  	[tilespmem:s3], [sflag:$0x9] =	stream.linear.gather [hbm4b:s9+s18], $0x40, $0x38;
	[tilespmem:$0x1EF88] =	vst v63  }
0x73: {  	s3 =	sadd.s32 $0x80, s3  }
.Ltmp8:
0x74: {  	_ = 	snop;
	(pc) =	sbr.rel .LBB2_5-.Ltmp8, $1  }
0x75: {  	_ =	sdelay $0x3  }
.LBB2_9:
0x76: {  	p2 =	slt.u32 s22, $0x2  }
.Ltmp9:
0x77: {  	_ = 	snop;
	(pc) =	sbr.rel @p2 .LBB2_27-.Ltmp9, $1  }
0x78: {  	_ =	sdelay $0x3  }
0x79: {  	p2 =	sgt.s32 s23, $0x276C0  }
0x7a: {  	s0 =	smov.u32 s23;
	s2 =	sshra.s32 s23, $0x1F;
	s3 =	ssub.s32 $0x27800, s23  }
0x7b: {  	s0 =	simm.s32 @!p2 $0x276C0;
	s2 =	sand.u32 s2, s23;
	p2 =	slt.s32 s3, $0x140  }
0x7c: {  	s0 =	ssub.s32 s0, s2;
	s3 =	simm.s32 @!p2 $0x140  }
0x7d: {  	s0 =	sadd.s32 $0xFFFD8940, s0;
	s10 =	sshll.u32 s3, $0x6  }
0x7e: {  	s26 =	simm.s32 $0x9;
	s24 =	sshll.u32 s0, $0x2;
	s2 =	sand.u32 $0x3FFFFFC0, s10  }
0x7f: {  	p2 =	sgt.s32 s0, $0x13F;
	s25 =	ssub.s32 $0x500, s24;
	_ =	swait.ge [sflag:s26], s2  }
0x80: {  	s2 =	ssub.s32 $0x0, s2;
	[sflag:s26] =	ssyncset.done $0x0;
	s0 =	sshrl.u32 s25, $0x2  }
0x81: {  	[sflag:s26] =	ssyncadd.s32 s2;
	s0 =	simm.s32 @p2 $0x0  }
0x82: {  	_ =	swait.ge [sflag:s11], s0  }
0x83: {  	s0 =	ssub.s32 $0x0, s0;
	[sflag:s11] =	ssyncset.done $0x0  }
0x84: {  	[sflag:s11] =	ssyncadd.s32 s0  }
0x85: {  	v1 =	vld [tilespmem:$0xA108];
	_ =	sdelay $0x4  }
0x86: {  	(v2sf) =	vpush v1, $0x0  }
0x87: {  	(v2sf) =	vpush v1, $0x1  }
0x88: {  	(v2sf) =	vpush v1, $0x2;
	_ =	sdelay $0x3  }
0x89: {  	s0 =	sadd.s32 $0x140, s23  }
0x8a: {  	s2 =	ssub.s32 $0x4F000, s23;
	p2 =	slt.s32 s8, s0  }
0x8b: {  	s0 =	smov.u32 @p2 s8;
	p2 =	sgt.s32 s2, $0x0  }
0x8c: {  	s0 =	ssub.s32 s0, s23;
	s2 =	simm.s32 @!p2 $0x0  }
0x8d: {  	p2 =	slt.s32 s2, s0  }
0x8e: {  	s0 =	smov.u32 @p2 s2  }
0x8f: {  	s26 =	simm.s32 $0x1;
	p2 =	slt.s32 s0, $0x1  }
.Ltmp10:
0x90: {  	s26 =	simm.s32 @!p1 $0x0;
	(pc) =	sbr.rel @p2 .LBB2_14-.Ltmp10, $4  }
0x91: {  	s30 =	smul.u32 $0x500, s26  }
0x92: {  	s28 =	spop (v2sf)  }
0x93: {  	s31 =	sshrl.u32 s30, $0x2;
	s29 =	spop (v2sf)  }
0x94: {  	s24 =	sadd.s32 $0xAD08, s31;
	s23 =	spop (v2sf)  }
0x95: {  	s2 =	smin.u32 s0, $0x10  }
0x96: {  	v1 =	vmov s2  }
0x97: {  	p3 =	sgt.s32 s0, $0x10;
	vm1 =	vgt.u32 v1, v0  }
.Ltmp11:
0x98: {  	_ = 	snop;
	(pc) =	sbr.rel @!p3 .LBB2_13-.Ltmp11, $2  }
0x99: {  	_ =	sdelay $0x2  }
0x9a: {  	s5 =	simm.s32 $0x10;
	s25 =	sadd.s32 $0xFFFFFFF0, s0;
	s4 =	smov.u32 s24;
	vm0 =	vmmov vm1  }
.LBB2_12:
0x9b: {  	s2 =	smin.u32 s25, $0x10;
	s5 =	sadd.s32 $0x10, s5;
	v1 =	vld.msk [tilespmem:s4+$0x0 ss:$0x1], vm1  }
0x9c: {  	v2 =	vmov s2;
	p3 =	slt.s32 s5, s0  }
0x9d: {  	vm1 =	vgt.u32 v2, v0  }
.Ltmp12:
0x9e: {  	(pc) =	sbr.rel @p3 .LBB2_12-.Ltmp12, $3  }
0x9f: {  	_ =	sdelay $0x1  }
0xa0: {  	v1 =	vshll.u32 v1, $0x4  }
0xa1: {  	s25 =	sadd.s32 $0xFFFFFFF0, s25;
	[tilespmem:s4+$0x0] =	vst.msk vm0, v1;
	s4 =	sadd.s32 $0x10, s4;
	vm0 =	vmmov vm1  }
.LBB2_13:
0xa2: {  	_ =	sdelay $0x4  }
0xa3: {  	v1 =	vld.msk [tilespmem:s4+$0x0 ss:$0x1], vm1;
	_ =	sdelay $0x4  }
0xa4: {  	v1 =	vshll.u32 v1, $0x4  }
0xa5: {  	[tilespmem:s4+$0x0] =	vst.msk vm0, v1  }
.LBB2_14:
0xa6: {  	s2 =	sand.u32 $0x1, s22  }
0xa7: {  	s2 =	smul.u32 $0x140, s2  }
0xa8: {  	p3 =	sne.s32 s29, $0xFFFFFFFF  }
0xa9: {  	v1 =	vld.msk @!p3 [tilespmem:s2+$0xAD08], $0x1;
	_ =	sdelay $0x4  }
0xaa: {  	(v2sf) =	vpush @!p3 v1, $0x0;
	_ =	sdelay $0xc  }
.Ltmp13:
0xab: {  	_ = 	snop;
	(pc) =	sbr.rel @p2 .LBB2_25-.Ltmp13, $4  }
0xac: {  	_ = 	snop  }
0xad: {  	s30 =	spop @!p3 (v2sf)  }
0xae: {  	s23 =	simm.s32 @!p3 $0x0;
	s25 =	smov.u32 s30  }
0xaf: {  	[sflag:s19] =	ssyncpa.u1 $0x0;
	s30 =	smov.u32 @p3 s28;
	s25 =	smov.u32 @p3 s29  }
0xb0: {  	v1 =	vld.msk [tilespmem:s24+$0x0], $0x1;
	_ =	sdelay $0x4  }
0xb1: {  	(v2sf) =	vpush v1, $0x0;
	_ =	sdelay $0xe  }
0xb2: {  	s2 =	smul.u32 $0x28000, s26;
	s4 =	spop (v2sf)  }
0xb3: {  	s28 =	ssub.s32 $0x0, s0;
	p2 =	seq.s32 s30, s4  }
0xb4: {  	s0 =	sadd.s32 $0x1, s28;
	s2 =	sshrl.u32 s2, $0x2;
	p3 =	sgt.s32 @!p2 s30, $0x0  }
0xb5: {  	s26 =	sadd.s32 $0xAFA8, s2;
	s2 =	smov.u32 s30;
	p3 =	por !p3, p2  }
0xb6: {  	s2 =	simm.s32 @p3 $0x0;
	p3 =	seq.s32 s0, $0x0  }
.Ltmp14:
0xb7: {  	_ = 	snop;
	(pc) =	sbr.rel @p3 .LBB2_17-.Ltmp14, $4  }
0xb8: {  	_ = 	snop  }
0xb9: {  	s29 =	simm.s32 $0x0;
	s5 =	simm.s32 @!p2 $0x1;
	s3 =	smin.u32 @!p2 s2, $0x270F8  }
0xba: {  	s31 =	sadd.s32 $0x1, s24;
	s5 =	smov.u32 @p2 s29;
	s9 =	sand.u32 @!p2 $0x3FFF8, s3  }
0xbb: {  	s2 =	simm.s32 @!p2 $0x50C8;
	s3 =	sand.u32 @!p2 $0x7, s3;
	s9 =	sadd.s32 @!p2 s1, s9  }
.LBB2_16:
0xbc: {  	s10 =	smov.u32 s5  }
0xbd: {  	[tilespmem:s2], [sflag:$0x2] =	stream.linear.gather @!p2 [hbm4b:s9+s3], $0x40, $0x38;
	[tilespmem:$0x1EF88] =	vst v63  }
0xbe: {  	s0 =	sadd.s32 $0x1, s0;
	s3 =	smov.u32 s4;
	v1 =	vld.msk [tilespmem:s31+$0x0], $0x1  }
0xbf: {  	p3 =	seq.s32 s0, $0x0;
	_ =	sdelay $0x3  }
0xc0: {  	(v2sf) =	vpush v1, $0x0;
	_ =	sdelay $0xe  }
0xc1: {  	s4 =	spop (v2sf)  }
0xc2: {  	p2 =	seq.s32 s3, s4  }
0xc3: {  	p4 =	sgt.s32 @!p2 s3, $0x0;
	s2 =	sshll.u32 @!p2 s5, $0x8;
	s5 =	sadd.s32 @!p2 $0x1, s5  }
.Ltmp15:
0xc4: {  	p4 =	por !p4, p2;
	s2 =	sshra.s32 @!p2 s2, $0x2;
	(pc) =	sbr.rel @!p3 .LBB2_16-.Ltmp15, $4  }
0xc5: {  	s5 =	smov.u32 @p2 s10;
	s3 =	simm.s32 @p4 $0x0;
	s2 =	sadd.s32 @!p2 $0x50C8, s2  }
0xc6: {  	s3 =	smin.u32 @!p2 s3, $0x270F8  }
0xc7: {  	s9 =	sand.u32 @!p2 $0x3FFF8, s3;
	s3 =	sand.u32 @!p2 $0x7, s3  }
0xc8: {  	s31 =	sadd.s32 $0x1, s31;
	s9 =	sadd.s32 @!p2 s1, s9  }
.LBB2_17:
0xc9: {  	[tilespmem:s2], [sflag:$0x2] =	stream.linear.gather @!p2 [hbm4b:s9+s3], $0x40, $0x38;
	[tilespmem:$0x1EF88] =	vst v63  }
.Ltmp16:
0xca: {  	s0 =	sshll.u32 s5, $0x6;
	(pc) =	sbr.rel .LBB2_18-.Ltmp16, $4  }
0xcb: {  	s31 =	simm.s32 $0x2;
	s0 =	sand.u32 $0x3FFFFFC0, s0  }
0xcc: {  	_ =	swait.ge [sflag:s31], s0  }
0xcd: {  	s0 =	ssub.s32 $0x0, s0;
	[sflag:s31] =	ssyncset.done $0x0  }
0xce: {  	[sflag:s31] =	ssyncadd.s32 s0;
	s0 =	simm.s32 $0x0  }
.LBB2_19:
0xcf: {  	v1 =	vld [tilespmem:s26+$0xFFFFFFE0];
	_ =	sdelay $0x4  }
0xd0: {  	[tilespmem:s4+$0x88] =	vst.add.f32.msk $0xffff, v1  }
0xd1: {  	v1 =	vld [tilespmem:s26+$0xFFFFFFF0];
	_ =	sdelay $0x4  }
0xd2: {  	[tilespmem:s4+$0x98] =	vst.add.f32.msk $0xffff, v1  }
0xd3: {  	v1 =	vld [tilespmem:s26+$0x0];
	_ =	sdelay $0x4  }
0xd4: {  	[tilespmem:s4+$0xA8] =	vst.add.f32.msk $0xffff, v1  }
0xd5: {  	v1 =	vld [tilespmem:s26+$0x10];
	_ =	sdelay $0x4  }
0xd6: {  	[tilespmem:s4+$0xB8] =	vst.add.f32.msk $0xffff, v1  }
.LBB2_23:
0xd7: {  	s28 =	sadd.s32 $0x1, s28  }
0xd8: {  	p2 =	seq.s32 s28, $0x0  }
.Ltmp17:
0xd9: {  	_ = 	snop;
	(pc) =	sbr.rel @p2 .LBB2_24-.Ltmp17, $2  }
0xda: {  	_ =	sdelay $0x2  }
0xdb: {  	s26 =	sadd.s32 $0x80, s26;
	s24 =	sadd.s32 $0x1, s24;
	s30 =	smov.u32 s31  }
.LBB2_18:
0xdc: {  	v1 =	vld.msk [tilespmem:s24+$0x0], $0x1;
	_ =	sdelay $0x4  }
0xdd: {  	(v2sf) =	vpush v1, $0x0;
	_ =	sdelay $0xe  }
0xde: {  	s31 =	spop (v2sf)  }
0xdf: {  	p2 =	sne.s32 s30, s31  }
.Ltmp18:
0xe0: {  	_ = 	snop;
	(pc) =	sbr.rel @!p2 .LBB2_19-.Ltmp18, $3  }
0xe1: {  	_ =	sdelay $0x1  }
0xe2: {  	s2 =	sshll.u32 s23, $0x8  }
0xe3: {  	s4 =	sshra.s32 s2, $0x2  }
0xe4: {  	p2 =	seq.s32 s30, s25  }
.Ltmp19:
0xe5: {  	_ = 	snop;
	(pc) =	sbr.rel @!p2 .LBB2_21-.Ltmp19, $1  }
0xe6: {  	_ =	sdelay $0x3  }
.Ltmp20:
0xe7: {  	s2 =	sadd.s32 $0x88, s4;
	(pc) =	sbr.rel .LBB2_22-.Ltmp20, $4  }
0xe8: {  	[spmem:s16] =	stream.linear.scatter [tilespmem:s2], [sflag:$0x1], $0x40, $0x38;
	[tilespmem:$0x1EF88] =	vst v63  }
0xe9: {  	_ =	swait.ge [sflag:s12], $0x40  }
0xea: {  	[sflag:s12] =	ssyncset.done $0x0  }
0xeb: {  	[sflag:s12] =	ssyncadd.s32 $0xFFFFFFC0  }
.LBB2_21:
0xec: {  	s2 =	sshll.u32 s29, $0x8  }
0xed: {  	s2 =	sshra.s32 s2, $0x2  }
0xee: {  	v1 =	vld [tilespmem:s2+$0x50C8];
	_ =	sdelay $0x4  }
0xef: {  	[tilespmem:s4+$0x88] =	vst.add.f32.msk $0xffff, v1  }
0xf0: {  	v1 =	vld [tilespmem:s2+$0x50D8];
	_ =	sdelay $0x4  }
0xf1: {  	[tilespmem:s4+$0x98] =	vst.add.f32.msk $0xffff, v1  }
0xf2: {  	v1 =	vld [tilespmem:s2+$0x50E8];
	_ =	sdelay $0x4  }
0xf3: {  	[tilespmem:s4+$0xA8] =	vst.add.f32.msk $0xffff, v1  }
0xf4: {  	v1 =	vld [tilespmem:s2+$0x50F8];
	_ =	sdelay $0x2  }
0xf5: {  	p2 =	sgt.u32 s30, $0x270F8  }
0xf6: {  	s2 =	sand.u32 @!p2 $0x3FFF8, s30  }
0xf7: {  	s3 =	sadd.s32 $0x88, s4;
	s2 =	sadd.s32 @!p2 s1, s2;
	[tilespmem:s4+$0xB8] =	vst.add.f32.msk $0xffff, v1;
	s4 =	sand.u32 @!p2 $0x7, s30  }
0xf8: {  	[hbm4b:s2+s4] =	stream.linear.scatter @!p2 [tilespmem:s3], [sflag:$0xC], $0x40, $0x38;
	[tilespmem:$0x1EF88] =	vst v63  }
0xf9: {  	s2 =	simm.s32 $0x0  }
0xfa: {  	s2 =	simm.s32 @!p2 $0x100  }
0xfb: {  	s0 =	sadd.s32 s2, s0  }
.LBB2_22:
0xfc: {  	s2 =	sadd.s32 $0x1, s23  }
0xfd: {  	s3 =	smulhi.u32 $0xCCCCCCCD, s2;
	_ =	sdelay $0x1  }
0xfe: {  	v1 =	vld [tilespmem:s26+$0xFFFFFFE0];
	s3 =	sshrl.u32 s3, $0x8  }
0xff: {  	s3 =	smul.u32 $0x140, s3;
	_ =	sdelay $0x1  }
0x100: {  	s23 =	ssub.s32 s2, s3  }
0x101: {  	s2 =	sshll.u32 s23, $0x6  }
0x102: {  	[tilespmem:s2+$0x88] =	vst v1  }
0x103: {  	v1 =	vld [tilespmem:s26+$0xFFFFFFF0];
	_ =	sdelay $0x4  }
0x104: {  	[tilespmem:s2+$0x98] =	vst v1  }
0x105: {  	v1 =	vld [tilespmem:s26+$0x0];
	_ =	sdelay $0x4  }
0x106: {  	[tilespmem:s2+$0xA8] =	vst v1  }
0x107: {  	v1 =	vld [tilespmem:s26+$0x10]  }
.Ltmp21:
0x108: {  	_ = 	snop;
	(pc) =	sbr.rel .LBB2_23-.Ltmp21, $2  }
0x109: {  	_ =	sdelay $0x2  }
0x10a: {  	s29 =	sadd.s32 $0x1, s29;
	[tilespmem:s2+$0xB8] =	vst v1  }
.LBB2_25:
.Ltmp22:
0x10b: {  	(pc) =	sbr.rel .LBB2_26-.Ltmp22, $4  }
0x10c: {  	_ = 	snop  }
0x10d: {  	s0 =	simm.s32 $0x2  }
0x10e: {  	_ =	swait.ge [sflag:s0], $0x0  }
0x10f: {  	s31 =	smov.u32 s30;
	[sflag:s0] =	ssyncset.done $0x0;
	s0 =	simm.s32 $0x0  }
.LBB2_28:
0x110: {  	_ =	sfence.sel $0x180000  }
0x111: {  	s0 =	simm.s32 $0x9;
	[bflag:$0x0] =	sbarrier.arrive $0xFFFF  }
0x112: {  	s24 =	simm.s32 $0xA;
	[sflag:s0] =	ssyncpa.u1 $0x1  }
0x113: {  	s25 =	simm.s32 $0xB;
	[sflag:s24] =	ssyncpa.u1 $0x1  }
0x114: {  	s26 =	simm.s32 $0x2;
	[sflag:s25] =	ssyncpa.u1 $0x1  }
0x115: {  	[sflag:s26] =	ssyncpa.u1 $0x1  }
0x116: {  	v0 =	vld [tilespmem:$0xA108];
	_ =	sdelay $0x4  }
0x117: {  	(v2sf) =	vpush v0, $0x0  }
0x118: {  	(v2sf) =	vpush v0, $0x1;
	_ =	sdelay $0x1  }
0x119: {  	(v2sf) =	vpush v0, $0x2;
	_ =	sdelay $0xb  }
0x11a: {  	s0 =	spop (v2sf)  }
0x11b: {  	s2 =	spop (v2sf)  }
0x11c: {  	s3 =	smov.u32 s0;
	p0 =	sne.s32 s0, s2  }
0x11d: {  	s4 =	spop (v2sf);
	s3 =	simm.s32 @!p0 $0xFFFFFFFF  }
0x11e: {  	v2 =	vimm.s32 $0x1;
	v3 =	vlaneseq.u32;
	p0 =	seq.s32 s4, $0xFFFFFFFF;
	v1 =	vmov s3  }
0x11f: {  	s15 =	stileid.u32;
	v0 =	vperm.xlane v0, v2;
	p1 =	sne.s32 @!p0 s0, s2;
	v1 =	vperm.xlane v1, v3  }
0x120: {  	vm0 =	vcmask $0x3F04;
	s6 =	simm.s32 $0xA108;
	s0 =	simm.s32 @!p0 $0x1;
	p1 =	por !p1, p0  }
0x121: {  	s3 =	sshll.u32 s15, $0x1;
	s2 =	sshll.u32 @!p0 s4, $0x8;
	s0 =	simm.s32 @p1 $0x0;
	v0 =	vsel vm0, v1, v0  }
0x122: {  	s5 =	sor.u32 $0x800, s3;
	s2 =	sshra.s32 @!p0 s2, $0x2;
	s0 =	sor.u32 @!p0 s0, s3;
	[tilespmem:$0xA108] =	vst v0  }
0x123: {  	[spmem:s5] =	stream.linear.scatter [tilespmem:s6], [sflag:$0x1], $0x2, $0x38;
	[tilespmem:$0x1EF88] =	vst v63  }
0x124: {  	s2 =	sadd.s32 @!p0 $0x88, s2;
	s0 =	sshll.u32 @!p0 s0, $0x6  }
0x125: {  	[spmem:s0] =	stream.linear.scatter @!p0 [tilespmem:s2], [sflag:$0x1], $0x40, $0x38;
	[tilespmem:$0x1EF88] =	vst v63  }
0x126: {  	s0 =	simm.s32 @!p0 $0x42  }
0x127: {  	s28 =	simm.s32 $0x1;
	s0 =	simm.s32 @p0 $0x2  }
0x128: {  	_ =	swait.ge [sflag:s28], s0  }
0x129: {  	s0 =	ssub.s32 $0x0, s0;
	[sflag:s28] =	ssyncset.done $0x0  }
0x12a: {  	p0 =	sne.s32 s15, $0x0;
	[sflag:s28] =	ssyncadd.s32 s0  }
.Ltmp23:
0x12b: {  	_ =	sfence.stream.spmem;
	(pc) =	sbr.rel @p0 .LBB2_45-.Ltmp23, $4  }
0x12c: {  	s29 =	simm.s32 $0x3;
	[bflag:$0x0] =	sbarrier.arrive $0xFFFF  }
0x12d: {  	s30 =	simm.s32 $0x4;
	[sflag:s29] =	ssyncpa.u1 $0x1  }
0x12e: {  	s31 =	simm.s32 $0x3C;
	[sflag:s30] =	ssyncpa.u1 $0x1  }
0x12f: {  	s14 =	rddreg [dreg:$0x4];
	[sflag:s31] =	ssyncpa.u1 $0x1  }
0x130: {  	_ =	sfence.stream.spmem;
	s0 =	simm.s32 $0x5  }
0x131: {  	s2 =	simm.s32 $0x800;
	s3 =	simm.s32 $0xA118;
	[sflag:s0] =	ssyncpa.u1 $0x0  }
0x132: {  	[tilespmem:s3], [sflag:$0x5] =	stream.linear.gather [spmem:s2], $0x20, $0x38;
	[tilespmem:$0x1EF88] =	vst v63  }
0x133: {  	s26 =	simm.s32 $0x0;
	s28 =	simm.s32 $0xA138  }
0x134: {  	[tilespmem:s28], [sflag:$0x5] =	stream.linear.gather [spmem:s26], $0x800, $0x38;
	[tilespmem:$0x1EF88] =	vst v63  }
0x135: {  	_ =	swait.ge [sflag:s0], $0x820  }
0x136: {  	[sflag:s0] =	ssyncset.done $0x0  }
0x137: {  	s29 =	simm.s32 $0x0;
	[sflag:s0] =	ssyncadd.s32 $0xFFFFF7E0  }
0x138: {  	v0 =	vld.msk [tilespmem:s29+$0xA118], $0x1;
	_ =	sdelay $0x1  }
0x139: {  	s30 =	simm.s32 $0x1  }
0x13a: {  	v1 =	vld.msk [tilespmem:s30+$0xA118], $0x1;
	_ =	sdelay $0x1  }
0x13b: {  	(v2sf) =	vpush v0, $0x0;
	_ =	sdelay $0x2  }
0x13c: {  	(v2sf) =	vpush v1, $0x0;
	_ =	sdelay $0x2  }
0x13d: {  	s31 =	simm.s32 $0x2  }
0x13e: {  	v0 =	vld.msk [tilespmem:s31+$0xA118], $0x1;
	_ =	sdelay $0x2  }
0x13f: {  	s4 =	simm.s32 $0xFFFFFFFF;
	s2 =	simm.s32 $0xFFFFFFFF;
	s0 =	simm.s32 $0xC  }
.LBB2_30:
0x140: {  	s3 =	smov.u32 s4;
	s5 =	smov.u32 s2  }
0x141: {  	s2 =	sshra.s32 s0, $0x2;
	p1 =	sne.s32 s0, $0x7C;
	s0 =	sadd.s32 $0x4, s0;
	(v2sf) =	vpush v0, $0x0  }
0x142: {  	v0 =	vld.msk [tilespmem:s2+$0xA118], $0x1  }
.Ltmp24:
0x143: {  	(pc) =	sbr.rel @p1 .LBB2_30-.Ltmp24, $4  }
0x144: {  	s4 =	spop (v2sf)  }
0x145: {  	p2 =	sne.s32 s5, $0xFFFFFFFF;
	s2 =	smov.u32 s4  }
0x146: {  	p3 =	seq.s32 s4, $0xFFFFFFFF;
	s2 =	smov.u32 @p2 s5  }
0x147: {  	s4 =	smov.u32 @p3 s3;
	s2 =	smov.u32 @p3 s5  }
0x148: {  	(v2sf) =	vpush v0, $0x0;
	_ =	sdelay $0x8  }
0x149: {  	s0 =	spop (v2sf)  }
0x14a: {  	p1 =	sne.s32 s2, $0xFFFFFFFF;
	s3 =	smov.u32 s0  }
0x14b: {  	s9 =	simm.s32 $0x6;
	p2 =	seq.s32 s0, $0xFFFFFFFF;
	s3 =	smov.u32 @p1 s2  }
0x14c: {  	s6 =	simm.s32 $0x0;
	s3 =	smov.u32 @p2 s2;
	s2 =	spop (v2sf)  }
0x14d: {  	s0 =	smov.u32 @p2 s4;
	p1 =	sne.s32 s3, $0xFFFFFFFF;
	s5 =	smov.u32 s2  }
.Ltmp25:
0x14e: {  	p2 =	seq.s32 s2, $0xFFFFFFFF;
	s5 =	smov.u32 @p1 s3;
	(pc) =	sbr.rel .LBB2_32-.Ltmp25, $4  }
0x14f: {  	s10 =	simm.s32 $0xA0C8;
	s5 =	smov.u32 @p2 s3;
	s7 =	spop (v2sf)  }
0x150: {  	s11 =	simm.s32 $0x0;
	p1 =	sne.s32 s5, $0xFFFFFFFF;
	s8 =	smov.u32 s7  }
0x151: {  	s2 =	smov.u32 @p2 s0;
	p2 =	seq.s32 s7, $0xFFFFFFFF;
	s8 =	smov.u32 @p1 s5  }
0x152: {  	[sflag:s9] =	ssyncpa.u1 $0x0;
	s7 =	smov.u32 @p2 s2;
	s8 =	smov.u32 @p2 s5  }
.LBB2_38:
0x153: {  	p1 =	sgt.u32 s12, $0x270F8  }
0x154: {  	p2 =	seq.s32 @!p1 s12, s8  }
0x155: {  	p1 =	por p1, p2  }
0x156: {  	p2 =	sne.s32 @!p1 s12, s7  }
0x157: {  	p1 =	por p1, !p2  }
0x158: {  	s0 =	sshll.u32 @p1 s11, $0x8  }
0x159: {  	s0 =	sand.u32 @!p1 $0x3FFF8, s12  }
0x15a: {  	s2 =	sand.u32 @!p1 $0x7, s12;
	s0 =	sadd.s32 @!p1 s1, s0  }
0x15b: {  	[tilespmem:s10], [sflag:$0x6] =	stream.linear.gather @!p1 [hbm4b:s0+s2], $0x40, $0x38;
	[tilespmem:$0x1EF88] =	vst v63  }
0x15c: {  	_ =	swait.ge @!p1 [sflag:s9], $0x40  }
0x15d: {  	[sflag:s9] =	ssyncset.done @!p1 $0x0  }
0x15e: {  	[sflag:s9] =	ssyncadd.s32 @!p1 $0xFFFFFFC0  }
0x15f: {  	v1 =	vld @!p1 [tilespmem:$0xA0C8];
	_ =	sdelay $0x2  }
0x160: {  	s0 =	sshll.u32 @!p1 s11, $0x8  }
0x161: {  	s2 =	sshrl.u32 @!p1 s0, $0x2  }
0x162: {  	[tilespmem:s2+$0xA138] =	vst.add.f32.msk @!p1 $0xffff, v1  }
0x163: {  	v1 =	vld @!p1 [tilespmem:$0xA0D8];
	_ =	sdelay $0x4  }
0x164: {  	[tilespmem:s2+$0xA148] =	vst.add.f32.msk @!p1 $0xffff, v1  }
0x165: {  	v1 =	vld @!p1 [tilespmem:$0xA0E8];
	_ =	sdelay $0x4  }
0x166: {  	[tilespmem:s2+$0xA158] =	vst.add.f32.msk @!p1 $0xffff, v1  }
0x167: {  	v1 =	vld @!p1 [tilespmem:$0xA0F8];
	_ =	sdelay $0x4  }
0x168: {  	[tilespmem:s2+$0xA168] =	vst.add.f32.msk @!p1 $0xffff, v1  }
0x169: {  	s0 =	sshrl.u32 s0, $0x2;
	[tilespmem:s6+$0xA118] =	vst.msk $0x1, v0  }
0x16a: {  	v0 =	vld [tilespmem:s0+$0xA138];
	_ =	sdelay $0x2  }
0x16b: {  	s31 =	sshll.u32 s6, $0x8  }
0x16c: {  	s2 =	sshra.s32 s31, $0x2  }
0x16d: {  	[tilespmem:s2+$0xA138] =	vst v0  }
0x16e: {  	v0 =	vld [tilespmem:s0+$0xA148];
	_ =	sdelay $0x4  }
0x16f: {  	[tilespmem:s2+$0xA148] =	vst v0  }
0x170: {  	v0 =	vld [tilespmem:s0+$0xA158];
	_ =	sdelay $0x4  }
0x171: {  	[tilespmem:s2+$0xA158] =	vst v0  }
0x172: {  	v0 =	vld [tilespmem:s0+$0xA168];
	_ =	sdelay $0x4  }
0x173: {  	s6 =	sadd.s32 $0x1, s6;
	[tilespmem:s2+$0xA168] =	vst v0  }
.LBB2_39:
0x174: {  	s11 =	sadd.s32 $0x1, s11  }
0x175: {  	p1 =	sne.s32 s11, $0x20  }
.Ltmp26:
0x176: {  	_ = 	snop;
	(pc) =	sbr.rel @!p1 .LBB2_40-.Ltmp26, $1  }
0x177: {  	_ =	sdelay $0x3  }
.LBB2_32:
0x178: {  	v0 =	vld.msk [tilespmem:s11+$0xA118], $0x1;
	_ =	sdelay $0x4  }
0x179: {  	(v2sf) =	vpush v0, $0x0;
	_ =	sdelay $0xe  }
0x17a: {  	s12 =	spop (v2sf)  }
0x17b: {  	p1 =	seq.s32 s12, $0xFFFFFFFF  }
.Ltmp27:
0x17c: {  	_ = 	snop;
	(pc) =	sbr.rel @p1 .LBB2_39-.Ltmp27, $1  }
0x17d: {  	_ =	sdelay $0x3  }
0x17e: {  	p1 =	slt.s32 s6, $0x1  }
.Ltmp28:
0x17f: {  	_ = 	snop;
	(pc) =	sbr.rel @p1 .LBB2_38-.Ltmp28, $1  }
0x180: {  	_ =	sdelay $0x3  }
0x181: {  	s0 =	simm.s32 $0xA118;
	p1 =	por $0x0, $0x0  }
0x182: {  	v1 =	vld.msk @!p1 [tilespmem:s0+$0x0], $0x1;
	_ =	sdelay $0x4  }
0x183: {  	(v2sf) =	vpush @!p1 v1, $0x0;
	_ =	sdelay $0xd  }
0x184: {  	p3 =	sne.s32 s6, $0x1  }
.Ltmp29:
0x185: {  	s2 =	spop @!p1 (v2sf);
	(pc) =	sbr.rel @!p3 .LBB2_36-.Ltmp29, $4  }
0x186: {  	p2 =	seq.s32 @!p1 s12, s2  }
0x187: {  	s13 =	simm.s32 $0x0;
	p2 =	por !p2, p1  }
0x188: {  	s2 =	simm.s32 $0xFFFFFFFF;
	s13 =	simm.s32 @p2 $0xFFFFFFFF  }
0x189: {  	s4 =	simm.s32 $0x1;
	s13 =	smov.u32 @p1 s2  }
.LBB2_35:
0x18a: {  	s2 =	smov.u32 s13;
	p1 =	sne.s32 s13, $0xFFFFFFFF  }
0x18b: {  	s0 =	sadd.s32 $0x1, s0;
	s13 =	smov.u32 s4;
	s4 =	sadd.s32 $0x1, s4  }
0x18c: {  	p2 =	sne.s32 s6, s4;
	v1 =	vld.msk @!p1 [tilespmem:s0+$0x0], $0x1;
	_ =	sdelay $0x4  }
0x18d: {  	(v2sf) =	vpush @!p1 v1, $0x0;
	_ =	sdelay $0xe  }
.Ltmp30:
0x18e: {  	s3 =	spop @!p1 (v2sf);
	(pc) =	sbr.rel @p2 .LBB2_35-.Ltmp30, $4  }
0x18f: {  	p3 =	seq.s32 @!p1 s12, s3  }
0x190: {  	p3 =	por !p3, p1  }
0x191: {  	s13 =	simm.s32 @p3 $0xFFFFFFFF  }
0x192: {  	s13 =	smov.u32 @p1 s2  }
.LBB2_36:
0x193: {  	p1 =	seq.s32 s13, $0xFFFFFFFF  }
.Ltmp31:
0x194: {  	_ = 	snop;
	(pc) =	sbr.rel @p1 .LBB2_38-.Ltmp31, $1  }
0x195: {  	_ =	sdelay $0x3  }
0x196: {  	s0 =	sshll.u32 s11, $0x6  }
0x197: {  	s0 =	sand.u32 $0x3FFFFFC0, s0  }
0x198: {  	v0 =	vld [tilespmem:s0+$0xA138];
	_ =	sdelay $0x2  }
0x199: {  	s2 =	sshll.u32 s13, $0x8  }
0x19a: {  	s2 =	sshra.s32 s2, $0x2  }
0x19b: {  	[tilespmem:s2+$0xA138] =	vst.add.f32.msk $0xffff, v0  }
0x19c: {  	v0 =	vld [tilespmem:s0+$0xA148];
	_ =	sdelay $0x4  }
0x19d: {  	[tilespmem:s2+$0xA148] =	vst.add.f32.msk $0xffff, v0  }
0x19e: {  	v0 =	vld [tilespmem:s0+$0xA158];
	_ =	sdelay $0x4  }
0x19f: {  	[tilespmem:s2+$0xA158] =	vst.add.f32.msk $0xffff, v0  }
0x1a0: {  	v0 =	vld [tilespmem:s0+$0xA168]  }
.Ltmp32:
0x1a1: {  	_ = 	snop;
	(pc) =	sbr.rel .LBB2_39-.Ltmp32, $2  }
0x1a2: {  	_ =	sdelay $0x2  }
0x1a3: {  	[tilespmem:s2+$0xA168] =	vst.add.f32.msk $0xffff, v0  }
.LBB2_40:
0x1a4: {  	s0 =	simm.s32 $0x6;
	p1 =	seq.s32 s6, $0x0  }
0x1a5: {  	[sflag:s0] =	ssyncpa.u1 $0x1;
	v0 =	vimm.s32 @p1 $0xFFFFFFFF  }
0x1a6: {  	s0 =	sadd.s32 $0xFFFFFFFF, s6;
	[tilespmem:$0xA938] =	vst @p1 v0  }
0x1a7: {  	v0 =	vld.msk @!p1 [tilespmem:s0+$0xA118], $0x1;
	_ =	sdelay $0x1  }
0x1a8: {  	v1 =	vld.msk @!p1 [tilespmem:$0xA118], $0x1;
	_ =	sdelay $0x2  }
0x1a9: {  	p2 =	seq.s32 @!p1 s0, $0x0;
	v0 =	vbroadcast @!p1 v0, $0x0  }
0x1aa: {  	vm0 =	vmmov @!p1 $0x1;
	p2 =	por !p2, p1  }
0x1ab: {  	v1 =	vnsel @!p1 vm0, $0xFFFFFFFF, v1;
	vm0 =	vcmask @!p1 $0x308;
	v0 =	vpsel !p2, $0xFFFFFFFF, v0  }
0x1ac: {  	p2 =	sne.s32 @!p1 s8, s7;
	v0 =	vsel @!p1 vm0, v1, v0  }
0x1ad: {  	s2 =	simm.s32 @!p1 $0xA138;
	s3 =	simm.s32 @!p1 $0x0;
	p3 =	por !p2, p1;
	[tilespmem:$0xA938] =	vst @!p1 v0  }
0x1ae: {  	[spmem:s3] =	stream.linear.scatter @!p1 [tilespmem:s2], [sflag:$0x1], $0x40, $0x38;
	[tilespmem:$0x1EF88] =	vst v63  }
0x1af: {  	s2 =	sshll.u32 @!p3 s0, $0x8  }
0x1b0: {  	s2 =	sshra.s32 @!p3 s2, $0x2  }
0x1b1: {  	s3 =	simm.s32 @!p3 $0x40;
	s2 =	sadd.s32 @!p3 $0xA138, s2  }
0x1b2: {  	[spmem:s3] =	stream.linear.scatter @!p3 [tilespmem:s2], [sflag:$0x1], $0x40, $0x38;
	[tilespmem:$0x1EF88] =	vst v63  }
0x1b3: {  	s2 =	simm.s32 @!p3 $0x1  }
0x1b4: {  	_ =	swait.ge @!p3 [sflag:s2], $0x80  }
0x1b5: {  	p1 =	por p2, p1;
	[sflag:s2] =	ssyncset.done @!p3 $0x0  }
0x1b6: {  	[sflag:s2] =	ssyncadd.s32 @!p3 $0xFFFFFF80;
	s2 =	simm.s32 @!p1 $0x1  }
0x1b7: {  	_ =	swait.ge @!p1 [sflag:s2], $0x40  }
0x1b8: {  	s29 =	simm.s32 $0xA938;
	[sflag:s2] =	ssyncset.done @!p1 $0x0  }
0x1b9: {  	s30 =	simm.s32 $0x800;
	s31 =	simm.s32 $0x1;
	[sflag:s2] =	ssyncadd.s32 @!p1 $0xFFFFFFC0  }
0x1ba: {  	[spmem:s30] =	stream.linear.scatter [tilespmem:s29], [sflag:$0x1], $0x10, $0x38;
	[tilespmem:$0x1EF88] =	vst v63  }
0x1bb: {  	_ =	swait.ge [sflag:s31], $0x10  }
0x1bc: {  	[sflag:s31] =	ssyncset.done $0x0  }
0x1bd: {  	p1 =	seq.s32 s14, $0x0;
	s9 =	rddreg [dreg:$0x1];
	[sflag:s31] =	ssyncadd.s32 $0xFFFFFFF0  }
0x1be: {  	s3 =	sshll.u32 @p1 s9, $0xE;
	s8 =	rddreg [dreg:$0x2]  }
0x1bf: {  	s2 =	sadd.s32 @p1 $0x15C3C, s3;
	s3 =	sshll.u32 @p1 s8, $0x11  }
0x1c0: {  	_ =	sfence.stream.spmem;
	s2 =	sor.u32 @p1 s3, s2  }
0x1c1: {  	[sflag:s2] =	ssyncadd.remote.s32 @p1 $0x1;
	s2 =	simm.s32 @p1 $0x4  }
0x1c2: {  	s4 =	simm.s32 @!p1 $0x3C;
	s3 =	sand.u32 $0xFFFFFFFE, s9;
	_ =	swait.ge @p1 [sflag:s2], $0x12  }
0x1c3: {  	s5 =	simm.s32 @!p1 $0x0;
	s3 =	sadd.s32 @!p1 $0x4, s3;
	[sflag:s2] =	ssyncset.done @p1 $0x0  }
0x1c4: {  	s7 =	simm.s32 @!p1 $0x80;
	[sflag:s2] =	ssyncadd.s32 @p1 $0xFFFFFFEE;
	s2 =	sshll.u32 @!p1 s3, $0x1A  }
0x1c5: {  	s3 =	sshll.u32 @!p1 s3, $0xD;
	s2 =	sor.u32 @!p1 s2, s8;
	_ =	swait.eq @!p1 [sflag:s4], $0x1  }
0x1c6: {  	s3 =	sor.u32 @!p1 $0x1C04, s3;
	s4 =	simm.s32 @!p1 $0x1C03;
	s2 =	sor.u32 @!p1 $0x80004000, s2  }
0x1c7: {  	[spmem:s7], [sflag:s3] =	dma.general @!p1 [spmem:s5], [sflag:s4], length:$0x10, [dreg:$0x0], stride_count:$0x0, ici_dest:s2, dma_misc:DstOpCode:WRITE  }
0x1c8: {  	p2 =	slt.s32 s0, $0x2;
	s5 =	simm.s32 @!p1 $0x100;
	s7 =	simm.s32 @!p1 $0x102  }
0x1c9: {  	[spmem:s7], [sflag:s3] =	dma.general @!p1 [spmem:s5], [sflag:s4], length:$0x2, [dreg:$0x0], stride_count:$0x0, ici_dest:s2, dma_misc:DstOpCode:WRITE  }
.Ltmp33:
0x1ca: {  	s2 =	simm.s32 @!p1 $0x3;
	(pc) =	sbr.rel @p2 .LBB2_44-.Ltmp33, $4  }
0x1cb: {  	s3 =	sshll.u32 @!p1 s9, $0xE;
	_ =	swait.ge @!p1 [sflag:s2], $0x12  }
0x1cc: {  	s4 =	sshll.u32 @!p1 s8, $0x11;
	s3 =	sadd.s32 @!p1 $0x11C3C, s3;
	[sflag:s2] =	ssyncset.done @!p1 $0x0  }
0x1cd: {  	[sflag:s2] =	ssyncadd.s32 @!p1 $0xFFFFFFEE;
	s2 =	sor.u32 @!p1 s4, s3  }
0x1ce: {  	s0 =	simm.s32 $0x0;
	[sflag:s2] =	ssyncadd.remote.s32 @!p1 $0xFFFFFFFF  }
0x1cf: {  	s0 =	simm.s32 $0xA119  }
0x1d0: {  	v0 =	vld.msk [tilespmem:s0+$0x0], $0x1;
	_ =	sdelay $0x4  }
0x1d1: {  	(v2sf) =	vpush v0, $0x0;
	_ =	sdelay $0xd  }
0x1d2: {  	s3 =	sadd.s32 $0xFFFFFFFE, s6  }
0x1d3: {  	s4 =	sadd.s32 $0xFFFFFFFF, s3;
	s2 =	spop (v2sf)  }
0x1d4: {  	p2 =	sne.s32 s4, $0x0;
	p1 =	sgt.u32 s2, $0x270F8  }
.Ltmp34:
0x1d5: {  	s5 =	sand.u32 @!p1 $0x3FFF8, s2;
	(pc) =	sbr.rel @!p2 .LBB2_43-.Ltmp34, $4  }
0x1d6: {  	s0 =	simm.s32 $0xA178;
	s2 =	sand.u32 @!p1 $0x7, s2;
	s3 =	sadd.s32 @!p1 s1, s5  }
0x1d7: {  	[hbm4b:s3+s2] =	stream.linear.scatter @!p1 [tilespmem:s0], [sflag:$0x5], $0x40, $0x38;
	[tilespmem:$0x1EF88] =	vst v63  }
0x1d8: {  	s2 =	simm.s32 $0x0  }
0x1d9: {  	s6 =	simm.s32 $0xA11A;
	s5 =	simm.s32 $0x0;
	s2 =	simm.s32 @!p1 $0x100  }
.LBB2_42:
0x1da: {  	v0 =	vld.msk [tilespmem:s6+$0x0], $0x1;
	s4 =	sadd.s32 $0xFFFFFFFF, s4;
	s5 =	sadd.s32 s5, s2  }
0x1db: {  	p1 =	sne.s32 s4, $0x0;
	_ =	sdelay $0x3  }
0x1dc: {  	(v2sf) =	vpush v0, $0x0;
	_ =	sdelay $0xe  }
.Ltmp35:
0x1dd: {  	s3 =	spop (v2sf);
	(pc) =	sbr.rel @p1 .LBB2_42-.Ltmp35, $4  }
0x1de: {  	s2 =	simm.s32 $0x0;
	p2 =	sgt.u32 s3, $0x270F8  }
0x1df: {  	s0 =	sadd.s32 $0x40, s0;
	s2 =	simm.s32 @!p2 $0x100;
	s7 =	sand.u32 @!p2 $0x3FFF8, s3  }
0x1e0: {  	s6 =	sadd.s32 $0x1, s6;
	s3 =	sand.u32 @!p2 $0x7, s3;
	s7 =	sadd.s32 @!p2 s1, s7  }
0x1e1: {  	[hbm4b:s7+s3] =	stream.linear.scatter @!p2 [tilespmem:s0], [sflag:$0x5], $0x40, $0x38;
	[tilespmem:$0x1EF88] =	vst v63  }
.LBB2_43:
0x1e2: {  	s0 =	sadd.s32 s5, s2  }
0x1e3: {  	s0 =	sshrl.u32 s0, $0x2  }
.LBB2_44:
0x1e4: {  	s2 =	simm.s32 $0x5  }
0x1e5: {  	_ =	swait.ge [sflag:s2], s0  }
0x1e6: {  	s31 =	ssub.s32 $0x0, s0;
	[sflag:s2] =	ssyncset.done $0x0  }
0x1e7: {  	[sflag:s2] =	ssyncadd.s32 s31  }
0x1e8: {  	[sflag:s2] =	ssyncpa.u1 $0x1  }
.LBB2_45:
0x1e9: {  	s0 =	sor.u32 s14, s15  }
0x1ea: {  	p1 =	sne.s32 s0, $0x0  }
.Ltmp36:
0x1eb: {  	_ = 	snop;
	(pc) =	sbr.rel @p1 .LBB2_60-.Ltmp36, $3  }
0x1ec: {  	_ =	sdelay $0x1  }
0x1ed: {  	[bflag:$0x0] =	sbarrier.arrive $0xFFFF  }
0x1ee: {  	_ =	sfence  }
0x1ef: {  	s0 =	simm.s32 $0x7  }
0x1f0: {  	s2 =	simm.s32 $0x800;
	s3 =	simm.s32 $0xA118;
	[sflag:s0] =	ssyncpa.u1 $0x0  }
0x1f1: {  	[tilespmem:s3], [sflag:$0x7] =	stream.linear.gather [spmem:s2], $0x20, $0x38;
	[tilespmem:$0x1EF88] =	vst v63  }
0x1f2: {  	s30 =	simm.s32 $0xA138;
	s2 =	simm.s32 $0x0  }
0x1f3: {  	[tilespmem:s30], [sflag:$0x7] =	stream.linear.gather [spmem:s2], $0x800, $0x38;
	[tilespmem:$0x1EF88] =	vst v63  }
.Ltmp37:
0x1f4: {  	_ = 	snop;
	(pc) =	sbr.rel .LBB2_47-.Ltmp37, $4  }
0x1f5: {  	_ =	swait.ge [sflag:s0], $0x820  }
0x1f6: {  	[sflag:s0] =	ssyncset.done $0x0  }
0x1f7: {  	s31 =	simm.s32 $0x8;
	[sflag:s0] =	ssyncadd.s32 $0xFFFFF7E0  }
0x1f8: {  	s3 =	simm.s32 $0x0;
	[sflag:s31] =	ssyncpa.u1 $0x0  }
.LBB2_53:
0x1f9: {  	p1 =	slt.u32 s0, $0x270F9  }
0x1fa: {  	s4 =	sand.u32 @p1 $0x3FFF8, s0  }
0x1fb: {  	s0 =	sand.u32 @p1 $0x7, s0;
	s5 =	simm.s32 @p1 $0xA0C8;
	s4 =	sadd.s32 @p1 s1, s4  }
0x1fc: {  	[tilespmem:s5], [sflag:$0x8] =	stream.linear.gather @p1 [hbm4b:s4+s0], $0x40, $0x38;
	[tilespmem:$0x1EF88] =	vst v63  }
0x1fd: {  	s0 =	simm.s32 @p1 $0x8  }
0x1fe: {  	_ =	swait.ge @p1 [sflag:s0], $0x40  }
0x1ff: {  	[sflag:s0] =	ssyncset.done @p1 $0x0  }
0x200: {  	[sflag:s0] =	ssyncadd.s32 @p1 $0xFFFFFFC0  }
0x201: {  	v1 =	vld @p1 [tilespmem:$0xA0C8];
	_ =	sdelay $0x2  }
0x202: {  	s0 =	sshll.u32 @p1 s3, $0x8  }
0x203: {  	s4 =	sshrl.u32 @p1 s0, $0x2  }
0x204: {  	[tilespmem:s4+$0xA138] =	vst.add.f32.msk @p1 $0xffff, v1  }
0x205: {  	v1 =	vld @p1 [tilespmem:$0xA0D8];
	_ =	sdelay $0x4  }
0x206: {  	[tilespmem:s4+$0xA148] =	vst.add.f32.msk @p1 $0xffff, v1  }
0x207: {  	v1 =	vld @p1 [tilespmem:$0xA0E8];
	_ =	sdelay $0x4  }
0x208: {  	[tilespmem:s4+$0xA158] =	vst.add.f32.msk @p1 $0xffff, v1  }
0x209: {  	v1 =	vld @p1 [tilespmem:$0xA0F8];
	_ =	sdelay $0x3  }
0x20a: {  	s5 =	sshll.u32 @!p1 s3, $0x8  }
0x20b: {  	s5 =	smov.u32 @p1 s0;
	[tilespmem:s4+$0xA168] =	vst.add.f32.msk @p1 $0xffff, v1  }
0x20c: {  	s0 =	sshrl.u32 s5, $0x2;
	[tilespmem:s2+$0xA118] =	vst.msk $0x1, v0  }
0x20d: {  	v0 =	vld [tilespmem:s0+$0xA138];
	_ =	sdelay $0x2  }
0x20e: {  	s31 =	sshll.u32 s2, $0x8  }
0x20f: {  	s4 =	sshra.s32 s31, $0x2  }
0x210: {  	[tilespmem:s4+$0xA138] =	vst v0  }
0x211: {  	v0 =	vld [tilespmem:s0+$0xA148];
	_ =	sdelay $0x4  }
0x212: {  	[tilespmem:s4+$0xA148] =	vst v0  }
0x213: {  	v0 =	vld [tilespmem:s0+$0xA158];
	_ =	sdelay $0x4  }
0x214: {  	[tilespmem:s4+$0xA158] =	vst v0  }
0x215: {  	v0 =	vld [tilespmem:s0+$0xA168];
	_ =	sdelay $0x4  }
0x216: {  	s2 =	sadd.s32 $0x1, s2;
	[tilespmem:s4+$0xA168] =	vst v0  }
.LBB2_54:
0x217: {  	s3 =	sadd.s32 $0x1, s3  }
0x218: {  	p1 =	sne.s32 s3, $0x20  }
.Ltmp38:
0x219: {  	_ = 	snop;
	(pc) =	sbr.rel @!p1 .LBB2_55-.Ltmp38, $1  }
0x21a: {  	_ =	sdelay $0x3  }
.LBB2_47:
0x21b: {  	v0 =	vld.msk [tilespmem:s3+$0xA118], $0x1;
	_ =	sdelay $0x4  }
0x21c: {  	(v2sf) =	vpush v0, $0x0;
	_ =	sdelay $0xe  }
0x21d: {  	s0 =	spop (v2sf)  }
0x21e: {  	p1 =	seq.s32 s0, $0xFFFFFFFF  }
.Ltmp39:
0x21f: {  	_ = 	snop;
	(pc) =	sbr.rel @p1 .LBB2_54-.Ltmp39, $1  }
0x220: {  	_ =	sdelay $0x3  }
0x221: {  	p1 =	slt.s32 s2, $0x1  }
.Ltmp40:
0x222: {  	_ = 	snop;
	(pc) =	sbr.rel @p1 .LBB2_53-.Ltmp40, $1  }
0x223: {  	_ =	sdelay $0x3  }
0x224: {  	s4 =	simm.s32 $0xA118;
	p1 =	por $0x0, $0x0  }
0x225: {  	v1 =	vld.msk @!p1 [tilespmem:s4+$0x0], $0x1;
	_ =	sdelay $0x4  }
0x226: {  	(v2sf) =	vpush @!p1 v1, $0x0;
	_ =	sdelay $0xd  }
0x227: {  	p3 =	sne.s32 s2, $0x1  }
.Ltmp41:
0x228: {  	s5 =	spop @!p1 (v2sf);
	(pc) =	sbr.rel @!p3 .LBB2_51-.Ltmp41, $4  }
0x229: {  	p2 =	seq.s32 @!p1 s0, s5  }
0x22a: {  	s5 =	simm.s32 $0x0;
	p2 =	por !p2, p1  }
0x22b: {  	s7 =	simm.s32 $0xFFFFFFFF;
	s5 =	simm.s32 @p2 $0xFFFFFFFF  }
0x22c: {  	s6 =	simm.s32 $0x1;
	s5 =	smov.u32 @p1 s7  }
.LBB2_50:
0x22d: {  	s7 =	smov.u32 s5;
	p1 =	sne.s32 s5, $0xFFFFFFFF  }
0x22e: {  	s4 =	sadd.s32 $0x1, s4;
	s5 =	smov.u32 s6;
	s6 =	sadd.s32 $0x1, s6  }
0x22f: {  	p2 =	sne.s32 s2, s6;
	v1 =	vld.msk @!p1 [tilespmem:s4+$0x0], $0x1;
	_ =	sdelay $0x4  }
0x230: {  	(v2sf) =	vpush @!p1 v1, $0x0;
	_ =	sdelay $0xe  }
.Ltmp42:
0x231: {  	s8 =	spop @!p1 (v2sf);
	(pc) =	sbr.rel @p2 .LBB2_50-.Ltmp42, $4  }
0x232: {  	p3 =	seq.s32 @!p1 s0, s8  }
0x233: {  	p3 =	por !p3, p1  }
0x234: {  	s5 =	simm.s32 @p3 $0xFFFFFFFF  }
0x235: {  	s5 =	smov.u32 @p1 s7  }
.LBB2_51:
0x236: {  	p1 =	seq.s32 s5, $0xFFFFFFFF  }
.Ltmp43:
0x237: {  	_ = 	snop;
	(pc) =	sbr.rel @p1 .LBB2_53-.Ltmp43, $1  }
0x238: {  	_ =	sdelay $0x3  }
0x239: {  	s0 =	sshll.u32 s3, $0x6  }
0x23a: {  	s0 =	sand.u32 $0x3FFFFFC0, s0  }
0x23b: {  	v0 =	vld [tilespmem:s0+$0xA138];
	_ =	sdelay $0x2  }
0x23c: {  	s4 =	sshll.u32 s5, $0x8  }
0x23d: {  	s4 =	sshra.s32 s4, $0x2  }
0x23e: {  	[tilespmem:s4+$0xA138] =	vst.add.f32.msk $0xffff, v0  }
0x23f: {  	v0 =	vld [tilespmem:s0+$0xA148];
	_ =	sdelay $0x4  }
0x240: {  	[tilespmem:s4+$0xA148] =	vst.add.f32.msk $0xffff, v0  }
0x241: {  	v0 =	vld [tilespmem:s0+$0xA158];
	_ =	sdelay $0x4  }
0x242: {  	[tilespmem:s4+$0xA158] =	vst.add.f32.msk $0xffff, v0  }
0x243: {  	v0 =	vld [tilespmem:s0+$0xA168]  }
.Ltmp44:
0x244: {  	_ = 	snop;
	(pc) =	sbr.rel .LBB2_54-.Ltmp44, $2  }
0x245: {  	_ =	sdelay $0x2  }
0x246: {  	[tilespmem:s4+$0xA168] =	vst.add.f32.msk $0xffff, v0  }
.LBB2_55:
0x247: {  	p1 =	slt.s32 s2, $0x1  }
.Ltmp45:
0x248: {  	_ = 	snop;
	(pc) =	sbr.rel @p1 .LBB2_59-.Ltmp45, $3  }
0x249: {  	_ =	sdelay $0x1  }
0x24a: {  	s0 =	simm.s32 $0x8  }
0x24b: {  	[sflag:s0] =	ssyncpa.u1 $0x1;
	s0 =	simm.s32 $0x0  }
0x24c: {  	s3 =	simm.s32 $0xA118  }
0x24d: {  	v0 =	vld.msk [tilespmem:s3+$0x0], $0x1;
	_ =	sdelay $0x4  }
0x24e: {  	(v2sf) =	vpush v0, $0x0;
	_ =	sdelay $0xe  }
0x24f: {  	s2 =	sadd.s32 $0xFFFFFFFF, s2;
	s4 =	spop (v2sf)  }
0x250: {  	p2 =	sne.s32 s2, $0x0;
	p1 =	sgt.u32 s4, $0x270F8  }
.Ltmp46:
0x251: {  	s5 =	sand.u32 @!p1 $0x3FFF8, s4;
	(pc) =	sbr.rel @!p2 .LBB2_58-.Ltmp46, $4  }
0x252: {  	s3 =	simm.s32 $0xA138;
	s4 =	sand.u32 @!p1 $0x7, s4;
	s5 =	sadd.s32 @!p1 s1, s5  }
0x253: {  	[hbm4b:s5+s4] =	stream.linear.scatter @!p1 [tilespmem:s3], [sflag:$0x7], $0x40, $0x38;
	[tilespmem:$0x1EF88] =	vst v63  }
0x254: {  	s5 =	simm.s32 $0x0  }
0x255: {  	s4 =	simm.s32 $0xA119;
	s5 =	simm.s32 @!p1 $0x100  }
.LBB2_57:
0x256: {  	v0 =	vld.msk [tilespmem:s4+$0x0], $0x1;
	s2 =	sadd.s32 $0xFFFFFFFF, s2;
	s0 =	sadd.s32 s0, s5  }
0x257: {  	p1 =	sne.s32 s2, $0x0;
	_ =	sdelay $0x3  }
0x258: {  	(v2sf) =	vpush v0, $0x0;
	_ =	sdelay $0xe  }
.Ltmp47:
0x259: {  	s6 =	spop (v2sf);
	(pc) =	sbr.rel @p1 .LBB2_57-.Ltmp47, $4  }
0x25a: {  	s5 =	simm.s32 $0x0;
	p2 =	sgt.u32 s6, $0x270F8  }
0x25b: {  	s3 =	sadd.s32 $0x40, s3;
	s5 =	simm.s32 @!p2 $0x100;
	s7 =	sand.u32 @!p2 $0x3FFF8, s6  }
0x25c: {  	s4 =	sadd.s32 $0x1, s4;
	s6 =	sand.u32 @!p2 $0x7, s6;
	s7 =	sadd.s32 @!p2 s1, s7  }
0x25d: {  	[hbm4b:s7+s6] =	stream.linear.scatter @!p2 [tilespmem:s3], [sflag:$0x7], $0x40, $0x38;
	[tilespmem:$0x1EF88] =	vst v63  }
.LBB2_58:
0x25e: {  	s0 =	sadd.s32 s0, s5  }
0x25f: {  	s0 =	sshrl.u32 s0, $0x2  }
.LBB2_59:
0x260: {  	s1 =	simm.s32 $0x7  }
0x261: {  	_ =	swait.ge [sflag:s1], s0  }
0x262: {  	s31 =	ssub.s32 $0x0, s0;
	[sflag:s1] =	ssyncset.done $0x0  }
0x263: {  	[sflag:s1] =	ssyncadd.s32 s31  }
0x264: {  	[sflag:s1] =	ssyncpa.u1 $0x1  }
.LBB2_60:
0x265: {  	_ =	sfence;
	s0 =	simm.s32 $0x1  }
0x266: {  	[sflag:s0] =	ssyncpa.u1 $0x1  }
0x267: {  	_ =	strace $0x90000053  }
0x268: {  	[bflag:$0x2] =	sbarrier.arrive $0xFFFF  }
0x269: {  	s0 =	rddreg [dreg:$0x3]  }
0x26a: {  	s0 =	sadd.s32 @!p0 $0x100000, s0  }
0x26b: {  	[sflag:s0] =	ssyncadd.tile.s32 @!p0 $0x1;
	_ =	shalt  }
.Lfunc_end2:
_tile_overlayer_lowered:
.L_overlay_start_2:
0x26c: {  	(tag) =	ssettag $0x2  }
0x26d: {  	s0 =	rddreg [dreg:$0x0];
	s2 =	stileid.u32  }
0x26e: {  	s1 =	rddreg [dreg:$0x1];
	p0 =	sne.s32 s2, $0x0  }
0x26f: {  	s3 =	rddreg [dreg:$0x2];
	[bflag:$0x3] =	sbarrier.arrive $0xFFFF;
	s2 =	simm.s32 @!p0 $0x1C01  }
0x270: {  	[timem:s3], [sflag:s2] =	dma.local @!p0 [hbm:s0], s1  }
0x271: {  	s0 =	simm.s32 @!p0 $0x1  }
0x272: {  	_ =	swait.ge @!p0 [sflag:s0], s1  }
0x273: {  	s1 =	ssub.s32 @!p0 $0x0, s1;
	[sflag:s0] =	ssyncset.done @!p0 $0x0  }
0x274: {  	[sflag:s0] =	ssyncadd.s32 @!p0 s1  }
0x275: {  	[bflag:$0x3] =	sbarrier.arrive $0xFFFF  }
0x276: {  	_ =	shalt  }

// kernel: scatter_offload_async_start.3
scs
__scs_entry_jumppad:
0x0: {  	(pc) =	sbr.rel $0x88, $3  }
0x1: {  	(tag) =	ssettag $0x0;
	lr =	simm.s32 $0x1  }
0x2: {  	[smem:$0x3F3B] =	sst lr;
	_ =	strace $0xD0000000  }
0x3: {  	_ = 	snop  }
0x4: {  	_ = 	snop  }
0x5: {  	_ = 	snop  }
0x6: {  	_ = 	snop  }
0x7: {  	_ = 	snop  }
__scs_overlays_trampoline_lowered:
0x8: {  	[smem:$0x3F4A] =	sst s0  }
0x9: {  	[smem:$0x3F4B] =	sst s1  }
0xa: {  	[smem:$0x3F4C] =	sst s2  }
0xb: {  	[smem:$0x3F4D] =	sst s3  }
0xc: {  	[smem:$0x3F4E] =	sst s4  }
0xd: {  	[smem:$0x3F4F] =	sst s5  }
0xe: {  	[smem:$0x3F50] =	sst s6  }
0xf: {  	[smem:$0x3F51] =	sst s7  }
0x10: {  	[smem:$0x3F52] =	sst s8  }
0x11: {  	[smem:$0x3F53] =	sst s9;
	s0 =	simm.s32 @!p0 $0x0  }
0x12: {  	s1 =	sld [smem:$0x3F39];
	s0 =	simm.s32 @p0 $0x1  }
0x13: {  	[smem:$0x3F54] =	sst s0;
	s0 =	simm.s32 @!p1 $0x0  }
0x14: {  	s2 =	sld [smem:$0x3F38];
	s0 =	simm.s32 @p1 $0x1  }
0x15: {  	[smem:$0x3F55] =	sst s0;
	s0 =	simm.s32 @!p2 $0x0  }
0x16: {  	s3 =	sld [smem:$0x3FDB];
	s0 =	simm.s32 @p2 $0x1  }
0x17: {  	s4 =	simm.s32 $0x1BF5;
	[smem:$0x3F57] =	sst s0  }
0x18: {  	s0 =	sld [smem:$0x3F3A];
	_ =	swait.ge [sflag:s4], $0x0  }
0x19: {  	s7 =	sld [smem:$0x3F3B]  }
0x1a: {  	s8 =	sadd.s32 $0xFFFFE003, lr  }
0x1b: {  	s9 =	sadd.s32 $0xFFFFFEF7, lr;
	s5 =	simm.s32 $0xFFFFFFFF;
	p2 =	slt.u32 s8, $0xFFFFF086  }
0x1c: {  	p1 =	slt.u32 s9, $0xF7A;
	s5 =	simm.s32 @!p2 $0x0  }
0x1d: {  	s5 =	simm.s32 @p1 $0x1;
	p0 =	seq.s32 s7, s2  }
0x1e: {  	s7 =	smul.u32 @!p0 $0xF7A, s2;
	p2 =	seq.s32 @!p0 s5, $0x0  }
0x1f: {  	s9 =	smul.u32 $0xF7A, s1;
	s8 =	simm.s32 @!p0 $0x1BF5;
	p2 =	por !p2, p0  }
0x20: {  	[sflag:s8] =	ssyncset.s32 @!p0 $0xFFFFF086;
	s6 =	sadd.s32 @!p0 s3, s7;
	s7 =	simm.s32 @!p0 $0x108  }
0x21: {  	s3 =	sadd.s32 s3, s9;
	s6 =	sadd.s32 @!p0 $0x88, s6;
	s7 =	simm.s32 @p2 $0x1082  }
0x22: {  	[simem:s7], [sflag:s8] =	dma.local @!p0 [hbm:s6], $0xF7A  }
0x23: {  	s9 =	sor.u32 $0xD0000000, s2;
	s6 =	simm.s32 $0x108;
	_ =	swait.ge @!p0 [sflag:s8], $0x0  }
0x24: {  	s3 =	sadd.s32 $0x88, s3;
	s6 =	simm.s32 @!p1 $0x1082;
	[sflag:s4] =	ssyncset.s32 $0xFFFFF086  }
0x25: {  	[simem:s6], [sflag:s4] =	dma.local [hbm:s3], $0xF7A  }
0x26: {  	[smem:$0x3F3B] =	sst s1;
	(tag) =	ssettag s2;
	_ =	strace s9  }
0x27: {  	s1 =	sld [smem:$0x3F4B]  }
0x28: {  	s2 =	sld [smem:$0x3F4C]  }
0x29: {  	s4 =	sld [smem:$0x3F4E]  }
0x2a: {  	p0 =	seq.s32 s5, $0x0;
	s5 =	sld [smem:$0x3F4F]  }
0x2b: {  	s6 =	sld [smem:$0x3F50]  }
0x2c: {  	s7 =	sld [smem:$0x3F51]  }
0x2d: {  	s3 =	simm.s32 $0x108;
	s8 =	sld [smem:$0x3F52]  }
0x2e: {  	s3 =	simm.s32 @!p0 $0x1082;
	s9 =	sld [smem:$0x3F53]  }
0x2f: {  	lr =	sadd.s32 s0, s3;
	s0 =	sld [smem:$0x3F4A]  }
0x30: {  	s3 =	sld [smem:$0x3F4D]  }
0x31: {  	[smem:$0x3F56] =	sst s10  }
0x32: {  	s10 =	sld [smem:$0x3F54];
	_ =	sdelay $0x3  }
0x33: {  	p0 =	seq.s32 s10, $0x1;
	s10 =	sld [smem:$0x3F56];
	_ =	sdelay $0x3  }
0x34: {  	[smem:$0x3F56] =	sst s10  }
0x35: {  	s10 =	sld [smem:$0x3F55];
	_ =	sdelay $0x3  }
0x36: {  	p1 =	seq.s32 s10, $0x1;
	s10 =	sld [smem:$0x3F56];
	_ =	sdelay $0x3  }
0x37: {  	[smem:$0x3F56] =	sst s10  }
0x38: {  	s10 =	sld [smem:$0x3F57]  }
0x39: {  	_ = 	snop;
	(pc) =	sbr.ind lr, $3  }
0x3a: {  	_ = 	snop  }
0x3b: {  	_ = 	snop  }
0x3c: {  	p2 =	seq.s32 s10, $0x1;
	s10 =	sld [smem:$0x3F56]  }
0x3d: {  	_ =	shalt  }
0x3e: {  	_ =	shalt  }
0x3f: {  	_ =	shalt  }
0x40: {  	_ =	shalt  }
0x41: {  	_ =	shalt  }
0x42: {  	_ =	shalt  }
0x43: {  	_ =	shalt  }
0x44: {  	_ =	shalt  }
0x45: {  	_ =	shalt  }
0x46: {  	_ =	shalt  }
0x47: {  	_ =	shalt  }
0x48: {  	_ =	shalt  }
0x49: {  	_ =	shalt  }
0x4a: {  	_ =	shalt  }
0x4b: {  	_ =	shalt  }
0x4c: {  	_ =	shalt  }
0x4d: {  	_ =	shalt  }
0x4e: {  	_ =	shalt  }
0x4f: {  	_ =	shalt  }
0x50: {  	_ =	shalt  }
0x51: {  	_ =	shalt  }
0x52: {  	_ =	shalt  }
0x53: {  	_ =	shalt  }
0x54: {  	_ =	shalt  }
0x55: {  	_ =	shalt  }
0x56: {  	_ =	shalt  }
0x57: {  	_ =	shalt  }
0x58: {  	_ =	shalt  }
0x59: {  	_ =	shalt  }
0x5a: {  	_ =	shalt  }
0x5b: {  	_ =	shalt  }
0x5c: {  	_ =	shalt  }
0x5d: {  	_ =	shalt  }
0x5e: {  	_ =	shalt  }
0x5f: {  	_ =	shalt  }
0x60: {  	_ =	shalt  }
0x61: {  	_ =	shalt  }
0x62: {  	_ =	shalt  }
0x63: {  	_ =	shalt  }
0x64: {  	_ =	shalt  }
0x65: {  	_ =	shalt  }
0x66: {  	_ =	shalt  }
0x67: {  	_ =	shalt  }
0x68: {  	_ =	shalt  }
0x69: {  	_ =	shalt  }
0x6a: {  	_ =	shalt  }
0x6b: {  	_ =	shalt  }
0x6c: {  	_ =	shalt  }
0x6d: {  	_ =	shalt  }
0x6e: {  	_ =	shalt  }
0x6f: {  	_ =	shalt  }
0x70: {  	_ =	shalt  }
0x71: {  	_ =	shalt  }
0x72: {  	_ =	shalt  }
0x73: {  	_ =	shalt  }
0x74: {  	_ =	shalt  }
0x75: {  	_ =	shalt  }
0x76: {  	_ =	shalt  }
0x77: {  	_ =	shalt  }
0x78: {  	_ =	shalt  }
0x79: {  	_ =	shalt  }
0x7a: {  	_ =	shalt  }
0x7b: {  	_ =	shalt  }
0x7c: {  	_ =	shalt  }
0x7d: {  	_ =	shalt  }
0x7e: {  	_ =	shalt  }
0x7f: {  	_ =	shalt  }
0x80: {  	_ =	shalt  }
0x81: {  	_ =	shalt  }
0x82: {  	_ =	shalt  }
0x83: {  	_ =	shalt  }
0x84: {  	_ =	shalt  }
0x85: {  	_ =	shalt  }
0x86: {  	_ =	shalt  }
0x87: {  	_ =	shalt  }
.Lfunc_end0:
.L_simem_size_0:
called_computation.3_lowered:
.L_overlay_start_0:
0x88: {  	s2 =	sld [smem:$0x3FD9]  }
0x89: {  	s3 =	sld [smem:$0x3FFE];
	_ =	sdelay $0x1  }
0x8a: {  	s1 =	srdreg.scid  }
0x8b: {  	s0 =	sand.u32 $0x1, s1  }
0x8c: {  	s15 =	sshll.u32 s0, $0xA;
	s2 =	sadd.s32 s3, s2  }
0x8d: {  	s2 =	sadd.s32 s2, s15  }
0x8e: {  	[smem:$0x3F62] =	sst s2  }
0x8f: {  	_ = 	snop  }
0x90: {  	(tm) =	ssettm $0x1  }
0x91: {  	s16 =	sld [smem:$0x3FFB];
	_ =	sdelay $0x3  }
0x92: {  	_ =	strace s16  }
0x93: {  	s2 =	sld [smem:$0x3FFC];
	_ =	sdelay $0x3  }
0x94: {  	_ =	strace s2  }
0x95: {  	s2 =	sld [smem:$0x3FFD];
	_ =	sdelay $0x3  }
0x96: {  	_ =	strace s2  }
0x97: {  	_ =	strace $0x8FFFFFFF  }
0x98: {  	s17 =	sld [smem:$0x3FDB];
	_ =	sdelay $0x1  }
0x99: {  	s18 =	simm.s32 $_scs_section_size  }
0x9a: {  	s4 =	simm.s32 $_size__tile_overlayer_lowered;
	s5 =	simm.s32 $_tile_overlayer_lowered  }
0x9b: {  	s21 =	simm.s32 $0x1BFF;
	s20 =	sshll.u32 s5, $0x1;
	s2 =	sadd.s32 s18, s17  }
0x9c: {  	s6 =	simm.s32 $0x0;
	s19 =	sshll.u32 s4, $0x1;
	s4 =	sadd.s32 s20, s2  }
0x9d: {  	[timem:s6], [sflag:s21] =	dma.local [hbm:s4], s19  }
0x9e: {  	_ =	swait.ge [sflag:s21], s19  }
0x9f: {  	s3 =	ssub.s32 $0x0, s19;
	[sflag:s21] =	ssyncset.done $0x0  }
0xa0: {  	[sflag:s21] =	ssyncadd.s32 s3;
	_ =	sdelay $0x1  }
0xa1: {  	s22 =	simm.s32 $0x1B8B  }
0xa2: {  	_ =	swait.ge [sflag:s22], $0x1  }
0xa3: {  	[sflag:s22] =	ssyncset.done $0x0  }
0xa4: {  	s23 =	sld [smem:$0x3FFE];
	[sflag:s22] =	ssyncadd.s32 $0xFFFFFFFF  }
0xa5: {  	s25 =	simm.s32 $0x1B8E;
	s24 =	sld [smem:$0x0]  }
0xa6: {  	s26 =	simm.s32 $execute0_lowered;
	[smem:$0x3FD2] =	sst s25  }
0xa7: {  	s5 =	sshll.u32 s26, $0x1;
	_ =	strace $0x80000055;
	[dreg:$0x1] =	wrdreg $0xFFFFFFFF  }
0xa8: {  	s28 =	simm.s32 $_size_execute0_lowered;
	s2 =	sadd.s32 s2, s5;
	[dreg:$0x0] =	wrdreg $0x0  }
0xa9: {  	s5 =	sshll.u32 s28, $0x1;
	[dreg:$0x2] =	wrdreg s2  }
0xaa: {  	[dreg:$0x3] =	wrdreg s5  }
0xab: {  	[dreg:$0x4] =	wrdreg $0xC0  }
0xac: {  	_ =	task [dreg:s6], $0x5FFFF  }
0xad: {  	[dreg:$0x1] =	wrdreg $0xFFFFFFFF  }
0xae: {  	[dreg:$0x0] =	wrdreg $0x60  }
0xaf: {  	[dreg:$0x2] =	wrdreg s23  }
0xb0: {  	[dreg:$0x3] =	wrdreg s1  }
0xb1: {  	[dreg:$0x4] =	wrdreg s24  }
0xb2: {  	[dreg:$0x5] =	wrdreg $0x9  }
0xb3: {  	_ =	task.clear_ibuf [dreg:s6], $0x6FFFF;
	_ =	strace $0x90000055  }
0xb4: {  	s29 =	simm.s32 $0x9;
	_ =	strace $0x80000057  }
0xb5: {  	_ =	swait.ge [sflag:s29], $0x1  }
0xb6: {  	[sflag:s29] =	ssyncadd.s32 $0xFFFFFFFF  }
0xb7: {  	_ =	strace $0x90000057  }
0xb8: {  	_ =	sfence  }
0xb9: {  	s30 =	sld [smem:$0x0];
	_ =	sdelay $0x2  }
0xba: {  	s31 =	sshll.u32 s1, $0xD;
	s1 =	sshrl.u32 s1, $0x2  }
0xbb: {  	s3 =	sand.u32 $0x4000, s31;
	s1 =	sadd.s32 s1, s30  }
0xbc: {  	s0 =	sor.u32 s3, s0;
	s1 =	sshll.u32 s1, $0x11  }
0xbd: {  	s0 =	sor.u32 s1, s0  }
0xbe: {  	s0 =	sadd.s32 $0x8F2B, s0  }
0xbf: {  	[sflag:s0] =	ssyncadd.remote.s32 $0x1  }
0xc0: {  	_ =	sfence.sel $0xFFFF  }
0xc1: {  	[dreg:$0x0] =	wrdreg $0xFFFFFFFF;
	(pc) =	sbr.abs _section_cstart, $3  }
0xc2: {  	[dreg:$0x1] =	wrdreg $0xFFFFFFFF  }
0xc3: {  	_ =	task.clear_ibuf [dreg:s6], $0x2FFFF;
	_ =	strace $0x9FFFFFFF  }
0xc4: {  	(tm) =	ssettm $0x7FFFFFFF  }
0xc5: {  	_ =	shalt  }
tec
execute0_lowered:
.L_overlay_start_1:
0x0: {  	(tag) =	ssettag $0x1  }
0x1: {  	s2 =	rddreg [dreg:$0x0]  }
0x2: {  	s3 =	rddreg [dreg:$0x1];
	_ =	strace $0x80000056;
	s0 =	simm.s32 $0x1  }
0x3: {  	s4 =	simm.s32 $0x88;
	v0 =	vimm.s32 $0x0;
	[sflag:s0] =	ssyncpa.u1 $0x0  }
0x4: {  	s1 =	sadd.s32 $0xA90800, s2;
	[tilespmem:s4+$0x30] =	vst v0  }
0x5: {  	s0 =	sadd.s32 $0xA78000, s2;
	s6 =	sadd.s32 $0x143CE00, s2;
	[tilespmem:s4+$0x20] =	vst v0  }
0x6: {  	s14 =	sadd.s32 $0xA84400, s2;
	s9 =	sand.u32 $0x1, s3;
	s2 =	simm.s32 $0x40;
	[tilespmem:s4+$0x10] =	vst v0  }
.LBB2_1:
0x7: {  	s2 =	sadd.s32 $0x40, s2  }
0x8: {  	[tilespmem:s4+$0x0] =	vst v0;
	s4 =	sadd.s32 $0x40, s4;
	p0 =	slt.u32 s2, $0x5040  }
.Ltmp0:
0x9: {  	(pc) =	sbr.rel @p0 .LBB2_1-.Ltmp0, $4  }
0xa: {  	_ = 	snop  }
0xb: {  	[tilespmem:s4+$0x30] =	vst v0  }
0xc: {  	[tilespmem:s4+$0x20] =	vst v0  }
0xd: {  	[tilespmem:s4+$0x10] =	vst v0  }
0xe: {  	s10 =	stileid.u32  }
0xf: {  	s2 =	smul.u32 $0x27, s10  }
0x10: {  	s3 =	smin.u32 s10, $0x4  }
0x11: {  	s2 =	sadd.s32 s3, s2  }
0x12: {  	p0 =	slt.u32 s10, $0x4;
	s7 =	smul.u32 $0x140, s2;
	s2 =	simm.s32 $0x3200  }
0x13: {  	s2 =	simm.s32 @!p0 $0x30C0  }
0x14: {  	s2 =	sadd.s32 s2, s7  }
0x15: {  	s8 =	smin.u32 s2, $0x31000  }
0x16: {  	s2 =	ssub.s32 s8, s7  }
0x17: {  	s26 =	simm.s32 $0x2;
	s29 =	simm.s32 $0x9;
	p0 =	sgt.s32 s2, $0x0  }
0x18: {  	s30 =	simm.s32 $0xA;
	s31 =	smul.u32 $0x6200, s9;
	s2 =	simm.s32 @!p0 $0x0  }
0x19: {  	s11 =	simm.s32 $0xB;
	[dreg:$0x4] =	wrdreg s9;
	s28 =	smulhi.u32 $0x66666667, s2  }
0x1a: {  	s12 =	simm.s32 $0x1;
	s18 =	simm.s32 $0x0;
	p1 =	por $0x0, $0x0  }
0x1b: {  	s19 =	simm.s32 $0xC;
	s23 =	simm.s32 $0x0;
	s3 =	sshrl.u32 s28, $0x7  }
0x1c: {  	s20 =	simm.s32 $0x0;
	s22 =	simm.s32 $0x0;
	s5 =	smul.u32 $0x140, s3  }
.Ltmp1:
0x1d: {  	[tilespmem:s4+$0x0] =	vst v0;
	v0 =	vimm.s32 $0xFFFFFFFF;
	[sflag:s26] =	ssyncpa.u1 $0x0;
	s16 =	sshll.u32 s10, $0x7;
	(pc) =	sbr.rel .LBB2_3-.Ltmp1, $4  }
0x1e: {  	[tilespmem:$0xA108] =	vst v0;
	[sflag:s29] =	ssyncpa.u1 $0x0;
	p0 =	sne.s32 s2, s5;
	s2 =	simm.s32 $0x1  }
0x1f: {  	s14 =	sadd.s32 s31, s14;
	[sflag:s30] =	ssyncpa.u1 $0x0;
	s2 =	simm.s32 @!p0 $0x0  }
0x20: {  	s15 =	sadd.s32 s31, s0;
	[sflag:s11] =	ssyncpa.u1 $0x0;
	s13 =	sadd.s32 s2, s3  }
0x21: {  	v0 =	vlaneseq.u32;
	s21 =	smov.u32 s7;
	p0 =	por $0x1, $0x1;
	s17 =	sadd.s32 $0x1, s13  }
.LBB2_24:
0x22: {  	s0 =	sshrl.u32 s0, $0x2  }
.LBB2_26:
0x23: {  	_ =	swait.ge [sflag:s19], s0  }
0x24: {  	s30 =	ssub.s32 $0x0, s0;
	v1 =	vmov s25;
	vm0 =	veq.s32 v0, $0x0;
	[sflag:s19] =	ssyncset.done $0x0  }
0x25: {  	vm15 =	veq.s32 v0, $0x2;
	v1 =	vsel vm0, s31, v1;
	[sflag:s19] =	ssyncadd.s32 s30  }
0x26: {  	v1 =	vsel vm15, s23, v1;
	[sflag:s19] =	ssyncpa.u1 $0x1  }
0x27: {  	[tilespmem:$0xA108] =	vst v1  }
.LBB2_27:
0x28: {  	s0 =	sadd.s32 $0x140, s21  }
0x29: {  	s2 =	smov.u32 s7;
	p2 =	slt.s32 s0, s8  }
0x2a: {  	s2 =	smov.u32 @p2 s0;
	p2 =	sne.s32 s22, s17  }
.Ltmp2:
0x2b: {  	_ = 	snop;
	(pc) =	sbr.rel @!p2 .LBB2_28-.Ltmp2, $4  }
0x2c: {  	_ = 	snop  }
0x2d: {  	s23 =	smov.u32 s20  }
0x2e: {  	s31 =	sadd.s32 $0x1, s22;
	s20 =	smov.u32 s21;
	p0 =	por !p0, !p0  }
0x2f: {  	p1 =	por !p1, !p1;
	s22 =	smov.u32 s31;
	s21 =	smov.u32 s2  }
.LBB2_3:
0x30: {  	p2 =	sge.u32 s22, s13  }
0x31: {  	s0 =	smulhi.u32 @!p2 $0xAAAAAAAB, s22  }
0x32: {  	s2 =	smov.u32 s21;
	p3 =	sgt.s32 @!p2 s21, $0x30EC0  }
0x33: {  	s3 =	sshra.s32 @!p2 s21, $0x1F;
	p3 =	por !p3, p2;
	s0 =	sshrl.u32 @!p2 s0, $0x1  }
0x34: {  	s3 =	sand.u32 @!p2 s3, s21;
	s2 =	simm.s32 @p3 $0x30EC0;
	s0 =	smul.u32 @!p2 $0x3, s0  }
0x35: {  	s2 =	ssub.s32 @!p2 s2, s3  }
0x36: {  	s2 =	sadd.s32 @!p2 $0xFFFCF140, s2;
	s0 =	ssub.s32 @!p2 s22, s0  }
0x37: {  	s3 =	sshll.u32 @!p2 s2, $0x2;
	p3 =	sgt.s32 @!p2 s2, $0x13F;
	s0 =	smul.u32 @!p2 $0x500, s0  }
0x38: {  	s4 =	sand.u32 @!p2 $0x7, s21;
	s2 =	ssub.s32 @!p2 $0x500, s3;
	p3 =	por !p3, p2  }
0x39: {  	s3 =	sshrl.u32 @!p2 s21, $0x3;
	s2 =	sshrl.u32 @!p2 s2, $0x2;
	s0 =	sshrl.u32 @!p2 s0, $0x2  }
0x3a: {  	s3 =	sadd.s32 @!p2 s3, s14;
	s2 =	simm.s32 @!p3 $0x0;
	s0 =	sadd.s32 @!p2 $0xA948, s0  }
0x3b: {  	[tilespmem:s0], [sflag:$0xA] =	stream.linear.gather @!p2 [hbm4b:s3+s4], s2, $0x38;
	[tilespmem:$0x1EF88] =	vst v63  }
0x3c: {  	s4 =	sadd.s32 $0xFFFFFFFF, s22  }
0x3d: {  	p2 =	sge.u32 s4, s13  }
0x3e: {  	p3 =	sgt.s32 @!p2 s20, $0x30EC0  }
0x3f: {  	s0 =	smov.u32 s20;
	s2 =	sshra.s32 @!p2 s20, $0x1F;
	p3 =	por !p3, p2  }
0x40: {  	s2 =	sand.u32 @!p2 s2, s20;
	s0 =	simm.s32 @p3 $0x30EC0  }
0x41: {  	s0 =	ssub.s32 @!p2 s0, s2  }
0x42: {  	s0 =	sadd.s32 @!p2 $0xFFFCF140, s0  }
0x43: {  	s2 =	sshll.u32 @!p2 s0, $0x2  }
0x44: {  	p3 =	sgt.s32 @!p2 s0, $0x13F;
	s0 =	ssub.s32 @!p2 $0x500, s2  }
0x45: {  	p3 =	por !p3, p2;
	s0 =	sshrl.u32 @!p2 s0, $0x2  }
0x46: {  	s3 =	simm.s32 @!p2 $0xA;
	s2 =	sand.u32 @!p2 $0x1, s4;
	s0 =	simm.s32 @!p3 $0x0  }
0x47: {  	s2 =	smul.u32 @!p2 $0x500, s2;
	_ =	swait.ge @!p2 [sflag:s3], s0  }
0x48: {  	s5 =	ssub.s32 @!p2 $0x0, s0;
	[sflag:s3] =	ssyncset.done @!p2 $0x0  }
0x49: {  	s2 =	sshrl.u32 @!p2 s2, $0x2;
	[sflag:s3] =	ssyncadd.s32 @!p2 s5;
	s3 =	sshrl.u32 @!p2 s20, $0x3  }
0x4a: {  	s2 =	sadd.s32 @!p2 $0xAD08, s2;
	s5 =	sand.u32 @!p2 $0x7, s20;
	s3 =	sadd.s32 @!p2 s3, s15  }
0x4b: {  	[tilespmem:s2], [sflag:$0xB] =	stream.linear.gather @!p2 [hbm4b:s3+s5], s0, $0x38;
	[tilespmem:$0x1EF88] =	vst v63  }
0x4c: {  	s0 =	ssub.s32 @!p2 $0x31000, s20  }
0x4d: {  	p3 =	slt.s32 @!p2 s0, $0x1  }
0x4e: {  	p3 =	por p2, p3  }
.Ltmp3:
0x4f: {  	_ = 	snop;
	(pc) =	sbr.rel @p3 .LBB2_9-.Ltmp3, $1  }
0x50: {  	_ =	sdelay $0x3  }
0x51: {  	s2 =	smulhi.u32 $0xAAAAAAAB, s4;
	_ =	sdelay $0x1  }
0x52: {  	s2 =	sshrl.u32 s2, $0x1  }
0x53: {  	s2 =	smul.u32 $0x3, s2;
	_ =	sdelay $0x1  }
0x54: {  	s2 =	ssub.s32 s4, s2  }
0x55: {  	s3 =	simm.s32 $0x1;
	s2 =	smul.u32 $0x500, s2  }
.Ltmp4:
0x56: {  	s3 =	simm.s32 @!p0 $0x0;
	(pc) =	sbr.rel .LBB2_6-.Ltmp4, $4  }
0x57: {  	s3 =	smul.u32 $0x28000, s3  }
0x58: {  	p3 =	slt.s32 @!p2 s0, $0x140;
	s2 =	sshrl.u32 s2, $0x2  }
0x59: {  	p2 =	por !p3, p2;
	s3 =	sshrl.u32 s3, $0x2;
	s2 =	sadd.s32 $0xA948, s2  }
0x5a: {  	s24 =	simm.s32 $0x0;
	s0 =	simm.s32 @p2 $0x140;
	s4 =	sadd.s32 $0xAF88, s3;
	v1 =	vmov s2  }
.LBB2_5:
0x5b: {  	p2 =	sge.s32 s24, s0  }
.Ltmp5:
0x5c: {  	_ = 	snop;
	(pc) =	sbr.rel @p2 .LBB2_9-.Ltmp5, $2  }
0x5d: {  	_ =	sdelay $0x2  }
0x5e: {  	s4 =	sadd.s32 $0x800, s4  }
.LBB2_6:
0x5f: {  	p2 =	sle.s32 s0, s24  }
.Ltmp6:
0x60: {  	_ = 	snop;
	(pc) =	sbr.rel @p2 .LBB2_5-.Ltmp6, $2  }
0x61: {  	_ =	sdelay $0x2  }
0x62: {  	s5 =	smov.u32 s24;
	s24 =	sadd.s32 $0x10, s24  }
0x63: {  	s2 =	ssub.s32 s0, s5  }
0x64: {  	p2 =	slt.s32 s2, $0x10  }
0x65: {  	s2 =	simm.s32 @!p2 $0x10  }
0x66: {  	v2 =	vmov s2  }
0x67: {  	vm0 =	vgt.s32 v2, v0;
	_ =	sdelay $0x5  }
0x68: {  	v2 =	vld.idx.msk [tilespmem:v1+s5+$0x0 ss:$0x1], vm0;
	_ =	sdelay $0x2  }
0x69: {  	p2 =	slt.s32 s24, s0;
	s2 =	smov.u32 s0  }
0x6a: {  	s3 =	smov.u32 s4;
	s25 =	simm.s32 $0x0;
	s2 =	smov.u32 @p2 s24  }
.LBB2_8:
0x6b: {  	(v2sf) =	vpush v2, s25;
	_ =	sdelay $0xc  }
0x6c: {  	s25 =	sadd.s32 $0x1, s25  }
0x6d: {  	s31 =	sadd.s32 s25, s5  }
0x6e: {  	p2 =	slt.s32 s31, s2;
	s9 =	spop (v2sf)  }
.Ltmp7:
0x6f: {  	s9 =	sshll.u32 s9, $0x4;
	(pc) =	sbr.rel @p2 .LBB2_8-.Ltmp7, $4  }
0x70: {  	s9 =	sand.u32 $0x1FFFFFF0, s9  }
0x71: {  	s9 =	sadd.s32 s6, s9  }
0x72: {  	[tilespmem:s3], [sflag:$0x9] =	stream.linear.gather [hbm4b:s9+s18], $0x40, $0x38;
	[tilespmem:$0x1EF88] =	vst v63  }
0x73: {  	s3 =	sadd.s32 $0x80, s3  }
.Ltmp8:
0x74: {  	_ = 	snop;
	(pc) =	sbr.rel .LBB2_5-.Ltmp8, $1  }
0x75: {  	_ =	sdelay $0x3  }
.LBB2_9:
0x76: {  	p2 =	slt.u32 s22, $0x2  }
.Ltmp9:
0x77: {  	_ = 	snop;
	(pc) =	sbr.rel @p2 .LBB2_27-.Ltmp9, $1  }
0x78: {  	_ =	sdelay $0x3  }
0x79: {  	p2 =	sgt.s32 s23, $0x30EC0  }
0x7a: {  	s0 =	smov.u32 s23;
	s2 =	sshra.s32 s23, $0x1F;
	s3 =	ssub.s32 $0x31000, s23  }
0x7b: {  	s0 =	simm.s32 @!p2 $0x30EC0;
	s2 =	sand.u32 s2, s23;
	p2 =	slt.s32 s3, $0x140  }
0x7c: {  	s0 =	ssub.s32 s0, s2;
	s3 =	simm.s32 @!p2 $0x140  }
0x7d: {  	s0 =	sadd.s32 $0xFFFCF140, s0;
	s10 =	sshll.u32 s3, $0x6  }
0x7e: {  	s26 =	simm.s32 $0x9;
	s24 =	sshll.u32 s0, $0x2;
	s2 =	sand.u32 $0x3FFFFFC0, s10  }
0x7f: {  	p2 =	sgt.s32 s0, $0x13F;
	s25 =	ssub.s32 $0x500, s24;
	_ =	swait.ge [sflag:s26], s2  }
0x80: {  	s2 =	ssub.s32 $0x0, s2;
	[sflag:s26] =	ssyncset.done $0x0;
	s0 =	sshrl.u32 s25, $0x2  }
0x81: {  	[sflag:s26] =	ssyncadd.s32 s2;
	s0 =	simm.s32 @p2 $0x0  }
0x82: {  	_ =	swait.ge [sflag:s11], s0  }
0x83: {  	s0 =	ssub.s32 $0x0, s0;
	[sflag:s11] =	ssyncset.done $0x0  }
0x84: {  	[sflag:s11] =	ssyncadd.s32 s0  }
0x85: {  	v1 =	vld [tilespmem:$0xA108];
	_ =	sdelay $0x4  }
0x86: {  	(v2sf) =	vpush v1, $0x0  }
0x87: {  	(v2sf) =	vpush v1, $0x1  }
0x88: {  	(v2sf) =	vpush v1, $0x2;
	_ =	sdelay $0x3  }
0x89: {  	s0 =	sadd.s32 $0x140, s23  }
0x8a: {  	s2 =	ssub.s32 $0x62000, s23;
	p2 =	slt.s32 s8, s0  }
0x8b: {  	s0 =	smov.u32 @p2 s8;
	p2 =	sgt.s32 s2, $0x0  }
0x8c: {  	s0 =	ssub.s32 s0, s23;
	s2 =	simm.s32 @!p2 $0x0  }
0x8d: {  	p2 =	slt.s32 s2, s0  }
0x8e: {  	s0 =	smov.u32 @p2 s2  }
0x8f: {  	s26 =	simm.s32 $0x1;
	p2 =	slt.s32 s0, $0x1  }
.Ltmp10:
0x90: {  	s26 =	simm.s32 @!p1 $0x0;
	(pc) =	sbr.rel @p2 .LBB2_14-.Ltmp10, $4  }
0x91: {  	s30 =	smul.u32 $0x500, s26  }
0x92: {  	s28 =	spop (v2sf)  }
0x93: {  	s31 =	sshrl.u32 s30, $0x2;
	s29 =	spop (v2sf)  }
0x94: {  	s24 =	sadd.s32 $0xAD08, s31;
	s23 =	spop (v2sf)  }
0x95: {  	s2 =	smin.u32 s0, $0x10  }
0x96: {  	v1 =	vmov s2  }
0x97: {  	p3 =	sgt.s32 s0, $0x10;
	vm1 =	vgt.u32 v1, v0  }
.Ltmp11:
0x98: {  	_ = 	snop;
	(pc) =	sbr.rel @!p3 .LBB2_13-.Ltmp11, $2  }
0x99: {  	_ =	sdelay $0x2  }
0x9a: {  	s5 =	simm.s32 $0x10;
	s25 =	sadd.s32 $0xFFFFFFF0, s0;
	s4 =	smov.u32 s24;
	vm0 =	vmmov vm1  }
.LBB2_12:
0x9b: {  	s2 =	smin.u32 s25, $0x10;
	s5 =	sadd.s32 $0x10, s5;
	v1 =	vld.msk [tilespmem:s4+$0x0 ss:$0x1], vm1  }
0x9c: {  	v2 =	vmov s2;
	p3 =	slt.s32 s5, s0  }
0x9d: {  	vm1 =	vgt.u32 v2, v0  }
.Ltmp12:
0x9e: {  	(pc) =	sbr.rel @p3 .LBB2_12-.Ltmp12, $3  }
0x9f: {  	_ =	sdelay $0x1  }
0xa0: {  	v1 =	vshll.u32 v1, $0x4  }
0xa1: {  	s25 =	sadd.s32 $0xFFFFFFF0, s25;
	[tilespmem:s4+$0x0] =	vst.msk vm0, v1;
	s4 =	sadd.s32 $0x10, s4;
	vm0 =	vmmov vm1  }
.LBB2_13:
0xa2: {  	_ =	sdelay $0x4  }
0xa3: {  	v1 =	vld.msk [tilespmem:s4+$0x0 ss:$0x1], vm1;
	_ =	sdelay $0x4  }
0xa4: {  	v1 =	vshll.u32 v1, $0x4  }
0xa5: {  	[tilespmem:s4+$0x0] =	vst.msk vm0, v1  }
.LBB2_14:
0xa6: {  	s2 =	sand.u32 $0x1, s22  }
0xa7: {  	s2 =	smul.u32 $0x140, s2  }
0xa8: {  	p3 =	sne.s32 s29, $0xFFFFFFFF  }
0xa9: {  	v1 =	vld.msk @!p3 [tilespmem:s2+$0xAD08], $0x1;
	_ =	sdelay $0x4  }
0xaa: {  	(v2sf) =	vpush @!p3 v1, $0x0;
	_ =	sdelay $0xc  }
.Ltmp13:
0xab: {  	_ = 	snop;
	(pc) =	sbr.rel @p2 .LBB2_25-.Ltmp13, $4  }
0xac: {  	_ = 	snop  }
0xad: {  	s30 =	spop @!p3 (v2sf)  }
0xae: {  	s23 =	simm.s32 @!p3 $0x0;
	s25 =	smov.u32 s30  }
0xaf: {  	[sflag:s19] =	ssyncpa.u1 $0x0;
	s30 =	smov.u32 @p3 s28;
	s25 =	smov.u32 @p3 s29  }
0xb0: {  	v1 =	vld.msk [tilespmem:s24+$0x0], $0x1;
	_ =	sdelay $0x4  }
0xb1: {  	(v2sf) =	vpush v1, $0x0;
	_ =	sdelay $0xe  }
0xb2: {  	s2 =	smul.u32 $0x28000, s26;
	s4 =	spop (v2sf)  }
0xb3: {  	s28 =	ssub.s32 $0x0, s0;
	p2 =	seq.s32 s30, s4  }
0xb4: {  	s0 =	sadd.s32 $0x1, s28;
	s2 =	sshrl.u32 s2, $0x2;
	p3 =	sgt.s32 @!p2 s30, $0x0  }
0xb5: {  	s26 =	sadd.s32 $0xAFA8, s2;
	s2 =	smov.u32 s30;
	p3 =	por !p3, p2  }
0xb6: {  	s2 =	simm.s32 @p3 $0x0;
	p3 =	seq.s32 s0, $0x0  }
.Ltmp14:
0xb7: {  	_ = 	snop;
	(pc) =	sbr.rel @p3 .LBB2_17-.Ltmp14, $4  }
0xb8: {  	_ = 	snop  }
0xb9: {  	s29 =	simm.s32 $0x0;
	s5 =	simm.s32 @!p2 $0x1;
	s3 =	smin.u32 @!p2 s2, $0x1869F8  }
0xba: {  	s31 =	sadd.s32 $0x1, s24;
	s5 =	smov.u32 @p2 s29;
	s9 =	sand.u32 @!p2 $0x1FFFF8, s3  }
0xbb: {  	s2 =	simm.s32 @!p2 $0x50C8;
	s3 =	sand.u32 @!p2 $0x7, s3;
	s9 =	sadd.s32 @!p2 s1, s9  }
.LBB2_16:
0xbc: {  	s10 =	smov.u32 s5  }
0xbd: {  	[tilespmem:s2], [sflag:$0x2] =	stream.linear.gather @!p2 [hbm4b:s9+s3], $0x40, $0x38;
	[tilespmem:$0x1EF88] =	vst v63  }
0xbe: {  	s0 =	sadd.s32 $0x1, s0;
	s3 =	smov.u32 s4;
	v1 =	vld.msk [tilespmem:s31+$0x0], $0x1  }
0xbf: {  	p3 =	seq.s32 s0, $0x0;
	_ =	sdelay $0x3  }
0xc0: {  	(v2sf) =	vpush v1, $0x0;
	_ =	sdelay $0xe  }
0xc1: {  	s4 =	spop (v2sf)  }
0xc2: {  	p2 =	seq.s32 s3, s4  }
0xc3: {  	p4 =	sgt.s32 @!p2 s3, $0x0;
	s2 =	sshll.u32 @!p2 s5, $0x8;
	s5 =	sadd.s32 @!p2 $0x1, s5  }
.Ltmp15:
0xc4: {  	p4 =	por !p4, p2;
	s2 =	sshra.s32 @!p2 s2, $0x2;
	(pc) =	sbr.rel @!p3 .LBB2_16-.Ltmp15, $4  }
0xc5: {  	s5 =	smov.u32 @p2 s10;
	s3 =	simm.s32 @p4 $0x0;
	s2 =	sadd.s32 @!p2 $0x50C8, s2  }
0xc6: {  	s3 =	smin.u32 @!p2 s3, $0x1869F8  }
0xc7: {  	s9 =	sand.u32 @!p2 $0x1FFFF8, s3;
	s3 =	sand.u32 @!p2 $0x7, s3  }
0xc8: {  	s31 =	sadd.s32 $0x1, s31;
	s9 =	sadd.s32 @!p2 s1, s9  }
.LBB2_17:
0xc9: {  	[tilespmem:s2], [sflag:$0x2] =	stream.linear.gather @!p2 [hbm4b:s9+s3], $0x40, $0x38;
	[tilespmem:$0x1EF88] =	vst v63  }
.Ltmp16:
0xca: {  	s0 =	sshll.u32 s5, $0x6;
	(pc) =	sbr.rel .LBB2_18-.Ltmp16, $4  }
0xcb: {  	s31 =	simm.s32 $0x2;
	s0 =	sand.u32 $0x3FFFFFC0, s0  }
0xcc: {  	_ =	swait.ge [sflag:s31], s0  }
0xcd: {  	s0 =	ssub.s32 $0x0, s0;
	[sflag:s31] =	ssyncset.done $0x0  }
0xce: {  	[sflag:s31] =	ssyncadd.s32 s0;
	s0 =	simm.s32 $0x0  }
.LBB2_19:
0xcf: {  	v1 =	vld [tilespmem:s26+$0xFFFFFFE0];
	_ =	sdelay $0x4  }
0xd0: {  	[tilespmem:s4+$0x88] =	vst.add.f32.msk $0xffff, v1  }
0xd1: {  	v1 =	vld [tilespmem:s26+$0xFFFFFFF0];
	_ =	sdelay $0x4  }
0xd2: {  	[tilespmem:s4+$0x98] =	vst.add.f32.msk $0xffff, v1  }
0xd3: {  	v1 =	vld [tilespmem:s26+$0x0];
	_ =	sdelay $0x4  }
0xd4: {  	[tilespmem:s4+$0xA8] =	vst.add.f32.msk $0xffff, v1  }
0xd5: {  	v1 =	vld [tilespmem:s26+$0x10];
	_ =	sdelay $0x4  }
0xd6: {  	[tilespmem:s4+$0xB8] =	vst.add.f32.msk $0xffff, v1  }
.LBB2_23:
0xd7: {  	s28 =	sadd.s32 $0x1, s28  }
0xd8: {  	p2 =	seq.s32 s28, $0x0  }
.Ltmp17:
0xd9: {  	_ = 	snop;
	(pc) =	sbr.rel @p2 .LBB2_24-.Ltmp17, $2  }
0xda: {  	_ =	sdelay $0x2  }
0xdb: {  	s26 =	sadd.s32 $0x80, s26;
	s24 =	sadd.s32 $0x1, s24;
	s30 =	smov.u32 s31  }
.LBB2_18:
0xdc: {  	v1 =	vld.msk [tilespmem:s24+$0x0], $0x1;
	_ =	sdelay $0x4  }
0xdd: {  	(v2sf) =	vpush v1, $0x0;
	_ =	sdelay $0xe  }
0xde: {  	s31 =	spop (v2sf)  }
0xdf: {  	p2 =	sne.s32 s30, s31  }
.Ltmp18:
0xe0: {  	_ = 	snop;
	(pc) =	sbr.rel @!p2 .LBB2_19-.Ltmp18, $3  }
0xe1: {  	_ =	sdelay $0x1  }
0xe2: {  	s2 =	sshll.u32 s23, $0x8  }
0xe3: {  	s4 =	sshra.s32 s2, $0x2  }
0xe4: {  	p2 =	seq.s32 s30, s25  }
.Ltmp19:
0xe5: {  	_ = 	snop;
	(pc) =	sbr.rel @!p2 .LBB2_21-.Ltmp19, $1  }
0xe6: {  	_ =	sdelay $0x3  }
.Ltmp20:
0xe7: {  	s2 =	sadd.s32 $0x88, s4;
	(pc) =	sbr.rel .LBB2_22-.Ltmp20, $4  }
0xe8: {  	[spmem:s16] =	stream.linear.scatter [tilespmem:s2], [sflag:$0x1], $0x40, $0x38;
	[tilespmem:$0x1EF88] =	vst v63  }
0xe9: {  	_ =	swait.ge [sflag:s12], $0x40  }
0xea: {  	[sflag:s12] =	ssyncset.done $0x0  }
0xeb: {  	[sflag:s12] =	ssyncadd.s32 $0xFFFFFFC0  }
.LBB2_21:
0xec: {  	s2 =	sshll.u32 s29, $0x8  }
0xed: {  	s2 =	sshra.s32 s2, $0x2  }
0xee: {  	v1 =	vld [tilespmem:s2+$0x50C8];
	_ =	sdelay $0x4  }
0xef: {  	[tilespmem:s4+$0x88] =	vst.add.f32.msk $0xffff, v1  }
0xf0: {  	v1 =	vld [tilespmem:s2+$0x50D8];
	_ =	sdelay $0x4  }
0xf1: {  	[tilespmem:s4+$0x98] =	vst.add.f32.msk $0xffff, v1  }
0xf2: {  	v1 =	vld [tilespmem:s2+$0x50E8];
	_ =	sdelay $0x4  }
0xf3: {  	[tilespmem:s4+$0xA8] =	vst.add.f32.msk $0xffff, v1  }
0xf4: {  	v1 =	vld [tilespmem:s2+$0x50F8];
	_ =	sdelay $0x2  }
0xf5: {  	p2 =	sgt.u32 s30, $0x1869F8  }
0xf6: {  	s2 =	sand.u32 @!p2 $0x1FFFF8, s30  }
0xf7: {  	s3 =	sadd.s32 $0x88, s4;
	s2 =	sadd.s32 @!p2 s1, s2;
	[tilespmem:s4+$0xB8] =	vst.add.f32.msk $0xffff, v1;
	s4 =	sand.u32 @!p2 $0x7, s30  }
0xf8: {  	[hbm4b:s2+s4] =	stream.linear.scatter @!p2 [tilespmem:s3], [sflag:$0xC], $0x40, $0x38;
	[tilespmem:$0x1EF88] =	vst v63  }
0xf9: {  	s2 =	simm.s32 $0x0  }
0xfa: {  	s2 =	simm.s32 @!p2 $0x100  }
0xfb: {  	s0 =	sadd.s32 s2, s0  }
.LBB2_22:
0xfc: {  	s2 =	sadd.s32 $0x1, s23  }
0xfd: {  	s3 =	smulhi.u32 $0xCCCCCCCD, s2;
	_ =	sdelay $0x1  }
0xfe: {  	v1 =	vld [tilespmem:s26+$0xFFFFFFE0];
	s3 =	sshrl.u32 s3, $0x8  }
0xff: {  	s3 =	smul.u32 $0x140, s3;
	_ =	sdelay $0x1  }
0x100: {  	s23 =	ssub.s32 s2, s3  }
0x101: {  	s2 =	sshll.u32 s23, $0x6  }
0x102: {  	[tilespmem:s2+$0x88] =	vst v1  }
0x103: {  	v1 =	vld [tilespmem:s26+$0xFFFFFFF0];
	_ =	sdelay $0x4  }
0x104: {  	[tilespmem:s2+$0x98] =	vst v1  }
0x105: {  	v1 =	vld [tilespmem:s26+$0x0];
	_ =	sdelay $0x4  }
0x106: {  	[tilespmem:s2+$0xA8] =	vst v1  }
0x107: {  	v1 =	vld [tilespmem:s26+$0x10]  }
.Ltmp21:
0x108: {  	_ = 	snop;
	(pc) =	sbr.rel .LBB2_23-.Ltmp21, $2  }
0x109: {  	_ =	sdelay $0x2  }
0x10a: {  	s29 =	sadd.s32 $0x1, s29;
	[tilespmem:s2+$0xB8] =	vst v1  }
.LBB2_25:
.Ltmp22:
0x10b: {  	(pc) =	sbr.rel .LBB2_26-.Ltmp22, $4  }
0x10c: {  	_ = 	snop  }
0x10d: {  	s0 =	simm.s32 $0x2  }
0x10e: {  	_ =	swait.ge [sflag:s0], $0x0  }
0x10f: {  	s31 =	smov.u32 s30;
	[sflag:s0] =	ssyncset.done $0x0;
	s0 =	simm.s32 $0x0  }
.LBB2_28:
0x110: {  	_ =	sfence.sel $0x180000  }
0x111: {  	s0 =	simm.s32 $0x9;
	[bflag:$0x0] =	sbarrier.arrive $0xFFFF  }
0x112: {  	s24 =	simm.s32 $0xA;
	[sflag:s0] =	ssyncpa.u1 $0x1  }
0x113: {  	s25 =	simm.s32 $0xB;
	[sflag:s24] =	ssyncpa.u1 $0x1  }
0x114: {  	s26 =	simm.s32 $0x2;
	[sflag:s25] =	ssyncpa.u1 $0x1  }
0x115: {  	[sflag:s26] =	ssyncpa.u1 $0x1  }
0x116: {  	v0 =	vld [tilespmem:$0xA108];
	_ =	sdelay $0x4  }
0x117: {  	(v2sf) =	vpush v0, $0x0  }
0x118: {  	(v2sf) =	vpush v0, $0x1;
	_ =	sdelay $0x1  }
0x119: {  	(v2sf) =	vpush v0, $0x2;
	_ =	sdelay $0xb  }
0x11a: {  	s0 =	spop (v2sf)  }
0x11b: {  	s2 =	spop (v2sf)  }
0x11c: {  	s3 =	smov.u32 s0;
	p0 =	sne.s32 s0, s2  }
0x11d: {  	s4 =	spop (v2sf);
	s3 =	simm.s32 @!p0 $0xFFFFFFFF  }
0x11e: {  	v2 =	vimm.s32 $0x1;
	v3 =	vlaneseq.u32;
	p0 =	seq.s32 s4, $0xFFFFFFFF;
	v1 =	vmov s3  }
0x11f: {  	s15 =	stileid.u32;
	v0 =	vperm.xlane v0, v2;
	p1 =	sne.s32 @!p0 s0, s2;
	v1 =	vperm.xlane v1, v3  }
0x120: {  	vm0 =	vcmask $0x3F04;
	s6 =	simm.s32 $0xA108;
	s0 =	simm.s32 @!p0 $0x1;
	p1 =	por !p1, p0  }
0x121: {  	s3 =	sshll.u32 s15, $0x1;
	s2 =	sshll.u32 @!p0 s4, $0x8;
	s0 =	simm.s32 @p1 $0x0;
	v0 =	vsel vm0, v1, v0  }
0x122: {  	s5 =	sor.u32 $0x800, s3;
	s2 =	sshra.s32 @!p0 s2, $0x2;
	s0 =	sor.u32 @!p0 s0, s3;
	[tilespmem:$0xA108] =	vst v0  }
0x123: {  	[spmem:s5] =	stream.linear.scatter [tilespmem:s6], [sflag:$0x1], $0x2, $0x38;
	[tilespmem:$0x1EF88] =	vst v63  }
0x124: {  	s2 =	sadd.s32 @!p0 $0x88, s2;
	s0 =	sshll.u32 @!p0 s0, $0x6  }
0x125: {  	[spmem:s0] =	stream.linear.scatter @!p0 [tilespmem:s2], [sflag:$0x1], $0x40, $0x38;
	[tilespmem:$0x1EF88] =	vst v63  }
0x126: {  	s0 =	simm.s32 @!p0 $0x42  }
0x127: {  	s28 =	simm.s32 $0x1;
	s0 =	simm.s32 @p0 $0x2  }
0x128: {  	_ =	swait.ge [sflag:s28], s0  }
0x129: {  	s0 =	ssub.s32 $0x0, s0;
	[sflag:s28] =	ssyncset.done $0x0  }
0x12a: {  	p0 =	sne.s32 s15, $0x0;
	[sflag:s28] =	ssyncadd.s32 s0  }
.Ltmp23:
0x12b: {  	_ =	sfence.stream.spmem;
	(pc) =	sbr.rel @p0 .LBB2_45-.Ltmp23, $4  }
0x12c: {  	s29 =	simm.s32 $0x3;
	[bflag:$0x0] =	sbarrier.arrive $0xFFFF  }
0x12d: {  	s30 =	simm.s32 $0x4;
	[sflag:s29] =	ssyncpa.u1 $0x1  }
0x12e: {  	s31 =	simm.s32 $0x3C;
	[sflag:s30] =	ssyncpa.u1 $0x1  }
0x12f: {  	s14 =	rddreg [dreg:$0x4];
	[sflag:s31] =	ssyncpa.u1 $0x1  }
0x130: {  	_ =	sfence.stream.spmem;
	s0 =	simm.s32 $0x5  }
0x131: {  	s2 =	simm.s32 $0x800;
	s3 =	simm.s32 $0xA118;
	[sflag:s0] =	ssyncpa.u1 $0x0  }
0x132: {  	[tilespmem:s3], [sflag:$0x5] =	stream.linear.gather [spmem:s2], $0x20, $0x38;
	[tilespmem:$0x1EF88] =	vst v63  }
0x133: {  	s26 =	simm.s32 $0x0;
	s28 =	simm.s32 $0xA138  }
0x134: {  	[tilespmem:s28], [sflag:$0x5] =	stream.linear.gather [spmem:s26], $0x800, $0x38;
	[tilespmem:$0x1EF88] =	vst v63  }
0x135: {  	_ =	swait.ge [sflag:s0], $0x820  }
0x136: {  	[sflag:s0] =	ssyncset.done $0x0  }
0x137: {  	s29 =	simm.s32 $0x0;
	[sflag:s0] =	ssyncadd.s32 $0xFFFFF7E0  }
0x138: {  	v0 =	vld.msk [tilespmem:s29+$0xA118], $0x1;
	_ =	sdelay $0x1  }
0x139: {  	s30 =	simm.s32 $0x1  }
0x13a: {  	v1 =	vld.msk [tilespmem:s30+$0xA118], $0x1;
	_ =	sdelay $0x1  }
0x13b: {  	(v2sf) =	vpush v0, $0x0;
	_ =	sdelay $0x2  }
0x13c: {  	(v2sf) =	vpush v1, $0x0;
	_ =	sdelay $0x2  }
0x13d: {  	s31 =	simm.s32 $0x2  }
0x13e: {  	v0 =	vld.msk [tilespmem:s31+$0xA118], $0x1;
	_ =	sdelay $0x2  }
0x13f: {  	s4 =	simm.s32 $0xFFFFFFFF;
	s2 =	simm.s32 $0xFFFFFFFF;
	s0 =	simm.s32 $0xC  }
.LBB2_30:
0x140: {  	s3 =	smov.u32 s4;
	s5 =	smov.u32 s2  }
0x141: {  	s2 =	sshra.s32 s0, $0x2;
	p1 =	sne.s32 s0, $0x7C;
	s0 =	sadd.s32 $0x4, s0;
	(v2sf) =	vpush v0, $0x0  }
0x142: {  	v0 =	vld.msk [tilespmem:s2+$0xA118], $0x1  }
.Ltmp24:
0x143: {  	(pc) =	sbr.rel @p1 .LBB2_30-.Ltmp24, $4  }
0x144: {  	s4 =	spop (v2sf)  }
0x145: {  	p2 =	sne.s32 s5, $0xFFFFFFFF;
	s2 =	smov.u32 s4  }
0x146: {  	p3 =	seq.s32 s4, $0xFFFFFFFF;
	s2 =	smov.u32 @p2 s5  }
0x147: {  	s4 =	smov.u32 @p3 s3;
	s2 =	smov.u32 @p3 s5  }
0x148: {  	(v2sf) =	vpush v0, $0x0;
	_ =	sdelay $0x8  }
0x149: {  	s0 =	spop (v2sf)  }
0x14a: {  	p1 =	sne.s32 s2, $0xFFFFFFFF;
	s3 =	smov.u32 s0  }
0x14b: {  	s9 =	simm.s32 $0x6;
	p2 =	seq.s32 s0, $0xFFFFFFFF;
	s3 =	smov.u32 @p1 s2  }
0x14c: {  	s6 =	simm.s32 $0x0;
	s3 =	smov.u32 @p2 s2;
	s2 =	spop (v2sf)  }
0x14d: {  	s0 =	smov.u32 @p2 s4;
	p1 =	sne.s32 s3, $0xFFFFFFFF;
	s5 =	smov.u32 s2  }
.Ltmp25:
0x14e: {  	p2 =	seq.s32 s2, $0xFFFFFFFF;
	s5 =	smov.u32 @p1 s3;
	(pc) =	sbr.rel .LBB2_32-.Ltmp25, $4  }
0x14f: {  	s10 =	simm.s32 $0xA0C8;
	s5 =	smov.u32 @p2 s3;
	s7 =	spop (v2sf)  }
0x150: {  	s11 =	simm.s32 $0x0;
	p1 =	sne.s32 s5, $0xFFFFFFFF;
	s8 =	smov.u32 s7  }
0x151: {  	s2 =	smov.u32 @p2 s0;
	p2 =	seq.s32 s7, $0xFFFFFFFF;
	s8 =	smov.u32 @p1 s5  }
0x152: {  	[sflag:s9] =	ssyncpa.u1 $0x0;
	s7 =	smov.u32 @p2 s2;
	s8 =	smov.u32 @p2 s5  }
.LBB2_38:
0x153: {  	p1 =	sgt.u32 s12, $0x1869F8  }
0x154: {  	p2 =	seq.s32 @!p1 s12, s8  }
0x155: {  	p1 =	por p1, p2  }
0x156: {  	p2 =	sne.s32 @!p1 s12, s7  }
0x157: {  	p1 =	por p1, !p2  }
0x158: {  	s0 =	sshll.u32 @p1 s11, $0x8  }
0x159: {  	s0 =	sand.u32 @!p1 $0x1FFFF8, s12  }
0x15a: {  	s2 =	sand.u32 @!p1 $0x7, s12;
	s0 =	sadd.s32 @!p1 s1, s0  }
0x15b: {  	[tilespmem:s10], [sflag:$0x6] =	stream.linear.gather @!p1 [hbm4b:s0+s2], $0x40, $0x38;
	[tilespmem:$0x1EF88] =	vst v63  }
0x15c: {  	_ =	swait.ge @!p1 [sflag:s9], $0x40  }
0x15d: {  	[sflag:s9] =	ssyncset.done @!p1 $0x0  }
0x15e: {  	[sflag:s9] =	ssyncadd.s32 @!p1 $0xFFFFFFC0  }
0x15f: {  	v1 =	vld @!p1 [tilespmem:$0xA0C8];
	_ =	sdelay $0x2  }
0x160: {  	s0 =	sshll.u32 @!p1 s11, $0x8  }
0x161: {  	s2 =	sshrl.u32 @!p1 s0, $0x2  }
0x162: {  	[tilespmem:s2+$0xA138] =	vst.add.f32.msk @!p1 $0xffff, v1  }
0x163: {  	v1 =	vld @!p1 [tilespmem:$0xA0D8];
	_ =	sdelay $0x4  }
0x164: {  	[tilespmem:s2+$0xA148] =	vst.add.f32.msk @!p1 $0xffff, v1  }
0x165: {  	v1 =	vld @!p1 [tilespmem:$0xA0E8];
	_ =	sdelay $0x4  }
0x166: {  	[tilespmem:s2+$0xA158] =	vst.add.f32.msk @!p1 $0xffff, v1  }
0x167: {  	v1 =	vld @!p1 [tilespmem:$0xA0F8];
	_ =	sdelay $0x4  }
0x168: {  	[tilespmem:s2+$0xA168] =	vst.add.f32.msk @!p1 $0xffff, v1  }
0x169: {  	s0 =	sshrl.u32 s0, $0x2;
	[tilespmem:s6+$0xA118] =	vst.msk $0x1, v0  }
0x16a: {  	v0 =	vld [tilespmem:s0+$0xA138];
	_ =	sdelay $0x2  }
0x16b: {  	s31 =	sshll.u32 s6, $0x8  }
0x16c: {  	s2 =	sshra.s32 s31, $0x2  }
0x16d: {  	[tilespmem:s2+$0xA138] =	vst v0  }
0x16e: {  	v0 =	vld [tilespmem:s0+$0xA148];
	_ =	sdelay $0x4  }
0x16f: {  	[tilespmem:s2+$0xA148] =	vst v0  }
0x170: {  	v0 =	vld [tilespmem:s0+$0xA158];
	_ =	sdelay $0x4  }
0x171: {  	[tilespmem:s2+$0xA158] =	vst v0  }
0x172: {  	v0 =	vld [tilespmem:s0+$0xA168];
	_ =	sdelay $0x4  }
0x173: {  	s6 =	sadd.s32 $0x1, s6;
	[tilespmem:s2+$0xA168] =	vst v0  }
.LBB2_39:
0x174: {  	s11 =	sadd.s32 $0x1, s11  }
0x175: {  	p1 =	sne.s32 s11, $0x20  }
.Ltmp26:
0x176: {  	_ = 	snop;
	(pc) =	sbr.rel @!p1 .LBB2_40-.Ltmp26, $1  }
0x177: {  	_ =	sdelay $0x3  }
.LBB2_32:
0x178: {  	v0 =	vld.msk [tilespmem:s11+$0xA118], $0x1;
	_ =	sdelay $0x4  }
0x179: {  	(v2sf) =	vpush v0, $0x0;
	_ =	sdelay $0xe  }
0x17a: {  	s12 =	spop (v2sf)  }
0x17b: {  	p1 =	seq.s32 s12, $0xFFFFFFFF  }
.Ltmp27:
0x17c: {  	_ = 	snop;
	(pc) =	sbr.rel @p1 .LBB2_39-.Ltmp27, $1  }
0x17d: {  	_ =	sdelay $0x3  }
0x17e: {  	p1 =	slt.s32 s6, $0x1  }
.Ltmp28:
0x17f: {  	_ = 	snop;
	(pc) =	sbr.rel @p1 .LBB2_38-.Ltmp28, $1  }
0x180: {  	_ =	sdelay $0x3  }
0x181: {  	s0 =	simm.s32 $0xA118;
	p1 =	por $0x0, $0x0  }
0x182: {  	v1 =	vld.msk @!p1 [tilespmem:s0+$0x0], $0x1;
	_ =	sdelay $0x4  }
0x183: {  	(v2sf) =	vpush @!p1 v1, $0x0;
	_ =	sdelay $0xd  }
0x184: {  	p3 =	sne.s32 s6, $0x1  }
.Ltmp29:
0x185: {  	s2 =	spop @!p1 (v2sf);
	(pc) =	sbr.rel @!p3 .LBB2_36-.Ltmp29, $4  }
0x186: {  	p2 =	seq.s32 @!p1 s12, s2  }
0x187: {  	s13 =	simm.s32 $0x0;
	p2 =	por !p2, p1  }
0x188: {  	s2 =	simm.s32 $0xFFFFFFFF;
	s13 =	simm.s32 @p2 $0xFFFFFFFF  }
0x189: {  	s4 =	simm.s32 $0x1;
	s13 =	smov.u32 @p1 s2  }
.LBB2_35:
0x18a: {  	s2 =	smov.u32 s13;
	p1 =	sne.s32 s13, $0xFFFFFFFF  }
0x18b: {  	s0 =	sadd.s32 $0x1, s0;
	s13 =	smov.u32 s4;
	s4 =	sadd.s32 $0x1, s4  }
0x18c: {  	p2 =	sne.s32 s6, s4;
	v1 =	vld.msk @!p1 [tilespmem:s0+$0x0], $0x1;
	_ =	sdelay $0x4  }
0x18d: {  	(v2sf) =	vpush @!p1 v1, $0x0;
	_ =	sdelay $0xe  }
.Ltmp30:
0x18e: {  	s3 =	spop @!p1 (v2sf);
	(pc) =	sbr.rel @p2 .LBB2_35-.Ltmp30, $4  }
0x18f: {  	p3 =	seq.s32 @!p1 s12, s3  }
0x190: {  	p3 =	por !p3, p1  }
0x191: {  	s13 =	simm.s32 @p3 $0xFFFFFFFF  }
0x192: {  	s13 =	smov.u32 @p1 s2  }
.LBB2_36:
0x193: {  	p1 =	seq.s32 s13, $0xFFFFFFFF  }
.Ltmp31:
0x194: {  	_ = 	snop;
	(pc) =	sbr.rel @p1 .LBB2_38-.Ltmp31, $1  }
0x195: {  	_ =	sdelay $0x3  }
0x196: {  	s0 =	sshll.u32 s11, $0x6  }
0x197: {  	s0 =	sand.u32 $0x3FFFFFC0, s0  }
0x198: {  	v0 =	vld [tilespmem:s0+$0xA138];
	_ =	sdelay $0x2  }
0x199: {  	s2 =	sshll.u32 s13, $0x8  }
0x19a: {  	s2 =	sshra.s32 s2, $0x2  }
0x19b: {  	[tilespmem:s2+$0xA138] =	vst.add.f32.msk $0xffff, v0  }
0x19c: {  	v0 =	vld [tilespmem:s0+$0xA148];
	_ =	sdelay $0x4  }
0x19d: {  	[tilespmem:s2+$0xA148] =	vst.add.f32.msk $0xffff, v0  }
0x19e: {  	v0 =	vld [tilespmem:s0+$0xA158];
	_ =	sdelay $0x4  }
0x19f: {  	[tilespmem:s2+$0xA158] =	vst.add.f32.msk $0xffff, v0  }
0x1a0: {  	v0 =	vld [tilespmem:s0+$0xA168]  }
.Ltmp32:
0x1a1: {  	_ = 	snop;
	(pc) =	sbr.rel .LBB2_39-.Ltmp32, $2  }
0x1a2: {  	_ =	sdelay $0x2  }
0x1a3: {  	[tilespmem:s2+$0xA168] =	vst.add.f32.msk $0xffff, v0  }
.LBB2_40:
0x1a4: {  	s0 =	simm.s32 $0x6;
	p1 =	seq.s32 s6, $0x0  }
0x1a5: {  	[sflag:s0] =	ssyncpa.u1 $0x1;
	v0 =	vimm.s32 @p1 $0xFFFFFFFF  }
0x1a6: {  	s0 =	sadd.s32 $0xFFFFFFFF, s6;
	[tilespmem:$0xA938] =	vst @p1 v0  }
0x1a7: {  	v0 =	vld.msk @!p1 [tilespmem:s0+$0xA118], $0x1;
	_ =	sdelay $0x1  }
0x1a8: {  	v1 =	vld.msk @!p1 [tilespmem:$0xA118], $0x1;
	_ =	sdelay $0x2  }
0x1a9: {  	p2 =	seq.s32 @!p1 s0, $0x0;
	v0 =	vbroadcast @!p1 v0, $0x0  }
0x1aa: {  	vm0 =	vmmov @!p1 $0x1;
	p2 =	por !p2, p1  }
0x1ab: {  	v1 =	vnsel @!p1 vm0, $0xFFFFFFFF, v1;
	vm0 =	vcmask @!p1 $0x308;
	v0 =	vpsel !p2, $0xFFFFFFFF, v0  }
0x1ac: {  	p2 =	sne.s32 @!p1 s8, s7;
	v0 =	vsel @!p1 vm0, v1, v0  }
0x1ad: {  	s2 =	simm.s32 @!p1 $0xA138;
	s3 =	simm.s32 @!p1 $0x0;
	p3 =	por !p2, p1;
	[tilespmem:$0xA938] =	vst @!p1 v0  }
0x1ae: {  	[spmem:s3] =	stream.linear.scatter @!p1 [tilespmem:s2], [sflag:$0x1], $0x40, $0x38;
	[tilespmem:$0x1EF88] =	vst v63  }
0x1af: {  	s2 =	sshll.u32 @!p3 s0, $0x8  }
0x1b0: {  	s2 =	sshra.s32 @!p3 s2, $0x2  }
0x1b1: {  	s3 =	simm.s32 @!p3 $0x40;
	s2 =	sadd.s32 @!p3 $0xA138, s2  }
0x1b2: {  	[spmem:s3] =	stream.linear.scatter @!p3 [tilespmem:s2], [sflag:$0x1], $0x40, $0x38;
	[tilespmem:$0x1EF88] =	vst v63  }
0x1b3: {  	s2 =	simm.s32 @!p3 $0x1  }
0x1b4: {  	_ =	swait.ge @!p3 [sflag:s2], $0x80  }
0x1b5: {  	p1 =	por p2, p1;
	[sflag:s2] =	ssyncset.done @!p3 $0x0  }
0x1b6: {  	[sflag:s2] =	ssyncadd.s32 @!p3 $0xFFFFFF80;
	s2 =	simm.s32 @!p1 $0x1  }
0x1b7: {  	_ =	swait.ge @!p1 [sflag:s2], $0x40  }
0x1b8: {  	s29 =	simm.s32 $0xA938;
	[sflag:s2] =	ssyncset.done @!p1 $0x0  }
0x1b9: {  	s30 =	simm.s32 $0x800;
	s31 =	simm.s32 $0x1;
	[sflag:s2] =	ssyncadd.s32 @!p1 $0xFFFFFFC0  }
0x1ba: {  	[spmem:s30] =	stream.linear.scatter [tilespmem:s29], [sflag:$0x1], $0x10, $0x38;
	[tilespmem:$0x1EF88] =	vst v63  }
0x1bb: {  	_ =	swait.ge [sflag:s31], $0x10  }
0x1bc: {  	[sflag:s31] =	ssyncset.done $0x0  }
0x1bd: {  	p1 =	seq.s32 s14, $0x0;
	s9 =	rddreg [dreg:$0x1];
	[sflag:s31] =	ssyncadd.s32 $0xFFFFFFF0  }
0x1be: {  	s3 =	sshll.u32 @p1 s9, $0xE;
	s8 =	rddreg [dreg:$0x2]  }
0x1bf: {  	s2 =	sadd.s32 @p1 $0x15C3C, s3;
	s3 =	sshll.u32 @p1 s8, $0x11  }
0x1c0: {  	_ =	sfence.stream.spmem;
	s2 =	sor.u32 @p1 s3, s2  }
0x1c1: {  	[sflag:s2] =	ssyncadd.remote.s32 @p1 $0x1;
	s2 =	simm.s32 @p1 $0x4  }
0x1c2: {  	s4 =	simm.s32 @!p1 $0x3C;
	s3 =	sand.u32 $0xFFFFFFFE, s9;
	_ =	swait.ge @p1 [sflag:s2], $0x12  }
0x1c3: {  	s5 =	simm.s32 @!p1 $0x0;
	s3 =	sadd.s32 @!p1 $0x4, s3;
	[sflag:s2] =	ssyncset.done @p1 $0x0  }
0x1c4: {  	s7 =	simm.s32 @!p1 $0x80;
	[sflag:s2] =	ssyncadd.s32 @p1 $0xFFFFFFEE;
	s2 =	sshll.u32 @!p1 s3, $0x1A  }
0x1c5: {  	s3 =	sshll.u32 @!p1 s3, $0xD;
	s2 =	sor.u32 @!p1 s2, s8;
	_ =	swait.eq @!p1 [sflag:s4], $0x1  }
0x1c6: {  	s3 =	sor.u32 @!p1 $0x1C04, s3;
	s4 =	simm.s32 @!p1 $0x1C03;
	s2 =	sor.u32 @!p1 $0x80004000, s2  }
0x1c7: {  	[spmem:s7], [sflag:s3] =	dma.general @!p1 [spmem:s5], [sflag:s4], length:$0x10, [dreg:$0x0], stride_count:$0x0, ici_dest:s2, dma_misc:DstOpCode:WRITE  }
0x1c8: {  	p2 =	slt.s32 s0, $0x2;
	s5 =	simm.s32 @!p1 $0x100;
	s7 =	simm.s32 @!p1 $0x102  }
0x1c9: {  	[spmem:s7], [sflag:s3] =	dma.general @!p1 [spmem:s5], [sflag:s4], length:$0x2, [dreg:$0x0], stride_count:$0x0, ici_dest:s2, dma_misc:DstOpCode:WRITE  }
.Ltmp33:
0x1ca: {  	s2 =	simm.s32 @!p1 $0x3;
	(pc) =	sbr.rel @p2 .LBB2_44-.Ltmp33, $4  }
0x1cb: {  	s3 =	sshll.u32 @!p1 s9, $0xE;
	_ =	swait.ge @!p1 [sflag:s2], $0x12  }
0x1cc: {  	s4 =	sshll.u32 @!p1 s8, $0x11;
	s3 =	sadd.s32 @!p1 $0x11C3C, s3;
	[sflag:s2] =	ssyncset.done @!p1 $0x0  }
0x1cd: {  	[sflag:s2] =	ssyncadd.s32 @!p1 $0xFFFFFFEE;
	s2 =	sor.u32 @!p1 s4, s3  }
0x1ce: {  	s0 =	simm.s32 $0x0;
	[sflag:s2] =	ssyncadd.remote.s32 @!p1 $0xFFFFFFFF  }
0x1cf: {  	s0 =	simm.s32 $0xA119  }
0x1d0: {  	v0 =	vld.msk [tilespmem:s0+$0x0], $0x1;
	_ =	sdelay $0x4  }
0x1d1: {  	(v2sf) =	vpush v0, $0x0;
	_ =	sdelay $0xd  }
0x1d2: {  	s3 =	sadd.s32 $0xFFFFFFFE, s6  }
0x1d3: {  	s4 =	sadd.s32 $0xFFFFFFFF, s3;
	s2 =	spop (v2sf)  }
0x1d4: {  	p2 =	sne.s32 s4, $0x0;
	p1 =	sgt.u32 s2, $0x1869F8  }
.Ltmp34:
0x1d5: {  	s5 =	sand.u32 @!p1 $0x1FFFF8, s2;
	(pc) =	sbr.rel @!p2 .LBB2_43-.Ltmp34, $4  }
0x1d6: {  	s0 =	simm.s32 $0xA178;
	s2 =	sand.u32 @!p1 $0x7, s2;
	s3 =	sadd.s32 @!p1 s1, s5  }
0x1d7: {  	[hbm4b:s3+s2] =	stream.linear.scatter @!p1 [tilespmem:s0], [sflag:$0x5], $0x40, $0x38;
	[tilespmem:$0x1EF88] =	vst v63  }
0x1d8: {  	s2 =	simm.s32 $0x0  }
0x1d9: {  	s6 =	simm.s32 $0xA11A;
	s5 =	simm.s32 $0x0;
	s2 =	simm.s32 @!p1 $0x100  }
.LBB2_42:
0x1da: {  	v0 =	vld.msk [tilespmem:s6+$0x0], $0x1;
	s4 =	sadd.s32 $0xFFFFFFFF, s4;
	s5 =	sadd.s32 s5, s2  }
0x1db: {  	p1 =	sne.s32 s4, $0x0;
	_ =	sdelay $0x3  }
0x1dc: {  	(v2sf) =	vpush v0, $0x0;
	_ =	sdelay $0xe  }
.Ltmp35:
0x1dd: {  	s3 =	spop (v2sf);
	(pc) =	sbr.rel @p1 .LBB2_42-.Ltmp35, $4  }
0x1de: {  	s2 =	simm.s32 $0x0;
	p2 =	sgt.u32 s3, $0x1869F8  }
0x1df: {  	s0 =	sadd.s32 $0x40, s0;
	s2 =	simm.s32 @!p2 $0x100;
	s7 =	sand.u32 @!p2 $0x1FFFF8, s3  }
0x1e0: {  	s6 =	sadd.s32 $0x1, s6;
	s3 =	sand.u32 @!p2 $0x7, s3;
	s7 =	sadd.s32 @!p2 s1, s7  }
0x1e1: {  	[hbm4b:s7+s3] =	stream.linear.scatter @!p2 [tilespmem:s0], [sflag:$0x5], $0x40, $0x38;
	[tilespmem:$0x1EF88] =	vst v63  }
.LBB2_43:
0x1e2: {  	s0 =	sadd.s32 s5, s2  }
0x1e3: {  	s0 =	sshrl.u32 s0, $0x2  }
.LBB2_44:
0x1e4: {  	s2 =	simm.s32 $0x5  }
0x1e5: {  	_ =	swait.ge [sflag:s2], s0  }
0x1e6: {  	s31 =	ssub.s32 $0x0, s0;
	[sflag:s2] =	ssyncset.done $0x0  }
0x1e7: {  	[sflag:s2] =	ssyncadd.s32 s31  }
0x1e8: {  	[sflag:s2] =	ssyncpa.u1 $0x1  }
.LBB2_45:
0x1e9: {  	s0 =	sor.u32 s14, s15  }
0x1ea: {  	p1 =	sne.s32 s0, $0x0  }
.Ltmp36:
0x1eb: {  	_ = 	snop;
	(pc) =	sbr.rel @p1 .LBB2_60-.Ltmp36, $3  }
0x1ec: {  	_ =	sdelay $0x1  }
0x1ed: {  	[bflag:$0x0] =	sbarrier.arrive $0xFFFF  }
0x1ee: {  	_ =	sfence  }
0x1ef: {  	s0 =	simm.s32 $0x7  }
0x1f0: {  	s2 =	simm.s32 $0x800;
	s3 =	simm.s32 $0xA118;
	[sflag:s0] =	ssyncpa.u1 $0x0  }
0x1f1: {  	[tilespmem:s3], [sflag:$0x7] =	stream.linear.gather [spmem:s2], $0x20, $0x38;
	[tilespmem:$0x1EF88] =	vst v63  }
0x1f2: {  	s30 =	simm.s32 $0xA138;
	s2 =	simm.s32 $0x0  }
0x1f3: {  	[tilespmem:s30], [sflag:$0x7] =	stream.linear.gather [spmem:s2], $0x800, $0x38;
	[tilespmem:$0x1EF88] =	vst v63  }
.Ltmp37:
0x1f4: {  	_ = 	snop;
	(pc) =	sbr.rel .LBB2_47-.Ltmp37, $4  }
0x1f5: {  	_ =	swait.ge [sflag:s0], $0x820  }
0x1f6: {  	[sflag:s0] =	ssyncset.done $0x0  }
0x1f7: {  	s31 =	simm.s32 $0x8;
	[sflag:s0] =	ssyncadd.s32 $0xFFFFF7E0  }
0x1f8: {  	s3 =	simm.s32 $0x0;
	[sflag:s31] =	ssyncpa.u1 $0x0  }
.LBB2_53:
0x1f9: {  	p1 =	slt.u32 s0, $0x1869F9  }
0x1fa: {  	s4 =	sand.u32 @p1 $0x1FFFF8, s0  }
0x1fb: {  	s0 =	sand.u32 @p1 $0x7, s0;
	s5 =	simm.s32 @p1 $0xA0C8;
	s4 =	sadd.s32 @p1 s1, s4  }
0x1fc: {  	[tilespmem:s5], [sflag:$0x8] =	stream.linear.gather @p1 [hbm4b:s4+s0], $0x40, $0x38;
	[tilespmem:$0x1EF88] =	vst v63  }
0x1fd: {  	s0 =	simm.s32 @p1 $0x8  }
0x1fe: {  	_ =	swait.ge @p1 [sflag:s0], $0x40  }
0x1ff: {  	[sflag:s0] =	ssyncset.done @p1 $0x0  }
0x200: {  	[sflag:s0] =	ssyncadd.s32 @p1 $0xFFFFFFC0  }
0x201: {  	v1 =	vld @p1 [tilespmem:$0xA0C8];
	_ =	sdelay $0x2  }
0x202: {  	s0 =	sshll.u32 @p1 s3, $0x8  }
0x203: {  	s4 =	sshrl.u32 @p1 s0, $0x2  }
0x204: {  	[tilespmem:s4+$0xA138] =	vst.add.f32.msk @p1 $0xffff, v1  }
0x205: {  	v1 =	vld @p1 [tilespmem:$0xA0D8];
	_ =	sdelay $0x4  }
0x206: {  	[tilespmem:s4+$0xA148] =	vst.add.f32.msk @p1 $0xffff, v1  }
0x207: {  	v1 =	vld @p1 [tilespmem:$0xA0E8];
	_ =	sdelay $0x4  }
0x208: {  	[tilespmem:s4+$0xA158] =	vst.add.f32.msk @p1 $0xffff, v1  }
0x209: {  	v1 =	vld @p1 [tilespmem:$0xA0F8];
	_ =	sdelay $0x3  }
0x20a: {  	s5 =	sshll.u32 @!p1 s3, $0x8  }
0x20b: {  	s5 =	smov.u32 @p1 s0;
	[tilespmem:s4+$0xA168] =	vst.add.f32.msk @p1 $0xffff, v1  }
0x20c: {  	s0 =	sshrl.u32 s5, $0x2;
	[tilespmem:s2+$0xA118] =	vst.msk $0x1, v0  }
0x20d: {  	v0 =	vld [tilespmem:s0+$0xA138];
	_ =	sdelay $0x2  }
0x20e: {  	s31 =	sshll.u32 s2, $0x8  }
0x20f: {  	s4 =	sshra.s32 s31, $0x2  }
0x210: {  	[tilespmem:s4+$0xA138] =	vst v0  }
0x211: {  	v0 =	vld [tilespmem:s0+$0xA148];
	_ =	sdelay $0x4  }
0x212: {  	[tilespmem:s4+$0xA148] =	vst v0  }
0x213: {  	v0 =	vld [tilespmem:s0+$0xA158];
	_ =	sdelay $0x4  }
0x214: {  	[tilespmem:s4+$0xA158] =	vst v0  }
0x215: {  	v0 =	vld [tilespmem:s0+$0xA168];
	_ =	sdelay $0x4  }
0x216: {  	s2 =	sadd.s32 $0x1, s2;
	[tilespmem:s4+$0xA168] =	vst v0  }
.LBB2_54:
0x217: {  	s3 =	sadd.s32 $0x1, s3  }
0x218: {  	p1 =	sne.s32 s3, $0x20  }
.Ltmp38:
0x219: {  	_ = 	snop;
	(pc) =	sbr.rel @!p1 .LBB2_55-.Ltmp38, $1  }
0x21a: {  	_ =	sdelay $0x3  }
.LBB2_47:
0x21b: {  	v0 =	vld.msk [tilespmem:s3+$0xA118], $0x1;
	_ =	sdelay $0x4  }
0x21c: {  	(v2sf) =	vpush v0, $0x0;
	_ =	sdelay $0xe  }
0x21d: {  	s0 =	spop (v2sf)  }
0x21e: {  	p1 =	seq.s32 s0, $0xFFFFFFFF  }
.Ltmp39:
0x21f: {  	_ = 	snop;
	(pc) =	sbr.rel @p1 .LBB2_54-.Ltmp39, $1  }
0x220: {  	_ =	sdelay $0x3  }
0x221: {  	p1 =	slt.s32 s2, $0x1  }
.Ltmp40:
0x222: {  	_ = 	snop;
	(pc) =	sbr.rel @p1 .LBB2_53-.Ltmp40, $1  }
0x223: {  	_ =	sdelay $0x3  }
0x224: {  	s4 =	simm.s32 $0xA118;
	p1 =	por $0x0, $0x0  }
0x225: {  	v1 =	vld.msk @!p1 [tilespmem:s4+$0x0], $0x1;
	_ =	sdelay $0x4  }
0x226: {  	(v2sf) =	vpush @!p1 v1, $0x0;
	_ =	sdelay $0xd  }
0x227: {  	p3 =	sne.s32 s2, $0x1  }
.Ltmp41:
0x228: {  	s5 =	spop @!p1 (v2sf);
	(pc) =	sbr.rel @!p3 .LBB2_51-.Ltmp41, $4  }
0x229: {  	p2 =	seq.s32 @!p1 s0, s5  }
0x22a: {  	s5 =	simm.s32 $0x0;
	p2 =	por !p2, p1  }
0x22b: {  	s7 =	simm.s32 $0xFFFFFFFF;
	s5 =	simm.s32 @p2 $0xFFFFFFFF  }
0x22c: {  	s6 =	simm.s32 $0x1;
	s5 =	smov.u32 @p1 s7  }
.LBB2_50:
0x22d: {  	s7 =	smov.u32 s5;
	p1 =	sne.s32 s5, $0xFFFFFFFF  }
0x22e: {  	s4 =	sadd.s32 $0x1, s4;
	s5 =	smov.u32 s6;
	s6 =	sadd.s32 $0x1, s6  }
0x22f: {  	p2 =	sne.s32 s2, s6;
	v1 =	vld.msk @!p1 [tilespmem:s4+$0x0], $0x1;
	_ =	sdelay $0x4  }
0x230: {  	(v2sf) =	vpush @!p1 v1, $0x0;
	_ =	sdelay $0xe  }
.Ltmp42:
0x231: {  	s8 =	spop @!p1 (v2sf);
	(pc) =	sbr.rel @p2 .LBB2_50-.Ltmp42, $4  }
0x232: {  	p3 =	seq.s32 @!p1 s0, s8  }
0x233: {  	p3 =	por !p3, p1  }
0x234: {  	s5 =	simm.s32 @p3 $0xFFFFFFFF  }
0x235: {  	s5 =	smov.u32 @p1 s7  }
.LBB2_51:
0x236: {  	p1 =	seq.s32 s5, $0xFFFFFFFF  }
.Ltmp43:
0x237: {  	_ = 	snop;
	(pc) =	sbr.rel @p1 .LBB2_53-.Ltmp43, $1  }
0x238: {  	_ =	sdelay $0x3  }
0x239: {  	s0 =	sshll.u32 s3, $0x6  }
0x23a: {  	s0 =	sand.u32 $0x3FFFFFC0, s0  }
0x23b: {  	v0 =	vld [tilespmem:s0+$0xA138];
	_ =	sdelay $0x2  }
0x23c: {  	s4 =	sshll.u32 s5, $0x8  }
0x23d: {  	s4 =	sshra.s32 s4, $0x2  }
0x23e: {  	[tilespmem:s4+$0xA138] =	vst.add.f32.msk $0xffff, v0  }
0x23f: {  	v0 =	vld [tilespmem:s0+$0xA148];
	_ =	sdelay $0x4  }
0x240: {  	[tilespmem:s4+$0xA148] =	vst.add.f32.msk $0xffff, v0  }
0x241: {  	v0 =	vld [tilespmem:s0+$0xA158];
	_ =	sdelay $0x4  }
0x242: {  	[tilespmem:s4+$0xA158] =	vst.add.f32.msk $0xffff, v0  }
0x243: {  	v0 =	vld [tilespmem:s0+$0xA168]  }
.Ltmp44:
0x244: {  	_ = 	snop;
	(pc) =	sbr.rel .LBB2_54-.Ltmp44, $2  }
0x245: {  	_ =	sdelay $0x2  }
0x246: {  	[tilespmem:s4+$0xA168] =	vst.add.f32.msk $0xffff, v0  }
.LBB2_55:
0x247: {  	p1 =	slt.s32 s2, $0x1  }
.Ltmp45:
0x248: {  	_ = 	snop;
	(pc) =	sbr.rel @p1 .LBB2_59-.Ltmp45, $3  }
0x249: {  	_ =	sdelay $0x1  }
0x24a: {  	s0 =	simm.s32 $0x8  }
0x24b: {  	[sflag:s0] =	ssyncpa.u1 $0x1;
	s0 =	simm.s32 $0x0  }
0x24c: {  	s3 =	simm.s32 $0xA118  }
0x24d: {  	v0 =	vld.msk [tilespmem:s3+$0x0], $0x1;
	_ =	sdelay $0x4  }
0x24e: {  	(v2sf) =	vpush v0, $0x0;
	_ =	sdelay $0xe  }
0x24f: {  	s2 =	sadd.s32 $0xFFFFFFFF, s2;
	s4 =	spop (v2sf)  }
0x250: {  	p2 =	sne.s32 s2, $0x0;
	p1 =	sgt.u32 s4, $0x1869F8  }
.Ltmp46:
0x251: {  	s5 =	sand.u32 @!p1 $0x1FFFF8, s4;
	(pc) =	sbr.rel @!p2 .LBB2_58-.Ltmp46, $4  }
0x252: {  	s3 =	simm.s32 $0xA138;
	s4 =	sand.u32 @!p1 $0x7, s4;
	s5 =	sadd.s32 @!p1 s1, s5  }
0x253: {  	[hbm4b:s5+s4] =	stream.linear.scatter @!p1 [tilespmem:s3], [sflag:$0x7], $0x40, $0x38;
	[tilespmem:$0x1EF88] =	vst v63  }
0x254: {  	s5 =	simm.s32 $0x0  }
0x255: {  	s4 =	simm.s32 $0xA119;
	s5 =	simm.s32 @!p1 $0x100  }
.LBB2_57:
0x256: {  	v0 =	vld.msk [tilespmem:s4+$0x0], $0x1;
	s2 =	sadd.s32 $0xFFFFFFFF, s2;
	s0 =	sadd.s32 s0, s5  }
0x257: {  	p1 =	sne.s32 s2, $0x0;
	_ =	sdelay $0x3  }
0x258: {  	(v2sf) =	vpush v0, $0x0;
	_ =	sdelay $0xe  }
.Ltmp47:
0x259: {  	s6 =	spop (v2sf);
	(pc) =	sbr.rel @p1 .LBB2_57-.Ltmp47, $4  }
0x25a: {  	s5 =	simm.s32 $0x0;
	p2 =	sgt.u32 s6, $0x1869F8  }
0x25b: {  	s3 =	sadd.s32 $0x40, s3;
	s5 =	simm.s32 @!p2 $0x100;
	s7 =	sand.u32 @!p2 $0x1FFFF8, s6  }
0x25c: {  	s4 =	sadd.s32 $0x1, s4;
	s6 =	sand.u32 @!p2 $0x7, s6;
	s7 =	sadd.s32 @!p2 s1, s7  }
0x25d: {  	[hbm4b:s7+s6] =	stream.linear.scatter @!p2 [tilespmem:s3], [sflag:$0x7], $0x40, $0x38;
	[tilespmem:$0x1EF88] =	vst v63  }
.LBB2_58:
0x25e: {  	s0 =	sadd.s32 s0, s5  }
0x25f: {  	s0 =	sshrl.u32 s0, $0x2  }
.LBB2_59:
0x260: {  	s1 =	simm.s32 $0x7  }
0x261: {  	_ =	swait.ge [sflag:s1], s0  }
0x262: {  	s31 =	ssub.s32 $0x0, s0;
	[sflag:s1] =	ssyncset.done $0x0  }
0x263: {  	[sflag:s1] =	ssyncadd.s32 s31  }
0x264: {  	[sflag:s1] =	ssyncpa.u1 $0x1  }
.LBB2_60:
0x265: {  	_ =	sfence;
	s0 =	simm.s32 $0x1  }
0x266: {  	[sflag:s0] =	ssyncpa.u1 $0x1  }
0x267: {  	_ =	strace $0x90000056  }
0x268: {  	[bflag:$0x2] =	sbarrier.arrive $0xFFFF  }
0x269: {  	s0 =	rddreg [dreg:$0x3]  }
0x26a: {  	s0 =	sadd.s32 @!p0 $0x100000, s0  }
0x26b: {  	[sflag:s0] =	ssyncadd.tile.s32 @!p0 $0x1;
	_ =	shalt  }
.Lfunc_end2:
_tile_overlayer_lowered:
.L_overlay_start_2:
0x26c: {  	(tag) =	ssettag $0x2  }
0x26d: {  	s0 =	rddreg [dreg:$0x0];
	s2 =	stileid.u32  }
0x26e: {  	s1 =	rddreg [dreg:$0x1];
	p0 =	sne.s32 s2, $0x0  }
0x26f: {  	s3 =	rddreg [dreg:$0x2];
	[bflag:$0x3] =	sbarrier.arrive $0xFFFF;
	s2 =	simm.s32 @!p0 $0x1C01  }
0x270: {  	[timem:s3], [sflag:s2] =	dma.local @!p0 [hbm:s0], s1  }
0x271: {  	s0 =	simm.s32 @!p0 $0x1  }
0x272: {  	_ =	swait.ge @!p0 [sflag:s0], s1  }
0x273: {  	s1 =	ssub.s32 @!p0 $0x0, s1;
	[sflag:s0] =	ssyncset.done @!p0 $0x0  }
0x274: {  	[sflag:s0] =	ssyncadd.s32 @!p0 s1  }
0x275: {  	[bflag:$0x3] =	sbarrier.arrive $0xFFFF  }
0x276: {  	_ =	shalt  }

// kernel: scatter_offload_async_start
scs
__scs_entry_jumppad:
0x0: {  	(pc) =	sbr.rel $0x88, $3  }
0x1: {  	(tag) =	ssettag $0x0;
	lr =	simm.s32 $0x1  }
0x2: {  	[smem:$0x3F3B] =	sst lr;
	_ =	strace $0xD0000000  }
0x3: {  	_ = 	snop  }
0x4: {  	_ = 	snop  }
0x5: {  	_ = 	snop  }
0x6: {  	_ = 	snop  }
0x7: {  	_ = 	snop  }
__scs_overlays_trampoline_lowered:
0x8: {  	[smem:$0x3F4A] =	sst s0  }
0x9: {  	[smem:$0x3F4B] =	sst s1  }
0xa: {  	[smem:$0x3F4C] =	sst s2  }
0xb: {  	[smem:$0x3F4D] =	sst s3  }
0xc: {  	[smem:$0x3F4E] =	sst s4  }
0xd: {  	[smem:$0x3F4F] =	sst s5  }
0xe: {  	[smem:$0x3F50] =	sst s6  }
0xf: {  	[smem:$0x3F51] =	sst s7  }
0x10: {  	[smem:$0x3F52] =	sst s8  }
0x11: {  	[smem:$0x3F53] =	sst s9;
	s0 =	simm.s32 @!p0 $0x0  }
0x12: {  	s1 =	sld [smem:$0x3F39];
	s0 =	simm.s32 @p0 $0x1  }
0x13: {  	[smem:$0x3F54] =	sst s0;
	s0 =	simm.s32 @!p1 $0x0  }
0x14: {  	s2 =	sld [smem:$0x3F38];
	s0 =	simm.s32 @p1 $0x1  }
0x15: {  	[smem:$0x3F55] =	sst s0;
	s0 =	simm.s32 @!p2 $0x0  }
0x16: {  	s3 =	sld [smem:$0x3FDB];
	s0 =	simm.s32 @p2 $0x1  }
0x17: {  	s4 =	simm.s32 $0x1BF5;
	[smem:$0x3F57] =	sst s0  }
0x18: {  	s0 =	sld [smem:$0x3F3A];
	_ =	swait.ge [sflag:s4], $0x0  }
0x19: {  	s7 =	sld [smem:$0x3F3B]  }
0x1a: {  	s8 =	sadd.s32 $0xFFFFE003, lr  }
0x1b: {  	s9 =	sadd.s32 $0xFFFFFEF7, lr;
	s5 =	simm.s32 $0xFFFFFFFF;
	p2 =	slt.u32 s8, $0xFFFFF086  }
0x1c: {  	p1 =	slt.u32 s9, $0xF7A;
	s5 =	simm.s32 @!p2 $0x0  }
0x1d: {  	s5 =	simm.s32 @p1 $0x1;
	p0 =	seq.s32 s7, s2  }
0x1e: {  	s7 =	smul.u32 @!p0 $0xF7A, s2;
	p2 =	seq.s32 @!p0 s5, $0x0  }
0x1f: {  	s9 =	smul.u32 $0xF7A, s1;
	s8 =	simm.s32 @!p0 $0x1BF5;
	p2 =	por !p2, p0  }
0x20: {  	[sflag:s8] =	ssyncset.s32 @!p0 $0xFFFFF086;
	s6 =	sadd.s32 @!p0 s3, s7;
	s7 =	simm.s32 @!p0 $0x108  }
0x21: {  	s3 =	sadd.s32 s3, s9;
	s6 =	sadd.s32 @!p0 $0x88, s6;
	s7 =	simm.s32 @p2 $0x1082  }
0x22: {  	[simem:s7], [sflag:s8] =	dma.local @!p0 [hbm:s6], $0xF7A  }
0x23: {  	s9 =	sor.u32 $0xD0000000, s2;
	s6 =	simm.s32 $0x108;
	_ =	swait.ge @!p0 [sflag:s8], $0x0  }
0x24: {  	s3 =	sadd.s32 $0x88, s3;
	s6 =	simm.s32 @!p1 $0x1082;
	[sflag:s4] =	ssyncset.s32 $0xFFFFF086  }
0x25: {  	[simem:s6], [sflag:s4] =	dma.local [hbm:s3], $0xF7A  }
0x26: {  	[smem:$0x3F3B] =	sst s1;
	(tag) =	ssettag s2;
	_ =	strace s9  }
0x27: {  	s1 =	sld [smem:$0x3F4B]  }
0x28: {  	s2 =	sld [smem:$0x3F4C]  }
0x29: {  	s4 =	sld [smem:$0x3F4E]  }
0x2a: {  	p0 =	seq.s32 s5, $0x0;
	s5 =	sld [smem:$0x3F4F]  }
0x2b: {  	s6 =	sld [smem:$0x3F50]  }
0x2c: {  	s7 =	sld [smem:$0x3F51]  }
0x2d: {  	s3 =	simm.s32 $0x108;
	s8 =	sld [smem:$0x3F52]  }
0x2e: {  	s3 =	simm.s32 @!p0 $0x1082;
	s9 =	sld [smem:$0x3F53]  }
0x2f: {  	lr =	sadd.s32 s0, s3;
	s0 =	sld [smem:$0x3F4A]  }
0x30: {  	s3 =	sld [smem:$0x3F4D]  }
0x31: {  	[smem:$0x3F56] =	sst s10  }
0x32: {  	s10 =	sld [smem:$0x3F54];
	_ =	sdelay $0x3  }
0x33: {  	p0 =	seq.s32 s10, $0x1;
	s10 =	sld [smem:$0x3F56];
	_ =	sdelay $0x3  }
0x34: {  	[smem:$0x3F56] =	sst s10  }
0x35: {  	s10 =	sld [smem:$0x3F55];
	_ =	sdelay $0x3  }
0x36: {  	p1 =	seq.s32 s10, $0x1;
	s10 =	sld [smem:$0x3F56];
	_ =	sdelay $0x3  }
0x37: {  	[smem:$0x3F56] =	sst s10  }
0x38: {  	s10 =	sld [smem:$0x3F57]  }
0x39: {  	_ = 	snop;
	(pc) =	sbr.ind lr, $3  }
0x3a: {  	_ = 	snop  }
0x3b: {  	_ = 	snop  }
0x3c: {  	p2 =	seq.s32 s10, $0x1;
	s10 =	sld [smem:$0x3F56]  }
0x3d: {  	_ =	shalt  }
0x3e: {  	_ =	shalt  }
0x3f: {  	_ =	shalt  }
0x40: {  	_ =	shalt  }
0x41: {  	_ =	shalt  }
0x42: {  	_ =	shalt  }
0x43: {  	_ =	shalt  }
0x44: {  	_ =	shalt  }
0x45: {  	_ =	shalt  }
0x46: {  	_ =	shalt  }
0x47: {  	_ =	shalt  }
0x48: {  	_ =	shalt  }
0x49: {  	_ =	shalt  }
0x4a: {  	_ =	shalt  }
0x4b: {  	_ =	shalt  }
0x4c: {  	_ =	shalt  }
0x4d: {  	_ =	shalt  }
0x4e: {  	_ =	shalt  }
0x4f: {  	_ =	shalt  }
0x50: {  	_ =	shalt  }
0x51: {  	_ =	shalt  }
0x52: {  	_ =	shalt  }
0x53: {  	_ =	shalt  }
0x54: {  	_ =	shalt  }
0x55: {  	_ =	shalt  }
0x56: {  	_ =	shalt  }
0x57: {  	_ =	shalt  }
0x58: {  	_ =	shalt  }
0x59: {  	_ =	shalt  }
0x5a: {  	_ =	shalt  }
0x5b: {  	_ =	shalt  }
0x5c: {  	_ =	shalt  }
0x5d: {  	_ =	shalt  }
0x5e: {  	_ =	shalt  }
0x5f: {  	_ =	shalt  }
0x60: {  	_ =	shalt  }
0x61: {  	_ =	shalt  }
0x62: {  	_ =	shalt  }
0x63: {  	_ =	shalt  }
0x64: {  	_ =	shalt  }
0x65: {  	_ =	shalt  }
0x66: {  	_ =	shalt  }
0x67: {  	_ =	shalt  }
0x68: {  	_ =	shalt  }
0x69: {  	_ =	shalt  }
0x6a: {  	_ =	shalt  }
0x6b: {  	_ =	shalt  }
0x6c: {  	_ =	shalt  }
0x6d: {  	_ =	shalt  }
0x6e: {  	_ =	shalt  }
0x6f: {  	_ =	shalt  }
0x70: {  	_ =	shalt  }
0x71: {  	_ =	shalt  }
0x72: {  	_ =	shalt  }
0x73: {  	_ =	shalt  }
0x74: {  	_ =	shalt  }
0x75: {  	_ =	shalt  }
0x76: {  	_ =	shalt  }
0x77: {  	_ =	shalt  }
0x78: {  	_ =	shalt  }
0x79: {  	_ =	shalt  }
0x7a: {  	_ =	shalt  }
0x7b: {  	_ =	shalt  }
0x7c: {  	_ =	shalt  }
0x7d: {  	_ =	shalt  }
0x7e: {  	_ =	shalt  }
0x7f: {  	_ =	shalt  }
0x80: {  	_ =	shalt  }
0x81: {  	_ =	shalt  }
0x82: {  	_ =	shalt  }
0x83: {  	_ =	shalt  }
0x84: {  	_ =	shalt  }
0x85: {  	_ =	shalt  }
0x86: {  	_ =	shalt  }
0x87: {  	_ =	shalt  }
.Lfunc_end0:
.L_simem_size_0:
called_computation_lowered:
.L_overlay_start_0:
0x88: {  	s2 =	sld [smem:$0x3FD9]  }
0x89: {  	s3 =	sld [smem:$0x3FFE];
	_ =	sdelay $0x1  }
0x8a: {  	s1 =	srdreg.scid  }
0x8b: {  	s0 =	sand.u32 $0x1, s1  }
0x8c: {  	s15 =	sshll.u32 s0, $0xA;
	s2 =	sadd.s32 s3, s2  }
0x8d: {  	s2 =	sadd.s32 s2, s15  }
0x8e: {  	[smem:$0x3F62] =	sst s2  }
0x8f: {  	_ = 	snop  }
0x90: {  	(tm) =	ssettm $0x1  }
0x91: {  	s16 =	sld [smem:$0x3FFB];
	_ =	sdelay $0x3  }
0x92: {  	_ =	strace s16  }
0x93: {  	s2 =	sld [smem:$0x3FFC];
	_ =	sdelay $0x3  }
0x94: {  	_ =	strace s2  }
0x95: {  	s2 =	sld [smem:$0x3FFD];
	_ =	sdelay $0x3  }
0x96: {  	_ =	strace s2  }
0x97: {  	_ =	strace $0x8FFFFFFF  }
0x98: {  	s17 =	sld [smem:$0x3FDB];
	_ =	sdelay $0x1  }
0x99: {  	s18 =	simm.s32 $_scs_section_size  }
0x9a: {  	s4 =	simm.s32 $_size__tile_overlayer_lowered;
	s5 =	simm.s32 $_tile_overlayer_lowered  }
0x9b: {  	s6 =	simm.s32 $0x1BFF;
	s19 =	sshll.u32 s5, $0x1;
	s3 =	sadd.s32 s18, s17  }
0x9c: {  	s20 =	simm.s32 $0x0;
	s4 =	sshll.u32 s4, $0x1;
	s5 =	sadd.s32 s19, s3  }
0x9d: {  	[timem:s20], [sflag:s6] =	dma.local [hbm:s5], s4  }
0x9e: {  	_ =	swait.ge [sflag:s6], s4  }
0x9f: {  	s4 =	ssub.s32 $0x0, s4;
	[sflag:s6] =	ssyncset.done $0x0  }
0xa0: {  	[sflag:s6] =	ssyncadd.s32 s4;
	_ =	sdelay $0x1  }
0xa1: {  	s21 =	simm.s32 $0x1B8B  }
0xa2: {  	_ =	swait.ge [sflag:s21], $0x1  }
0xa3: {  	[sflag:s21] =	ssyncset.done $0x0  }
0xa4: {  	s22 =	sld [smem:$0x3FFE];
	[sflag:s21] =	ssyncadd.s32 $0xFFFFFFFF  }
0xa5: {  	s24 =	simm.s32 $0x1B8E;
	s23 =	sld [smem:$0x0]  }
0xa6: {  	s25 =	simm.s32 $execute0_lowered;
	[smem:$0x3FD2] =	sst s24  }
0xa7: {  	s6 =	sshll.u32 s25, $0x1;
	_ =	strace $0x80000046;
	[dreg:$0x1] =	wrdreg $0xFFFFFFFF  }
0xa8: {  	s7 =	simm.s32 $_size_execute0_lowered;
	s6 =	sadd.s32 s3, s6;
	[dreg:$0x0] =	wrdreg $0x0  }
0xa9: {  	s7 =	sshll.u32 s7, $0x1;
	[dreg:$0x2] =	wrdreg s6  }
0xaa: {  	[dreg:$0x3] =	wrdreg s7  }
0xab: {  	[dreg:$0x4] =	wrdreg $0xC0  }
0xac: {  	s26 =	simm.s32 $execute1_lowered;
	_ =	task [dreg:s20], $0x5FFFF  }
0xad: {  	s6 =	sshll.u32 s26, $0x1;
	[dreg:$0x1] =	wrdreg $0xFFFFFFFF  }
0xae: {  	s3 =	sadd.s32 s3, s6;
	[dreg:$0x0] =	wrdreg $0x60  }
0xaf: {  	[dreg:$0x2] =	wrdreg s3  }
0xb0: {  	[dreg:$0x3] =	wrdreg s22  }
0xb1: {  	[dreg:$0x4] =	wrdreg $0x9  }
0xb2: {  	_ =	task.clear_ibuf [dreg:s20], $0x5FFFF;
	_ =	strace $0x90000046  }
0xb3: {  	s28 =	simm.s32 $0x9;
	_ =	strace $0x80000048  }
0xb4: {  	_ =	swait.ge [sflag:s28], $0x1  }
0xb5: {  	[sflag:s28] =	ssyncadd.s32 $0xFFFFFFFF  }
0xb6: {  	_ =	strace $0x90000048  }
0xb7: {  	s3 =	sld [smem:$0x0]  }
0xb8: {  	s6 =	sand.u32 $0xFFFFFFFE, s1  }
0xb9: {  	p0 =	sne.s32 s1, s6  }
0xba: {  	s6 =	sshll.u32 @p0 s6, $0xE  }
0xbb: {  	s6 =	sadd.s32 @p0 $0x11BF3, s6;
	s7 =	sshll.u32 @p0 s3, $0x11  }
0xbc: {  	s6 =	sor.u32 @p0 s7, s6  }
0xbd: {  	[sflag:s6] =	ssyncadd.remote.s32 @p0 $0x1;
	_ =	sdelay $0x1  }
0xbe: {  	s6 =	simm.s32 @p0 $0x1BF3  }
0xbf: {  	_ =	swait.eq @p0 [sflag:s6], $0x1  }
0xc0: {  	[sflag:s6] =	ssyncadd.s32 @p0 $0xFFFFFFFF  }
0xc1: {  	s7 =	sshll.u32 @!p0 s1, $0xE  }
0xc2: {  	s7 =	sor.u32 @!p0 $0x4000, s7;
	s6 =	simm.s32 @!p0 $0x1BF3  }
0xc3: {  	s3 =	sshll.u32 @!p0 s3, $0x11;
	s7 =	sadd.s32 @!p0 $0x11BF3, s7;
	_ =	swait.eq @!p0 [sflag:s6], $0x1  }
0xc4: {  	s3 =	sor.u32 @!p0 s3, s7;
	[sflag:s6] =	ssyncadd.s32 @!p0 $0xFFFFFFFF  }
0xc5: {  	[sflag:s3] =	ssyncadd.remote.s32 @!p0 $0x1  }
0xc6: {  	_ =	strace $0x80000049;
	[dreg:$0x1] =	wrdreg $0xFFFFFFFF  }
0xc7: {  	[dreg:$0x0] =	wrdreg $0x2030  }
0xc8: {  	[dreg:$0x2] =	wrdreg s22  }
0xc9: {  	[dreg:$0x3] =	wrdreg s1  }
0xca: {  	[dreg:$0x4] =	wrdreg s23  }
0xcb: {  	[dreg:$0x5] =	wrdreg $0xA  }
0xcc: {  	_ =	task.clear_ibuf [dreg:s20], $0x6FFFF;
	_ =	strace $0x90000049  }
0xcd: {  	s29 =	simm.s32 $0xA;
	_ =	strace $0x8000004B  }
0xce: {  	_ =	swait.ge [sflag:s29], $0x1  }
0xcf: {  	[sflag:s29] =	ssyncadd.s32 $0xFFFFFFFF  }
0xd0: {  	_ =	strace $0x9000004B  }
0xd1: {  	_ =	sfence  }
0xd2: {  	s30 =	sld [smem:$0x0];
	_ =	sdelay $0x2  }
0xd3: {  	s31 =	sshll.u32 s1, $0xD;
	s1 =	sshrl.u32 s1, $0x2  }
0xd4: {  	s4 =	sand.u32 $0x4000, s31;
	s1 =	sadd.s32 s1, s30  }
0xd5: {  	s0 =	sor.u32 s4, s0;
	s1 =	sshll.u32 s1, $0x11  }
0xd6: {  	s0 =	sor.u32 s1, s0  }
0xd7: {  	s0 =	sadd.s32 $0x8F2B, s0  }
0xd8: {  	[sflag:s0] =	ssyncadd.remote.s32 $0x1  }
0xd9: {  	_ =	sfence.sel $0xFFFF  }
0xda: {  	[dreg:$0x0] =	wrdreg $0xFFFFFFFF;
	(pc) =	sbr.abs _section_cstart, $3  }
0xdb: {  	[dreg:$0x1] =	wrdreg $0xFFFFFFFF  }
0xdc: {  	_ =	task.clear_ibuf [dreg:s20], $0x2FFFF;
	_ =	strace $0x9FFFFFFF  }
0xdd: {  	(tm) =	ssettm $0x7FFFFFFF  }
tec
execute0_lowered:
.L_overlay_start_1:
0x0: {  	(tag) =	ssettag $0x1  }
0x1: {  	s2 =	rddreg [dreg:$0x0]  }
0x2: {  	s5 =	rddreg [dreg:$0x1]  }
0x3: {  	s0 =	rddreg [dreg:$0x2];
	s3 =	stileid.u32;
	[bflag:$0x3] =	sbarrier.arrive $0xFFFF  }
0x4: {  	s1 =	simm.s32 $_size_execute1_lowered;
	s29 =	srdreg.scid;
	s31 =	simm.s32 $0x2  }
0x5: {  	s13 =	simm.s32 $0x0;
	s8 =	simm.s32 $0x40;
	p0 =	sne.s32 s3, $0x0  }
0x6: {  	s1 =	sshll.u32 s1, $0x1;
	s4 =	simm.s32 @!p0 $0x1C3F;
	s6 =	simm.s32 @!p0 $0x4060  }
0x7: {  	[timem:s6], [sflag:s4] =	dma.local @!p0 [hbm:s2], s1  }
0x8: {  	s9 =	simm.s32 $0x80;
	s11 =	simm.s32 $0x0;
	s2 =	sshll.u32 s29, $0x8  }
.Ltmp0:
0x9: {  	s3 =	sshll.u32 s3, $0x9;
	s30 =	sand.u32 $0x100, s2;
	(pc) =	sbr.rel .LBB2_1-.Ltmp0, $4  }
0xa: {  	s12 =	simm.s32 $0x0;
	s4 =	simm.s32 $0x1;
	s3 =	sor.u32 s3, s30  }
0xb: {  	_ =	strace $0x80000047;
	s2 =	sadd.s32 $0x10800, s5;
	s7 =	ssub.s32 $0x2700, s3  }
0xc: {  	s5 =	sadd.s32 $0x37A00, s5;
	[sflag:s4] =	ssyncpa.u1 $0x0;
	s6 =	sshrl.u32 s7, $0xD  }
0xd: {  	[sflag:s31] =	ssyncpa.u1 $0x0;
	s10 =	smov.u32 s3;
	s7 =	sor.u32 $0x2, s6  }
.LBB2_5:
0xe: {  	_ =	sdelay $0x3  }
0xf: {  	[tilespmem:v3+s18+$0x0 ss:$0x1] =	vst.idx.msk $0xffff, v1  }
0x10: {  	[tilespmem:v3+s17+$0x0 ss:$0x1] =	vst.idx.msk $0xffff, v2  }
0x11: {  	[tilespmem:v3+s16+$0x0 ss:$0x1] =	vst.idx.msk $0xffff, v4  }
0x12: {  	[tilespmem:v3+s19+$0x0 ss:$0x1] =	vst.idx.msk $0xffff, v5  }
.LBB2_6:
0x13: {  	s16 =	sand.u32 $0x1FFFFFF, s11  }
0x14: {  	s17 =	smulhi.u32 $0x1A36E2F, s16;
	_ =	sdelay $0x1  }
0x15: {  	s17 =	sshrl.u32 s17, $0x6  }
0x16: {  	s17 =	smul.u32 $0x2710, s17;
	_ =	sdelay $0x1  }
0x17: {  	s16 =	ssub.s32 s16, s17  }
0x18: {  	s16 =	sshll.u32 s16, $0x4  }
0x19: {  	s16 =	sadd.s32 s5, s16  }
0x1a: {  	[hbm4b:s16+s8] =	stream.strided.scatter [tilespmem:s15], [sflag:$0x2], s14, s9, s8, $0x38;
	[tilespmem:$0x10000] =	vst v63  }
.LBB2_7:
0x1b: {  	p1 =	slt.u32 s12, $0x2  }
0x1c: {  	p2 =	sgt.s32 @!p1 s13, $0x2610  }
0x1d: {  	s14 =	smov.u32 s13;
	s15 =	sshra.s32 @!p1 s13, $0x1F;
	p2 =	por !p2, p1  }
0x1e: {  	s13 =	sand.u32 @!p1 s15, s13;
	s14 =	simm.s32 @p2 $0x2610  }
0x1f: {  	s13 =	ssub.s32 @!p1 s14, s13  }
0x20: {  	s13 =	sadd.s32 @!p1 $0xFFFFD9F0, s13  }
0x21: {  	s14 =	sshll.u32 @!p1 s13, $0x8  }
0x22: {  	p2 =	sgt.s32 @!p1 s13, $0xFF;
	s13 =	ssub.s32 @!p1 $0x10000, s14  }
0x23: {  	s15 =	sadd.s32 $0x2000, s10;
	p2 =	por !p2, p1;
	s13 =	sshrl.u32 @!p1 s13, $0x2  }
0x24: {  	s13 =	simm.s32 @!p2 $0x0;
	p2 =	sgt.s32 s15, $0x270F  }
0x25: {  	s15 =	smov.u32 @p2 s3;
	p2 =	sne.s32 s12, s7  }
.Ltmp1:
0x26: {  	_ = 	snop;
	(pc) =	sbr.rel @!p2 .LBB2_8-.Ltmp1, $4  }
0x27: {  	s14 =	simm.s32 @!p1 $0x2  }
0x28: {  	_ =	swait.ge @!p1 [sflag:s14], s13;
	s16 =	ssub.s32 @!p1 $0x0, s13  }
0x29: {  	s13 =	smov.u32 s11;
	s12 =	sadd.s32 $0x1, s12;
	[sflag:s14] =	ssyncset.done @!p1 $0x0  }
0x2a: {  	s11 =	smov.u32 s10;
	s10 =	smov.u32 s15;
	[sflag:s14] =	ssyncadd.s32 @!p1 s16  }
.LBB2_1:
0x2b: {  	p1 =	sgt.u32 s12, s6  }
0x2c: {  	s15 =	smov.u32 s10;
	p2 =	sgt.s32 @!p1 s10, $0x2610  }
0x2d: {  	s14 =	sand.u32 @!p1 $0x1FFFFFF, s10;
	s16 =	sshra.s32 @!p1 s10, $0x1F;
	p2 =	por !p2, p1  }
0x2e: {  	s17 =	smulhi.u32 @!p1 $0x1A36E2F, s14;
	s16 =	sand.u32 @!p1 s16, s10;
	s15 =	simm.s32 @p2 $0x2610  }
0x2f: {  	s15 =	ssub.s32 @!p1 s15, s16  }
0x30: {  	s16 =	sshrl.u32 @!p1 s17, $0x6;
	s15 =	sadd.s32 @!p1 $0xFFFFD9F0, s15  }
0x31: {  	s17 =	sxor.u32 @!p1 $0xFFFFFFFF, s12;
	s16 =	smul.u32 @!p1 $0x2710, s16;
	s18 =	sshll.u32 @!p1 s15, $0x8  }
0x32: {  	s17 =	sshll.u32 @!p1 s17, $0xE;
	p2 =	sgt.s32 @!p1 s15, $0xFF;
	s15 =	ssub.s32 @!p1 $0x10000, s18  }
0x33: {  	s14 =	ssub.s32 @!p1 s14, s16;
	p2 =	por !p2, p1;
	s16 =	sand.u32 @!p1 $0x4000, s17  }
0x34: {  	s17 =	simm.s32 @!p1 $0x40;
	s15 =	sshrl.u32 @!p1 s15, $0x2;
	s14 =	sshll.u32 @!p1 s14, $0x4  }
0x35: {  	s18 =	simm.s32 @!p1 $0x80;
	s15 =	simm.s32 @!p2 $0x0;
	s14 =	sadd.s32 @!p1 s2, s14  }
0x36: {  	[tilespmem:s16], [sflag:$0x1] =	stream.strided.gather @!p1 [hbm4b:s14+s17], s15, s18, s17, $0x38;
	[tilespmem:$0x10000] =	vst v63  }
0x37: {  	p1 =	seq.s32 s12, $0x0  }
0x38: {  	p2 =	sge.u32 @!p1 s12, s7  }
0x39: {  	p1 =	por p1, p2  }
.Ltmp2:
0x3a: {  	_ = 	snop;
	(pc) =	sbr.rel @p1 .LBB2_7-.Ltmp2, $1  }
0x3b: {  	_ =	sdelay $0x3  }
0x3c: {  	p1 =	sgt.s32 s11, $0x2610;
	s14 =	smov.u32 s11;
	s15 =	sshra.s32 s11, $0x1F  }
0x3d: {  	s14 =	simm.s32 @!p1 $0x2610;
	s15 =	sand.u32 s15, s11  }
0x3e: {  	s14 =	ssub.s32 s14, s15  }
0x3f: {  	s14 =	sadd.s32 $0xFFFFD9F0, s14  }
0x40: {  	s31 =	sshll.u32 s14, $0x8  }
0x41: {  	s15 =	ssub.s32 $0x10000, s31  }
0x42: {  	p1 =	sgt.s32 s14, $0xFF;
	s14 =	sshrl.u32 s15, $0x2;
	s15 =	sadd.s32 $0x100, s11  }
0x43: {  	s14 =	simm.s32 @p1 $0x0;
	p1 =	slt.s32 s15, $0x2710  }
0x44: {  	s15 =	simm.s32 @!p1 $0x2710  }
0x45: {  	s20 =	ssub.s32 s15, s11  }
0x46: {  	p1 =	slt.s32 s20, $0x1  }
.Ltmp3:
0x47: {  	_ = 	snop;
	(pc) =	sbr.rel @p1 .LBB2_6-.Ltmp3, $4  }
0x48: {  	_ = 	snop  }
0x49: {  	s16 =	sshll.u32 s12, $0xE;
	_ =	swait.ge [sflag:s4], s14  }
0x4a: {  	s16 =	sand.u32 $0x4000, s16;
	s17 =	ssub.s32 $0x0, s14;
	[sflag:s4] =	ssyncset.done $0x0  }
0x4b: {  	s15 =	sor.u32 $0x8000, s16;
	[sflag:s4] =	ssyncadd.s32 s17  }
0x4c: {  	v0 =	vmov s16;
	_ =	sdelay $0x2  }
0x4d: {  	s31 =	simm.s32 $0x0;
	p1 =	sne.s32 s20, $0x1  }
.Ltmp4:
0x4e: {  	s18 =	sand.u32 $0x3FC0, s31;
	(pc) =	sbr.rel @!p1 .LBB2_5-.Ltmp4, $4  }
0x4f: {  	s17 =	sor.u32 $0x30, s18;
	v1 =	vld.idx.msk [tilespmem:v0+s18+$0x0 ss:$0x1], $0xffff  }
0x50: {  	v3 =	vmov s15;
	s16 =	sor.u32 $0x10, s18;
	v2 =	vld.idx.msk [tilespmem:v0+s17+$0x0 ss:$0x1], $0xffff  }
0x51: {  	s19 =	sor.u32 $0x20, s18;
	v4 =	vld.idx.msk [tilespmem:v0+s16+$0x0 ss:$0x1], $0xffff  }
0x52: {  	s20 =	sadd.s32 $0xFFFFFFFF, s20;
	s21 =	simm.s32 $0x40;
	v5 =	vld.idx.msk [tilespmem:v0+s19+$0x0 ss:$0x1], $0xffff  }
.LBB2_4:
0x53: {  	s22 =	sand.u32 $0x3FC0, s21  }
0x54: {  	p1 =	sne.s32 s20, $0x1;
	s20 =	sadd.s32 $0xFFFFFFFF, s20;
	s23 =	sor.u32 $0x10, s22  }
.Ltmp5:
0x55: {  	s24 =	sor.u32 $0x20, s22;
	s25 =	sor.u32 $0x30, s22;
	[tilespmem:v3+s18+$0x0 ss:$0x1] =	vst.idx.msk $0xffff, v1;
	v1 =	vld.idx.msk [tilespmem:v0+s22+$0x0 ss:$0x1], $0xffff;
	(pc) =	sbr.rel @p1 .LBB2_4-.Ltmp5, $4  }
0x56: {  	s18 =	smov.u32 s22;
	[tilespmem:v3+s17+$0x0 ss:$0x1] =	vst.idx.msk $0xffff, v2;
	v2 =	vld.idx.msk [tilespmem:v0+s25+$0x0 ss:$0x1], $0xffff;
	s17 =	smov.u32 s25  }
0x57: {  	[tilespmem:v3+s16+$0x0 ss:$0x1] =	vst.idx.msk $0xffff, v4;
	v4 =	vld.idx.msk [tilespmem:v0+s23+$0x0 ss:$0x1], $0xffff;
	s16 =	smov.u32 s23  }
0x58: {  	[tilespmem:v3+s19+$0x0 ss:$0x1] =	vst.idx.msk $0xffff, v5;
	v5 =	vld.idx.msk [tilespmem:v0+s24+$0x0 ss:$0x1], $0xffff;
	s19 =	smov.u32 s24  }
0x59: {  	s21 =	sadd.s32 $0x40, s21  }
.Ltmp6:
0x5a: {  	_ = 	snop;
	(pc) =	sbr.rel .LBB2_5-.Ltmp6, $1  }
0x5b: {  	_ =	sdelay $0x3  }
.LBB2_8:
0x5c: {  	_ =	sfence.sel $0x180000  }
0x5d: {  	s2 =	simm.s32 $0x1;
	[bflag:$0x0] =	sbarrier.arrive $0xFFFF  }
0x5e: {  	s31 =	simm.s32 $0x2;
	[sflag:s2] =	ssyncpa.u1 $0x1  }
0x5f: {  	[sflag:s31] =	ssyncpa.u1 $0x1  }
0x60: {  	_ =	strace $0x90000047  }
0x61: {  	s0 =	sadd.s32 @!p0 $0x100000, s0;
	[bflag:$0x2] =	sbarrier.arrive $0xFFFF  }
0x62: {  	[sflag:s0] =	ssyncadd.tile.s32 @!p0 $0x1;
	s0 =	simm.s32 @!p0 $0x3F  }
0x63: {  	_ =	swait.ge @!p0 [sflag:s0], s1  }
0x64: {  	s1 =	ssub.s32 @!p0 $0x0, s1;
	[sflag:s0] =	ssyncset.done @!p0 $0x0  }
0x65: {  	[sflag:s0] =	ssyncadd.s32 @!p0 s1  }
0x66: {  	[bflag:$0x3] =	sbarrier.arrive $0xFFFF  }
0x67: {  	_ =	shalt  }
.Lfunc_end2:
execute1_lowered:
.L_overlay_start_2:
0x68: {  	(tag) =	ssettag $0x2  }
0x69: {  	s2 =	rddreg [dreg:$0x0]  }
0x6a: {  	s3 =	rddreg [dreg:$0x1];
	_ =	strace $0x8000004A;
	s0 =	simm.s32 $0x1  }
0x6b: {  	s4 =	simm.s32 $0x88;
	v0 =	vimm.s32 $0x0;
	[sflag:s0] =	ssyncpa.u1 $0x0  }
0x6c: {  	[tilespmem:s4+$0x30] =	vst v0  }
0x6d: {  	s1 =	sadd.s32 $0x37A00, s2;
	s0 =	sadd.s32 $0xC78C00, s2;
	s6 =	sadd.s32 $0xE44000, s2;
	[tilespmem:s4+$0x20] =	vst v0  }
0x6e: {  	s14 =	sadd.s32 $0xC85000, s2;
	s9 =	sand.u32 $0x1, s3;
	s2 =	simm.s32 $0x40;
	[tilespmem:s4+$0x10] =	vst v0  }
.LBB3_1:
0x6f: {  	s2 =	sadd.s32 $0x40, s2  }
0x70: {  	[tilespmem:s4+$0x0] =	vst v0;
	s4 =	sadd.s32 $0x40, s4;
	p0 =	slt.u32 s2, $0x5040  }
.Ltmp7:
0x71: {  	(pc) =	sbr.rel @p0 .LBB3_1-.Ltmp7, $4  }
0x72: {  	_ = 	snop  }
0x73: {  	[tilespmem:s4+$0x30] =	vst v0  }
0x74: {  	[tilespmem:s4+$0x20] =	vst v0  }
0x75: {  	[tilespmem:s4+$0x10] =	vst v0  }
0x76: {  	s10 =	stileid.u32  }
0x77: {  	s2 =	smul.u32 $0x27, s10  }
0x78: {  	s3 =	smin.u32 s10, $0x4  }
0x79: {  	s2 =	sadd.s32 s3, s2  }
0x7a: {  	p0 =	slt.u32 s10, $0x4;
	s7 =	smul.u32 $0x140, s2;
	s2 =	simm.s32 $0x3200  }
0x7b: {  	s2 =	simm.s32 @!p0 $0x30C0  }
0x7c: {  	s2 =	sadd.s32 s2, s7  }
0x7d: {  	s8 =	smin.u32 s2, $0x31000  }
0x7e: {  	s2 =	ssub.s32 s8, s7  }
0x7f: {  	s26 =	simm.s32 $0x2;
	s29 =	simm.s32 $0x9;
	p0 =	sgt.s32 s2, $0x0  }
0x80: {  	s30 =	simm.s32 $0xA;
	s31 =	smul.u32 $0x6200, s9;
	s2 =	simm.s32 @!p0 $0x0  }
0x81: {  	s11 =	simm.s32 $0xB;
	[dreg:$0x4] =	wrdreg s9;
	s28 =	smulhi.u32 $0x66666667, s2  }
0x82: {  	s12 =	simm.s32 $0x1;
	s18 =	simm.s32 $0x0;
	p1 =	por $0x0, $0x0  }
0x83: {  	s19 =	simm.s32 $0xC;
	s23 =	simm.s32 $0x0;
	s3 =	sshrl.u32 s28, $0x7  }
0x84: {  	s20 =	simm.s32 $0x0;
	s22 =	simm.s32 $0x0;
	s5 =	smul.u32 $0x140, s3  }
.Ltmp8:
0x85: {  	[tilespmem:s4+$0x0] =	vst v0;
	v0 =	vimm.s32 $0xFFFFFFFF;
	[sflag:s26] =	ssyncpa.u1 $0x0;
	s16 =	sshll.u32 s10, $0x7;
	(pc) =	sbr.rel .LBB3_3-.Ltmp8, $4  }
0x86: {  	[tilespmem:$0xA108] =	vst v0;
	[sflag:s29] =	ssyncpa.u1 $0x0;
	p0 =	sne.s32 s2, s5;
	s2 =	simm.s32 $0x1  }
0x87: {  	s14 =	sadd.s32 s31, s14;
	[sflag:s30] =	ssyncpa.u1 $0x0;
	s2 =	simm.s32 @!p0 $0x0  }
0x88: {  	s15 =	sadd.s32 s31, s0;
	[sflag:s11] =	ssyncpa.u1 $0x0;
	s13 =	sadd.s32 s2, s3  }
0x89: {  	v0 =	vlaneseq.u32;
	s21 =	smov.u32 s7;
	p0 =	por $0x1, $0x1;
	s17 =	sadd.s32 $0x1, s13  }
.LBB3_24:
0x8a: {  	s0 =	sshrl.u32 s0, $0x2  }
.LBB3_26:
0x8b: {  	_ =	swait.ge [sflag:s19], s0  }
0x8c: {  	s30 =	ssub.s32 $0x0, s0;
	v1 =	vmov s25;
	vm0 =	veq.s32 v0, $0x0;
	[sflag:s19] =	ssyncset.done $0x0  }
0x8d: {  	vm15 =	veq.s32 v0, $0x2;
	v1 =	vsel vm0, s31, v1;
	[sflag:s19] =	ssyncadd.s32 s30  }
0x8e: {  	v1 =	vsel vm15, s23, v1;
	[sflag:s19] =	ssyncpa.u1 $0x1  }
0x8f: {  	[tilespmem:$0xA108] =	vst v1  }
.LBB3_27:
0x90: {  	s0 =	sadd.s32 $0x140, s21  }
0x91: {  	s2 =	smov.u32 s7;
	p2 =	slt.s32 s0, s8  }
0x92: {  	s2 =	smov.u32 @p2 s0;
	p2 =	sne.s32 s22, s17  }
.Ltmp9:
0x93: {  	_ = 	snop;
	(pc) =	sbr.rel @!p2 .LBB3_28-.Ltmp9, $4  }
0x94: {  	_ = 	snop  }
0x95: {  	s23 =	smov.u32 s20  }
0x96: {  	s31 =	sadd.s32 $0x1, s22;
	s20 =	smov.u32 s21;
	p0 =	por !p0, !p0  }
0x97: {  	p1 =	por !p1, !p1;
	s22 =	smov.u32 s31;
	s21 =	smov.u32 s2  }
.LBB3_3:
0x98: {  	p2 =	sge.u32 s22, s13  }
0x99: {  	s0 =	smulhi.u32 @!p2 $0xAAAAAAAB, s22  }
0x9a: {  	s2 =	smov.u32 s21;
	p3 =	sgt.s32 @!p2 s21, $0x30EC0  }
0x9b: {  	s3 =	sshra.s32 @!p2 s21, $0x1F;
	p3 =	por !p3, p2;
	s0 =	sshrl.u32 @!p2 s0, $0x1  }
0x9c: {  	s3 =	sand.u32 @!p2 s3, s21;
	s2 =	simm.s32 @p3 $0x30EC0;
	s0 =	smul.u32 @!p2 $0x3, s0  }
0x9d: {  	s2 =	ssub.s32 @!p2 s2, s3  }
0x9e: {  	s2 =	sadd.s32 @!p2 $0xFFFCF140, s2;
	s0 =	ssub.s32 @!p2 s22, s0  }
0x9f: {  	s3 =	sshll.u32 @!p2 s2, $0x2;
	p3 =	sgt.s32 @!p2 s2, $0x13F;
	s0 =	smul.u32 @!p2 $0x500, s0  }
0xa0: {  	s4 =	sand.u32 @!p2 $0x7, s21;
	s2 =	ssub.s32 @!p2 $0x500, s3;
	p3 =	por !p3, p2  }
0xa1: {  	s3 =	sshrl.u32 @!p2 s21, $0x3;
	s2 =	sshrl.u32 @!p2 s2, $0x2;
	s0 =	sshrl.u32 @!p2 s0, $0x2  }
0xa2: {  	s3 =	sadd.s32 @!p2 s3, s14;
	s2 =	simm.s32 @!p3 $0x0;
	s0 =	sadd.s32 @!p2 $0xA948, s0  }
0xa3: {  	[tilespmem:s0], [sflag:$0xA] =	stream.linear.gather @!p2 [hbm4b:s3+s4], s2, $0x38;
	[tilespmem:$0x1EF88] =	vst v63  }
0xa4: {  	s4 =	sadd.s32 $0xFFFFFFFF, s22  }
0xa5: {  	p2 =	sge.u32 s4, s13  }
0xa6: {  	p3 =	sgt.s32 @!p2 s20, $0x30EC0  }
0xa7: {  	s0 =	smov.u32 s20;
	s2 =	sshra.s32 @!p2 s20, $0x1F;
	p3 =	por !p3, p2  }
0xa8: {  	s2 =	sand.u32 @!p2 s2, s20;
	s0 =	simm.s32 @p3 $0x30EC0  }
0xa9: {  	s0 =	ssub.s32 @!p2 s0, s2  }
0xaa: {  	s0 =	sadd.s32 @!p2 $0xFFFCF140, s0  }
0xab: {  	s2 =	sshll.u32 @!p2 s0, $0x2  }
0xac: {  	p3 =	sgt.s32 @!p2 s0, $0x13F;
	s0 =	ssub.s32 @!p2 $0x500, s2  }
0xad: {  	p3 =	por !p3, p2;
	s0 =	sshrl.u32 @!p2 s0, $0x2  }
0xae: {  	s3 =	simm.s32 @!p2 $0xA;
	s2 =	sand.u32 @!p2 $0x1, s4;
	s0 =	simm.s32 @!p3 $0x0  }
0xaf: {  	s2 =	smul.u32 @!p2 $0x500, s2;
	_ =	swait.ge @!p2 [sflag:s3], s0  }
0xb0: {  	s5 =	ssub.s32 @!p2 $0x0, s0;
	[sflag:s3] =	ssyncset.done @!p2 $0x0  }
0xb1: {  	s2 =	sshrl.u32 @!p2 s2, $0x2;
	[sflag:s3] =	ssyncadd.s32 @!p2 s5;
	s3 =	sshrl.u32 @!p2 s20, $0x3  }
0xb2: {  	s2 =	sadd.s32 @!p2 $0xAD08, s2;
	s5 =	sand.u32 @!p2 $0x7, s20;
	s3 =	sadd.s32 @!p2 s3, s15  }
0xb3: {  	[tilespmem:s2], [sflag:$0xB] =	stream.linear.gather @!p2 [hbm4b:s3+s5], s0, $0x38;
	[tilespmem:$0x1EF88] =	vst v63  }
0xb4: {  	s0 =	ssub.s32 @!p2 $0x31000, s20  }
0xb5: {  	p3 =	slt.s32 @!p2 s0, $0x1  }
0xb6: {  	p3 =	por p2, p3  }
.Ltmp10:
0xb7: {  	_ = 	snop;
	(pc) =	sbr.rel @p3 .LBB3_9-.Ltmp10, $1  }
0xb8: {  	_ =	sdelay $0x3  }
0xb9: {  	s2 =	smulhi.u32 $0xAAAAAAAB, s4;
	_ =	sdelay $0x1  }
0xba: {  	s2 =	sshrl.u32 s2, $0x1  }
0xbb: {  	s2 =	smul.u32 $0x3, s2;
	_ =	sdelay $0x1  }
0xbc: {  	s2 =	ssub.s32 s4, s2  }
0xbd: {  	s3 =	simm.s32 $0x1;
	s2 =	smul.u32 $0x500, s2  }
.Ltmp11:
0xbe: {  	s3 =	simm.s32 @!p0 $0x0;
	(pc) =	sbr.rel .LBB3_6-.Ltmp11, $4  }
0xbf: {  	s3 =	smul.u32 $0x28000, s3  }
0xc0: {  	p3 =	slt.s32 @!p2 s0, $0x140;
	s2 =	sshrl.u32 s2, $0x2  }
0xc1: {  	p2 =	por !p3, p2;
	s3 =	sshrl.u32 s3, $0x2;
	s2 =	sadd.s32 $0xA948, s2  }
0xc2: {  	s24 =	simm.s32 $0x0;
	s0 =	simm.s32 @p2 $0x140;
	s4 =	sadd.s32 $0xAF88, s3;
	v1 =	vmov s2  }
.LBB3_5:
0xc3: {  	p2 =	sge.s32 s24, s0  }
.Ltmp12:
0xc4: {  	_ = 	snop;
	(pc) =	sbr.rel @p2 .LBB3_9-.Ltmp12, $2  }
0xc5: {  	_ =	sdelay $0x2  }
0xc6: {  	s4 =	sadd.s32 $0x800, s4  }
.LBB3_6:
0xc7: {  	p2 =	sle.s32 s0, s24  }
.Ltmp13:
0xc8: {  	_ = 	snop;
	(pc) =	sbr.rel @p2 .LBB3_5-.Ltmp13, $2  }
0xc9: {  	_ =	sdelay $0x2  }
0xca: {  	s5 =	smov.u32 s24;
	s24 =	sadd.s32 $0x10, s24  }
0xcb: {  	s2 =	ssub.s32 s0, s5  }
0xcc: {  	p2 =	slt.s32 s2, $0x10  }
0xcd: {  	s2 =	simm.s32 @!p2 $0x10  }
0xce: {  	v2 =	vmov s2  }
0xcf: {  	vm0 =	vgt.s32 v2, v0;
	_ =	sdelay $0x5  }
0xd0: {  	v2 =	vld.idx.msk [tilespmem:v1+s5+$0x0 ss:$0x1], vm0;
	_ =	sdelay $0x2  }
0xd1: {  	p2 =	slt.s32 s24, s0;
	s2 =	smov.u32 s0  }
0xd2: {  	s3 =	smov.u32 s4;
	s25 =	simm.s32 $0x0;
	s2 =	smov.u32 @p2 s24  }
.LBB3_8:
0xd3: {  	(v2sf) =	vpush v2, s25;
	_ =	sdelay $0xc  }
0xd4: {  	s25 =	sadd.s32 $0x1, s25  }
0xd5: {  	s31 =	sadd.s32 s25, s5  }
0xd6: {  	p2 =	slt.s32 s31, s2;
	s9 =	spop (v2sf)  }
.Ltmp14:
0xd7: {  	s9 =	sshll.u32 s9, $0x4;
	(pc) =	sbr.rel @p2 .LBB3_8-.Ltmp14, $4  }
0xd8: {  	s9 =	sand.u32 $0x1FFFFFF0, s9  }
0xd9: {  	s9 =	sadd.s32 s6, s9  }
0xda: {  	[tilespmem:s3], [sflag:$0x9] =	stream.linear.gather [hbm4b:s9+s18], $0x40, $0x38;
	[tilespmem:$0x1EF88] =	vst v63  }
0xdb: {  	s3 =	sadd.s32 $0x80, s3  }
.Ltmp15:
0xdc: {  	_ = 	snop;
	(pc) =	sbr.rel .LBB3_5-.Ltmp15, $1  }
0xdd: {  	_ =	sdelay $0x3  }
.LBB3_9:
0xde: {  	p2 =	slt.u32 s22, $0x2  }
.Ltmp16:
0xdf: {  	_ = 	snop;
	(pc) =	sbr.rel @p2 .LBB3_27-.Ltmp16, $1  }
0xe0: {  	_ =	sdelay $0x3  }
0xe1: {  	p2 =	sgt.s32 s23, $0x30EC0  }
0xe2: {  	s0 =	smov.u32 s23;
	s2 =	sshra.s32 s23, $0x1F;
	s3 =	ssub.s32 $0x31000, s23  }
0xe3: {  	s0 =	simm.s32 @!p2 $0x30EC0;
	s2 =	sand.u32 s2, s23;
	p2 =	slt.s32 s3, $0x140  }
0xe4: {  	s0 =	ssub.s32 s0, s2;
	s3 =	simm.s32 @!p2 $0x140  }
0xe5: {  	s0 =	sadd.s32 $0xFFFCF140, s0;
	s10 =	sshll.u32 s3, $0x6  }
0xe6: {  	s26 =	simm.s32 $0x9;
	s24 =	sshll.u32 s0, $0x2;
	s2 =	sand.u32 $0x3FFFFFC0, s10  }
0xe7: {  	p2 =	sgt.s32 s0, $0x13F;
	s25 =	ssub.s32 $0x500, s24;
	_ =	swait.ge [sflag:s26], s2  }
0xe8: {  	s2 =	ssub.s32 $0x0, s2;
	[sflag:s26] =	ssyncset.done $0x0;
	s0 =	sshrl.u32 s25, $0x2  }
0xe9: {  	[sflag:s26] =	ssyncadd.s32 s2;
	s0 =	simm.s32 @p2 $0x0  }
0xea: {  	_ =	swait.ge [sflag:s11], s0  }
0xeb: {  	s0 =	ssub.s32 $0x0, s0;
	[sflag:s11] =	ssyncset.done $0x0  }
0xec: {  	[sflag:s11] =	ssyncadd.s32 s0  }
0xed: {  	v1 =	vld [tilespmem:$0xA108];
	_ =	sdelay $0x4  }
0xee: {  	(v2sf) =	vpush v1, $0x0  }
0xef: {  	(v2sf) =	vpush v1, $0x1  }
0xf0: {  	(v2sf) =	vpush v1, $0x2;
	_ =	sdelay $0x3  }
0xf1: {  	s0 =	sadd.s32 $0x140, s23  }
0xf2: {  	s2 =	ssub.s32 $0x62000, s23;
	p2 =	slt.s32 s8, s0  }
0xf3: {  	s0 =	smov.u32 @p2 s8;
	p2 =	sgt.s32 s2, $0x0  }
0xf4: {  	s0 =	ssub.s32 s0, s23;
	s2 =	simm.s32 @!p2 $0x0  }
0xf5: {  	p2 =	slt.s32 s2, s0  }
0xf6: {  	s0 =	smov.u32 @p2 s2  }
0xf7: {  	s26 =	simm.s32 $0x1;
	p2 =	slt.s32 s0, $0x1  }
.Ltmp17:
0xf8: {  	s26 =	simm.s32 @!p1 $0x0;
	(pc) =	sbr.rel @p2 .LBB3_14-.Ltmp17, $4  }
0xf9: {  	s30 =	smul.u32 $0x500, s26  }
0xfa: {  	s28 =	spop (v2sf)  }
0xfb: {  	s31 =	sshrl.u32 s30, $0x2;
	s29 =	spop (v2sf)  }
0xfc: {  	s24 =	sadd.s32 $0xAD08, s31;
	s23 =	spop (v2sf)  }
0xfd: {  	s2 =	smin.u32 s0, $0x10  }
0xfe: {  	v1 =	vmov s2  }
0xff: {  	p3 =	sgt.s32 s0, $0x10;
	vm1 =	vgt.u32 v1, v0  }
.Ltmp18:
0x100: {  	_ = 	snop;
	(pc) =	sbr.rel @!p3 .LBB3_13-.Ltmp18, $2  }
0x101: {  	_ =	sdelay $0x2  }
0x102: {  	s5 =	simm.s32 $0x10;
	s25 =	sadd.s32 $0xFFFFFFF0, s0;
	s4 =	smov.u32 s24;
	vm0 =	vmmov vm1  }
.LBB3_12:
0x103: {  	s2 =	smin.u32 s25, $0x10;
	s5 =	sadd.s32 $0x10, s5;
	v1 =	vld.msk [tilespmem:s4+$0x0 ss:$0x1], vm1  }
0x104: {  	v2 =	vmov s2;
	p3 =	slt.s32 s5, s0  }
0x105: {  	vm1 =	vgt.u32 v2, v0  }
.Ltmp19:
0x106: {  	(pc) =	sbr.rel @p3 .LBB3_12-.Ltmp19, $3  }
0x107: {  	_ =	sdelay $0x1  }
0x108: {  	v1 =	vshll.u32 v1, $0x4  }
0x109: {  	s25 =	sadd.s32 $0xFFFFFFF0, s25;
	[tilespmem:s4+$0x0] =	vst.msk vm0, v1;
	s4 =	sadd.s32 $0x10, s4;
	vm0 =	vmmov vm1  }
.LBB3_13:
0x10a: {  	_ =	sdelay $0x4  }
0x10b: {  	v1 =	vld.msk [tilespmem:s4+$0x0 ss:$0x1], vm1;
	_ =	sdelay $0x4  }
0x10c: {  	v1 =	vshll.u32 v1, $0x4  }
0x10d: {  	[tilespmem:s4+$0x0] =	vst.msk vm0, v1  }
.LBB3_14:
0x10e: {  	s2 =	sand.u32 $0x1, s22  }
0x10f: {  	s2 =	smul.u32 $0x140, s2  }
0x110: {  	p3 =	sne.s32 s29, $0xFFFFFFFF  }
0x111: {  	v1 =	vld.msk @!p3 [tilespmem:s2+$0xAD08], $0x1;
	_ =	sdelay $0x4  }
0x112: {  	(v2sf) =	vpush @!p3 v1, $0x0;
	_ =	sdelay $0xc  }
.Ltmp20:
0x113: {  	_ = 	snop;
	(pc) =	sbr.rel @p2 .LBB3_25-.Ltmp20, $4  }
0x114: {  	_ = 	snop  }
0x115: {  	s30 =	spop @!p3 (v2sf)  }
0x116: {  	s23 =	simm.s32 @!p3 $0x0;
	s25 =	smov.u32 s30  }
0x117: {  	[sflag:s19] =	ssyncpa.u1 $0x0;
	s30 =	smov.u32 @p3 s28;
	s25 =	smov.u32 @p3 s29  }
0x118: {  	v1 =	vld.msk [tilespmem:s24+$0x0], $0x1;
	_ =	sdelay $0x4  }
0x119: {  	(v2sf) =	vpush v1, $0x0;
	_ =	sdelay $0xe  }
0x11a: {  	s2 =	smul.u32 $0x28000, s26;
	s4 =	spop (v2sf)  }
0x11b: {  	s28 =	ssub.s32 $0x0, s0;
	p2 =	seq.s32 s30, s4  }
0x11c: {  	s0 =	sadd.s32 $0x1, s28;
	s2 =	sshrl.u32 s2, $0x2;
	p3 =	sgt.s32 @!p2 s30, $0x0  }
0x11d: {  	s26 =	sadd.s32 $0xAFA8, s2;
	s2 =	smov.u32 s30;
	p3 =	por !p3, p2  }
0x11e: {  	s2 =	simm.s32 @p3 $0x0;
	p3 =	seq.s32 s0, $0x0  }
.Ltmp21:
0x11f: {  	_ = 	snop;
	(pc) =	sbr.rel @p3 .LBB3_17-.Ltmp21, $4  }
0x120: {  	_ = 	snop  }
0x121: {  	s29 =	simm.s32 $0x0;
	s5 =	simm.s32 @!p2 $0x1;
	s3 =	smin.u32 @!p2 s2, $0x270F8  }
0x122: {  	s31 =	sadd.s32 $0x1, s24;
	s5 =	smov.u32 @p2 s29;
	s9 =	sand.u32 @!p2 $0x3FFF8, s3  }
0x123: {  	s2 =	simm.s32 @!p2 $0x50C8;
	s3 =	sand.u32 @!p2 $0x7, s3;
	s9 =	sadd.s32 @!p2 s1, s9  }
.LBB3_16:
0x124: {  	s10 =	smov.u32 s5  }
0x125: {  	[tilespmem:s2], [sflag:$0x2] =	stream.linear.gather @!p2 [hbm4b:s9+s3], $0x40, $0x38;
	[tilespmem:$0x1EF88] =	vst v63  }
0x126: {  	s0 =	sadd.s32 $0x1, s0;
	s3 =	smov.u32 s4;
	v1 =	vld.msk [tilespmem:s31+$0x0], $0x1  }
0x127: {  	p3 =	seq.s32 s0, $0x0;
	_ =	sdelay $0x3  }
0x128: {  	(v2sf) =	vpush v1, $0x0;
	_ =	sdelay $0xe  }
0x129: {  	s4 =	spop (v2sf)  }
0x12a: {  	p2 =	seq.s32 s3, s4  }
0x12b: {  	p4 =	sgt.s32 @!p2 s3, $0x0;
	s2 =	sshll.u32 @!p2 s5, $0x8;
	s5 =	sadd.s32 @!p2 $0x1, s5  }
.Ltmp22:
0x12c: {  	p4 =	por !p4, p2;
	s2 =	sshra.s32 @!p2 s2, $0x2;
	(pc) =	sbr.rel @!p3 .LBB3_16-.Ltmp22, $4  }
0x12d: {  	s5 =	smov.u32 @p2 s10;
	s3 =	simm.s32 @p4 $0x0;
	s2 =	sadd.s32 @!p2 $0x50C8, s2  }
0x12e: {  	s3 =	smin.u32 @!p2 s3, $0x270F8  }
0x12f: {  	s9 =	sand.u32 @!p2 $0x3FFF8, s3;
	s3 =	sand.u32 @!p2 $0x7, s3  }
0x130: {  	s31 =	sadd.s32 $0x1, s31;
	s9 =	sadd.s32 @!p2 s1, s9  }
.LBB3_17:
0x131: {  	[tilespmem:s2], [sflag:$0x2] =	stream.linear.gather @!p2 [hbm4b:s9+s3], $0x40, $0x38;
	[tilespmem:$0x1EF88] =	vst v63  }
.Ltmp23:
0x132: {  	s0 =	sshll.u32 s5, $0x6;
	(pc) =	sbr.rel .LBB3_18-.Ltmp23, $4  }
0x133: {  	s31 =	simm.s32 $0x2;
	s0 =	sand.u32 $0x3FFFFFC0, s0  }
0x134: {  	_ =	swait.ge [sflag:s31], s0  }
0x135: {  	s0 =	ssub.s32 $0x0, s0;
	[sflag:s31] =	ssyncset.done $0x0  }
0x136: {  	[sflag:s31] =	ssyncadd.s32 s0;
	s0 =	simm.s32 $0x0  }
.LBB3_19:
0x137: {  	v1 =	vld [tilespmem:s26+$0xFFFFFFE0];
	_ =	sdelay $0x4  }
0x138: {  	[tilespmem:s4+$0x88] =	vst.add.f32.msk $0xffff, v1  }
0x139: {  	v1 =	vld [tilespmem:s26+$0xFFFFFFF0];
	_ =	sdelay $0x4  }
0x13a: {  	[tilespmem:s4+$0x98] =	vst.add.f32.msk $0xffff, v1  }
0x13b: {  	v1 =	vld [tilespmem:s26+$0x0];
	_ =	sdelay $0x4  }
0x13c: {  	[tilespmem:s4+$0xA8] =	vst.add.f32.msk $0xffff, v1  }
0x13d: {  	v1 =	vld [tilespmem:s26+$0x10];
	_ =	sdelay $0x4  }
0x13e: {  	[tilespmem:s4+$0xB8] =	vst.add.f32.msk $0xffff, v1  }
.LBB3_23:
0x13f: {  	s28 =	sadd.s32 $0x1, s28  }
0x140: {  	p2 =	seq.s32 s28, $0x0  }
.Ltmp24:
0x141: {  	_ = 	snop;
	(pc) =	sbr.rel @p2 .LBB3_24-.Ltmp24, $2  }
0x142: {  	_ =	sdelay $0x2  }
0x143: {  	s26 =	sadd.s32 $0x80, s26;
	s24 =	sadd.s32 $0x1, s24;
	s30 =	smov.u32 s31  }
.LBB3_18:
0x144: {  	v1 =	vld.msk [tilespmem:s24+$0x0], $0x1;
	_ =	sdelay $0x4  }
0x145: {  	(v2sf) =	vpush v1, $0x0;
	_ =	sdelay $0xe  }
0x146: {  	s31 =	spop (v2sf)  }
0x147: {  	p2 =	sne.s32 s30, s31  }
.Ltmp25:
0x148: {  	_ = 	snop;
	(pc) =	sbr.rel @!p2 .LBB3_19-.Ltmp25, $3  }
0x149: {  	_ =	sdelay $0x1  }
0x14a: {  	s2 =	sshll.u32 s23, $0x8  }
0x14b: {  	s4 =	sshra.s32 s2, $0x2  }
0x14c: {  	p2 =	seq.s32 s30, s25  }
.Ltmp26:
0x14d: {  	_ = 	snop;
	(pc) =	sbr.rel @!p2 .LBB3_21-.Ltmp26, $1  }
0x14e: {  	_ =	sdelay $0x3  }
.Ltmp27:
0x14f: {  	s2 =	sadd.s32 $0x88, s4;
	(pc) =	sbr.rel .LBB3_22-.Ltmp27, $4  }
0x150: {  	[spmem:s16] =	stream.linear.scatter [tilespmem:s2], [sflag:$0x1], $0x40, $0x38;
	[tilespmem:$0x1EF88] =	vst v63  }
0x151: {  	_ =	swait.ge [sflag:s12], $0x40  }
0x152: {  	[sflag:s12] =	ssyncset.done $0x0  }
0x153: {  	[sflag:s12] =	ssyncadd.s32 $0xFFFFFFC0  }
.LBB3_21:
0x154: {  	s2 =	sshll.u32 s29, $0x8  }
0x155: {  	s2 =	sshra.s32 s2, $0x2  }
0x156: {  	v1 =	vld [tilespmem:s2+$0x50C8];
	_ =	sdelay $0x4  }
0x157: {  	[tilespmem:s4+$0x88] =	vst.add.f32.msk $0xffff, v1  }
0x158: {  	v1 =	vld [tilespmem:s2+$0x50D8];
	_ =	sdelay $0x4  }
0x159: {  	[tilespmem:s4+$0x98] =	vst.add.f32.msk $0xffff, v1  }
0x15a: {  	v1 =	vld [tilespmem:s2+$0x50E8];
	_ =	sdelay $0x4  }
0x15b: {  	[tilespmem:s4+$0xA8] =	vst.add.f32.msk $0xffff, v1  }
0x15c: {  	v1 =	vld [tilespmem:s2+$0x50F8];
	_ =	sdelay $0x2  }
0x15d: {  	p2 =	sgt.u32 s30, $0x270F8  }
0x15e: {  	s2 =	sand.u32 @!p2 $0x3FFF8, s30  }
0x15f: {  	s3 =	sadd.s32 $0x88, s4;
	s2 =	sadd.s32 @!p2 s1, s2;
	[tilespmem:s4+$0xB8] =	vst.add.f32.msk $0xffff, v1;
	s4 =	sand.u32 @!p2 $0x7, s30  }
0x160: {  	[hbm4b:s2+s4] =	stream.linear.scatter @!p2 [tilespmem:s3], [sflag:$0xC], $0x40, $0x38;
	[tilespmem:$0x1EF88] =	vst v63  }
0x161: {  	s2 =	simm.s32 $0x0  }
0x162: {  	s2 =	simm.s32 @!p2 $0x100  }
0x163: {  	s0 =	sadd.s32 s2, s0  }
.LBB3_22:
0x164: {  	s2 =	sadd.s32 $0x1, s23  }
0x165: {  	s3 =	smulhi.u32 $0xCCCCCCCD, s2;
	_ =	sdelay $0x1  }
0x166: {  	v1 =	vld [tilespmem:s26+$0xFFFFFFE0];
	s3 =	sshrl.u32 s3, $0x8  }
0x167: {  	s3 =	smul.u32 $0x140, s3;
	_ =	sdelay $0x1  }
0x168: {  	s23 =	ssub.s32 s2, s3  }
0x169: {  	s2 =	sshll.u32 s23, $0x6  }
0x16a: {  	[tilespmem:s2+$0x88] =	vst v1  }
0x16b: {  	v1 =	vld [tilespmem:s26+$0xFFFFFFF0];
	_ =	sdelay $0x4  }
0x16c: {  	[tilespmem:s2+$0x98] =	vst v1  }
0x16d: {  	v1 =	vld [tilespmem:s26+$0x0];
	_ =	sdelay $0x4  }
0x16e: {  	[tilespmem:s2+$0xA8] =	vst v1  }
0x16f: {  	v1 =	vld [tilespmem:s26+$0x10]  }
.Ltmp28:
0x170: {  	_ = 	snop;
	(pc) =	sbr.rel .LBB3_23-.Ltmp28, $2  }
0x171: {  	_ =	sdelay $0x2  }
0x172: {  	s29 =	sadd.s32 $0x1, s29;
	[tilespmem:s2+$0xB8] =	vst v1  }
.LBB3_25:
.Ltmp29:
0x173: {  	(pc) =	sbr.rel .LBB3_26-.Ltmp29, $4  }
0x174: {  	_ = 	snop  }
0x175: {  	s0 =	simm.s32 $0x2  }
0x176: {  	_ =	swait.ge [sflag:s0], $0x0  }
0x177: {  	s31 =	smov.u32 s30;
	[sflag:s0] =	ssyncset.done $0x0;
	s0 =	simm.s32 $0x0  }
.LBB3_28:
0x178: {  	_ =	sfence.sel $0x180000  }
0x179: {  	s0 =	simm.s32 $0x9;
	[bflag:$0x0] =	sbarrier.arrive $0xFFFF  }
0x17a: {  	s24 =	simm.s32 $0xA;
	[sflag:s0] =	ssyncpa.u1 $0x1  }
0x17b: {  	s25 =	simm.s32 $0xB;
	[sflag:s24] =	ssyncpa.u1 $0x1  }
0x17c: {  	s26 =	simm.s32 $0x2;
	[sflag:s25] =	ssyncpa.u1 $0x1  }
0x17d: {  	[sflag:s26] =	ssyncpa.u1 $0x1  }
0x17e: {  	v0 =	vld [tilespmem:$0xA108];
	_ =	sdelay $0x4  }
0x17f: {  	(v2sf) =	vpush v0, $0x0  }
0x180: {  	(v2sf) =	vpush v0, $0x1;
	_ =	sdelay $0x1  }
0x181: {  	(v2sf) =	vpush v0, $0x2;
	_ =	sdelay $0xb  }
0x182: {  	s0 =	spop (v2sf)  }
0x183: {  	s2 =	spop (v2sf)  }
0x184: {  	s3 =	smov.u32 s0;
	p0 =	sne.s32 s0, s2  }
0x185: {  	s4 =	spop (v2sf);
	s3 =	simm.s32 @!p0 $0xFFFFFFFF  }
0x186: {  	v2 =	vimm.s32 $0x1;
	v3 =	vlaneseq.u32;
	p0 =	seq.s32 s4, $0xFFFFFFFF;
	v1 =	vmov s3  }
0x187: {  	s15 =	stileid.u32;
	v0 =	vperm.xlane v0, v2;
	p1 =	sne.s32 @!p0 s0, s2;
	v1 =	vperm.xlane v1, v3  }
0x188: {  	vm0 =	vcmask $0x3F04;
	s6 =	simm.s32 $0xA108;
	s0 =	simm.s32 @!p0 $0x1;
	p1 =	por !p1, p0  }
0x189: {  	s3 =	sshll.u32 s15, $0x1;
	s2 =	sshll.u32 @!p0 s4, $0x8;
	s0 =	simm.s32 @p1 $0x0;
	v0 =	vsel vm0, v1, v0  }
0x18a: {  	s5 =	sor.u32 $0x800, s3;
	s2 =	sshra.s32 @!p0 s2, $0x2;
	s0 =	sor.u32 @!p0 s0, s3;
	[tilespmem:$0xA108] =	vst v0  }
0x18b: {  	[spmem:s5] =	stream.linear.scatter [tilespmem:s6], [sflag:$0x1], $0x2, $0x38;
	[tilespmem:$0x1EF88] =	vst v63  }
0x18c: {  	s2 =	sadd.s32 @!p0 $0x88, s2;
	s0 =	sshll.u32 @!p0 s0, $0x6  }
0x18d: {  	[spmem:s0] =	stream.linear.scatter @!p0 [tilespmem:s2], [sflag:$0x1], $0x40, $0x38;
	[tilespmem:$0x1EF88] =	vst v63  }
0x18e: {  	s0 =	simm.s32 @!p0 $0x42  }
0x18f: {  	s28 =	simm.s32 $0x1;
	s0 =	simm.s32 @p0 $0x2  }
0x190: {  	_ =	swait.ge [sflag:s28], s0  }
0x191: {  	s0 =	ssub.s32 $0x0, s0;
	[sflag:s28] =	ssyncset.done $0x0  }
0x192: {  	p0 =	sne.s32 s15, $0x0;
	[sflag:s28] =	ssyncadd.s32 s0  }
.Ltmp30:
0x193: {  	_ =	sfence.stream.spmem;
	(pc) =	sbr.rel @p0 .LBB3_45-.Ltmp30, $4  }
0x194: {  	s29 =	simm.s32 $0x3;
	[bflag:$0x0] =	sbarrier.arrive $0xFFFF  }
0x195: {  	s30 =	simm.s32 $0x4;
	[sflag:s29] =	ssyncpa.u1 $0x1  }
0x196: {  	s31 =	simm.s32 $0x3C;
	[sflag:s30] =	ssyncpa.u1 $0x1  }
0x197: {  	s14 =	rddreg [dreg:$0x4];
	[sflag:s31] =	ssyncpa.u1 $0x1  }
0x198: {  	_ =	sfence.stream.spmem;
	s0 =	simm.s32 $0x5  }
0x199: {  	s2 =	simm.s32 $0x800;
	s3 =	simm.s32 $0xA118;
	[sflag:s0] =	ssyncpa.u1 $0x0  }
0x19a: {  	[tilespmem:s3], [sflag:$0x5] =	stream.linear.gather [spmem:s2], $0x20, $0x38;
	[tilespmem:$0x1EF88] =	vst v63  }
0x19b: {  	s26 =	simm.s32 $0x0;
	s28 =	simm.s32 $0xA138  }
0x19c: {  	[tilespmem:s28], [sflag:$0x5] =	stream.linear.gather [spmem:s26], $0x800, $0x38;
	[tilespmem:$0x1EF88] =	vst v63  }
0x19d: {  	_ =	swait.ge [sflag:s0], $0x820  }
0x19e: {  	[sflag:s0] =	ssyncset.done $0x0  }
0x19f: {  	s29 =	simm.s32 $0x0;
	[sflag:s0] =	ssyncadd.s32 $0xFFFFF7E0  }
0x1a0: {  	v0 =	vld.msk [tilespmem:s29+$0xA118], $0x1;
	_ =	sdelay $0x1  }
0x1a1: {  	s30 =	simm.s32 $0x1  }
0x1a2: {  	v1 =	vld.msk [tilespmem:s30+$0xA118], $0x1;
	_ =	sdelay $0x1  }
0x1a3: {  	(v2sf) =	vpush v0, $0x0;
	_ =	sdelay $0x2  }
0x1a4: {  	(v2sf) =	vpush v1, $0x0;
	_ =	sdelay $0x2  }
0x1a5: {  	s31 =	simm.s32 $0x2  }
0x1a6: {  	v0 =	vld.msk [tilespmem:s31+$0xA118], $0x1;
	_ =	sdelay $0x2  }
0x1a7: {  	s4 =	simm.s32 $0xFFFFFFFF;
	s2 =	simm.s32 $0xFFFFFFFF;
	s0 =	simm.s32 $0xC  }
.LBB3_30:
0x1a8: {  	s3 =	smov.u32 s4;
	s5 =	smov.u32 s2  }
0x1a9: {  	s2 =	sshra.s32 s0, $0x2;
	p1 =	sne.s32 s0, $0x7C;
	s0 =	sadd.s32 $0x4, s0;
	(v2sf) =	vpush v0, $0x0  }
0x1aa: {  	v0 =	vld.msk [tilespmem:s2+$0xA118], $0x1  }
.Ltmp31:
0x1ab: {  	(pc) =	sbr.rel @p1 .LBB3_30-.Ltmp31, $4  }
0x1ac: {  	s4 =	spop (v2sf)  }
0x1ad: {  	p2 =	sne.s32 s5, $0xFFFFFFFF;
	s2 =	smov.u32 s4  }
0x1ae: {  	p3 =	seq.s32 s4, $0xFFFFFFFF;
	s2 =	smov.u32 @p2 s5  }
0x1af: {  	s4 =	smov.u32 @p3 s3;
	s2 =	smov.u32 @p3 s5  }
0x1b0: {  	(v2sf) =	vpush v0, $0x0;
	_ =	sdelay $0x8  }
0x1b1: {  	s0 =	spop (v2sf)  }
0x1b2: {  	p1 =	sne.s32 s2, $0xFFFFFFFF;
	s3 =	smov.u32 s0  }
0x1b3: {  	s9 =	simm.s32 $0x6;
	p2 =	seq.s32 s0, $0xFFFFFFFF;
	s3 =	smov.u32 @p1 s2  }
0x1b4: {  	s6 =	simm.s32 $0x0;
	s3 =	smov.u32 @p2 s2;
	s2 =	spop (v2sf)  }
0x1b5: {  	s0 =	smov.u32 @p2 s4;
	p1 =	sne.s32 s3, $0xFFFFFFFF;
	s5 =	smov.u32 s2  }
.Ltmp32:
0x1b6: {  	p2 =	seq.s32 s2, $0xFFFFFFFF;
	s5 =	smov.u32 @p1 s3;
	(pc) =	sbr.rel .LBB3_32-.Ltmp32, $4  }
0x1b7: {  	s10 =	simm.s32 $0xA0C8;
	s5 =	smov.u32 @p2 s3;
	s7 =	spop (v2sf)  }
0x1b8: {  	s11 =	simm.s32 $0x0;
	p1 =	sne.s32 s5, $0xFFFFFFFF;
	s8 =	smov.u32 s7  }
0x1b9: {  	s2 =	smov.u32 @p2 s0;
	p2 =	seq.s32 s7, $0xFFFFFFFF;
	s8 =	smov.u32 @p1 s5  }
0x1ba: {  	[sflag:s9] =	ssyncpa.u1 $0x0;
	s7 =	smov.u32 @p2 s2;
	s8 =	smov.u32 @p2 s5  }
.LBB3_38:
0x1bb: {  	p1 =	sgt.u32 s12, $0x270F8  }
0x1bc: {  	p2 =	seq.s32 @!p1 s12, s8  }
0x1bd: {  	p1 =	por p1, p2  }
0x1be: {  	p2 =	sne.s32 @!p1 s12, s7  }
0x1bf: {  	p1 =	por p1, !p2  }
0x1c0: {  	s0 =	sshll.u32 @p1 s11, $0x8  }
0x1c1: {  	s0 =	sand.u32 @!p1 $0x3FFF8, s12  }
0x1c2: {  	s2 =	sand.u32 @!p1 $0x7, s12;
	s0 =	sadd.s32 @!p1 s1, s0  }
0x1c3: {  	[tilespmem:s10], [sflag:$0x6] =	stream.linear.gather @!p1 [hbm4b:s0+s2], $0x40, $0x38;
	[tilespmem:$0x1EF88] =	vst v63  }
0x1c4: {  	_ =	swait.ge @!p1 [sflag:s9], $0x40  }
0x1c5: {  	[sflag:s9] =	ssyncset.done @!p1 $0x0  }
0x1c6: {  	[sflag:s9] =	ssyncadd.s32 @!p1 $0xFFFFFFC0  }
0x1c7: {  	v1 =	vld @!p1 [tilespmem:$0xA0C8];
	_ =	sdelay $0x2  }
0x1c8: {  	s0 =	sshll.u32 @!p1 s11, $0x8  }
0x1c9: {  	s2 =	sshrl.u32 @!p1 s0, $0x2  }
0x1ca: {  	[tilespmem:s2+$0xA138] =	vst.add.f32.msk @!p1 $0xffff, v1  }
0x1cb: {  	v1 =	vld @!p1 [tilespmem:$0xA0D8];
	_ =	sdelay $0x4  }
0x1cc: {  	[tilespmem:s2+$0xA148] =	vst.add.f32.msk @!p1 $0xffff, v1  }
0x1cd: {  	v1 =	vld @!p1 [tilespmem:$0xA0E8];
	_ =	sdelay $0x4  }
0x1ce: {  	[tilespmem:s2+$0xA158] =	vst.add.f32.msk @!p1 $0xffff, v1  }
0x1cf: {  	v1 =	vld @!p1 [tilespmem:$0xA0F8];
	_ =	sdelay $0x4  }
0x1d0: {  	[tilespmem:s2+$0xA168] =	vst.add.f32.msk @!p1 $0xffff, v1  }
0x1d1: {  	s0 =	sshrl.u32 s0, $0x2;
	[tilespmem:s6+$0xA118] =	vst.msk $0x1, v0  }
0x1d2: {  	v0 =	vld [tilespmem:s0+$0xA138];
	_ =	sdelay $0x2  }
0x1d3: {  	s31 =	sshll.u32 s6, $0x8  }
0x1d4: {  	s2 =	sshra.s32 s31, $0x2  }
0x1d5: {  	[tilespmem:s2+$0xA138] =	vst v0  }
0x1d6: {  	v0 =	vld [tilespmem:s0+$0xA148];
	_ =	sdelay $0x4  }
0x1d7: {  	[tilespmem:s2+$0xA148] =	vst v0  }
0x1d8: {  	v0 =	vld [tilespmem:s0+$0xA158];
	_ =	sdelay $0x4  }
0x1d9: {  	[tilespmem:s2+$0xA158] =	vst v0  }
0x1da: {  	v0 =	vld [tilespmem:s0+$0xA168];
	_ =	sdelay $0x4  }
0x1db: {  	s6 =	sadd.s32 $0x1, s6;
	[tilespmem:s2+$0xA168] =	vst v0  }
.LBB3_39:
0x1dc: {  	s11 =	sadd.s32 $0x1, s11  }
0x1dd: {  	p1 =	sne.s32 s11, $0x20  }
.Ltmp33:
0x1de: {  	_ = 	snop;
	(pc) =	sbr.rel @!p1 .LBB3_40-.Ltmp33, $1  }
0x1df: {  	_ =	sdelay $0x3  }
.LBB3_32:
0x1e0: {  	v0 =	vld.msk [tilespmem:s11+$0xA118], $0x1;
	_ =	sdelay $0x4  }
0x1e1: {  	(v2sf) =	vpush v0, $0x0;
	_ =	sdelay $0xe  }
0x1e2: {  	s12 =	spop (v2sf)  }
0x1e3: {  	p1 =	seq.s32 s12, $0xFFFFFFFF  }
.Ltmp34:
0x1e4: {  	_ = 	snop;
	(pc) =	sbr.rel @p1 .LBB3_39-.Ltmp34, $1  }
0x1e5: {  	_ =	sdelay $0x3  }
0x1e6: {  	p1 =	slt.s32 s6, $0x1  }
.Ltmp35:
0x1e7: {  	_ = 	snop;
	(pc) =	sbr.rel @p1 .LBB3_38-.Ltmp35, $1  }
0x1e8: {  	_ =	sdelay $0x3  }
0x1e9: {  	s0 =	simm.s32 $0xA118;
	p1 =	por $0x0, $0x0  }
0x1ea: {  	v1 =	vld.msk @!p1 [tilespmem:s0+$0x0], $0x1;
	_ =	sdelay $0x4  }
0x1eb: {  	(v2sf) =	vpush @!p1 v1, $0x0;
	_ =	sdelay $0xd  }
0x1ec: {  	p3 =	sne.s32 s6, $0x1  }
.Ltmp36:
0x1ed: {  	s2 =	spop @!p1 (v2sf);
	(pc) =	sbr.rel @!p3 .LBB3_36-.Ltmp36, $4  }
0x1ee: {  	p2 =	seq.s32 @!p1 s12, s2  }
0x1ef: {  	s13 =	simm.s32 $0x0;
	p2 =	por !p2, p1  }
0x1f0: {  	s2 =	simm.s32 $0xFFFFFFFF;
	s13 =	simm.s32 @p2 $0xFFFFFFFF  }
0x1f1: {  	s4 =	simm.s32 $0x1;
	s13 =	smov.u32 @p1 s2  }
.LBB3_35:
0x1f2: {  	s2 =	smov.u32 s13;
	p1 =	sne.s32 s13, $0xFFFFFFFF  }
0x1f3: {  	s0 =	sadd.s32 $0x1, s0;
	s13 =	smov.u32 s4;
	s4 =	sadd.s32 $0x1, s4  }
0x1f4: {  	p2 =	sne.s32 s6, s4;
	v1 =	vld.msk @!p1 [tilespmem:s0+$0x0], $0x1;
	_ =	sdelay $0x4  }
0x1f5: {  	(v2sf) =	vpush @!p1 v1, $0x0;
	_ =	sdelay $0xe  }
.Ltmp37:
0x1f6: {  	s3 =	spop @!p1 (v2sf);
	(pc) =	sbr.rel @p2 .LBB3_35-.Ltmp37, $4  }
0x1f7: {  	p3 =	seq.s32 @!p1 s12, s3  }
0x1f8: {  	p3 =	por !p3, p1  }
0x1f9: {  	s13 =	simm.s32 @p3 $0xFFFFFFFF  }
0x1fa: {  	s13 =	smov.u32 @p1 s2  }
.LBB3_36:
0x1fb: {  	p1 =	seq.s32 s13, $0xFFFFFFFF  }
.Ltmp38:
0x1fc: {  	_ = 	snop;
	(pc) =	sbr.rel @p1 .LBB3_38-.Ltmp38, $1  }
0x1fd: {  	_ =	sdelay $0x3  }
0x1fe: {  	s0 =	sshll.u32 s11, $0x6  }
0x1ff: {  	s0 =	sand.u32 $0x3FFFFFC0, s0  }
0x200: {  	v0 =	vld [tilespmem:s0+$0xA138];
	_ =	sdelay $0x2  }
0x201: {  	s2 =	sshll.u32 s13, $0x8  }
0x202: {  	s2 =	sshra.s32 s2, $0x2  }
0x203: {  	[tilespmem:s2+$0xA138] =	vst.add.f32.msk $0xffff, v0  }
0x204: {  	v0 =	vld [tilespmem:s0+$0xA148];
	_ =	sdelay $0x4  }
0x205: {  	[tilespmem:s2+$0xA148] =	vst.add.f32.msk $0xffff, v0  }
0x206: {  	v0 =	vld [tilespmem:s0+$0xA158];
	_ =	sdelay $0x4  }
0x207: {  	[tilespmem:s2+$0xA158] =	vst.add.f32.msk $0xffff, v0  }
0x208: {  	v0 =	vld [tilespmem:s0+$0xA168]  }
.Ltmp39:
0x209: {  	_ = 	snop;
	(pc) =	sbr.rel .LBB3_39-.Ltmp39, $2  }
0x20a: {  	_ =	sdelay $0x2  }
0x20b: {  	[tilespmem:s2+$0xA168] =	vst.add.f32.msk $0xffff, v0  }
.LBB3_40:
0x20c: {  	s0 =	simm.s32 $0x6;
	p1 =	seq.s32 s6, $0x0  }
0x20d: {  	[sflag:s0] =	ssyncpa.u1 $0x1;
	v0 =	vimm.s32 @p1 $0xFFFFFFFF  }
0x20e: {  	s0 =	sadd.s32 $0xFFFFFFFF, s6;
	[tilespmem:$0xA938] =	vst @p1 v0  }
0x20f: {  	v0 =	vld.msk @!p1 [tilespmem:s0+$0xA118], $0x1;
	_ =	sdelay $0x1  }
0x210: {  	v1 =	vld.msk @!p1 [tilespmem:$0xA118], $0x1;
	_ =	sdelay $0x2  }
0x211: {  	p2 =	seq.s32 @!p1 s0, $0x0;
	v0 =	vbroadcast @!p1 v0, $0x0  }
0x212: {  	vm0 =	vmmov @!p1 $0x1;
	p2 =	por !p2, p1  }
0x213: {  	v1 =	vnsel @!p1 vm0, $0xFFFFFFFF, v1;
	vm0 =	vcmask @!p1 $0x308;
	v0 =	vpsel !p2, $0xFFFFFFFF, v0  }
0x214: {  	p2 =	sne.s32 @!p1 s8, s7;
	v0 =	vsel @!p1 vm0, v1, v0  }
0x215: {  	s2 =	simm.s32 @!p1 $0xA138;
	s3 =	simm.s32 @!p1 $0x0;
	p3 =	por !p2, p1;
	[tilespmem:$0xA938] =	vst @!p1 v0  }
0x216: {  	[spmem:s3] =	stream.linear.scatter @!p1 [tilespmem:s2], [sflag:$0x1], $0x40, $0x38;
	[tilespmem:$0x1EF88] =	vst v63  }
0x217: {  	s2 =	sshll.u32 @!p3 s0, $0x8  }
0x218: {  	s2 =	sshra.s32 @!p3 s2, $0x2  }
0x219: {  	s3 =	simm.s32 @!p3 $0x40;
	s2 =	sadd.s32 @!p3 $0xA138, s2  }
0x21a: {  	[spmem:s3] =	stream.linear.scatter @!p3 [tilespmem:s2], [sflag:$0x1], $0x40, $0x38;
	[tilespmem:$0x1EF88] =	vst v63  }
0x21b: {  	s2 =	simm.s32 @!p3 $0x1  }
0x21c: {  	_ =	swait.ge @!p3 [sflag:s2], $0x80  }
0x21d: {  	p1 =	por p2, p1;
	[sflag:s2] =	ssyncset.done @!p3 $0x0  }
0x21e: {  	[sflag:s2] =	ssyncadd.s32 @!p3 $0xFFFFFF80;
	s2 =	simm.s32 @!p1 $0x1  }
0x21f: {  	_ =	swait.ge @!p1 [sflag:s2], $0x40  }
0x220: {  	s29 =	simm.s32 $0xA938;
	[sflag:s2] =	ssyncset.done @!p1 $0x0  }
0x221: {  	s30 =	simm.s32 $0x800;
	s31 =	simm.s32 $0x1;
	[sflag:s2] =	ssyncadd.s32 @!p1 $0xFFFFFFC0  }
0x222: {  	[spmem:s30] =	stream.linear.scatter [tilespmem:s29], [sflag:$0x1], $0x10, $0x38;
	[tilespmem:$0x1EF88] =	vst v63  }
0x223: {  	_ =	swait.ge [sflag:s31], $0x10  }
0x224: {  	[sflag:s31] =	ssyncset.done $0x0  }
0x225: {  	p1 =	seq.s32 s14, $0x0;
	s9 =	rddreg [dreg:$0x1];
	[sflag:s31] =	ssyncadd.s32 $0xFFFFFFF0  }
0x226: {  	s3 =	sshll.u32 @p1 s9, $0xE;
	s8 =	rddreg [dreg:$0x2]  }
0x227: {  	s2 =	sadd.s32 @p1 $0x15C3C, s3;
	s3 =	sshll.u32 @p1 s8, $0x11  }
0x228: {  	_ =	sfence.stream.spmem;
	s2 =	sor.u32 @p1 s3, s2  }
0x229: {  	[sflag:s2] =	ssyncadd.remote.s32 @p1 $0x1;
	s2 =	simm.s32 @p1 $0x4  }
0x22a: {  	s4 =	simm.s32 @!p1 $0x3C;
	s3 =	sand.u32 $0xFFFFFFFE, s9;
	_ =	swait.ge @p1 [sflag:s2], $0x12  }
0x22b: {  	s5 =	simm.s32 @!p1 $0x0;
	s3 =	sadd.s32 @!p1 $0x4, s3;
	[sflag:s2] =	ssyncset.done @p1 $0x0  }
0x22c: {  	s7 =	simm.s32 @!p1 $0x80;
	[sflag:s2] =	ssyncadd.s32 @p1 $0xFFFFFFEE;
	s2 =	sshll.u32 @!p1 s3, $0x1A  }
0x22d: {  	s3 =	sshll.u32 @!p1 s3, $0xD;
	s2 =	sor.u32 @!p1 s2, s8;
	_ =	swait.eq @!p1 [sflag:s4], $0x1  }
0x22e: {  	s3 =	sor.u32 @!p1 $0x1C04, s3;
	s4 =	simm.s32 @!p1 $0x1C03;
	s2 =	sor.u32 @!p1 $0x80004000, s2  }
0x22f: {  	[spmem:s7], [sflag:s3] =	dma.general @!p1 [spmem:s5], [sflag:s4], length:$0x10, [dreg:$0x0], stride_count:$0x0, ici_dest:s2, dma_misc:DstOpCode:WRITE  }
0x230: {  	p2 =	slt.s32 s0, $0x2;
	s5 =	simm.s32 @!p1 $0x100;
	s7 =	simm.s32 @!p1 $0x102  }
0x231: {  	[spmem:s7], [sflag:s3] =	dma.general @!p1 [spmem:s5], [sflag:s4], length:$0x2, [dreg:$0x0], stride_count:$0x0, ici_dest:s2, dma_misc:DstOpCode:WRITE  }
.Ltmp40:
0x232: {  	s2 =	simm.s32 @!p1 $0x3;
	(pc) =	sbr.rel @p2 .LBB3_44-.Ltmp40, $4  }
0x233: {  	s3 =	sshll.u32 @!p1 s9, $0xE;
	_ =	swait.ge @!p1 [sflag:s2], $0x12  }
0x234: {  	s4 =	sshll.u32 @!p1 s8, $0x11;
	s3 =	sadd.s32 @!p1 $0x11C3C, s3;
	[sflag:s2] =	ssyncset.done @!p1 $0x0  }
0x235: {  	[sflag:s2] =	ssyncadd.s32 @!p1 $0xFFFFFFEE;
	s2 =	sor.u32 @!p1 s4, s3  }
0x236: {  	s0 =	simm.s32 $0x0;
	[sflag:s2] =	ssyncadd.remote.s32 @!p1 $0xFFFFFFFF  }
0x237: {  	s0 =	simm.s32 $0xA119  }
0x238: {  	v0 =	vld.msk [tilespmem:s0+$0x0], $0x1;
	_ =	sdelay $0x4  }
0x239: {  	(v2sf) =	vpush v0, $0x0;
	_ =	sdelay $0xd  }
0x23a: {  	s3 =	sadd.s32 $0xFFFFFFFE, s6  }
0x23b: {  	s4 =	sadd.s32 $0xFFFFFFFF, s3;
	s2 =	spop (v2sf)  }
0x23c: {  	p2 =	sne.s32 s4, $0x0;
	p1 =	sgt.u32 s2, $0x270F8  }
.Ltmp41:
0x23d: {  	s5 =	sand.u32 @!p1 $0x3FFF8, s2;
	(pc) =	sbr.rel @!p2 .LBB3_43-.Ltmp41, $4  }
0x23e: {  	s0 =	simm.s32 $0xA178;
	s2 =	sand.u32 @!p1 $0x7, s2;
	s3 =	sadd.s32 @!p1 s1, s5  }
0x23f: {  	[hbm4b:s3+s2] =	stream.linear.scatter @!p1 [tilespmem:s0], [sflag:$0x5], $0x40, $0x38;
	[tilespmem:$0x1EF88] =	vst v63  }
0x240: {  	s2 =	simm.s32 $0x0  }
0x241: {  	s6 =	simm.s32 $0xA11A;
	s5 =	simm.s32 $0x0;
	s2 =	simm.s32 @!p1 $0x100  }
.LBB3_42:
0x242: {  	v0 =	vld.msk [tilespmem:s6+$0x0], $0x1;
	s4 =	sadd.s32 $0xFFFFFFFF, s4;
	s5 =	sadd.s32 s5, s2  }
0x243: {  	p1 =	sne.s32 s4, $0x0;
	_ =	sdelay $0x3  }
0x244: {  	(v2sf) =	vpush v0, $0x0;
	_ =	sdelay $0xe  }
.Ltmp42:
0x245: {  	s3 =	spop (v2sf);
	(pc) =	sbr.rel @p1 .LBB3_42-.Ltmp42, $4  }
0x246: {  	s2 =	simm.s32 $0x0;
	p2 =	sgt.u32 s3, $0x270F8  }
0x247: {  	s0 =	sadd.s32 $0x40, s0;
	s2 =	simm.s32 @!p2 $0x100;
	s7 =	sand.u32 @!p2 $0x3FFF8, s3  }
0x248: {  	s6 =	sadd.s32 $0x1, s6;
	s3 =	sand.u32 @!p2 $0x7, s3;
	s7 =	sadd.s32 @!p2 s1, s7  }
0x249: {  	[hbm4b:s7+s3] =	stream.linear.scatter @!p2 [tilespmem:s0], [sflag:$0x5], $0x40, $0x38;
	[tilespmem:$0x1EF88] =	vst v63  }
.LBB3_43:
0x24a: {  	s0 =	sadd.s32 s5, s2  }
0x24b: {  	s0 =	sshrl.u32 s0, $0x2  }
.LBB3_44:
0x24c: {  	s2 =	simm.s32 $0x5  }
0x24d: {  	_ =	swait.ge [sflag:s2], s0  }
0x24e: {  	s31 =	ssub.s32 $0x0, s0;
	[sflag:s2] =	ssyncset.done $0x0  }
0x24f: {  	[sflag:s2] =	ssyncadd.s32 s31  }
0x250: {  	[sflag:s2] =	ssyncpa.u1 $0x1  }
.LBB3_45:
0x251: {  	s0 =	sor.u32 s14, s15  }
0x252: {  	p1 =	sne.s32 s0, $0x0  }
.Ltmp43:
0x253: {  	_ = 	snop;
	(pc) =	sbr.rel @p1 .LBB3_60-.Ltmp43, $3  }
0x254: {  	_ =	sdelay $0x1  }
0x255: {  	[bflag:$0x0] =	sbarrier.arrive $0xFFFF  }
0x256: {  	_ =	sfence  }
0x257: {  	s0 =	simm.s32 $0x7  }
0x258: {  	s2 =	simm.s32 $0x800;
	s3 =	simm.s32 $0xA118;
	[sflag:s0] =	ssyncpa.u1 $0x0  }
0x259: {  	[tilespmem:s3], [sflag:$0x7] =	stream.linear.gather [spmem:s2], $0x20, $0x38;
	[tilespmem:$0x1EF88] =	vst v63  }
0x25a: {  	s30 =	simm.s32 $0xA138;
	s2 =	simm.s32 $0x0  }
0x25b: {  	[tilespmem:s30], [sflag:$0x7] =	stream.linear.gather [spmem:s2], $0x800, $0x38;
	[tilespmem:$0x1EF88] =	vst v63  }
.Ltmp44:
0x25c: {  	_ = 	snop;
	(pc) =	sbr.rel .LBB3_47-.Ltmp44, $4  }
0x25d: {  	_ =	swait.ge [sflag:s0], $0x820  }
0x25e: {  	[sflag:s0] =	ssyncset.done $0x0  }
0x25f: {  	s31 =	simm.s32 $0x8;
	[sflag:s0] =	ssyncadd.s32 $0xFFFFF7E0  }
0x260: {  	s3 =	simm.s32 $0x0;
	[sflag:s31] =	ssyncpa.u1 $0x0  }
.LBB3_53:
0x261: {  	p1 =	slt.u32 s0, $0x270F9  }
0x262: {  	s4 =	sand.u32 @p1 $0x3FFF8, s0  }
0x263: {  	s0 =	sand.u32 @p1 $0x7, s0;
	s5 =	simm.s32 @p1 $0xA0C8;
	s4 =	sadd.s32 @p1 s1, s4  }
0x264: {  	[tilespmem:s5], [sflag:$0x8] =	stream.linear.gather @p1 [hbm4b:s4+s0], $0x40, $0x38;
	[tilespmem:$0x1EF88] =	vst v63  }
0x265: {  	s0 =	simm.s32 @p1 $0x8  }
0x266: {  	_ =	swait.ge @p1 [sflag:s0], $0x40  }
0x267: {  	[sflag:s0] =	ssyncset.done @p1 $0x0  }
0x268: {  	[sflag:s0] =	ssyncadd.s32 @p1 $0xFFFFFFC0  }
0x269: {  	v1 =	vld @p1 [tilespmem:$0xA0C8];
	_ =	sdelay $0x2  }
0x26a: {  	s0 =	sshll.u32 @p1 s3, $0x8  }
0x26b: {  	s4 =	sshrl.u32 @p1 s0, $0x2  }
0x26c: {  	[tilespmem:s4+$0xA138] =	vst.add.f32.msk @p1 $0xffff, v1  }
0x26d: {  	v1 =	vld @p1 [tilespmem:$0xA0D8];
	_ =	sdelay $0x4  }
0x26e: {  	[tilespmem:s4+$0xA148] =	vst.add.f32.msk @p1 $0xffff, v1  }
0x26f: {  	v1 =	vld @p1 [tilespmem:$0xA0E8];
	_ =	sdelay $0x4  }
0x270: {  	[tilespmem:s4+$0xA158] =	vst.add.f32.msk @p1 $0xffff, v1  }
0x271: {  	v1 =	vld @p1 [tilespmem:$0xA0F8];
	_ =	sdelay $0x3  }
0x272: {  	s5 =	sshll.u32 @!p1 s3, $0x8  }
0x273: {  	s5 =	smov.u32 @p1 s0;
	[tilespmem:s4+$0xA168] =	vst.add.f32.msk @p1 $0xffff, v1  }
0x274: {  	s0 =	sshrl.u32 s5, $0x2;
	[tilespmem:s2+$0xA118] =	vst.msk $0x1, v0  }
0x275: {  	v0 =	vld [tilespmem:s0+$0xA138];
	_ =	sdelay $0x2  }
0x276: {  	s31 =	sshll.u32 s2, $0x8  }
0x277: {  	s4 =	sshra.s32 s31, $0x2  }
0x278: {  	[tilespmem:s4+$0xA138] =	vst v0  }
0x279: {  	v0 =	vld [tilespmem:s0+$0xA148];
	_ =	sdelay $0x4  }
0x27a: {  	[tilespmem:s4+$0xA148] =	vst v0  }
0x27b: {  	v0 =	vld [tilespmem:s0+$0xA158];
	_ =	sdelay $0x4  }
0x27c: {  	[tilespmem:s4+$0xA158] =	vst v0  }
0x27d: {  	v0 =	vld [tilespmem:s0+$0xA168];
	_ =	sdelay $0x4  }
0x27e: {  	s2 =	sadd.s32 $0x1, s2;
	[tilespmem:s4+$0xA168] =	vst v0  }
.LBB3_54:
0x27f: {  	s3 =	sadd.s32 $0x1, s3  }
0x280: {  	p1 =	sne.s32 s3, $0x20  }
.Ltmp45:
0x281: {  	_ = 	snop;
	(pc) =	sbr.rel @!p1 .LBB3_55-.Ltmp45, $1  }
0x282: {  	_ =	sdelay $0x3  }
.LBB3_47:
0x283: {  	v0 =	vld.msk [tilespmem:s3+$0xA118], $0x1;
	_ =	sdelay $0x4  }
0x284: {  	(v2sf) =	vpush v0, $0x0;
	_ =	sdelay $0xe  }
0x285: {  	s0 =	spop (v2sf)  }
0x286: {  	p1 =	seq.s32 s0, $0xFFFFFFFF  }
.Ltmp46:
0x287: {  	_ = 	snop;
	(pc) =	sbr.rel @p1 .LBB3_54-.Ltmp46, $1  }
0x288: {  	_ =	sdelay $0x3  }
0x289: {  	p1 =	slt.s32 s2, $0x1  }
.Ltmp47:
0x28a: {  	_ = 	snop;
	(pc) =	sbr.rel @p1 .LBB3_53-.Ltmp47, $1  }
0x28b: {  	_ =	sdelay $0x3  }
0x28c: {  	s4 =	simm.s32 $0xA118;
	p1 =	por $0x0, $0x0  }
0x28d: {  	v1 =	vld.msk @!p1 [tilespmem:s4+$0x0], $0x1;
	_ =	sdelay $0x4  }
0x28e: {  	(v2sf) =	vpush @!p1 v1, $0x0;
	_ =	sdelay $0xd  }
0x28f: {  	p3 =	sne.s32 s2, $0x1  }
.Ltmp48:
0x290: {  	s5 =	spop @!p1 (v2sf);
	(pc) =	sbr.rel @!p3 .LBB3_51-.Ltmp48, $4  }
0x291: {  	p2 =	seq.s32 @!p1 s0, s5  }
0x292: {  	s5 =	simm.s32 $0x0;
	p2 =	por !p2, p1  }
0x293: {  	s7 =	simm.s32 $0xFFFFFFFF;
	s5 =	simm.s32 @p2 $0xFFFFFFFF  }
0x294: {  	s6 =	simm.s32 $0x1;
	s5 =	smov.u32 @p1 s7  }
.LBB3_50:
0x295: {  	s7 =	smov.u32 s5;
	p1 =	sne.s32 s5, $0xFFFFFFFF  }
0x296: {  	s4 =	sadd.s32 $0x1, s4;
	s5 =	smov.u32 s6;
	s6 =	sadd.s32 $0x1, s6  }
0x297: {  	p2 =	sne.s32 s2, s6;
	v1 =	vld.msk @!p1 [tilespmem:s4+$0x0], $0x1;
	_ =	sdelay $0x4  }
0x298: {  	(v2sf) =	vpush @!p1 v1, $0x0;
	_ =	sdelay $0xe  }
.Ltmp49:
0x299: {  	s8 =	spop @!p1 (v2sf);
	(pc) =	sbr.rel @p2 .LBB3_50-.Ltmp49, $4  }
0x29a: {  	p3 =	seq.s32 @!p1 s0, s8  }
0x29b: {  	p3 =	por !p3, p1  }
0x29c: {  	s5 =	simm.s32 @p3 $0xFFFFFFFF  }
0x29d: {  	s5 =	smov.u32 @p1 s7  }
.LBB3_51:
0x29e: {  	p1 =	seq.s32 s5, $0xFFFFFFFF  }
.Ltmp50:
0x29f: {  	_ = 	snop;
	(pc) =	sbr.rel @p1 .LBB3_53-.Ltmp50, $1  }
0x2a0: {  	_ =	sdelay $0x3  }
0x2a1: {  	s0 =	sshll.u32 s3, $0x6  }
0x2a2: {  	s0 =	sand.u32 $0x3FFFFFC0, s0  }
0x2a3: {  	v0 =	vld [tilespmem:s0+$0xA138];
	_ =	sdelay $0x2  }
0x2a4: {  	s4 =	sshll.u32 s5, $0x8  }
0x2a5: {  	s4 =	sshra.s32 s4, $0x2  }
0x2a6: {  	[tilespmem:s4+$0xA138] =	vst.add.f32.msk $0xffff, v0  }
0x2a7: {  	v0 =	vld [tilespmem:s0+$0xA148];
	_ =	sdelay $0x4  }
0x2a8: {  	[tilespmem:s4+$0xA148] =	vst.add.f32.msk $0xffff, v0  }
0x2a9: {  	v0 =	vld [tilespmem:s0+$0xA158];
	_ =	sdelay $0x4  }
0x2aa: {  	[tilespmem:s4+$0xA158] =	vst.add.f32.msk $0xffff, v0  }
0x2ab: {  	v0 =	vld [tilespmem:s0+$0xA168]  }
.Ltmp51:
0x2ac: {  	_ = 	snop;
	(pc) =	sbr.rel .LBB3_54-.Ltmp51, $2  }
0x2ad: {  	_ =	sdelay $0x2  }
0x2ae: {  	[tilespmem:s4+$0xA168] =	vst.add.f32.msk $0xffff, v0  }
.LBB3_55:
0x2af: {  	p1 =	slt.s32 s2, $0x1  }
.Ltmp52:
0x2b0: {  	_ = 	snop;
	(pc) =	sbr.rel @p1 .LBB3_59-.Ltmp52, $3  }
0x2b1: {  	_ =	sdelay $0x1  }
0x2b2: {  	s0 =	simm.s32 $0x8  }
0x2b3: {  	[sflag:s0] =	ssyncpa.u1 $0x1;
	s0 =	simm.s32 $0x0  }
0x2b4: {  	s3 =	simm.s32 $0xA118  }
0x2b5: {  	v0 =	vld.msk [tilespmem:s3+$0x0], $0x1;
	_ =	sdelay $0x4  }
0x2b6: {  	(v2sf) =	vpush v0, $0x0;
	_ =	sdelay $0xe  }
0x2b7: {  	s2 =	sadd.s32 $0xFFFFFFFF, s2;
	s4 =	spop (v2sf)  }
0x2b8: {  	p2 =	sne.s32 s2, $0x0;
	p1 =	sgt.u32 s4, $0x270F8  }
.Ltmp53:
0x2b9: {  	s5 =	sand.u32 @!p1 $0x3FFF8, s4;
	(pc) =	sbr.rel @!p2 .LBB3_58-.Ltmp53, $4  }
0x2ba: {  	s3 =	simm.s32 $0xA138;
	s4 =	sand.u32 @!p1 $0x7, s4;
	s5 =	sadd.s32 @!p1 s1, s5  }
0x2bb: {  	[hbm4b:s5+s4] =	stream.linear.scatter @!p1 [tilespmem:s3], [sflag:$0x7], $0x40, $0x38;
	[tilespmem:$0x1EF88] =	vst v63  }
0x2bc: {  	s5 =	simm.s32 $0x0  }
0x2bd: {  	s4 =	simm.s32 $0xA119;
	s5 =	simm.s32 @!p1 $0x100  }
.LBB3_57:
0x2be: {  	v0 =	vld.msk [tilespmem:s4+$0x0], $0x1;
	s2 =	sadd.s32 $0xFFFFFFFF, s2;
	s0 =	sadd.s32 s0, s5  }
0x2bf: {  	p1 =	sne.s32 s2, $0x0;
	_ =	sdelay $0x3  }
0x2c0: {  	(v2sf) =	vpush v0, $0x0;
	_ =	sdelay $0xe  }
.Ltmp54:
0x2c1: {  	s6 =	spop (v2sf);
	(pc) =	sbr.rel @p1 .LBB3_57-.Ltmp54, $4  }
0x2c2: {  	s5 =	simm.s32 $0x0;
	p2 =	sgt.u32 s6, $0x270F8  }
0x2c3: {  	s3 =	sadd.s32 $0x40, s3;
	s5 =	simm.s32 @!p2 $0x100;
	s7 =	sand.u32 @!p2 $0x3FFF8, s6  }
0x2c4: {  	s4 =	sadd.s32 $0x1, s4;
	s6 =	sand.u32 @!p2 $0x7, s6;
	s7 =	sadd.s32 @!p2 s1, s7  }
0x2c5: {  	[hbm4b:s7+s6] =	stream.linear.scatter @!p2 [tilespmem:s3], [sflag:$0x7], $0x40, $0x38;
	[tilespmem:$0x1EF88] =	vst v63  }
.LBB3_58:
0x2c6: {  	s0 =	sadd.s32 s0, s5  }
0x2c7: {  	s0 =	sshrl.u32 s0, $0x2  }
.LBB3_59:
0x2c8: {  	s1 =	simm.s32 $0x7  }
0x2c9: {  	_ =	swait.ge [sflag:s1], s0  }
0x2ca: {  	s31 =	ssub.s32 $0x0, s0;
	[sflag:s1] =	ssyncset.done $0x0  }
0x2cb: {  	[sflag:s1] =	ssyncadd.s32 s31  }
0x2cc: {  	[sflag:s1] =	ssyncpa.u1 $0x1  }
.LBB3_60:
0x2cd: {  	_ =	sfence;
	s0 =	simm.s32 $0x1  }
0x2ce: {  	[sflag:s0] =	ssyncpa.u1 $0x1  }
0x2cf: {  	_ =	strace $0x9000004A  }
0x2d0: {  	[bflag:$0x2] =	sbarrier.arrive $0xFFFF  }
0x2d1: {  	s0 =	rddreg [dreg:$0x3]  }
0x2d2: {  	s0 =	sadd.s32 @!p0 $0x100000, s0  }
0x2d3: {  	[sflag:s0] =	ssyncadd.tile.s32 @!p0 $0x1;
	_ =	shalt  }
.Lfunc_end3:
_tile_overlayer_lowered:
.L_overlay_start_3:
0x2d4: {  	(tag) =	ssettag $0x3  }
0x2d5: {  	s0 =	rddreg [dreg:$0x0];
	s2 =	stileid.u32  }
0x2d6: {  	s1 =	rddreg [dreg:$0x1];
	p0 =	sne.s32 s2, $0x0  }
0x2d7: {  	s3 =	rddreg [dreg:$0x2];
	[bflag:$0x3] =	sbarrier.arrive $0xFFFF;
	s2 =	simm.s32 @!p0 $0x1C01  }
0x2d8: {  	[timem:s3], [sflag:s2] =	dma.local @!p0 [hbm:s0], s1  }
0x2d9: {  	s0 =	simm.s32 @!p0 $0x1  }
0x2da: {  	_ =	swait.ge @!p0 [sflag:s0], s1  }
0x2db: {  	s1 =	ssub.s32 @!p0 $0x0, s1;
	[sflag:s0] =	ssyncset.done @!p0 $0x0  }
0x2dc: {  	[sflag:s0] =	ssyncadd.s32 @!p0 s1  }
0x2dd: {  	[bflag:$0x3] =	sbarrier.arrive $0xFFFF  }
0x2de: {  	_ =	shalt  }

</sc_bundles>
